<compile_context>
chip_gen: v7x
topology: tpu7x:2x2x1
jax: 0.10.2.dev20260603
libtpu: 0.0.44.dev20260713+nightly
codegen_flags: <defaults>
</compile_context>

<pallas_src>
import jax
import jax.numpy as jnp
from jax import lax
from jax.experimental import pallas as pl
from jax.experimental.pallas import tpu as pltpu
from jax.experimental.pallas import tpu_sc as plsc

VOCAB = 100000
EMBED = 64
HIDDEN = 128
BATCH = 1024
SEQ = 50

NUM_WORKERS = 32
ROWS_PER_W = BATCH * SEQ // NUM_WORKERS
CHUNK = 80
NCHUNK = ROWS_PER_W // CHUNK

VHALF = 50048
TW = 2944
TGRID = VHALF // TW


def _transpose_body(lo_ref, hi_ref, out_ref):
    out_ref[...] = jnp.concatenate([lo_ref[...].T, hi_ref[...].T], axis=1)


def _tc_transpose(view, interpret=False):
    return pl.pallas_call(
        _transpose_body,
        grid=(TGRID,),
        in_specs=[
            pl.BlockSpec((EMBED, TW), lambda j: (0, j)),
            pl.BlockSpec((EMBED, TW), lambda j: (0, j + TGRID)),
        ],
        out_specs=pl.BlockSpec((TW, 2 * EMBED), lambda j: (j, 0)),
        out_shape=jax.ShapeDtypeStruct((VHALF, 2 * EMBED), jnp.float32),
        interpret=interpret,
    )(view, view)


def _idx_body(leftT_hbm, idx_hbm, left_v, idx_v):
    c = lax.axis_index("c")
    s = lax.axis_index("s")
    wid = s * 2 + c
    base = wid * ROWS_PER_W
    pltpu.sync_copy(leftT_hbm, left_v)
    for ch in range(NCHUNK):
        for q in range(CHUNK // 16):
            j = base + ch * CHUNK + q * 16 + lax.iota(jnp.int32, 16)
            k = j >> 1
            b = k & (BATCH - 1)
            u = k >> 10
            t = (u << 1) | (j & 1)
            vals = plsc.load_gather(left_v, [t, b])
            m = jnp.where(vals < VHALF, vals * 2, vals * 2 - (2 * VHALF - 1))
            idx_v[ch, pl.ds(q * 16, 16)] = m
    pltpu.sync_copy(idx_v, idx_hbm.at[wid])


def _sc_idx(left):
    mesh = plsc.VectorSubcoreMesh(core_axis_name="c", subcore_axis_name="s")
    run = pl.kernel(
        _idx_body,
        mesh=mesh,
        out_type=jax.ShapeDtypeStruct((NUM_WORKERS, NCHUNK, CHUNK), jnp.int32),
        scratch_types=[
            pltpu.VMEM((SEQ, BATCH), jnp.int32),
            pltpu.VMEM((NCHUNK, CHUNK), jnp.int32),
        ],
        compiler_params=pltpu.CompilerParams(
            use_tc_tiling_on_sc=False, needs_layout_passes=False
        ),
    )
    return run(left)


def _gather_body(table_hbm, idxs_hbm, out_hbm, idx_v, rows_v, sem):
    c = lax.axis_index("c")
    s = lax.axis_index("s")
    wid = s * 2 + c
    base = wid * ROWS_PER_W
    pltpu.sync_copy(idxs_hbm.at[wid], idx_v)
    copies = []
    for ch in range(NCHUNK):
        copies.append(
            pltpu.async_copy(
                table_hbm.at[idx_v.at[ch]],
                rows_v.at[pl.ds(ch * CHUNK, CHUNK)],
                sem,
            )
        )
    for cp in copies:
        cp.wait()
    pltpu.sync_copy(rows_v, out_hbm.at[pl.ds(base, ROWS_PER_W)])


def _sc_gather(table2, idxs):
    mesh = plsc.VectorSubcoreMesh(core_axis_name="c", subcore_axis_name="s")
    run = pl.kernel(
        _gather_body,
        mesh=mesh,
        out_type=jax.ShapeDtypeStruct((SEQ * BATCH, EMBED), jnp.float32),
        scratch_types=[
            pltpu.VMEM((NCHUNK, CHUNK), jnp.int32),
            pltpu.VMEM((ROWS_PER_W, EMBED), jnp.float32),
            pltpu.SemaphoreType.DMA,
        ],
        compiler_params=pltpu.CompilerParams(
            use_tc_tiling_on_sc=False, needs_layout_passes=False
        ),
    )
    return run(table2, idxs)


def _sc_gather_pipeline(word_emb, left, interpret=False):
    view = word_emb.T
    fused = _tc_transpose(view, interpret=interpret)
    table2 = fused.reshape(2 * VHALF, EMBED)
    idxs = _sc_idx(left.T)
    return _sc_gather(table2, idxs)


def _lstm_body(len_ref, xs_ref, we_ref, wo_ref, b_ref, out_ref, cat_scr, c_scr):
    u = pl.program_id(0)

    @pl.when(u == 0)
    def _init():
        cat_scr[...] = jnp.zeros_like(cat_scr)
        c_scr[...] = jnp.zeros_like(c_scr)

    cat_scr[:, 0:2 * EMBED] = xs_ref[0]
    for p in range(2):
        h = cat_scr[:, 2 * EMBED:]
        c = c_scr[...]
        w_ref = we_ref if p == 0 else wo_ref
        gates = (
            jnp.dot(
                cat_scr[...], w_ref[...],
                preferred_element_type=jnp.float32,
            )
            + b_ref[...]
        )
        tg = jnp.tanh(gates)
        i_g = tg[:, 0 * HIDDEN:1 * HIDDEN] * 0.5 + 0.5
        f_g = tg[:, 1 * HIDDEN:2 * HIDDEN] * 0.5 + 0.5
        g_g = tg[:, 2 * HIDDEN:3 * HIDDEN]
        o_g = tg[:, 3 * HIDDEN:4 * HIDDEN] * 0.5 + 0.5
        c_new = f_g * c + i_g * g_g
        h_new = o_g * jnp.tanh(c_new)
        m = len_ref[...] > (2 * u + p)
        cat_scr[:, 2 * EMBED:] = jnp.where(m, h_new, h)
        c_scr[...] = jnp.where(m, c_new, c)

    @pl.when(u == SEQ // 2 - 1)
    def _fin():
        out_ref[...] = cat_scr[:, 2 * EMBED:]


def _tc_lstm(len2, xs, wcat_e, wcat_o, bias, interpret=False):
    return pl.pallas_call(
        _lstm_body,
        grid=(SEQ // 2,),
        in_specs=[
            pl.BlockSpec((BATCH, 1), lambda u: (0, 0)),
            pl.BlockSpec((1, BATCH, 2 * EMBED), lambda u: (u, 0, 0)),
            pl.BlockSpec((2 * EMBED + HIDDEN, 4 * HIDDEN), lambda u: (0, 0)),
            pl.BlockSpec((2 * EMBED + HIDDEN, 4 * HIDDEN), lambda u: (0, 0)),
            pl.BlockSpec((1, 4 * HIDDEN), lambda u: (0, 0)),
        ],
        out_specs=pl.BlockSpec((BATCH, HIDDEN), lambda u: (0, 0)),
        out_shape=jax.ShapeDtypeStruct((BATCH, HIDDEN), jnp.float32),
        scratch_shapes=[
            pltpu.VMEM((BATCH, 2 * EMBED + HIDDEN), jnp.float32),
            pltpu.VMEM((BATCH, HIDDEN), jnp.float32),
        ],
        interpret=interpret,
    )(len2, xs, wcat_e, wcat_o, bias)


def kernel(left, left_len, word_emb, W_ih, W_hh, b_ih, b_hh):
    emb_flat = _sc_gather_pipeline(word_emb, left.astype(jnp.int32))
    xs = emb_flat.reshape(SEQ // 2, BATCH, 2 * EMBED)
    scale = jnp.concatenate(
        [
            jnp.full((2 * HIDDEN,), 0.5, jnp.float32),
            jnp.ones((HIDDEN,), jnp.float32),
            jnp.full((HIDDEN,), 0.5, jnp.float32),
        ]
    )
    wx = W_ih.T * scale[None, :]
    wh = W_hh.T * scale[None, :]
    z = jnp.zeros((EMBED, 4 * HIDDEN), jnp.float32)
    wcat_e = jnp.concatenate([wx, z, wh])
    wcat_o = jnp.concatenate([z, wx, wh])
    bias = ((b_ih + b_hh) * scale).reshape(1, 4 * HIDDEN)
    len2 = left_len.reshape(BATCH, 1).astype(jnp.int32)
    return _tc_lstm(len2, xs, wcat_e, wcat_o, bias)

# --- scband reference (transcript-rebuilt; emitter-appended) ---
"""Pipeline reference for scband-smilesrnn-55319178772847 (READ-ONLY COPY).

The authoritative reference and input builder live on the scoring server;
editing this copy changes nothing except your own understanding.
"""

import jax, jax.numpy as jnp
import numpy as np

VOCAB = 100000
EMBED = 64
HIDDEN = 128
BATCH = 1024
SEQ = 50


def setup_inputs(seed: int = 0) -> dict:
    key = jax.random.key(seed)
    ks = jax.random.split(key, 8)
    left = jax.random.randint(ks[0], (BATCH, SEQ), 0, VOCAB)
    # pack_padded_sequence requires lengths >= 1
    left_len = jax.random.randint(ks[1], (BATCH,), 1, SEQ + 1)
    # truncated_normal((vocab, embed), threshold=0.05)
    word_emb = jax.random.truncated_normal(ks[2], -0.05, 0.05, (VOCAB, EMBED), dtype=jnp.float32)
    s = 1.0 / np.sqrt(HIDDEN)
    W_ih = jax.random.uniform(ks[3], (4 * HIDDEN, EMBED), minval=-s, maxval=s, dtype=jnp.float32)
    W_hh = jax.random.uniform(ks[4], (4 * HIDDEN, HIDDEN), minval=-s, maxval=s, dtype=jnp.float32)
    b_ih = jax.random.uniform(ks[5], (4 * HIDDEN,), minval=-s, maxval=s, dtype=jnp.float32)
    b_hh = jax.random.uniform(ks[6], (4 * HIDDEN,), minval=-s, maxval=s, dtype=jnp.float32)
    return {"left": left, "left_len": left_len, "word_emb": word_emb,
            "W_ih": W_ih, "W_hh": W_hh, "b_ih": b_ih, "b_hh": b_hh}


def reference(left, left_len, word_emb, W_ih, W_hh, b_ih, b_hh):
    # Embedding lookup (SparseCore gather)
    emb = jnp.take(word_emb, left, axis=0)  # [B, T, E]
    B, T, _ = emb.shape
    # pack_padded_sequence semantics: the final hidden state of each sequence is
    # the hidden state at its own last valid timestep. Emulate with masked updates.
    mask = jnp.arange(T)[None, :] < left_len[:, None]  # [B, T]
    xs = jnp.transpose(emb, (1, 0, 2))                 # [T, B, E]
    ms = jnp.transpose(mask, (1, 0))[:, :, None]       # [T, B, 1]
    h0 = jnp.zeros((B, HIDDEN), dtype=emb.dtype)
    c0 = jnp.zeros((B, HIDDEN), dtype=emb.dtype)

    def step(carry, inp):
        h, c = carry
        x_t, m_t = inp
        gates = x_t @ W_ih.T + b_ih + h @ W_hh.T + b_hh  # [B, 4H]
        i_g, f_g, g_g, o_g = jnp.split(gates, 4, axis=-1)  # PyTorch gate order i,f,g,o
        i_g = jax.nn.sigmoid(i_g)
        f_g = jax.nn.sigmoid(f_g)
        g_g = jnp.tanh(g_g)
        o_g = jax.nn.sigmoid(o_g)
        c_new = f_g * c + i_g * g_g
        h_new = o_g * jnp.tanh(c_new)
        h = jnp.where(m_t, h_new, h)
        c = jnp.where(m_t, c_new, c)
        return (h, c), None

    (h_fin, c_fin), _ = jax.lax.scan(step, (h0, c0), (xs, ms))
    # use_bidirectional=False, num_layers=1 -> out = left_hidden[-1]
    return h_fin

if __name__ == "__main__":
    import jax
    _d = setup_inputs()
    print(jax.jit(kernel)(*tuple(_d.values())))

</pallas_src>

<mosaic_0001>
#map = affine_map<(d0, d1) -> (0, 0)>
#map1 = affine_map<(d0, d1) -> (0, 0, 0)>
module attributes {stable_mosaic.version = 14 : i64} {
  func.func @_idx_body(%arg0: i32, %arg1: i32, %arg2: memref<50x1024xi32, #tpu.memory_space<hbm>>, %arg3: memref<32x20x80xi32, #tpu.memory_space<hbm>>, %arg4: memref<50x1024xi32, #tpu.memory_space<vmem>>, %arg5: memref<20x80xi32, #tpu.memory_space<vmem>>) attributes {dimension_semantics = [#tpu.dimension_semantics<core_parallel>, #tpu.dimension_semantics<subcore_parallel>], iteration_bounds = array<i64: 2, 16>, scalar_prefetch = 0 : i64, scratch_operands = 2 : i64, tpu.core_type = #tpu.core_type<sc_vector_subcore>, window_params = [{transform_indices = #map}, {transform_indices = #map1}]} {
    %mul3A = arith.constant 2 : i32
    %mul3A_0 = arith.muli %arg1, %mul3A : i32
    %add3A = arith.addi %mul3A_0, %arg0 : i32
    %mul3A_1 = arith.constant 1600 : i32
    %mul3A_2 = arith.muli %add3A, %mul3A_1 : i32
    "tpu.region"() ({
      %run_scoped3A = tpu.sem_alloc : memref<!tpu.dma_semaphore, #tpu.memory_space<semaphore_mem>>
      tpu.enqueue_dma source(%arg2 : memref<50x1024xi32, #tpu.memory_space<hbm>>) target(%arg4 : memref<50x1024xi32, #tpu.memory_space<vmem>>) target_semaphore(%run_scoped3A : memref<!tpu.dma_semaphore, #tpu.memory_space<semaphore_mem>>)
      tpu.wait_dma2 semaphore(%run_scoped3A : memref<!tpu.dma_semaphore, #tpu.memory_space<semaphore_mem>>) src(%arg2 : memref<50x1024xi32, #tpu.memory_space<hbm>>) dst(%arg4 : memref<50x1024xi32, #tpu.memory_space<vmem>>)
      tpu.yield
    }) : () -> ()
    %add3A_3 = arith.constant 0 : i32
    %add3A_4 = arith.addi %mul3A_2, %add3A_3 : i32
    %add3A_5 = arith.constant 0 : i32
    %add3A_6 = arith.addi %add3A_4, %add3A_5 : i32
    %iota3A = tpu.iota {dimensions = array<i32: 0>} : vector<16xi32>
    %add3A_7 = vector.broadcast %add3A_6 : i32 to vector<16xi32>
    %add3A_8 = arith.addi %add3A_7, %iota3A : vector<16xi32>
    %shift_right_arithmetic3A = arith.constant 1 : i32
    %shift_right_arithmetic3A_9 = vector.broadcast %shift_right_arithmetic3A : i32 to vector<16xi32>
    %shift_right_arithmetic3A_10 = arith.shrsi %add3A_8, %shift_right_arithmetic3A_9 : vector<16xi32>
    %and3A = arith.constant 1023 : i32
    %and3A_11 = vector.broadcast %and3A : i32 to vector<16xi32>
    %and3A_12 = arith.andi %shift_right_arithmetic3A_10, %and3A_11 : vector<16xi32>
    %shift_right_arithmetic3A_13 = arith.constant 10 : i32
    %shift_right_arithmetic3A_14 = vector.broadcast %shift_right_arithmetic3A_13 : i32 to vector<16xi32>
    %shift_right_arithmetic3A_15 = arith.shrsi %shift_right_arithmetic3A_10, %shift_right_arithmetic3A_14 : vector<16xi32>
    %shift_left3A = arith.constant 1 : i32
    %shift_left3A_16 = vector.broadcast %shift_left3A : i32 to vector<16xi32>
    %shift_left3A_17 = arith.shli %shift_right_arithmetic3A_15, %shift_left3A_16 : vector<16xi32>
    %and3A_18 = arith.constant 1 : i32
    %and3A_19 = vector.broadcast %and3A_18 : i32 to vector<16xi32>
    %and3A_20 = arith.andi %add3A_8, %and3A_19 : vector<16xi32>
    %or3A = arith.ori %shift_left3A_17, %and3A_20 : vector<16xi32>
    %gather3A = tpu.vector_load_idx %arg4[%or3A, %and3A_12] : memref<50x1024xi32, #tpu.memory_space<vmem>>[vector<16xi32>, vector<16xi32>], vector<16xi32>,
    %lt3A = arith.constant 50048 : i32
    %lt3A_21 = vector.broadcast %lt3A : i32 to vector<16xi32>
    %lt3A_22 = arith.cmpi slt, %gather3A, %lt3A_21 : vector<16xi32>
    %mul3A_23 = arith.constant 2 : i32
    %mul3A_24 = vector.broadcast %mul3A_23 : i32 to vector<16xi32>
    %mul3A_25 = arith.muli %gather3A, %mul3A_24 : vector<16xi32>
    %mul3A_26 = arith.constant 2 : i32
    %mul3A_27 = vector.broadcast %mul3A_26 : i32 to vector<16xi32>
    %mul3A_28 = arith.muli %gather3A, %mul3A_27 : vector<16xi32>
    %sub3A = arith.constant 100095 : i32
    %sub3A_29 = vector.broadcast %sub3A : i32 to vector<16xi32>
    %sub3A_30 = arith.subi %mul3A_28, %sub3A_29 : vector<16xi32>
    %select_n3A = arith.select %lt3A_22, %mul3A_25, %sub3A_30 : vector<16xi1>, vector<16xi32>
    %swap3A = arith.constant 0 : i32
    %swap3A_31 = arith.index_cast %swap3A : i32 to index
    %swap3A_32 = arith.constant 0 : index
    %swap3A_33 = tpu.vector_load %arg5[%swap3A_31, %swap3A_32] {strides = array<i32>} : memref<20x80xi32, #tpu.memory_space<vmem>>, vector<16xi32>,
    tpu.vector_store %arg5[%swap3A_31, %swap3A_32], %select_n3A {strides = array<i32>} : memref<20x80xi32, #tpu.memory_space<vmem>>, vector<16xi32>,
    %add3A_34 = arith.constant 0 : i32
    %add3A_35 = arith.addi %mul3A_2, %add3A_34 : i32
    %add3A_36 = arith.constant 16 : i32
    %add3A_37 = arith.addi %add3A_35, %add3A_36 : i32
    %iota3A_38 = tpu.iota {dimensions = array<i32: 0>} : vector<16xi32>
    %add3A_39 = vector.broadcast %add3A_37 : i32 to vector<16xi32>
    %add3A_40 = arith.addi %add3A_39, %iota3A_38 : vector<16xi32>
    %shift_right_arithmetic3A_41 = arith.constant 1 : i32
    %shift_right_arithmetic3A_42 = vector.broadcast %shift_right_arithmetic3A_41 : i32 to vector<16xi32>
    %shift_right_arithmetic3A_43 = arith.shrsi %add3A_40, %shift_right_arithmetic3A_42 : vector<16xi32>
    %and3A_44 = arith.constant 1023 : i32
    %and3A_45 = vector.broadcast %and3A_44 : i32 to vector<16xi32>
    %and3A_46 = arith.andi %shift_right_arithmetic3A_43, %and3A_45 : vector<16xi32>
    %shift_right_arithmetic3A_47 = arith.constant 10 : i32
    %shift_right_arithmetic3A_48 = vector.broadcast %shift_right_arithmetic3A_47 : i32 to vector<16xi32>
    %shift_right_arithmetic3A_49 = arith.shrsi %shift_right_arithmetic3A_43, %shift_right_arithmetic3A_48 : vector<16xi32>
    %shift_left3A_50 = arith.constant 1 : i32
    %shift_left3A_51 = vector.broadcast %shift_left3A_50 : i32 to vector<16xi32>
    %shift_left3A_52 = arith.shli %shift_right_arithmetic3A_49, %shift_left3A_51 : vector<16xi32>
    %and3A_53 = arith.constant 1 : i32
    %and3A_54 = vector.broadcast %and3A_53 : i32 to vector<16xi32>
    %and3A_55 = arith.andi %add3A_40, %and3A_54 : vector<16xi32>
    %or3A_56 = arith.ori %shift_left3A_52, %and3A_55 : vector<16xi32>
    %gather3A_57 = tpu.vector_load_idx %arg4[%or3A_56, %and3A_46] : memref<50x1024xi32, #tpu.memory_space<vmem>>[vector<16xi32>, vector<16xi32>], vector<16xi32>,
    %lt3A_58 = arith.constant 50048 : i32
    %lt3A_59 = vector.broadcast %lt3A_58 : i32 to vector<16xi32>
    %lt3A_60 = arith.cmpi slt, %gather3A_57, %lt3A_59 : vector<16xi32>
    %mul3A_61 = arith.constant 2 : i32
    %mul3A_62 = vector.broadcast %mul3A_61 : i32 to vector<16xi32>
    %mul3A_63 = arith.muli %gather3A_57, %mul3A_62 : vector<16xi32>
    %mul3A_64 = arith.constant 2 : i32
    %mul3A_65 = vector.broadcast %mul3A_64 : i32 to vector<16xi32>
    %mul3A_66 = arith.muli %gather3A_57, %mul3A_65 : vector<16xi32>
    %sub3A_67 = arith.constant 100095 : i32
    %sub3A_68 = vector.broadcast %sub3A_67 : i32 to vector<16xi32>
    %sub3A_69 = arith.subi %mul3A_66, %sub3A_68 : vector<16xi32>
    %select_n3A_70 = arith.select %lt3A_60, %mul3A_63, %sub3A_69 : vector<16xi1>, vector<16xi32>
    %swap3A_71 = arith.constant 0 : i32
    %swap3A_72 = arith.index_cast %swap3A_71 : i32 to index
    %swap3A_73 = arith.constant 16 : index
    %swap3A_74 = tpu.vector_load %arg5[%swap3A_72, %swap3A_73] {strides = array<i32>} : memref<20x80xi32, #tpu.memory_space<vmem>>, vector<16xi32>,
    tpu.vector_store %arg5[%swap3A_72, %swap3A_73], %select_n3A_70 {strides = array<i32>} : memref<20x80xi32, #tpu.memory_space<vmem>>, vector<16xi32>,
    %add3A_75 = arith.constant 0 : i32
    %add3A_76 = arith.addi %mul3A_2, %add3A_75 : i32
    %add3A_77 = arith.constant 32 : i32
    %add3A_78 = arith.addi %add3A_76, %add3A_77 : i32
    %iota3A_79 = tpu.iota {dimensions = array<i32: 0>} : vector<16xi32>
    %add3A_80 = vector.broadcast %add3A_78 : i32 to vector<16xi32>
    %add3A_81 = arith.addi %add3A_80, %iota3A_79 : vector<16xi32>
    %shift_right_arithmetic3A_82 = arith.constant 1 : i32
    %shift_right_arithmetic3A_83 = vector.broadcast %shift_right_arithmetic3A_82 : i32 to vector<16xi32>
    %shift_right_arithmetic3A_84 = arith.shrsi %add3A_81, %shift_right_arithmetic3A_83 : vector<16xi32>
    %and3A_85 = arith.constant 1023 : i32
    %and3A_86 = vector.broadcast %and3A_85 : i32 to vector<16xi32>
    %and3A_87 = arith.andi %shift_right_arithmetic3A_84, %and3A_86 : vector<16xi32>
    %shift_right_arithmetic3A_88 = arith.constant 10 : i32
    %shift_right_arithmetic3A_89 = vector.broadcast %shift_right_arithmetic3A_88 : i32 to vector<16xi32>
    %shift_right_arithmetic3A_90 = arith.shrsi %shift_right_arithmetic3A_84, %shift_right_arithmetic3A_89 : vector<16xi32>
    %shift_left3A_91 = arith.constant 1 : i32
    %shift_left3A_92 = vector.broadcast %shift_left3A_91 : i32 to vector<16xi32>
    %shift_left3A_93 = arith.shli %shift_right_arithmetic3A_90, %shift_left3A_92 : vector<16xi32>
    %and3A_94 = arith.constant 1 : i32
    %and3A_95 = vector.broadcast %and3A_94 : i32 to vector<16xi32>
    %and3A_96 = arith.andi %add3A_81, %and3A_95 : vector<16xi32>
    %or3A_97 = arith.ori %shift_left3A_93, %and3A_96 : vector<16xi32>
    %gather3A_98 = tpu.vector_load_idx %arg4[%or3A_97, %and3A_87] : memref<50x1024xi32, #tpu.memory_space<vmem>>[vector<16xi32>, vector<16xi32>], vector<16xi32>,
    %lt3A_99 = arith.constant 50048 : i32
    %lt3A_100 = vector.broadcast %lt3A_99 : i32 to vector<16xi32>
    %lt3A_101 = arith.cmpi slt, %gather3A_98, %lt3A_100 : vector<16xi32>
    %mul3A_102 = arith.constant 2 : i32
    %mul3A_103 = vector.broadcast %mul3A_102 : i32 to vector<16xi32>
    %mul3A_104 = arith.muli %gather3A_98, %mul3A_103 : vector<16xi32>
    %mul3A_105 = arith.constant 2 : i32
    %mul3A_106 = vector.broadcast %mul3A_105 : i32 to vector<16xi32>
    %mul3A_107 = arith.muli %gather3A_98, %mul3A_106 : vector<16xi32>
    %sub3A_108 = arith.constant 100095 : i32
    %sub3A_109 = vector.broadcast %sub3A_108 : i32 to vector<16xi32>
    %sub3A_110 = arith.subi %mul3A_107, %sub3A_109 : vector<16xi32>
    %select_n3A_111 = arith.select %lt3A_101, %mul3A_104, %sub3A_110 : vector<16xi1>, vector<16xi32>
    %swap3A_112 = arith.constant 0 : i32
    %swap3A_113 = arith.index_cast %swap3A_112 : i32 to index
    %swap3A_114 = arith.constant 32 : index
    %swap3A_115 = tpu.vector_load %arg5[%swap3A_113, %swap3A_114] {strides = array<i32>} : memref<20x80xi32, #tpu.memory_space<vmem>>, vector<16xi32>,
    tpu.vector_store %arg5[%swap3A_113, %swap3A_114], %select_n3A_111 {strides = array<i32>} : memref<20x80xi32, #tpu.memory_space<vmem>>, vector<16xi32>,
    %add3A_116 = arith.constant 0 : i32
    %add3A_117 = arith.addi %mul3A_2, %add3A_116 : i32
    %add3A_118 = arith.constant 48 : i32
    %add3A_119 = arith.addi %add3A_117, %add3A_118 : i32
    %iota3A_120 = tpu.iota {dimensions = array<i32: 0>} : vector<16xi32>
    %add3A_121 = vector.broadcast %add3A_119 : i32 to vector<16xi32>
    %add3A_122 = arith.addi %add3A_121, %iota3A_120 : vector<16xi32>
    %shift_right_arithmetic3A_123 = arith.constant 1 : i32
    %shift_right_arithmetic3A_124 = vector.broadcast %shift_right_arithmetic3A_123 : i32 to vector<16xi32>
    %shift_right_arithmetic3A_125 = arith.shrsi %add3A_122, %shift_right_arithmetic3A_124 : vector<16xi32>
    %and3A_126 = arith.constant 1023 : i32
    %and3A_127 = vector.broadcast %and3A_126 : i32 to vector<16xi32>
    %and3A_128 = arith.andi %shift_right_arithmetic3A_125, %and3A_127 : vector<16xi32>
    %shift_right_arithmetic3A_129 = arith.constant 10 : i32
    %shift_right_arithmetic3A_130 = vector.broadcast %shift_right_arithmetic3A_129 : i32 to vector<16xi32>
    %shift_right_arithmetic3A_131 = arith.shrsi %shift_right_arithmetic3A_125, %shift_right_arithmetic3A_130 : vector<16xi32>
    %shift_left3A_132 = arith.constant 1 : i32
    %shift_left3A_133 = vector.broadcast %shift_left3A_132 : i32 to vector<16xi32>
    %shift_left3A_134 = arith.shli %shift_right_arithmetic3A_131, %shift_left3A_133 : vector<16xi32>
    %and3A_135 = arith.constant 1 : i32
    %and3A_136 = vector.broadcast %and3A_135 : i32 to vector<16xi32>
    %and3A_137 = arith.andi %add3A_122, %and3A_136 : vector<16xi32>
    %or3A_138 = arith.ori %shift_left3A_134, %and3A_137 : vector<16xi32>
    %gather3A_139 = tpu.vector_load_idx %arg4[%or3A_138, %and3A_128] : memref<50x1024xi32, #tpu.memory_space<vmem>>[vector<16xi32>, vector<16xi32>], vector<16xi32>,
    %lt3A_140 = arith.constant 50048 : i32
    %lt3A_141 = vector.broadcast %lt3A_140 : i32 to vector<16xi32>
    %lt3A_142 = arith.cmpi slt, %gather3A_139, %lt3A_141 : vector<16xi32>
    %mul3A_143 = arith.constant 2 : i32
    %mul3A_144 = vector.broadcast %mul3A_143 : i32 to vector<16xi32>
    %mul3A_145 = arith.muli %gather3A_139, %mul3A_144 : vector<16xi32>
    %mul3A_146 = arith.constant 2 : i32
    %mul3A_147 = vector.broadcast %mul3A_146 : i32 to vector<16xi32>
    %mul3A_148 = arith.muli %gather3A_139, %mul3A_147 : vector<16xi32>
    %sub3A_149 = arith.constant 100095 : i32
    %sub3A_150 = vector.broadcast %sub3A_149 : i32 to vector<16xi32>
    %sub3A_151 = arith.subi %mul3A_148, %sub3A_150 : vector<16xi32>
    %select_n3A_152 = arith.select %lt3A_142, %mul3A_145, %sub3A_151 : vector<16xi1>, vector<16xi32>
    %swap3A_153 = arith.constant 0 : i32
    %swap3A_154 = arith.index_cast %swap3A_153 : i32 to index
    %swap3A_155 = arith.constant 48 : index
    %swap3A_156 = tpu.vector_load %arg5[%swap3A_154, %swap3A_155] {strides = array<i32>} : memref<20x80xi32, #tpu.memory_space<vmem>>, vector<16xi32>,
    tpu.vector_store %arg5[%swap3A_154, %swap3A_155], %select_n3A_152 {strides = array<i32>} : memref<20x80xi32, #tpu.memory_space<vmem>>, vector<16xi32>,
    %add3A_157 = arith.constant 0 : i32
    %add3A_158 = arith.addi %mul3A_2, %add3A_157 : i32
    %add3A_159 = arith.constant 64 : i32
    %add3A_160 = arith.addi %add3A_158, %add3A_159 : i32
    %iota3A_161 = tpu.iota {dimensions = array<i32: 0>} : vector<16xi32>
    %add3A_162 = vector.broadcast %add3A_160 : i32 to vector<16xi32>
    %add3A_163 = arith.addi %add3A_162, %iota3A_161 : vector<16xi32>
    %shift_right_arithmetic3A_164 = arith.constant 1 : i32
    %shift_right_arithmetic3A_165 = vector.broadcast %shift_right_arithmetic3A_164 : i32 to vector<16xi32>
    %shift_right_arithmetic3A_166 = arith.shrsi %add3A_163, %shift_right_arithmetic3A_165 : vector<16xi32>
    %and3A_167 = arith.constant 1023 : i32
    %and3A_168 = vector.broadcast %and3A_167 : i32 to vector<16xi32>
    %and3A_169 = arith.andi %shift_right_arithmetic3A_166, %and3A_168 : vector<16xi32>
    %shift_right_arithmetic3A_170 = arith.constant 10 : i32
    %shift_right_arithmetic3A_171 = vector.broadcast %shift_right_arithmetic3A_170 : i32 to vector<16xi32>
    %shift_right_arithmetic3A_172 = arith.shrsi %shift_right_arithmetic3A_166, %shift_right_arithmetic3A_171 : vector<16xi32>
    %shift_left3A_173 = arith.constant 1 : i32
    %shift_left3A_174 = vector.broadcast %shift_left3A_173 : i32 to vector<16xi32>
    %shift_left3A_175 = arith.shli %shift_right_arithmetic3A_172, %shift_left3A_174 : vector<16xi32>
    %and3A_176 = arith.constant 1 : i32
    %and3A_177 = vector.broadcast %and3A_176 : i32 to vector<16xi32>
    %and3A_178 = arith.andi %add3A_163, %and3A_177 : vector<16xi32>
    %or3A_179 = arith.ori %shift_left3A_175, %and3A_178 : vector<16xi32>
    %gather3A_180 = tpu.vector_load_idx %arg4[%or3A_179, %and3A_169] : memref<50x1024xi32, #tpu.memory_space<vmem>>[vector<16xi32>, vector<16xi32>], vector<16xi32>,
    %lt3A_181 = arith.constant 50048 : i32
    %lt3A_182 = vector.broadcast %lt3A_181 : i32 to vector<16xi32>
    %lt3A_183 = arith.cmpi slt, %gather3A_180, %lt3A_182 : vector<16xi32>
    %mul3A_184 = arith.constant 2 : i32
    %mul3A_185 = vector.broadcast %mul3A_184 : i32 to vector<16xi32>
    %mul3A_186 = arith.muli %gather3A_180, %mul3A_185 : vector<16xi32>
    %mul3A_187 = arith.constant 2 : i32
    %mul3A_188 = vector.broadcast %mul3A_187 : i32 to vector<16xi32>
    %mul3A_189 = arith.muli %gather3A_180, %mul3A_188 : vector<16xi32>
    %sub3A_190 = arith.constant 100095 : i32
    %sub3A_191 = vector.broadcast %sub3A_190 : i32 to vector<16xi32>
    %sub3A_192 = arith.subi %mul3A_189, %sub3A_191 : vector<16xi32>
    %select_n3A_193 = arith.select %lt3A_183, %mul3A_186, %sub3A_192 : vector<16xi1>, vector<16xi32>
    %swap3A_194 = arith.constant 0 : i32
    %swap3A_195 = arith.index_cast %swap3A_194 : i32 to index
    %swap3A_196 = arith.constant 64 : index
    %swap3A_197 = tpu.vector_load %arg5[%swap3A_195, %swap3A_196] {strides = array<i32>} : memref<20x80xi32, #tpu.memory_space<vmem>>, vector<16xi32>,
    tpu.vector_store %arg5[%swap3A_195, %swap3A_196], %select_n3A_193 {strides = array<i32>} : memref<20x80xi32, #tpu.memory_space<vmem>>, vector<16xi32>,
    %add3A_198 = arith.constant 80 : i32
    %add3A_199 = arith.addi %mul3A_2, %add3A_198 : i32
    %add3A_200 = arith.constant 0 : i32
    %add3A_201 = arith.addi %add3A_199, %add3A_200 : i32
    %iota3A_202 = tpu.iota {dimensions = array<i32: 0>} : vector<16xi32>
    %add3A_203 = vector.broadcast %add3A_201 : i32 to vector<16xi32>
    %add3A_204 = arith.addi %add3A_203, %iota3A_202 : vector<16xi32>
    %shift_right_arithmetic3A_205 = arith.constant 1 : i32
    %shift_right_arithmetic3A_206 = vector.broadcast %shift_right_arithmetic3A_205 : i32 to vector<16xi32>
    %shift_right_arithmetic3A_207 = arith.shrsi %add3A_204, %shift_right_arithmetic3A_206 : vector<16xi32>
    %and3A_208 = arith.constant 1023 : i32
    %and3A_209 = vector.broadcast %and3A_208 : i32 to vector<16xi32>
    %and3A_210 = arith.andi %shift_right_arithmetic3A_207, %and3A_209 : vector<16xi32>
    %shift_right_arithmetic3A_211 = arith.constant 10 : i32
    %shift_right_arithmetic3A_212 = vector.broadcast %shift_right_arithmetic3A_211 : i32 to vector<16xi32>
    %shift_right_arithmetic3A_213 = arith.shrsi %shift_right_arithmetic3A_207, %shift_right_arithmetic3A_212 : vector<16xi32>
    %shift_left3A_214 = arith.constant 1 : i32
    %shift_left3A_215 = vector.broadcast %shift_left3A_214 : i32 to vector<16xi32>
    %shift_left3A_216 = arith.shli %shift_right_arithmetic3A_213, %shift_left3A_215 : vector<16xi32>
    %and3A_217 = arith.constant 1 : i32
    %and3A_218 = vector.broadcast %and3A_217 : i32 to vector<16xi32>
    %and3A_219 = arith.andi %add3A_204, %and3A_218 : vector<16xi32>
    %or3A_220 = arith.ori %shift_left3A_216, %and3A_219 : vector<16xi32>
    %gather3A_221 = tpu.vector_load_idx %arg4[%or3A_220, %and3A_210] : memref<50x1024xi32, #tpu.memory_space<vmem>>[vector<16xi32>, vector<16xi32>], vector<16xi32>,
    %lt3A_222 = arith.constant 50048 : i32
    %lt3A_223 = vector.broadcast %lt3A_222 : i32 to vector<16xi32>
    %lt3A_224 = arith.cmpi slt, %gather3A_221, %lt3A_223 : vector<16xi32>
    %mul3A_225 = arith.constant 2 : i32
    %mul3A_226 = vector.broadcast %mul3A_225 : i32 to vector<16xi32>
    %mul3A_227 = arith.muli %gather3A_221, %mul3A_226 : vector<16xi32>
    %mul3A_228 = arith.constant 2 : i32
    %mul3A_229 = vector.broadcast %mul3A_228 : i32 to vector<16xi32>
    %mul3A_230 = arith.muli %gather3A_221, %mul3A_229 : vector<16xi32>
    %sub3A_231 = arith.constant 100095 : i32
    %sub3A_232 = vector.broadcast %sub3A_231 : i32 to vector<16xi32>
    %sub3A_233 = arith.subi %mul3A_230, %sub3A_232 : vector<16xi32>
    %select_n3A_234 = arith.select %lt3A_224, %mul3A_227, %sub3A_233 : vector<16xi1>, vector<16xi32>
    %swap3A_235 = arith.constant 1 : i32
    %swap3A_236 = arith.index_cast %swap3A_235 : i32 to index
    %swap3A_237 = arith.constant 0 : index
    %swap3A_238 = tpu.vector_load %arg5[%swap3A_236, %swap3A_237] {strides = array<i32>} : memref<20x80xi32, #tpu.memory_space<vmem>>, vector<16xi32>,
    tpu.vector_store %arg5[%swap3A_236, %swap3A_237], %select_n3A_234 {strides = array<i32>} : memref<20x80xi32, #tpu.memory_space<vmem>>, vector<16xi32>,
    %add3A_239 = arith.constant 80 : i32
    %add3A_240 = arith.addi %mul3A_2, %add3A_239 : i32
    %add3A_241 = arith.constant 16 : i32
    %add3A_242 = arith.addi %add3A_240, %add3A_241 : i32
    %iota3A_243 = tpu.iota {dimensions = array<i32: 0>} : vector<16xi32>
    %add3A_244 = vector.broadcast %add3A_242 : i32 to vector<16xi32>
    %add3A_245 = arith.addi %add3A_244, %iota3A_243 : vector<16xi32>
    %shift_right_arithmetic3A_246 = arith.constant 1 : i32
    %shift_right_arithmetic3A_247 = vector.broadcast %shift_right_arithmetic3A_246 : i32 to vector<16xi32>
    %shift_right_arithmetic3A_248 = arith.shrsi %add3A_245, %shift_right_arithmetic3A_247 : vector<16xi32>
    %and3A_249 = arith.constant 1023 : i32
    %and3A_250 = vector.broadcast %and3A_249 : i32 to vector<16xi32>
    %and3A_251 = arith.andi %shift_right_arithmetic3A_248, %and3A_250 : vector<16xi32>
    %shift_right_arithmetic3A_252 = arith.constant 10 : i32
    %shift_right_arithmetic3A_253 = vector.broadcast %shift_right_arithmetic3A_252 : i32 to vector<16xi32>
    %shift_right_arithmetic3A_254 = arith.shrsi %shift_right_arithmetic3A_248, %shift_right_arithmetic3A_253 : vector<16xi32>
    %shift_left3A_255 = arith.constant 1 : i32
    %shift_left3A_256 = vector.broadcast %shift_left3A_255 : i32 to vector<16xi32>
    %shift_left3A_257 = arith.shli %shift_right_arithmetic3A_254, %shift_left3A_256 : vector<16xi32>
    %and3A_258 = arith.constant 1 : i32
    %and3A_259 = vector.broadcast %and3A_258 : i32 to vector<16xi32>
    %and3A_260 = arith.andi %add3A_245, %and3A_259 : vector<16xi32>
    %or3A_261 = arith.ori %shift_left3A_257, %and3A_260 : vector<16xi32>
    %gather3A_262 = tpu.vector_load_idx %arg4[%or3A_261, %and3A_251] : memref<50x1024xi32, #tpu.memory_space<vmem>>[vector<16xi32>, vector<16xi32>], vector<16xi32>,
    %lt3A_263 = arith.constant 50048 : i32
    %lt3A_264 = vector.broadcast %lt3A_263 : i32 to vector<16xi32>
    %lt3A_265 = arith.cmpi slt, %gather3A_262, %lt3A_264 : vector<16xi32>
    %mul3A_266 = arith.constant 2 : i32
    %mul3A_267 = vector.broadcast %mul3A_266 : i32 to vector<16xi32>
    %mul3A_268 = arith.muli %gather3A_262, %mul3A_267 : vector<16xi32>
    %mul3A_269 = arith.constant 2 : i32
    %mul3A_270 = vector.broadcast %mul3A_269 : i32 to vector<16xi32>
    %mul3A_271 = arith.muli %gather3A_262, %mul3A_270 : vector<16xi32>
    %sub3A_272 = arith.constant 100095 : i32
    %sub3A_273 = vector.broadcast %sub3A_272 : i32 to vector<16xi32>
    %sub3A_274 = arith.subi %mul3A_271, %sub3A_273 : vector<16xi32>
    %select_n3A_275 = arith.select %lt3A_265, %mul3A_268, %sub3A_274 : vector<16xi1>, vector<16xi32>
    %swap3A_276 = arith.constant 1 : i32
    %swap3A_277 = arith.index_cast %swap3A_276 : i32 to index
    %swap3A_278 = arith.constant 16 : index
    %swap3A_279 = tpu.vector_load %arg5[%swap3A_277, %swap3A_278] {strides = array<i32>} : memref<20x80xi32, #tpu.memory_space<vmem>>, vector<16xi32>,
    tpu.vector_store %arg5[%swap3A_277, %swap3A_278], %select_n3A_275 {strides = array<i32>} : memref<20x80xi32, #tpu.memory_space<vmem>>, vector<16xi32>,
    %add3A_280 = arith.constant 80 : i32
    %add3A_281 = arith.addi %mul3A_2, %add3A_280 : i32
    %add3A_282 = arith.constant 32 : i32
    %add3A_283 = arith.addi %add3A_281, %add3A_282 : i32
    %iota3A_284 = tpu.iota {dimensions = array<i32: 0>} : vector<16xi32>
    %add3A_285 = vector.broadcast %add3A_283 : i32 to vector<16xi32>
    %add3A_286 = arith.addi %add3A_285, %iota3A_284 : vector<16xi32>
    %shift_right_arithmetic3A_287 = arith.constant 1 : i32
    %shift_right_arithmetic3A_288 = vector.broadcast %shift_right_arithmetic3A_287 : i32 to vector<16xi32>
    %shift_right_arithmetic3A_289 = arith.shrsi %add3A_286, %shift_right_arithmetic3A_288 : vector<16xi32>
    %and3A_290 = arith.constant 1023 : i32
    %and3A_291 = vector.broadcast %and3A_290 : i32 to vector<16xi32>
    %and3A_292 = arith.andi %shift_right_arithmetic3A_289, %and3A_291 : vector<16xi32>
    %shift_right_arithmetic3A_293 = arith.constant 10 : i32
    %shift_right_arithmetic3A_294 = vector.broadcast %shift_right_arithmetic3A_293 : i32 to vector<16xi32>
    %shift_right_arithmetic3A_295 = arith.shrsi %shift_right_arithmetic3A_289, %shift_right_arithmetic3A_294 : vector<16xi32>
    %shift_left3A_296 = arith.constant 1 : i32
    %shift_left3A_297 = vector.broadcast %shift_left3A_296 : i32 to vector<16xi32>
    %shift_left3A_298 = arith.shli %shift_right_arithmetic3A_295, %shift_left3A_297 : vector<16xi32>
    %and3A_299 = arith.constant 1 : i32
    %and3A_300 = vector.broadcast %and3A_299 : i32 to vector<16xi32>
    %and3A_301 = arith.andi %add3A_286, %and3A_300 : vector<16xi32>
    %or3A_302 = arith.ori %shift_left3A_298, %and3A_301 : vector<16xi32>
    %gather3A_303 = tpu.vector_load_idx %arg4[%or3A_302, %and3A_292] : memref<50x1024xi32, #tpu.memory_space<vmem>>[vector<16xi32>, vector<16xi32>], vector<16xi32>,
    %lt3A_304 = arith.constant 50048 : i32
    %lt3A_305 = vector.broadcast %lt3A_304 : i32 to vector<16xi32>
    %lt3A_306 = arith.cmpi slt, %gather3A_303, %lt3A_305 : vector<16xi32>
    %mul3A_307 = arith.constant 2 : i32
    %mul3A_308 = vector.broadcast %mul3A_307 : i32 to vector<16xi32>
    %mul3A_309 = arith.muli %gather3A_303, %mul3A_308 : vector<16xi32>
    %mul3A_310 = arith.constant 2 : i32
    %mul3A_311 = vector.broadcast %mul3A_310 : i32 to vector<16xi32>
    %mul3A_312 = arith.muli %gather3A_303, %mul3A_311 : vector<16xi32>
    %sub3A_313 = arith.constant 100095 : i32
    %sub3A_314 = vector.broadcast %sub3A_313 : i32 to vector<16xi32>
    %sub3A_315 = arith.subi %mul3A_312, %sub3A_314 : vector<16xi32>
    %select_n3A_316 = arith.select %lt3A_306, %mul3A_309, %sub3A_315 : vector<16xi1>, vector<16xi32>
    %swap3A_317 = arith.constant 1 : i32
    %swap3A_318 = arith.index_cast %swap3A_317 : i32 to index
    %swap3A_319 = arith.constant 32 : index
    %swap3A_320 = tpu.vector_load %arg5[%swap3A_318, %swap3A_319] {strides = array<i32>} : memref<20x80xi32, #tpu.memory_space<vmem>>, vector<16xi32>,
    tpu.vector_store %arg5[%swap3A_318, %swap3A_319], %select_n3A_316 {strides = array<i32>} : memref<20x80xi32, #tpu.memory_space<vmem>>, vector<16xi32>,
    %add3A_321 = arith.constant 80 : i32
    %add3A_322 = arith.addi %mul3A_2, %add3A_321 : i32
    %add3A_323 = arith.constant 48 : i32
    %add3A_324 = arith.addi %add3A_322, %add3A_323 : i32
    %iota3A_325 = tpu.iota {dimensions = array<i32: 0>} : vector<16xi32>
    %add3A_326 = vector.broadcast %add3A_324 : i32 to vector<16xi32>
    %add3A_327 = arith.addi %add3A_326, %iota3A_325 : vector<16xi32>
    %shift_right_arithmetic3A_328 = arith.constant 1 : i32
    %shift_right_arithmetic3A_329 = vector.broadcast %shift_right_arithmetic3A_328 : i32 to vector<16xi32>
    %shift_right_arithmetic3A_330 = arith.shrsi %add3A_327, %shift_right_arithmetic3A_329 : vector<16xi32>
    %and3A_331 = arith.constant 1023 : i32
    %and3A_332 = vector.broadcast %and3A_331 : i32 to vector<16xi32>
    %and3A_333 = arith.andi %shift_right_arithmetic3A_330, %and3A_332 : vector<16xi32>
    %shift_right_arithmetic3A_334 = arith.constant 10 : i32
    %shift_right_arithmetic3A_335 = vector.broadcast %shift_right_arithmetic3A_334 : i32 to vector<16xi32>
    %shift_right_arithmetic3A_336 = arith.shrsi %shift_right_arithmetic3A_330, %shift_right_arithmetic3A_335 : vector<16xi32>
    %shift_left3A_337 = arith.constant 1 : i32
    %shift_left3A_338 = vector.broadcast %shift_left3A_337 : i32 to vector<16xi32>
    %shift_left3A_339 = arith.shli %shift_right_arithmetic3A_336, %shift_left3A_338 : vector<16xi32>
    %and3A_340 = arith.constant 1 : i32
    %and3A_341 = vector.broadcast %and3A_340 : i32 to vector<16xi32>
    %and3A_342 = arith.andi %add3A_327, %and3A_341 : vector<16xi32>
    %or3A_343 = arith.ori %shift_left3A_339, %and3A_342 : vector<16xi32>
    %gather3A_344 = tpu.vector_load_idx %arg4[%or3A_343, %and3A_333] : memref<50x1024xi32, #tpu.memory_space<vmem>>[vector<16xi32>, vector<16xi32>], vector<16xi32>,
    %lt3A_345 = arith.constant 50048 : i32
    %lt3A_346 = vector.broadcast %lt3A_345 : i32 to vector<16xi32>
    %lt3A_347 = arith.cmpi slt, %gather3A_344, %lt3A_346 : vector<16xi32>
    %mul3A_348 = arith.constant 2 : i32
    %mul3A_349 = vector.broadcast %mul3A_348 : i32 to vector<16xi32>
    %mul3A_350 = arith.muli %gather3A_344, %mul3A_349 : vector<16xi32>
    %mul3A_351 = arith.constant 2 : i32
    %mul3A_352 = vector.broadcast %mul3A_351 : i32 to vector<16xi32>
    %mul3A_353 = arith.muli %gather3A_344, %mul3A_352 : vector<16xi32>
    %sub3A_354 = arith.constant 100095 : i32
    %sub3A_355 = vector.broadcast %sub3A_354 : i32 to vector<16xi32>
    %sub3A_356 = arith.subi %mul3A_353, %sub3A_355 : vector<16xi32>
    %select_n3A_357 = arith.select %lt3A_347, %mul3A_350, %sub3A_356 : vector<16xi1>, vector<16xi32>
    %swap3A_358 = arith.constant 1 : i32
    %swap3A_359 = arith.index_cast %swap3A_358 : i32 to index
    %swap3A_360 = arith.constant 48 : index
    %swap3A_361 = tpu.vector_load %arg5[%swap3A_359, %swap3A_360] {strides = array<i32>} : memref<20x80xi32, #tpu.memory_space<vmem>>, vector<16xi32>,
    tpu.vector_store %arg5[%swap3A_359, %swap3A_360], %select_n3A_357 {strides = array<i32>} : memref<20x80xi32, #tpu.memory_space<vmem>>, vector<16xi32>,
    %add3A_362 = arith.constant 80 : i32
    %add3A_363 = arith.addi %mul3A_2, %add3A_362 : i32
    %add3A_364 = arith.constant 64 : i32
    %add3A_365 = arith.addi %add3A_363, %add3A_364 : i32
    %iota3A_366 = tpu.iota {dimensions = array<i32: 0>} : vector<16xi32>
    %add3A_367 = vector.broadcast %add3A_365 : i32 to vector<16xi32>
    %add3A_368 = arith.addi %add3A_367, %iota3A_366 : vector<16xi32>
    %shift_right_arithmetic3A_369 = arith.constant 1 : i32
    %shift_right_arithmetic3A_370 = vector.broadcast %shift_right_arithmetic3A_369 : i32 to vector<16xi32>
    %shift_right_arithmetic3A_371 = arith.shrsi %add3A_368, %shift_right_arithmetic3A_370 : vector<16xi32>
    %and3A_372 = arith.constant 1023 : i32
    %and3A_373 = vector.broadcast %and3A_372 : i32 to vector<16xi32>
    %and3A_374 = arith.andi %shift_right_arithmetic3A_371, %and3A_373 : vector<16xi32>
    %shift_right_arithmetic3A_375 = arith.constant 10 : i32
    %shift_right_arithmetic3A_376 = vector.broadcast %shift_right_arithmetic3A_375 : i32 to vector<16xi32>
    %shift_right_arithmetic3A_377 = arith.shrsi %shift_right_arithmetic3A_371, %shift_right_arithmetic3A_376 : vector<16xi32>
    %shift_left3A_378 = arith.constant 1 : i32
    %shift_left3A_379 = vector.broadcast %shift_left3A_378 : i32 to vector<16xi32>
    %shift_left3A_380 = arith.shli %shift_right_arithmetic3A_377, %shift_left3A_379 : vector<16xi32>
    %and3A_381 = arith.constant 1 : i32
    %and3A_382 = vector.broadcast %and3A_381 : i32 to vector<16xi32>
    %and3A_383 = arith.andi %add3A_368, %and3A_382 : vector<16xi32>
    %or3A_384 = arith.ori %shift_left3A_380, %and3A_383 : vector<16xi32>
    %gather3A_385 = tpu.vector_load_idx %arg4[%or3A_384, %and3A_374] : memref<50x1024xi32, #tpu.memory_space<vmem>>[vector<16xi32>, vector<16xi32>], vector<16xi32>,
    %lt3A_386 = arith.constant 50048 : i32
    %lt3A_387 = vector.broadcast %lt3A_386 : i32 to vector<16xi32>
    %lt3A_388 = arith.cmpi slt, %gather3A_385, %lt3A_387 : vector<16xi32>
    %mul3A_389 = arith.constant 2 : i32
    %mul3A_390 = vector.broadcast %mul3A_389 : i32 to vector<16xi32>
    %mul3A_391 = arith.muli %gather3A_385, %mul3A_390 : vector<16xi32>
    %mul3A_392 = arith.constant 2 : i32
    %mul3A_393 = vector.broadcast %mul3A_392 : i32 to vector<16xi32>
    %mul3A_394 = arith.muli %gather3A_385, %mul3A_393 : vector<16xi32>
    %sub3A_395 = arith.constant 100095 : i32
    %sub3A_396 = vector.broadcast %sub3A_395 : i32 to vector<16xi32>
    %sub3A_397 = arith.subi %mul3A_394, %sub3A_396 : vector<16xi32>
    %select_n3A_398 = arith.select %lt3A_388, %mul3A_391, %sub3A_397 : vector<16xi1>, vector<16xi32>
    %swap3A_399 = arith.constant 1 : i32
    %swap3A_400 = arith.index_cast %swap3A_399 : i32 to index
    %swap3A_401 = arith.constant 64 : index
    %swap3A_402 = tpu.vector_load %arg5[%swap3A_400, %swap3A_401] {strides = array<i32>} : memref<20x80xi32, #tpu.memory_space<vmem>>, vector<16xi32>,
    tpu.vector_store %arg5[%swap3A_400, %swap3A_401], %select_n3A_398 {strides = array<i32>} : memref<20x80xi32, #tpu.memory_space<vmem>>, vector<16xi32>,
    %add3A_403 = arith.constant 160 : i32
    %add3A_404 = arith.addi %mul3A_2, %add3A_403 : i32
    %add3A_405 = arith.constant 0 : i32
    %add3A_406 = arith.addi %add3A_404, %add3A_405 : i32
    %iota3A_407 = tpu.iota {dimensions = array<i32: 0>} : vector<16xi32>
    %add3A_408 = vector.broadcast %add3A_406 : i32 to vector<16xi32>
    %add3A_409 = arith.addi %add3A_408, %iota3A_407 : vector<16xi32>
    %shift_right_arithmetic3A_410 = arith.constant 1 : i32
    %shift_right_arithmetic3A_411 = vector.broadcast %shift_right_arithmetic3A_410 : i32 to vector<16xi32>
    %shift_right_arithmetic3A_412 = arith.shrsi %add3A_409, %shift_right_arithmetic3A_411 : vector<16xi32>
    %and3A_413 = arith.constant 1023 : i32
    %and3A_414 = vector.broadcast %and3A_413 : i32 to vector<16xi32>
    %and3A_415 = arith.andi %shift_right_arithmetic3A_412, %and3A_414 : vector<16xi32>
    %shift_right_arithmetic3A_416 = arith.constant 10 : i32
    %shift_right_arithmetic3A_417 = vector.broadcast %shift_right_arithmetic3A_416 : i32 to vector<16xi32>
    %shift_right_arithmetic3A_418 = arith.shrsi %shift_right_arithmetic3A_412, %shift_right_arithmetic3A_417 : vector<16xi32>
    %shift_left3A_419 = arith.constant 1 : i32
    %shift_left3A_420 = vector.broadcast %shift_left3A_419 : i32 to vector<16xi32>
    %shift_left3A_421 = arith.shli %shift_right_arithmetic3A_418, %shift_left3A_420 : vector<16xi32>
    %and3A_422 = arith.constant 1 : i32
    %and3A_423 = vector.broadcast %and3A_422 : i32 to vector<16xi32>
    %and3A_424 = arith.andi %add3A_409, %and3A_423 : vector<16xi32>
    %or3A_425 = arith.ori %shift_left3A_421, %and3A_424 : vector<16xi32>
    %gather3A_426 = tpu.vector_load_idx %arg4[%or3A_425, %and3A_415] : memref<50x1024xi32, #tpu.memory_space<vmem>>[vector<16xi32>, vector<16xi32>], vector<16xi32>,
    %lt3A_427 = arith.constant 50048 : i32
    %lt3A_428 = vector.broadcast %lt3A_427 : i32 to vector<16xi32>
    %lt3A_429 = arith.cmpi slt, %gather3A_426, %lt3A_428 : vector<16xi32>
    %mul3A_430 = arith.constant 2 : i32
    %mul3A_431 = vector.broadcast %mul3A_430 : i32 to vector<16xi32>
    %mul3A_432 = arith.muli %gather3A_426, %mul3A_431 : vector<16xi32>
    %mul3A_433 = arith.constant 2 : i32
    %mul3A_434 = vector.broadcast %mul3A_433 : i32 to vector<16xi32>
    %mul3A_435 = arith.muli %gather3A_426, %mul3A_434 : vector<16xi32>
    %sub3A_436 = arith.constant 100095 : i32
    %sub3A_437 = vector.broadcast %sub3A_436 : i32 to vector<16xi32>
    %sub3A_438 = arith.subi %mul3A_435, %sub3A_437 : vector<16xi32>
    %select_n3A_439 = arith.select %lt3A_429, %mul3A_432, %sub3A_438 : vector<16xi1>, vector<16xi32>
    %swap3A_440 = arith.constant 2 : i32
    %swap3A_441 = arith.index_cast %swap3A_440 : i32 to index
    %swap3A_442 = arith.constant 0 : index
    %swap3A_443 = tpu.vector_load %arg5[%swap3A_441, %swap3A_442] {strides = array<i32>} : memref<20x80xi32, #tpu.memory_space<vmem>>, vector<16xi32>,
    tpu.vector_store %arg5[%swap3A_441, %swap3A_442], %select_n3A_439 {strides = array<i32>} : memref<20x80xi32, #tpu.memory_space<vmem>>, vector<16xi32>,
    %add3A_444 = arith.constant 160 : i32
    %add3A_445 = arith.addi %mul3A_2, %add3A_444 : i32
    %add3A_446 = arith.constant 16 : i32
    %add3A_447 = arith.addi %add3A_445, %add3A_446 : i32
    %iota3A_448 = tpu.iota {dimensions = array<i32: 0>} : vector<16xi32>
    %add3A_449 = vector.broadcast %add3A_447 : i32 to vector<16xi32>
    %add3A_450 = arith.addi %add3A_449, %iota3A_448 : vector<16xi32>
    %shift_right_arithmetic3A_451 = arith.constant 1 : i32
    %shift_right_arithmetic3A_452 = vector.broadcast %shift_right_arithmetic3A_451 : i32 to vector<16xi32>
    %shift_right_arithmetic3A_453 = arith.shrsi %add3A_450, %shift_right_arithmetic3A_452 : vector<16xi32>
    %and3A_454 = arith.constant 1023 : i32
    %and3A_455 = vector.broadcast %and3A_454 : i32 to vector<16xi32>
    %and3A_456 = arith.andi %shift_right_arithmetic3A_453, %and3A_455 : vector<16xi32>
    %shift_right_arithmetic3A_457 = arith.constant 10 : i32
    %shift_right_arithmetic3A_458 = vector.broadcast %shift_right_arithmetic3A_457 : i32 to vector<16xi32>
    %shift_right_arithmetic3A_459 = arith.shrsi %shift_right_arithmetic3A_453, %shift_right_arithmetic3A_458 : vector<16xi32>
    %shift_left3A_460 = arith.constant 1 : i32
    %shift_left3A_461 = vector.broadcast %shift_left3A_460 : i32 to vector<16xi32>
    %shift_left3A_462 = arith.shli %shift_right_arithmetic3A_459, %shift_left3A_461 : vector<16xi32>
    %and3A_463 = arith.constant 1 : i32
    %and3A_464 = vector.broadcast %and3A_463 : i32 to vector<16xi32>
    %and3A_465 = arith.andi %add3A_450, %and3A_464 : vector<16xi32>
    %or3A_466 = arith.ori %shift_left3A_462, %and3A_465 : vector<16xi32>
    %gather3A_467 = tpu.vector_load_idx %arg4[%or3A_466, %and3A_456] : memref<50x1024xi32, #tpu.memory_space<vmem>>[vector<16xi32>, vector<16xi32>], vector<16xi32>,
    %lt3A_468 = arith.constant 50048 : i32
    %lt3A_469 = vector.broadcast %lt3A_468 : i32 to vector<16xi32>
    %lt3A_470 = arith.cmpi slt, %gather3A_467, %lt3A_469 : vector<16xi32>
    %mul3A_471 = arith.constant 2 : i32
    %mul3A_472 = vector.broadcast %mul3A_471 : i32 to vector<16xi32>
    %mul3A_473 = arith.muli %gather3A_467, %mul3A_472 : vector<16xi32>
    %mul3A_474 = arith.constant 2 : i32
    %mul3A_475 = vector.broadcast %mul3A_474 : i32 to vector<16xi32>
    %mul3A_476 = arith.muli %gather3A_467, %mul3A_475 : vector<16xi32>
    %sub3A_477 = arith.constant 100095 : i32
    %sub3A_478 = vector.broadcast %sub3A_477 : i32 to vector<16xi32>
    %sub3A_479 = arith.subi %mul3A_476, %sub3A_478 : vector<16xi32>
    %select_n3A_480 = arith.select %lt3A_470, %mul3A_473, %sub3A_479 : vector<16xi1>, vector<16xi32>
    %swap3A_481 = arith.constant 2 : i32
    %swap3A_482 = arith.index_cast %swap3A_481 : i32 to index
    %swap3A_483 = arith.constant 16 : index
    %swap3A_484 = tpu.vector_load %arg5[%swap3A_482, %swap3A_483] {strides = array<i32>} : memref<20x80xi32, #tpu.memory_space<vmem>>, vector<16xi32>,
    tpu.vector_store %arg5[%swap3A_482, %swap3A_483], %select_n3A_480 {strides = array<i32>} : memref<20x80xi32, #tpu.memory_space<vmem>>, vector<16xi32>,
    %add3A_485 = arith.constant 160 : i32
    %add3A_486 = arith.addi %mul3A_2, %add3A_485 : i32
    %add3A_487 = arith.constant 32 : i32
    %add3A_488 = arith.addi %add3A_486, %add3A_487 : i32
    %iota3A_489 = tpu.iota {dimensions = array<i32: 0>} : vector<16xi32>
    %add3A_490 = vector.broadcast %add3A_488 : i32 to vector<16xi32>
    %add3A_491 = arith.addi %add3A_490, %iota3A_489 : vector<16xi32>
    %shift_right_arithmetic3A_492 = arith.constant 1 : i32
    %shift_right_arithmetic3A_493 = vector.broadcast %shift_right_arithmetic3A_492 : i32 to vector<16xi32>
    %shift_right_arithmetic3A_494 = arith.shrsi %add3A_491, %shift_right_arithmetic3A_493 : vector<16xi32>
    %and3A_495 = arith.constant 1023 : i32
    %and3A_496 = vector.broadcast %and3A_495 : i32 to vector<16xi32>
    %and3A_497 = arith.andi %shift_right_arithmetic3A_494, %and3A_496 : vector<16xi32>
    %shift_right_arithmetic3A_498 = arith.constant 10 : i32
    %shift_right_arithmetic3A_499 = vector.broadcast %shift_right_arithmetic3A_498 : i32 to vector<16xi32>
    %shift_right_arithmetic3A_500 = arith.shrsi %shift_right_arithmetic3A_494, %shift_right_arithmetic3A_499 : vector<16xi32>
    %shift_left3A_501 = arith.constant 1 : i32
    %shift_left3A_502 = vector.broadcast %shift_left3A_501 : i32 to vector<16xi32>
    %shift_left3A_503 = arith.shli %shift_right_arithmetic3A_500, %shift_left3A_502 : vector<16xi32>
    %and3A_504 = arith.constant 1 : i32
    %and3A_505 = vector.broadcast %and3A_504 : i32 to vector<16xi32>
    %and3A_506 = arith.andi %add3A_491, %and3A_505 : vector<16xi32>
    %or3A_507 = arith.ori %shift_left3A_503, %and3A_506 : vector<16xi32>
    %gather3A_508 = tpu.vector_load_idx %arg4[%or3A_507, %and3A_497] : memref<50x1024xi32, #tpu.memory_space<vmem>>[vector<16xi32>, vector<16xi32>], vector<16xi32>,
    %lt3A_509 = arith.constant 50048 : i32
    %lt3A_510 = vector.broadcast %lt3A_509 : i32 to vector<16xi32>
    %lt3A_511 = arith.cmpi slt, %gather3A_508, %lt3A_510 : vector<16xi32>
    %mul3A_512 = arith.constant 2 : i32
    %mul3A_513 = vector.broadcast %mul3A_512 : i32 to vector<16xi32>
    %mul3A_514 = arith.muli %gather3A_508, %mul3A_513 : vector<16xi32>
    %mul3A_515 = arith.constant 2 : i32
    %mul3A_516 = vector.broadcast %mul3A_515 : i32 to vector<16xi32>
    %mul3A_517 = arith.muli %gather3A_508, %mul3A_516 : vector<16xi32>
    %sub3A_518 = arith.constant 100095 : i32
    %sub3A_519 = vector.broadcast %sub3A_518 : i32 to vector<16xi32>
    %sub3A_520 = arith.subi %mul3A_517, %sub3A_519 : vector<16xi32>
    %select_n3A_521 = arith.select %lt3A_511, %mul3A_514, %sub3A_520 : vector<16xi1>, vector<16xi32>
    %swap3A_522 = arith.constant 2 : i32
    %swap3A_523 = arith.index_cast %swap3A_522 : i32 to index
    %swap3A_524 = arith.constant 32 : index
    %swap3A_525 = tpu.vector_load %arg5[%swap3A_523, %swap3A_524] {strides = array<i32>} : memref<20x80xi32, #tpu.memory_space<vmem>>, vector<16xi32>,
    tpu.vector_store %arg5[%swap3A_523, %swap3A_524], %select_n3A_521 {strides = array<i32>} : memref<20x80xi32, #tpu.memory_space<vmem>>, vector<16xi32>,
    %add3A_526 = arith.constant 160 : i32
    %add3A_527 = arith.addi %mul3A_2, %add3A_526 : i32
    %add3A_528 = arith.constant 48 : i32
    %add3A_529 = arith.addi %add3A_527, %add3A_528 : i32
    %iota3A_530 = tpu.iota {dimensions = array<i32: 0>} : vector<16xi32>
    %add3A_531 = vector.broadcast %add3A_529 : i32 to vector<16xi32>
    %add3A_532 = arith.addi %add3A_531, %iota3A_530 : vector<16xi32>
    %shift_right_arithmetic3A_533 = arith.constant 1 : i32
    %shift_right_arithmetic3A_534 = vector.broadcast %shift_right_arithmetic3A_533 : i32 to vector<16xi32>
    %shift_right_arithmetic3A_535 = arith.shrsi %add3A_532, %shift_right_arithmetic3A_534 : vector<16xi32>
    %and3A_536 = arith.constant 1023 : i32
    %and3A_537 = vector.broadcast %and3A_536 : i32 to vector<16xi32>
    %and3A_538 = arith.andi %shift_right_arithmetic3A_535, %and3A_537 : vector<16xi32>
    %shift_right_arithmetic3A_539 = arith.constant 10 : i32
    %shift_right_arithmetic3A_540 = vector.broadcast %shift_right_arithmetic3A_539 : i32 to vector<16xi32>
    %shift_right_arithmetic3A_541 = arith.shrsi %shift_right_arithmetic3A_535, %shift_right_arithmetic3A_540 : vector<16xi32>
    %shift_left3A_542 = arith.constant 1 : i32
    %shift_left3A_543 = vector.broadcast %shift_left3A_542 : i32 to vector<16xi32>
    %shift_left3A_544 = arith.shli %shift_right_arithmetic3A_541, %shift_left3A_543 : vector<16xi32>
    %and3A_545 = arith.constant 1 : i32
    %and3A_546 = vector.broadcast %and3A_545 : i32 to vector<16xi32>
    %and3A_547 = arith.andi %add3A_532, %and3A_546 : vector<16xi32>
    %or3A_548 = arith.ori %shift_left3A_544, %and3A_547 : vector<16xi32>
    %gather3A_549 = tpu.vector_load_idx %arg4[%or3A_548, %and3A_538] : memref<50x1024xi32, #tpu.memory_space<vmem>>[vector<16xi32>, vector<16xi32>], vector<16xi32>,
    %lt3A_550 = arith.constant 50048 : i32
    %lt3A_551 = vector.broadcast %lt3A_550 : i32 to vector<16xi32>
    %lt3A_552 = arith.cmpi slt, %gather3A_549, %lt3A_551 : vector<16xi32>
    %mul3A_553 = arith.constant 2 : i32
    %mul3A_554 = vector.broadcast %mul3A_553 : i32 to vector<16xi32>
    %mul3A_555 = arith.muli %gather3A_549, %mul3A_554 : vector<16xi32>
    %mul3A_556 = arith.constant 2 : i32
    %mul3A_557 = vector.broadcast %mul3A_556 : i32 to vector<16xi32>
    %mul3A_558 = arith.muli %gather3A_549, %mul3A_557 : vector<16xi32>
    %sub3A_559 = arith.constant 100095 : i32
    %sub3A_560 = vector.broadcast %sub3A_559 : i32 to vector<16xi32>
    %sub3A_561 = arith.subi %mul3A_558, %sub3A_560 : vector<16xi32>
    %select_n3A_562 = arith.select %lt3A_552, %mul3A_555, %sub3A_561 : vector<16xi1>, vector<16xi32>
    %swap3A_563 = arith.constant 2 : i32
    %swap3A_564 = arith.index_cast %swap3A_563 : i32 to index
    %swap3A_565 = arith.constant 48 : index
    %swap3A_566 = tpu.vector_load %arg5[%swap3A_564, %swap3A_565] {strides = array<i32>} : memref<20x80xi32, #tpu.memory_space<vmem>>, vector<16xi32>,
    tpu.vector_store %arg5[%swap3A_564, %swap3A_565], %select_n3A_562 {strides = array<i32>} : memref<20x80xi32, #tpu.memory_space<vmem>>, vector<16xi32>,
    %add3A_567 = arith.constant 160 : i32
    %add3A_568 = arith.addi %mul3A_2, %add3A_567 : i32
    %add3A_569 = arith.constant 64 : i32
    %add3A_570 = arith.addi %add3A_568, %add3A_569 : i32
    %iota3A_571 = tpu.iota {dimensions = array<i32: 0>} : vector<16xi32>
    %add3A_572 = vector.broadcast %add3A_570 : i32 to vector<16xi32>
    %add3A_573 = arith.addi %add3A_572, %iota3A_571 : vector<16xi32>
    %shift_right_arithmetic3A_574 = arith.constant 1 : i32
    %shift_right_arithmetic3A_575 = vector.broadcast %shift_right_arithmetic3A_574 : i32 to vector<16xi32>
    %shift_right_arithmetic3A_576 = arith.shrsi %add3A_573, %shift_right_arithmetic3A_575 : vector<16xi32>
    %and3A_577 = arith.constant 1023 : i32
    %and3A_578 = vector.broadcast %and3A_577 : i32 to vector<16xi32>
    %and3A_579 = arith.andi %shift_right_arithmetic3A_576, %and3A_578 : vector<16xi32>
    %shift_right_arithmetic3A_580 = arith.constant 10 : i32
    %shift_right_arithmetic3A_581 = vector.broadcast %shift_right_arithmetic3A_580 : i32 to vector<16xi32>
    %shift_right_arithmetic3A_582 = arith.shrsi %shift_right_arithmetic3A_576, %shift_right_arithmetic3A_581 : vector<16xi32>
    %shift_left3A_583 = arith.constant 1 : i32
    %shift_left3A_584 = vector.broadcast %shift_left3A_583 : i32 to vector<16xi32>
    %shift_left3A_585 = arith.shli %shift_right_arithmetic3A_582, %shift_left3A_584 : vector<16xi32>
    %and3A_586 = arith.constant 1 : i32
    %and3A_587 = vector.broadcast %and3A_586 : i32 to vector<16xi32>
    %and3A_588 = arith.andi %add3A_573, %and3A_587 : vector<16xi32>
    %or3A_589 = arith.ori %shift_left3A_585, %and3A_588 : vector<16xi32>
    %gather3A_590 = tpu.vector_load_idx %arg4[%or3A_589, %and3A_579] : memref<50x1024xi32, #tpu.memory_space<vmem>>[vector<16xi32>, vector<16xi32>], vector<16xi32>,
    %lt3A_591 = arith.constant 50048 : i32
    %lt3A_592 = vector.broadcast %lt3A_591 : i32 to vector<16xi32>
    %lt3A_593 = arith.cmpi slt, %gather3A_590, %lt3A_592 : vector<16xi32>
    %mul3A_594 = arith.constant 2 : i32
    %mul3A_595 = vector.broadcast %mul3A_594 : i32 to vector<16xi32>
    %mul3A_596 = arith.muli %gather3A_590, %mul3A_595 : vector<16xi32>
    %mul3A_597 = arith.constant 2 : i32
    %mul3A_598 = vector.broadcast %mul3A_597 : i32 to vector<16xi32>
    %mul3A_599 = arith.muli %gather3A_590, %mul3A_598 : vector<16xi32>
    %sub3A_600 = arith.constant 100095 : i32
    %sub3A_601 = vector.broadcast %sub3A_600 : i32 to vector<16xi32>
    %sub3A_602 = arith.subi %mul3A_599, %sub3A_601 : vector<16xi32>
    %select_n3A_603 = arith.select %lt3A_593, %mul3A_596, %sub3A_602 : vector<16xi1>, vector<16xi32>
    %swap3A_604 = arith.constant 2 : i32
    %swap3A_605 = arith.index_cast %swap3A_604 : i32 to index
    %swap3A_606 = arith.constant 64 : index
    %swap3A_607 = tpu.vector_load %arg5[%swap3A_605, %swap3A_606] {strides = array<i32>} : memref<20x80xi32, #tpu.memory_space<vmem>>, vector<16xi32>,
    tpu.vector_store %arg5[%swap3A_605, %swap3A_606], %select_n3A_603 {strides = array<i32>} : memref<20x80xi32, #tpu.memory_space<vmem>>, vector<16xi32>,
    %add3A_608 = arith.constant 240 : i32
    %add3A_609 = arith.addi %mul3A_2, %add3A_608 : i32
    %add3A_610 = arith.constant 0 : i32
    %add3A_611 = arith.addi %add3A_609, %add3A_610 : i32
    %iota3A_612 = tpu.iota {dimensions = array<i32: 0>} : vector<16xi32>
    %add3A_613 = vector.broadcast %add3A_611 : i32 to vector<16xi32>
    %add3A_614 = arith.addi %add3A_613, %iota3A_612 : vector<16xi32>
    %shift_right_arithmetic3A_615 = arith.constant 1 : i32
    %shift_right_arithmetic3A_616 = vector.broadcast %shift_right_arithmetic3A_615 : i32 to vector<16xi32>
    %shift_right_arithmetic3A_617 = arith.shrsi %add3A_614, %shift_right_arithmetic3A_616 : vector<16xi32>
    %and3A_618 = arith.constant 1023 : i32
    %and3A_619 = vector.broadcast %and3A_618 : i32 to vector<16xi32>
    %and3A_620 = arith.andi %shift_right_arithmetic3A_617, %and3A_619 : vector<16xi32>
    %shift_right_arithmetic3A_621 = arith.constant 10 : i32
    %shift_right_arithmetic3A_622 = vector.broadcast %shift_right_arithmetic3A_621 : i32 to vector<16xi32>
    %shift_right_arithmetic3A_623 = arith.shrsi %shift_right_arithmetic3A_617, %shift_right_arithmetic3A_622 : vector<16xi32>
    %shift_left3A_624 = arith.constant 1 : i32
    %shift_left3A_625 = vector.broadcast %shift_left3A_624 : i32 to vector<16xi32>
    %shift_left3A_626 = arith.shli %shift_right_arithmetic3A_623, %shift_left3A_625 : vector<16xi32>
    %and3A_627 = arith.constant 1 : i32
    %and3A_628 = vector.broadcast %and3A_627 : i32 to vector<16xi32>
    %and3A_629 = arith.andi %add3A_614, %and3A_628 : vector<16xi32>
    %or3A_630 = arith.ori %shift_left3A_626, %and3A_629 : vector<16xi32>
    %gather3A_631 = tpu.vector_load_idx %arg4[%or3A_630, %and3A_620] : memref<50x1024xi32, #tpu.memory_space<vmem>>[vector<16xi32>, vector<16xi32>], vector<16xi32>,
    %lt3A_632 = arith.constant 50048 : i32
    %lt3A_633 = vector.broadcast %lt3A_632 : i32 to vector<16xi32>
    %lt3A_634 = arith.cmpi slt, %gather3A_631, %lt3A_633 : vector<16xi32>
    %mul3A_635 = arith.constant 2 : i32
    %mul3A_636 = vector.broadcast %mul3A_635 : i32 to vector<16xi32>
    %mul3A_637 = arith.muli %gather3A_631, %mul3A_636 : vector<16xi32>
    %mul3A_638 = arith.constant 2 : i32
    %mul3A_639 = vector.broadcast %mul3A_638 : i32 to vector<16xi32>
    %mul3A_640 = arith.muli %gather3A_631, %mul3A_639 : vector<16xi32>
    %sub3A_641 = arith.constant 100095 : i32
    %sub3A_642 = vector.broadcast %sub3A_641 : i32 to vector<16xi32>
    %sub3A_643 = arith.subi %mul3A_640, %sub3A_642 : vector<16xi32>
    %select_n3A_644 = arith.select %lt3A_634, %mul3A_637, %sub3A_643 : vector<16xi1>, vector<16xi32>
    %swap3A_645 = arith.constant 3 : i32
    %swap3A_646 = arith.index_cast %swap3A_645 : i32 to index
    %swap3A_647 = arith.constant 0 : index
    %swap3A_648 = tpu.vector_load %arg5[%swap3A_646, %swap3A_647] {strides = array<i32>} : memref<20x80xi32, #tpu.memory_space<vmem>>, vector<16xi32>,
    tpu.vector_store %arg5[%swap3A_646, %swap3A_647], %select_n3A_644 {strides = array<i32>} : memref<20x80xi32, #tpu.memory_space<vmem>>, vector<16xi32>,
    %add3A_649 = arith.constant 240 : i32
    %add3A_650 = arith.addi %mul3A_2, %add3A_649 : i32
    %add3A_651 = arith.constant 16 : i32
    %add3A_652 = arith.addi %add3A_650, %add3A_651 : i32
    %iota3A_653 = tpu.iota {dimensions = array<i32: 0>} : vector<16xi32>
    %add3A_654 = vector.broadcast %add3A_652 : i32 to vector<16xi32>
    %add3A_655 = arith.addi %add3A_654, %iota3A_653 : vector<16xi32>
    %shift_right_arithmetic3A_656 = arith.constant 1 : i32
    %shift_right_arithmetic3A_657 = vector.broadcast %shift_right_arithmetic3A_656 : i32 to vector<16xi32>
    %shift_right_arithmetic3A_658 = arith.shrsi %add3A_655, %shift_right_arithmetic3A_657 : vector<16xi32>
    %and3A_659 = arith.constant 1023 : i32
    %and3A_660 = vector.broadcast %and3A_659 : i32 to vector<16xi32>
    %and3A_661 = arith.andi %shift_right_arithmetic3A_658, %and3A_660 : vector<16xi32>
    %shift_right_arithmetic3A_662 = arith.constant 10 : i32
    %shift_right_arithmetic3A_663 = vector.broadcast %shift_right_arithmetic3A_662 : i32 to vector<16xi32>
    %shift_right_arithmetic3A_664 = arith.shrsi %shift_right_arithmetic3A_658, %shift_right_arithmetic3A_663 : vector<16xi32>
    %shift_left3A_665 = arith.constant 1 : i32
    %shift_left3A_666 = vector.broadcast %shift_left3A_665 : i32 to vector<16xi32>
    %shift_left3A_667 = arith.shli %shift_right_arithmetic3A_664, %shift_left3A_666 : vector<16xi32>
    %and3A_668 = arith.constant 1 : i32
    %and3A_669 = vector.broadcast %and3A_668 : i32 to vector<16xi32>
    %and3A_670 = arith.andi %add3A_655, %and3A_669 : vector<16xi32>
    %or3A_671 = arith.ori %shift_left3A_667, %and3A_670 : vector<16xi32>
    %gather3A_672 = tpu.vector_load_idx %arg4[%or3A_671, %and3A_661] : memref<50x1024xi32, #tpu.memory_space<vmem>>[vector<16xi32>, vector<16xi32>], vector<16xi32>,
    %lt3A_673 = arith.constant 50048 : i32
    %lt3A_674 = vector.broadcast %lt3A_673 : i32 to vector<16xi32>
    %lt3A_675 = arith.cmpi slt, %gather3A_672, %lt3A_674 : vector<16xi32>
    %mul3A_676 = arith.constant 2 : i32
    %mul3A_677 = vector.broadcast %mul3A_676 : i32 to vector<16xi32>
    %mul3A_678 = arith.muli %gather3A_672, %mul3A_677 : vector<16xi32>
    %mul3A_679 = arith.constant 2 : i32
    %mul3A_680 = vector.broadcast %mul3A_679 : i32 to vector<16xi32>
    %mul3A_681 = arith.muli %gather3A_672, %mul3A_680 : vector<16xi32>
    %sub3A_682 = arith.constant 100095 : i32
    %sub3A_683 = vector.broadcast %sub3A_682 : i32 to vector<16xi32>
    %sub3A_684 = arith.subi %mul3A_681, %sub3A_683 : vector<16xi32>
    %select_n3A_685 = arith.select %lt3A_675, %mul3A_678, %sub3A_684 : vector<16xi1>, vector<16xi32>
    %swap3A_686 = arith.constant 3 : i32
    %swap3A_687 = arith.index_cast %swap3A_686 : i32 to index
    %swap3A_688 = arith.constant 16 : index
    %swap3A_689 = tpu.vector_load %arg5[%swap3A_687, %swap3A_688] {strides = array<i32>} : memref<20x80xi32, #tpu.memory_space<vmem>>, vector<16xi32>,
    tpu.vector_store %arg5[%swap3A_687, %swap3A_688], %select_n3A_685 {strides = array<i32>} : memref<20x80xi32, #tpu.memory_space<vmem>>, vector<16xi32>,
    %add3A_690 = arith.constant 240 : i32
    %add3A_691 = arith.addi %mul3A_2, %add3A_690 : i32
    %add3A_692 = arith.constant 32 : i32
    %add3A_693 = arith.addi %add3A_691, %add3A_692 : i32
    %iota3A_694 = tpu.iota {dimensions = array<i32: 0>} : vector<16xi32>
    %add3A_695 = vector.broadcast %add3A_693 : i32 to vector<16xi32>
    %add3A_696 = arith.addi %add3A_695, %iota3A_694 : vector<16xi32>
    %shift_right_arithmetic3A_697 = arith.constant 1 : i32
    %shift_right_arithmetic3A_698 = vector.broadcast %shift_right_arithmetic3A_697 : i32 to vector<16xi32>
    %shift_right_arithmetic3A_699 = arith.shrsi %add3A_696, %shift_right_arithmetic3A_698 : vector<16xi32>
    %and3A_700 = arith.constant 1023 : i32
    %and3A_701 = vector.broadcast %and3A_700 : i32 to vector<16xi32>
    %and3A_702 = arith.andi %shift_right_arithmetic3A_699, %and3A_701 : vector<16xi32>
    %shift_right_arithmetic3A_703 = arith.constant 10 : i32
    %shift_right_arithmetic3A_704 = vector.broadcast %shift_right_arithmetic3A_703 : i32 to vector<16xi32>
    %shift_right_arithmetic3A_705 = arith.shrsi %shift_right_arithmetic3A_699, %shift_right_arithmetic3A_704 : vector<16xi32>
    %shift_left3A_706 = arith.constant 1 : i32
    %shift_left3A_707 = vector.broadcast %shift_left3A_706 : i32 to vector<16xi32>
    %shift_left3A_708 = arith.shli %shift_right_arithmetic3A_705, %shift_left3A_707 : vector<16xi32>
    %and3A_709 = arith.constant 1 : i32
    %and3A_710 = vector.broadcast %and3A_709 : i32 to vector<16xi32>
    %and3A_711 = arith.andi %add3A_696, %and3A_710 : vector<16xi32>
    %or3A_712 = arith.ori %shift_left3A_708, %and3A_711 : vector<16xi32>
    %gather3A_713 = tpu.vector_load_idx %arg4[%or3A_712, %and3A_702] : memref<50x1024xi32, #tpu.memory_space<vmem>>[vector<16xi32>, vector<16xi32>], vector<16xi32>,
    %lt3A_714 = arith.constant 50048 : i32
    %lt3A_715 = vector.broadcast %lt3A_714 : i32 to vector<16xi32>
    %lt3A_716 = arith.cmpi slt, %gather3A_713, %lt3A_715 : vector<16xi32>
    %mul3A_717 = arith.constant 2 : i32
    %mul3A_718 = vector.broadcast %mul3A_717 : i32 to vector<16xi32>
    %mul3A_719 = arith.muli %gather3A_713, %mul3A_718 : vector<16xi32>
    %mul3A_720 = arith.constant 2 : i32
    %mul3A_721 = vector.broadcast %mul3A_720 : i32 to vector<16xi32>
    %mul3A_722 = arith.muli %gather3A_713, %mul3A_721 : vector<16xi32>
    %sub3A_723 = arith.constant 100095 : i32
    %sub3A_724 = vector.broadcast %sub3A_723 : i32 to vector<16xi32>
    %sub3A_725 = arith.subi %mul3A_722, %sub3A_724 : vector<16xi32>
    %select_n3A_726 = arith.select %lt3A_716, %mul3A_719, %sub3A_725 : vector<16xi1>, vector<16xi32>
    %swap3A_727 = arith.constant 3 : i32
    %swap3A_728 = arith.index_cast %swap3A_727 : i32 to index
    %swap3A_729 = arith.constant 32 : index
    %swap3A_730 = tpu.vector_load %arg5[%swap3A_728, %swap3A_729] {strides = array<i32>} : memref<20x80xi32, #tpu.memory_space<vmem>>, vector<16xi32>,
    tpu.vector_store %arg5[%swap3A_728, %swap3A_729], %select_n3A_726 {strides = array<i32>} : memref<20x80xi32, #tpu.memory_space<vmem>>, vector<16xi32>,
    %add3A_731 = arith.constant 240 : i32
    %add3A_732 = arith.addi %mul3A_2, %add3A_731 : i32
    %add3A_733 = arith.constant 48 : i32
    %add3A_734 = arith.addi %add3A_732, %add3A_733 : i32
    %iota3A_735 = tpu.iota {dimensions = array<i32: 0>} : vector<16xi32>
    %add3A_736 = vector.broadcast %add3A_734 : i32 to vector<16xi32>
    %add3A_737 = arith.addi %add3A_736, %iota3A_735 : vector<16xi32>
    %shift_right_arithmetic3A_738 = arith.constant 1 : i32
    %shift_right_arithmetic3A_739 = vector.broadcast %shift_right_arithmetic3A_738 : i32 to vector<16xi32>
    %shift_right_arithmetic3A_740 = arith.shrsi %add3A_737, %shift_right_arithmetic3A_739 : vector<16xi32>
    %and3A_741 = arith.constant 1023 : i32
    %and3A_742 = vector.broadcast %and3A_741 : i32 to vector<16xi32>
    %and3A_743 = arith.andi %shift_right_arithmetic3A_740, %and3A_742 : vector<16xi32>
    %shift_right_arithmetic3A_744 = arith.constant 10 : i32
    %shift_right_arithmetic3A_745 = vector.broadcast %shift_right_arithmetic3A_744 : i32 to vector<16xi32>
    %shift_right_arithmetic3A_746 = arith.shrsi %shift_right_arithmetic3A_740, %shift_right_arithmetic3A_745 : vector<16xi32>
    %shift_left3A_747 = arith.constant 1 : i32
    %shift_left3A_748 = vector.broadcast %shift_left3A_747 : i32 to vector<16xi32>
    %shift_left3A_749 = arith.shli %shift_right_arithmetic3A_746, %shift_left3A_748 : vector<16xi32>
    %and3A_750 = arith.constant 1 : i32
    %and3A_751 = vector.broadcast %and3A_750 : i32 to vector<16xi32>
    %and3A_752 = arith.andi %add3A_737, %and3A_751 : vector<16xi32>
    %or3A_753 = arith.ori %shift_left3A_749, %and3A_752 : vector<16xi32>
    %gather3A_754 = tpu.vector_load_idx %arg4[%or3A_753, %and3A_743] : memref<50x1024xi32, #tpu.memory_space<vmem>>[vector<16xi32>, vector<16xi32>], vector<16xi32>,
    %lt3A_755 = arith.constant 50048 : i32
    %lt3A_756 = vector.broadcast %lt3A_755 : i32 to vector<16xi32>
    %lt3A_757 = arith.cmpi slt, %gather3A_754, %lt3A_756 : vector<16xi32>
    %mul3A_758 = arith.constant 2 : i32
    %mul3A_759 = vector.broadcast %mul3A_758 : i32 to vector<16xi32>
    %mul3A_760 = arith.muli %gather3A_754, %mul3A_759 : vector<16xi32>
    %mul3A_761 = arith.constant 2 : i32
    %mul3A_762 = vector.broadcast %mul3A_761 : i32 to vector<16xi32>
    %mul3A_763 = arith.muli %gather3A_754, %mul3A_762 : vector<16xi32>
    %sub3A_764 = arith.constant 100095 : i32
    %sub3A_765 = vector.broadcast %sub3A_764 : i32 to vector<16xi32>
    %sub3A_766 = arith.subi %mul3A_763, %sub3A_765 : vector<16xi32>
    %select_n3A_767 = arith.select %lt3A_757, %mul3A_760, %sub3A_766 : vector<16xi1>, vector<16xi32>
    %swap3A_768 = arith.constant 3 : i32
    %swap3A_769 = arith.index_cast %swap3A_768 : i32 to index
    %swap3A_770 = arith.constant 48 : index
    %swap3A_771 = tpu.vector_load %arg5[%swap3A_769, %swap3A_770] {strides = array<i32>} : memref<20x80xi32, #tpu.memory_space<vmem>>, vector<16xi32>,
    tpu.vector_store %arg5[%swap3A_769, %swap3A_770], %select_n3A_767 {strides = array<i32>} : memref<20x80xi32, #tpu.memory_space<vmem>>, vector<16xi32>,
    %add3A_772 = arith.constant 240 : i32
    %add3A_773 = arith.addi %mul3A_2, %add3A_772 : i32
    %add3A_774 = arith.constant 64 : i32
    %add3A_775 = arith.addi %add3A_773, %add3A_774 : i32
    %iota3A_776 = tpu.iota {dimensions = array<i32: 0>} : vector<16xi32>
    %add3A_777 = vector.broadcast %add3A_775 : i32 to vector<16xi32>
    %add3A_778 = arith.addi %add3A_777, %iota3A_776 : vector<16xi32>
    %shift_right_arithmetic3A_779 = arith.constant 1 : i32
    %shift_right_arithmetic3A_780 = vector.broadcast %shift_right_arithmetic3A_779 : i32 to vector<16xi32>
    %shift_right_arithmetic3A_781 = arith.shrsi %add3A_778, %shift_right_arithmetic3A_780 : vector<16xi32>
    %and3A_782 = arith.constant 1023 : i32
    %and3A_783 = vector.broadcast %and3A_782 : i32 to vector<16xi32>
    %and3A_784 = arith.andi %shift_right_arithmetic3A_781, %and3A_783 : vector<16xi32>
    %shift_right_arithmetic3A_785 = arith.constant 10 : i32
    %shift_right_arithmetic3A_786 = vector.broadcast %shift_right_arithmetic3A_785 : i32 to vector<16xi32>
    %shift_right_arithmetic3A_787 = arith.shrsi %shift_right_arithmetic3A_781, %shift_right_arithmetic3A_786 : vector<16xi32>
    %shift_left3A_788 = arith.constant 1 : i32
    %shift_left3A_789 = vector.broadcast %shift_left3A_788 : i32 to vector<16xi32>
    %shift_left3A_790 = arith.shli %shift_right_arithmetic3A_787, %shift_left3A_789 : vector<16xi32>
    %and3A_791 = arith.constant 1 : i32
    %and3A_792 = vector.broadcast %and3A_791 : i32 to vector<16xi32>
    %and3A_793 = arith.andi %add3A_778, %and3A_792 : vector<16xi32>
    %or3A_794 = arith.ori %shift_left3A_790, %and3A_793 : vector<16xi32>
    %gather3A_795 = tpu.vector_load_idx %arg4[%or3A_794, %and3A_784] : memref<50x1024xi32, #tpu.memory_space<vmem>>[vector<16xi32>, vector<16xi32>], vector<16xi32>,
    %lt3A_796 = arith.constant 50048 : i32
    %lt3A_797 = vector.broadcast %lt3A_796 : i32 to vector<16xi32>
    %lt3A_798 = arith.cmpi slt, %gather3A_795, %lt3A_797 : vector<16xi32>
    %mul3A_799 = arith.constant 2 : i32
    %mul3A_800 = vector.broadcast %mul3A_799 : i32 to vector<16xi32>
    %mul3A_801 = arith.muli %gather3A_795, %mul3A_800 : vector<16xi32>
    %mul3A_802 = arith.constant 2 : i32
    %mul3A_803 = vector.broadcast %mul3A_802 : i32 to vector<16xi32>
    %mul3A_804 = arith.muli %gather3A_795, %mul3A_803 : vector<16xi32>
    %sub3A_805 = arith.constant 100095 : i32
    %sub3A_806 = vector.broadcast %sub3A_805 : i32 to vector<16xi32>
    %sub3A_807 = arith.subi %mul3A_804, %sub3A_806 : vector<16xi32>
    %select_n3A_808 = arith.select %lt3A_798, %mul3A_801, %sub3A_807 : vector<16xi1>, vector<16xi32>
    %swap3A_809 = arith.constant 3 : i32
    %swap3A_810 = arith.index_cast %swap3A_809 : i32 to index
    %swap3A_811 = arith.constant 64 : index
    %swap3A_812 = tpu.vector_load %arg5[%swap3A_810, %swap3A_811] {strides = array<i32>} : memref<20x80xi32, #tpu.memory_space<vmem>>, vector<16xi32>,
    tpu.vector_store %arg5[%swap3A_810, %swap3A_811], %select_n3A_808 {strides = array<i32>} : memref<20x80xi32, #tpu.memory_space<vmem>>, vector<16xi32>,
    %add3A_813 = arith.constant 320 : i32
    %add3A_814 = arith.addi %mul3A_2, %add3A_813 : i32
    %add3A_815 = arith.constant 0 : i32
    %add3A_816 = arith.addi %add3A_814, %add3A_815 : i32
    %iota3A_817 = tpu.iota {dimensions = array<i32: 0>} : vector<16xi32>
    %add3A_818 = vector.broadcast %add3A_816 : i32 to vector<16xi32>
    %add3A_819 = arith.addi %add3A_818, %iota3A_817 : vector<16xi32>
    %shift_right_arithmetic3A_820 = arith.constant 1 : i32
    %shift_right_arithmetic3A_821 = vector.broadcast %shift_right_arithmetic3A_820 : i32 to vector<16xi32>
    %shift_right_arithmetic3A_822 = arith.shrsi %add3A_819, %shift_right_arithmetic3A_821 : vector<16xi32>
    %and3A_823 = arith.constant 1023 : i32
    %and3A_824 = vector.broadcast %and3A_823 : i32 to vector<16xi32>
    %and3A_825 = arith.andi %shift_right_arithmetic3A_822, %and3A_824 : vector<16xi32>
    %shift_right_arithmetic3A_826 = arith.constant 10 : i32
    %shift_right_arithmetic3A_827 = vector.broadcast %shift_right_arithmetic3A_826 : i32 to vector<16xi32>
    %shift_right_arithmetic3A_828 = arith.shrsi %shift_right_arithmetic3A_822, %shift_right_arithmetic3A_827 : vector<16xi32>
    %shift_left3A_829 = arith.constant 1 : i32
    %shift_left3A_830 = vector.broadcast %shift_left3A_829 : i32 to vector<16xi32>
    %shift_left3A_831 = arith.shli %shift_right_arithmetic3A_828, %shift_left3A_830 : vector<16xi32>
    %and3A_832 = arith.constant 1 : i32
    %and3A_833 = vector.broadcast %and3A_832 : i32 to vector<16xi32>
    %and3A_834 = arith.andi %add3A_819, %and3A_833 : vector<16xi32>
    %or3A_835 = arith.ori %shift_left3A_831, %and3A_834 : vector<16xi32>
    %gather3A_836 = tpu.vector_load_idx %arg4[%or3A_835, %and3A_825] : memref<50x1024xi32, #tpu.memory_space<vmem>>[vector<16xi32>, vector<16xi32>], vector<16xi32>,
    %lt3A_837 = arith.constant 50048 : i32
    %lt3A_838 = vector.broadcast %lt3A_837 : i32 to vector<16xi32>
    %lt3A_839 = arith.cmpi slt, %gather3A_836, %lt3A_838 : vector<16xi32>
    %mul3A_840 = arith.constant 2 : i32
    %mul3A_841 = vector.broadcast %mul3A_840 : i32 to vector<16xi32>
    %mul3A_842 = arith.muli %gather3A_836, %mul3A_841 : vector<16xi32>
    %mul3A_843 = arith.constant 2 : i32
    %mul3A_844 = vector.broadcast %mul3A_843 : i32 to vector<16xi32>
    %mul3A_845 = arith.muli %gather3A_836, %mul3A_844 : vector<16xi32>
    %sub3A_846 = arith.constant 100095 : i32
    %sub3A_847 = vector.broadcast %sub3A_846 : i32 to vector<16xi32>
    %sub3A_848 = arith.subi %mul3A_845, %sub3A_847 : vector<16xi32>
    %select_n3A_849 = arith.select %lt3A_839, %mul3A_842, %sub3A_848 : vector<16xi1>, vector<16xi32>
    %swap3A_850 = arith.constant 4 : i32
    %swap3A_851 = arith.index_cast %swap3A_850 : i32 to index
    %swap3A_852 = arith.constant 0 : index
    %swap3A_853 = tpu.vector_load %arg5[%swap3A_851, %swap3A_852] {strides = array<i32>} : memref<20x80xi32, #tpu.memory_space<vmem>>, vector<16xi32>,
    tpu.vector_store %arg5[%swap3A_851, %swap3A_852], %select_n3A_849 {strides = array<i32>} : memref<20x80xi32, #tpu.memory_space<vmem>>, vector<16xi32>,
    %add3A_854 = arith.constant 320 : i32
    %add3A_855 = arith.addi %mul3A_2, %add3A_854 : i32
    %add3A_856 = arith.constant 16 : i32
    %add3A_857 = arith.addi %add3A_855, %add3A_856 : i32
    %iota3A_858 = tpu.iota {dimensions = array<i32: 0>} : vector<16xi32>
    %add3A_859 = vector.broadcast %add3A_857 : i32 to vector<16xi32>
    %add3A_860 = arith.addi %add3A_859, %iota3A_858 : vector<16xi32>
    %shift_right_arithmetic3A_861 = arith.constant 1 : i32
    %shift_right_arithmetic3A_862 = vector.broadcast %shift_right_arithmetic3A_861 : i32 to vector<16xi32>
    %shift_right_arithmetic3A_863 = arith.shrsi %add3A_860, %shift_right_arithmetic3A_862 : vector<16xi32>
    %and3A_864 = arith.constant 1023 : i32
    %and3A_865 = vector.broadcast %and3A_864 : i32 to vector<16xi32>
    %and3A_866 = arith.andi %shift_right_arithmetic3A_863, %and3A_865 : vector<16xi32>
    %shift_right_arithmetic3A_867 = arith.constant 10 : i32
    %shift_right_arithmetic3A_868 = vector.broadcast %shift_right_arithmetic3A_867 : i32 to vector<16xi32>
    %shift_right_arithmetic3A_869 = arith.shrsi %shift_right_arithmetic3A_863, %shift_right_arithmetic3A_868 : vector<16xi32>
    %shift_left3A_870 = arith.constant 1 : i32
    %shift_left3A_871 = vector.broadcast %shift_left3A_870 : i32 to vector<16xi32>
    %shift_left3A_872 = arith.shli %shift_right_arithmetic3A_869, %shift_left3A_871 : vector<16xi32>
    %and3A_873 = arith.constant 1 : i32
    %and3A_874 = vector.broadcast %and3A_873 : i32 to vector<16xi32>
    %and3A_875 = arith.andi %add3A_860, %and3A_874 : vector<16xi32>
    %or3A_876 = arith.ori %shift_left3A_872, %and3A_875 : vector<16xi32>
    %gather3A_877 = tpu.vector_load_idx %arg4[%or3A_876, %and3A_866] : memref<50x1024xi32, #tpu.memory_space<vmem>>[vector<16xi32>, vector<16xi32>], vector<16xi32>,
    %lt3A_878 = arith.constant 50048 : i32
    %lt3A_879 = vector.broadcast %lt3A_878 : i32 to vector<16xi32>
    %lt3A_880 = arith.cmpi slt, %gather3A_877, %lt3A_879 : vector<16xi32>
    %mul3A_881 = arith.constant 2 : i32
    %mul3A_882 = vector.broadcast %mul3A_881 : i32 to vector<16xi32>
    %mul3A_883 = arith.muli %gather3A_877, %mul3A_882 : vector<16xi32>
    %mul3A_884 = arith.constant 2 : i32
    %mul3A_885 = vector.broadcast %mul3A_884 : i32 to vector<16xi32>
    %mul3A_886 = arith.muli %gather3A_877, %mul3A_885 : vector<16xi32>
    %sub3A_887 = arith.constant 100095 : i32
    %sub3A_888 = vector.broadcast %sub3A_887 : i32 to vector<16xi32>
    %sub3A_889 = arith.subi %mul3A_886, %sub3A_888 : vector<16xi32>
    %select_n3A_890 = arith.select %lt3A_880, %mul3A_883, %sub3A_889 : vector<16xi1>, vector<16xi32>
    %swap3A_891 = arith.constant 4 : i32
    %swap3A_892 = arith.index_cast %swap3A_891 : i32 to index
    %swap3A_893 = arith.constant 16 : index
    %swap3A_894 = tpu.vector_load %arg5[%swap3A_892, %swap3A_893] {strides = array<i32>} : memref<20x80xi32, #tpu.memory_space<vmem>>, vector<16xi32>,
    tpu.vector_store %arg5[%swap3A_892, %swap3A_893], %select_n3A_890 {strides = array<i32>} : memref<20x80xi32, #tpu.memory_space<vmem>>, vector<16xi32>,
    %add3A_895 = arith.constant 320 : i32
    %add3A_896 = arith.addi %mul3A_2, %add3A_895 : i32
    %add3A_897 = arith.constant 32 : i32
    %add3A_898 = arith.addi %add3A_896, %add3A_897 : i32
    %iota3A_899 = tpu.iota {dimensions = array<i32: 0>} : vector<16xi32>
    %add3A_900 = vector.broadcast %add3A_898 : i32 to vector<16xi32>
    %add3A_901 = arith.addi %add3A_900, %iota3A_899 : vector<16xi32>
    %shift_right_arithmetic3A_902 = arith.constant 1 : i32
    %shift_right_arithmetic3A_903 = vector.broadcast %shift_right_arithmetic3A_902 : i32 to vector<16xi32>
    %shift_right_arithmetic3A_904 = arith.shrsi %add3A_901, %shift_right_arithmetic3A_903 : vector<16xi32>
    %and3A_905 = arith.constant 1023 : i32
    %and3A_906 = vector.broadcast %and3A_905 : i32 to vector<16xi32>
    %and3A_907 = arith.andi %shift_right_arithmetic3A_904, %and3A_906 : vector<16xi32>
    %shift_right_arithmetic3A_908 = arith.constant 10 : i32
    %shift_right_arithmetic3A_909 = vector.broadcast %shift_right_arithmetic3A_908 : i32 to vector<16xi32>
    %shift_right_arithmetic3A_910 = arith.shrsi %shift_right_arithmetic3A_904, %shift_right_arithmetic3A_909 : vector<16xi32>
    %shift_left3A_911 = arith.constant 1 : i32
    %shift_left3A_912 = vector.broadcast %shift_left3A_911 : i32 to vector<16xi32>
    %shift_left3A_913 = arith.shli %shift_right_arithmetic3A_910, %shift_left3A_912 : vector<16xi32>
    %and3A_914 = arith.constant 1 : i32
    %and3A_915 = vector.broadcast %and3A_914 : i32 to vector<16xi32>
    %and3A_916 = arith.andi %add3A_901, %and3A_915 : vector<16xi32>
    %or3A_917 = arith.ori %shift_left3A_913, %and3A_916 : vector<16xi32>
    %gather3A_918 = tpu.vector_load_idx %arg4[%or3A_917, %and3A_907] : memref<50x1024xi32, #tpu.memory_space<vmem>>[vector<16xi32>, vector<16xi32>], vector<16xi32>,
    %lt3A_919 = arith.constant 50048 : i32
    %lt3A_920 = vector.broadcast %lt3A_919 : i32 to vector<16xi32>
    %lt3A_921 = arith.cmpi slt, %gather3A_918, %lt3A_920 : vector<16xi32>
    %mul3A_922 = arith.constant 2 : i32
    %mul3A_923 = vector.broadcast %mul3A_922 : i32 to vector<16xi32>
    %mul3A_924 = arith.muli %gather3A_918, %mul3A_923 : vector<16xi32>
    %mul3A_925 = arith.constant 2 : i32
    %mul3A_926 = vector.broadcast %mul3A_925 : i32 to vector<16xi32>
    %mul3A_927 = arith.muli %gather3A_918, %mul3A_926 : vector<16xi32>
    %sub3A_928 = arith.constant 100095 : i32
    %sub3A_929 = vector.broadcast %sub3A_928 : i32 to vector<16xi32>
    %sub3A_930 = arith.subi %mul3A_927, %sub3A_929 : vector<16xi32>
    %select_n3A_931 = arith.select %lt3A_921, %mul3A_924, %sub3A_930 : vector<16xi1>, vector<16xi32>
    %swap3A_932 = arith.constant 4 : i32
    %swap3A_933 = arith.index_cast %swap3A_932 : i32 to index
    %swap3A_934 = arith.constant 32 : index
    %swap3A_935 = tpu.vector_load %arg5[%swap3A_933, %swap3A_934] {strides = array<i32>} : memref<20x80xi32, #tpu.memory_space<vmem>>, vector<16xi32>,
    tpu.vector_store %arg5[%swap3A_933, %swap3A_934], %select_n3A_931 {strides = array<i32>} : memref<20x80xi32, #tpu.memory_space<vmem>>, vector<16xi32>,
    %add3A_936 = arith.constant 320 : i32
    %add3A_937 = arith.addi %mul3A_2, %add3A_936 : i32
    %add3A_938 = arith.constant 48 : i32
    %add3A_939 = arith.addi %add3A_937, %add3A_938 : i32
    %iota3A_940 = tpu.iota {dimensions = array<i32: 0>} : vector<16xi32>
    %add3A_941 = vector.broadcast %add3A_939 : i32 to vector<16xi32>
    %add3A_942 = arith.addi %add3A_941, %iota3A_940 : vector<16xi32>
    %shift_right_arithmetic3A_943 = arith.constant 1 : i32
    %shift_right_arithmetic3A_944 = vector.broadcast %shift_right_arithmetic3A_943 : i32 to vector<16xi32>
    %shift_right_arithmetic3A_945 = arith.shrsi %add3A_942, %shift_right_arithmetic3A_944 : vector<16xi32>
    %and3A_946 = arith.constant 1023 : i32
    %and3A_947 = vector.broadcast %and3A_946 : i32 to vector<16xi32>
    %and3A_948 = arith.andi %shift_right_arithmetic3A_945, %and3A_947 : vector<16xi32>
    %shift_right_arithmetic3A_949 = arith.constant 10 : i32
    %shift_right_arithmetic3A_950 = vector.broadcast %shift_right_arithmetic3A_949 : i32 to vector<16xi32>
    %shift_right_arithmetic3A_951 = arith.shrsi %shift_right_arithmetic3A_945, %shift_right_arithmetic3A_950 : vector<16xi32>
    %shift_left3A_952 = arith.constant 1 : i32
    %shift_left3A_953 = vector.broadcast %shift_left3A_952 : i32 to vector<16xi32>
    %shift_left3A_954 = arith.shli %shift_right_arithmetic3A_951, %shift_left3A_953 : vector<16xi32>
    %and3A_955 = arith.constant 1 : i32
    %and3A_956 = vector.broadcast %and3A_955 : i32 to vector<16xi32>
    %and3A_957 = arith.andi %add3A_942, %and3A_956 : vector<16xi32>
    %or3A_958 = arith.ori %shift_left3A_954, %and3A_957 : vector<16xi32>
    %gather3A_959 = tpu.vector_load_idx %arg4[%or3A_958, %and3A_948] : memref<50x1024xi32, #tpu.memory_space<vmem>>[vector<16xi32>, vector<16xi32>], vector<16xi32>,
    %lt3A_960 = arith.constant 50048 : i32
    %lt3A_961 = vector.broadcast %lt3A_960 : i32 to vector<16xi32>
    %lt3A_962 = arith.cmpi slt, %gather3A_959, %lt3A_961 : vector<16xi32>
    %mul3A_963 = arith.constant 2 : i32
    %mul3A_964 = vector.broadcast %mul3A_963 : i32 to vector<16xi32>
    %mul3A_965 = arith.muli %gather3A_959, %mul3A_964 : vector<16xi32>
    %mul3A_966 = arith.constant 2 : i32
    %mul3A_967 = vector.broadcast %mul3A_966 : i32 to vector<16xi32>
    %mul3A_968 = arith.muli %gather3A_959, %mul3A_967 : vector<16xi32>
    %sub3A_969 = arith.constant 100095 : i32
    %sub3A_970 = vector.broadcast %sub3A_969 : i32 to vector<16xi32>
    %sub3A_971 = arith.subi %mul3A_968, %sub3A_970 : vector<16xi32>
    %select_n3A_972 = arith.select %lt3A_962, %mul3A_965, %sub3A_971 : vector<16xi1>, vector<16xi32>
    %swap3A_973 = arith.constant 4 : i32
    %swap3A_974 = arith.index_cast %swap3A_973 : i32 to index
    %swap3A_975 = arith.constant 48 : index
    %swap3A_976 = tpu.vector_load %arg5[%swap3A_974, %swap3A_975] {strides = array<i32>} : memref<20x80xi32, #tpu.memory_space<vmem>>, vector<16xi32>,
    tpu.vector_store %arg5[%swap3A_974, %swap3A_975], %select_n3A_972 {strides = array<i32>} : memref<20x80xi32, #tpu.memory_space<vmem>>, vector<16xi32>,
    %add3A_977 = arith.constant 320 : i32
    %add3A_978 = arith.addi %mul3A_2, %add3A_977 : i32
    %add3A_979 = arith.constant 64 : i32
    %add3A_980 = arith.addi %add3A_978, %add3A_979 : i32
    %iota3A_981 = tpu.iota {dimensions = array<i32: 0>} : vector<16xi32>
    %add3A_982 = vector.broadcast %add3A_980 : i32 to vector<16xi32>
    %add3A_983 = arith.addi %add3A_982, %iota3A_981 : vector<16xi32>
    %shift_right_arithmetic3A_984 = arith.constant 1 : i32
    %shift_right_arithmetic3A_985 = vector.broadcast %shift_right_arithmetic3A_984 : i32 to vector<16xi32>
    %shift_right_arithmetic3A_986 = arith.shrsi %add3A_983, %shift_right_arithmetic3A_985 : vector<16xi32>
    %and3A_987 = arith.constant 1023 : i32
    %and3A_988 = vector.broadcast %and3A_987 : i32 to vector<16xi32>
    %and3A_989 = arith.andi %shift_right_arithmetic3A_986, %and3A_988 : vector<16xi32>
    %shift_right_arithmetic3A_990 = arith.constant 10 : i32
    %shift_right_arithmetic3A_991 = vector.broadcast %shift_right_arithmetic3A_990 : i32 to vector<16xi32>
    %shift_right_arithmetic3A_992 = arith.shrsi %shift_right_arithmetic3A_986, %shift_right_arithmetic3A_991 : vector<16xi32>
    %shift_left3A_993 = arith.constant 1 : i32
    %shift_left3A_994 = vector.broadcast %shift_left3A_993 : i32 to vector<16xi32>
    %shift_left3A_995 = arith.shli %shift_right_arithmetic3A_992, %shift_left3A_994 : vector<16xi32>
    %and3A_996 = arith.constant 1 : i32
    %and3A_997 = vector.broadcast %and3A_996 : i32 to vector<16xi32>
    %and3A_998 = arith.andi %add3A_983, %and3A_997 : vector<16xi32>
    %or3A_999 = arith.ori %shift_left3A_995, %and3A_998 : vector<16xi32>
    %gather3A_1000 = tpu.vector_load_idx %arg4[%or3A_999, %and3A_989] : memref<50x1024xi32, #tpu.memory_space<vmem>>[vector<16xi32>, vector<16xi32>], vector<16xi32>,
    %lt3A_1001 = arith.constant 50048 : i32
    %lt3A_1002 = vector.broadcast %lt3A_1001 : i32 to vector<16xi32>
    %lt3A_1003 = arith.cmpi slt, %gather3A_1000, %lt3A_1002 : vector<16xi32>
    %mul3A_1004 = arith.constant 2 : i32
    %mul3A_1005 = vector.broadcast %mul3A_1004 : i32 to vector<16xi32>
    %mul3A_1006 = arith.muli %gather3A_1000, %mul3A_1005 : vector<16xi32>
    %mul3A_1007 = arith.constant 2 : i32
    %mul3A_1008 = vector.broadcast %mul3A_1007 : i32 to vector<16xi32>
    %mul3A_1009 = arith.muli %gather3A_1000, %mul3A_1008 : vector<16xi32>
    %sub3A_1010 = arith.constant 100095 : i32
    %sub3A_1011 = vector.broadcast %sub3A_1010 : i32 to vector<16xi32>
    %sub3A_1012 = arith.subi %mul3A_1009, %sub3A_1011 : vector<16xi32>
    %select_n3A_1013 = arith.select %lt3A_1003, %mul3A_1006, %sub3A_1012 : vector<16xi1>, vector<16xi32>
    %swap3A_1014 = arith.constant 4 : i32
    %swap3A_1015 = arith.index_cast %swap3A_1014 : i32 to index
    %swap3A_1016 = arith.constant 64 : index
    %swap3A_1017 = tpu.vector_load %arg5[%swap3A_1015, %swap3A_1016] {strides = array<i32>} : memref<20x80xi32, #tpu.memory_space<vmem>>, vector<16xi32>,
    tpu.vector_store %arg5[%swap3A_1015, %swap3A_1016], %select_n3A_1013 {strides = array<i32>} : memref<20x80xi32, #tpu.memory_space<vmem>>, vector<16xi32>,
    %add3A_1018 = arith.constant 400 : i32
    %add3A_1019 = arith.addi %mul3A_2, %add3A_1018 : i32
    %add3A_1020 = arith.constant 0 : i32
    %add3A_1021 = arith.addi %add3A_1019, %add3A_1020 : i32
    %iota3A_1022 = tpu.iota {dimensions = array<i32: 0>} : vector<16xi32>
    %add3A_1023 = vector.broadcast %add3A_1021 : i32 to vector<16xi32>
    %add3A_1024 = arith.addi %add3A_1023, %iota3A_1022 : vector<16xi32>
    %shift_right_arithmetic3A_1025 = arith.constant 1 : i32
    %shift_right_arithmetic3A_1026 = vector.broadcast %shift_right_arithmetic3A_1025 : i32 to vector<16xi32>
    %shift_right_arithmetic3A_1027 = arith.shrsi %add3A_1024, %shift_right_arithmetic3A_1026 : vector<16xi32>
    %and3A_1028 = arith.constant 1023 : i32
    %and3A_1029 = vector.broadcast %and3A_1028 : i32 to vector<16xi32>
    %and3A_1030 = arith.andi %shift_right_arithmetic3A_1027, %and3A_1029 : vector<16xi32>
    %shift_right_arithmetic3A_1031 = arith.constant 10 : i32
    %shift_right_arithmetic3A_1032 = vector.broadcast %shift_right_arithmetic3A_1031 : i32 to vector<16xi32>
    %shift_right_arithmetic3A_1033 = arith.shrsi %shift_right_arithmetic3A_1027, %shift_right_arithmetic3A_1032 : vector<16xi32>
    %shift_left3A_1034 = arith.constant 1 : i32
    %shift_left3A_1035 = vector.broadcast %shift_left3A_1034 : i32 to vector<16xi32>
    %shift_left3A_1036 = arith.shli %shift_right_arithmetic3A_1033, %shift_left3A_1035 : vector<16xi32>
    %and3A_1037 = arith.constant 1 : i32
    %and3A_1038 = vector.broadcast %and3A_1037 : i32 to vector<16xi32>
    %and3A_1039 = arith.andi %add3A_1024, %and3A_1038 : vector<16xi32>
    %or3A_1040 = arith.ori %shift_left3A_1036, %and3A_1039 : vector<16xi32>
    %gather3A_1041 = tpu.vector_load_idx %arg4[%or3A_1040, %and3A_1030] : memref<50x1024xi32, #tpu.memory_space<vmem>>[vector<16xi32>, vector<16xi32>], vector<16xi32>,
    %lt3A_1042 = arith.constant 50048 : i32
    %lt3A_1043 = vector.broadcast %lt3A_1042 : i32 to vector<16xi32>
    %lt3A_1044 = arith.cmpi slt, %gather3A_1041, %lt3A_1043 : vector<16xi32>
    %mul3A_1045 = arith.constant 2 : i32
    %mul3A_1046 = vector.broadcast %mul3A_1045 : i32 to vector<16xi32>
    %mul3A_1047 = arith.muli %gather3A_1041, %mul3A_1046 : vector<16xi32>
    %mul3A_1048 = arith.constant 2 : i32
    %mul3A_1049 = vector.broadcast %mul3A_1048 : i32 to vector<16xi32>
    %mul3A_1050 = arith.muli %gather3A_1041, %mul3A_1049 : vector<16xi32>
    %sub3A_1051 = arith.constant 100095 : i32
    %sub3A_1052 = vector.broadcast %sub3A_1051 : i32 to vector<16xi32>
    %sub3A_1053 = arith.subi %mul3A_1050, %sub3A_1052 : vector<16xi32>
    %select_n3A_1054 = arith.select %lt3A_1044, %mul3A_1047, %sub3A_1053 : vector<16xi1>, vector<16xi32>
    %swap3A_1055 = arith.constant 5 : i32
    %swap3A_1056 = arith.index_cast %swap3A_1055 : i32 to index
    %swap3A_1057 = arith.constant 0 : index
    %swap3A_1058 = tpu.vector_load %arg5[%swap3A_1056, %swap3A_1057] {strides = array<i32>} : memref<20x80xi32, #tpu.memory_space<vmem>>, vector<16xi32>,
    tpu.vector_store %arg5[%swap3A_1056, %swap3A_1057], %select_n3A_1054 {strides = array<i32>} : memref<20x80xi32, #tpu.memory_space<vmem>>, vector<16xi32>,
    %add3A_1059 = arith.constant 400 : i32
    %add3A_1060 = arith.addi %mul3A_2, %add3A_1059 : i32
    %add3A_1061 = arith.constant 16 : i32
    %add3A_1062 = arith.addi %add3A_1060, %add3A_1061 : i32
    %iota3A_1063 = tpu.iota {dimensions = array<i32: 0>} : vector<16xi32>
    %add3A_1064 = vector.broadcast %add3A_1062 : i32 to vector<16xi32>
    %add3A_1065 = arith.addi %add3A_1064, %iota3A_1063 : vector<16xi32>
    %shift_right_arithmetic3A_1066 = arith.constant 1 : i32
    %shift_right_arithmetic3A_1067 = vector.broadcast %shift_right_arithmetic3A_1066 : i32 to vector<16xi32>
    %shift_right_arithmetic3A_1068 = arith.shrsi %add3A_1065, %shift_right_arithmetic3A_1067 : vector<16xi32>
    %and3A_1069 = arith.constant 1023 : i32
    %and3A_1070 = vector.broadcast %and3A_1069 : i32 to vector<16xi32>
    %and3A_1071 = arith.andi %shift_right_arithmetic3A_1068, %and3A_1070 : vector<16xi32>
    %shift_right_arithmetic3A_1072 = arith.constant 10 : i32
    %shift_right_arithmetic3A_1073 = vector.broadcast %shift_right_arithmetic3A_1072 : i32 to vector<16xi32>
    %shift_right_arithmetic3A_1074 = arith.shrsi %shift_right_arithmetic3A_1068, %shift_right_arithmetic3A_1073 : vector<16xi32>
    %shift_left3A_1075 = arith.constant 1 : i32
    %shift_left3A_1076 = vector.broadcast %shift_left3A_1075 : i32 to vector<16xi32>
    %shift_left3A_1077 = arith.shli %shift_right_arithmetic3A_1074, %shift_left3A_1076 : vector<16xi32>
    %and3A_1078 = arith.constant 1 : i32
    %and3A_1079 = vector.broadcast %and3A_1078 : i32 to vector<16xi32>
    %and3A_1080 = arith.andi %add3A_1065, %and3A_1079 : vector<16xi32>
    %or3A_1081 = arith.ori %shift_left3A_1077, %and3A_1080 : vector<16xi32>
    %gather3A_1082 = tpu.vector_load_idx %arg4[%or3A_1081, %and3A_1071] : memref<50x1024xi32, #tpu.memory_space<vmem>>[vector<16xi32>, vector<16xi32>], vector<16xi32>,
    %lt3A_1083 = arith.constant 50048 : i32
    %lt3A_1084 = vector.broadcast %lt3A_1083 : i32 to vector<16xi32>
    %lt3A_1085 = arith.cmpi slt, %gather3A_1082, %lt3A_1084 : vector<16xi32>
    %mul3A_1086 = arith.constant 2 : i32
    %mul3A_1087 = vector.broadcast %mul3A_1086 : i32 to vector<16xi32>
    %mul3A_1088 = arith.muli %gather3A_1082, %mul3A_1087 : vector<16xi32>
    %mul3A_1089 = arith.constant 2 : i32
    %mul3A_1090 = vector.broadcast %mul3A_1089 : i32 to vector<16xi32>
    %mul3A_1091 = arith.muli %gather3A_1082, %mul3A_1090 : vector<16xi32>
    %sub3A_1092 = arith.constant 100095 : i32
    %sub3A_1093 = vector.broadcast %sub3A_1092 : i32 to vector<16xi32>
    %sub3A_1094 = arith.subi %mul3A_1091, %sub3A_1093 : vector<16xi32>
    %select_n3A_1095 = arith.select %lt3A_1085, %mul3A_1088, %sub3A_1094 : vector<16xi1>, vector<16xi32>
    %swap3A_1096 = arith.constant 5 : i32
    %swap3A_1097 = arith.index_cast %swap3A_1096 : i32 to index
    %swap3A_1098 = arith.constant 16 : index
    %swap3A_1099 = tpu.vector_load %arg5[%swap3A_1097, %swap3A_1098] {strides = array<i32>} : memref<20x80xi32, #tpu.memory_space<vmem>>, vector<16xi32>,
    tpu.vector_store %arg5[%swap3A_1097, %swap3A_1098], %select_n3A_1095 {strides = array<i32>} : memref<20x80xi32, #tpu.memory_space<vmem>>, vector<16xi32>,
    %add3A_1100 = arith.constant 400 : i32
    %add3A_1101 = arith.addi %mul3A_2, %add3A_1100 : i32
    %add3A_1102 = arith.constant 32 : i32
    %add3A_1103 = arith.addi %add3A_1101, %add3A_1102 : i32
    %iota3A_1104 = tpu.iota {dimensions = array<i32: 0>} : vector<16xi32>
    %add3A_1105 = vector.broadcast %add3A_1103 : i32 to vector<16xi32>
    %add3A_1106 = arith.addi %add3A_1105, %iota3A_1104 : vector<16xi32>
    %shift_right_arithmetic3A_1107 = arith.constant 1 : i32
    %shift_right_arithmetic3A_1108 = vector.broadcast %shift_right_arithmetic3A_1107 : i32 to vector<16xi32>
    %shift_right_arithmetic3A_1109 = arith.shrsi %add3A_1106, %shift_right_arithmetic3A_1108 : vector<16xi32>
    %and3A_1110 = arith.constant 1023 : i32
    %and3A_1111 = vector.broadcast %and3A_1110 : i32 to vector<16xi32>
    %and3A_1112 = arith.andi %shift_right_arithmetic3A_1109, %and3A_1111 : vector<16xi32>
    %shift_right_arithmetic3A_1113 = arith.constant 10 : i32
    %shift_right_arithmetic3A_1114 = vector.broadcast %shift_right_arithmetic3A_1113 : i32 to vector<16xi32>
    %shift_right_arithmetic3A_1115 = arith.shrsi %shift_right_arithmetic3A_1109, %shift_right_arithmetic3A_1114 : vector<16xi32>
    %shift_left3A_1116 = arith.constant 1 : i32
    %shift_left3A_1117 = vector.broadcast %shift_left3A_1116 : i32 to vector<16xi32>
    %shift_left3A_1118 = arith.shli %shift_right_arithmetic3A_1115, %shift_left3A_1117 : vector<16xi32>
    %and3A_1119 = arith.constant 1 : i32
    %and3A_1120 = vector.broadcast %and3A_1119 : i32 to vector<16xi32>
    %and3A_1121 = arith.andi %add3A_1106, %and3A_1120 : vector<16xi32>
    %or3A_1122 = arith.ori %shift_left3A_1118, %and3A_1121 : vector<16xi32>
    %gather3A_1123 = tpu.vector_load_idx %arg4[%or3A_1122, %and3A_1112] : memref<50x1024xi32, #tpu.memory_space<vmem>>[vector<16xi32>, vector<16xi32>], vector<16xi32>,
    %lt3A_1124 = arith.constant 50048 : i32
    %lt3A_1125 = vector.broadcast %lt3A_1124 : i32 to vector<16xi32>
    %lt3A_1126 = arith.cmpi slt, %gather3A_1123, %lt3A_1125 : vector<16xi32>
    %mul3A_1127 = arith.constant 2 : i32
    %mul3A_1128 = vector.broadcast %mul3A_1127 : i32 to vector<16xi32>
    %mul3A_1129 = arith.muli %gather3A_1123, %mul3A_1128 : vector<16xi32>
    %mul3A_1130 = arith.constant 2 : i32
    %mul3A_1131 = vector.broadcast %mul3A_1130 : i32 to vector<16xi32>
    %mul3A_1132 = arith.muli %gather3A_1123, %mul3A_1131 : vector<16xi32>
    %sub3A_1133 = arith.constant 100095 : i32
    %sub3A_1134 = vector.broadcast %sub3A_1133 : i32 to vector<16xi32>
    %sub3A_1135 = arith.subi %mul3A_1132, %sub3A_1134 : vector<16xi32>
    %select_n3A_1136 = arith.select %lt3A_1126, %mul3A_1129, %sub3A_1135 : vector<16xi1>, vector<16xi32>
    %swap3A_1137 = arith.constant 5 : i32
    %swap3A_1138 = arith.index_cast %swap3A_1137 : i32 to index
    %swap3A_1139 = arith.constant 32 : index
    %swap3A_1140 = tpu.vector_load %arg5[%swap3A_1138, %swap3A_1139] {strides = array<i32>} : memref<20x80xi32, #tpu.memory_space<vmem>>, vector<16xi32>,
    tpu.vector_store %arg5[%swap3A_1138, %swap3A_1139], %select_n3A_1136 {strides = array<i32>} : memref<20x80xi32, #tpu.memory_space<vmem>>, vector<16xi32>,
    %add3A_1141 = arith.constant 400 : i32
    %add3A_1142 = arith.addi %mul3A_2, %add3A_1141 : i32
    %add3A_1143 = arith.constant 48 : i32
    %add3A_1144 = arith.addi %add3A_1142, %add3A_1143 : i32
    %iota3A_1145 = tpu.iota {dimensions = array<i32: 0>} : vector<16xi32>
    %add3A_1146 = vector.broadcast %add3A_1144 : i32 to vector<16xi32>
    %add3A_1147 = arith.addi %add3A_1146, %iota3A_1145 : vector<16xi32>
    %shift_right_arithmetic3A_1148 = arith.constant 1 : i32
    %shift_right_arithmetic3A_1149 = vector.broadcast %shift_right_arithmetic3A_1148 : i32 to vector<16xi32>
    %shift_right_arithmetic3A_1150 = arith.shrsi %add3A_1147, %shift_right_arithmetic3A_1149 : vector<16xi32>
    %and3A_1151 = arith.constant 1023 : i32
    %and3A_1152 = vector.broadcast %and3A_1151 : i32 to vector<16xi32>
    %and3A_1153 = arith.andi %shift_right_arithmetic3A_1150, %and3A_1152 : vector<16xi32>
    %shift_right_arithmetic3A_1154 = arith.constant 10 : i32
    %shift_right_arithmetic3A_1155 = vector.broadcast %shift_right_arithmetic3A_1154 : i32 to vector<16xi32>
    %shift_right_arithmetic3A_1156 = arith.shrsi %shift_right_arithmetic3A_1150, %shift_right_arithmetic3A_1155 : vector<16xi32>
    %shift_left3A_1157 = arith.constant 1 : i32
    %shift_left3A_1158 = vector.broadcast %shift_left3A_1157 : i32 to vector<16xi32>
    %shift_left3A_1159 = arith.shli %shift_right_arithmetic3A_1156, %shift_left3A_1158 : vector<16xi32>
    %and3A_1160 = arith.constant 1 : i32
    %and3A_1161 = vector.broadcast %and3A_1160 : i32 to vector<16xi32>
    %and3A_1162 = arith.andi %add3A_1147, %and3A_1161 : vector<16xi32>
    %or3A_1163 = arith.ori %shift_left3A_1159, %and3A_1162 : vector<16xi32>
    %gather3A_1164 = tpu.vector_load_idx %arg4[%or3A_1163, %and3A_1153] : memref<50x1024xi32, #tpu.memory_space<vmem>>[vector<16xi32>, vector<16xi32>], vector<16xi32>,
    %lt3A_1165 = arith.constant 50048 : i32
    %lt3A_1166 = vector.broadcast %lt3A_1165 : i32 to vector<16xi32>
    %lt3A_1167 = arith.cmpi slt, %gather3A_1164, %lt3A_1166 : vector<16xi32>
    %mul3A_1168 = arith.constant 2 : i32
    %mul3A_1169 = vector.broadcast %mul3A_1168 : i32 to vector<16xi32>
    %mul3A_1170 = arith.muli %gather3A_1164, %mul3A_1169 : vector<16xi32>
    %mul3A_1171 = arith.constant 2 : i32
    %mul3A_1172 = vector.broadcast %mul3A_1171 : i32 to vector<16xi32>
    %mul3A_1173 = arith.muli %gather3A_1164, %mul3A_1172 : vector<16xi32>
    %sub3A_1174 = arith.constant 100095 : i32
    %sub3A_1175 = vector.broadcast %sub3A_1174 : i32 to vector<16xi32>
    %sub3A_1176 = arith.subi %mul3A_1173, %sub3A_1175 : vector<16xi32>
    %select_n3A_1177 = arith.select %lt3A_1167, %mul3A_1170, %sub3A_1176 : vector<16xi1>, vector<16xi32>
    %swap3A_1178 = arith.constant 5 : i32
    %swap3A_1179 = arith.index_cast %swap3A_1178 : i32 to index
    %swap3A_1180 = arith.constant 48 : index
    %swap3A_1181 = tpu.vector_load %arg5[%swap3A_1179, %swap3A_1180] {strides = array<i32>} : memref<20x80xi32, #tpu.memory_space<vmem>>, vector<16xi32>,
    tpu.vector_store %arg5[%swap3A_1179, %swap3A_1180], %select_n3A_1177 {strides = array<i32>} : memref<20x80xi32, #tpu.memory_space<vmem>>, vector<16xi32>,
    %add3A_1182 = arith.constant 400 : i32
    %add3A_1183 = arith.addi %mul3A_2, %add3A_1182 : i32
    %add3A_1184 = arith.constant 64 : i32
    %add3A_1185 = arith.addi %add3A_1183, %add3A_1184 : i32
    %iota3A_1186 = tpu.iota {dimensions = array<i32: 0>} : vector<16xi32>
    %add3A_1187 = vector.broadcast %add3A_1185 : i32 to vector<16xi32>
    %add3A_1188 = arith.addi %add3A_1187, %iota3A_1186 : vector<16xi32>
    %shift_right_arithmetic3A_1189 = arith.constant 1 : i32
    %shift_right_arithmetic3A_1190 = vector.broadcast %shift_right_arithmetic3A_1189 : i32 to vector<16xi32>
    %shift_right_arithmetic3A_1191 = arith.shrsi %add3A_1188, %shift_right_arithmetic3A_1190 : vector<16xi32>
    %and3A_1192 = arith.constant 1023 : i32
    %and3A_1193 = vector.broadcast %and3A_1192 : i32 to vector<16xi32>
    %and3A_1194 = arith.andi %shift_right_arithmetic3A_1191, %and3A_1193 : vector<16xi32>
    %shift_right_arithmetic3A_1195 = arith.constant 10 : i32
    %shift_right_arithmetic3A_1196 = vector.broadcast %shift_right_arithmetic3A_1195 : i32 to vector<16xi32>
    %shift_right_arithmetic3A_1197 = arith.shrsi %shift_right_arithmetic3A_1191, %shift_right_arithmetic3A_1196 : vector<16xi32>
    %shift_left3A_1198 = arith.constant 1 : i32
    %shift_left3A_1199 = vector.broadcast %shift_left3A_1198 : i32 to vector<16xi32>
    %shift_left3A_1200 = arith.shli %shift_right_arithmetic3A_1197, %shift_left3A_1199 : vector<16xi32>
    %and3A_1201 = arith.constant 1 : i32
    %and3A_1202 = vector.broadcast %and3A_1201 : i32 to vector<16xi32>
    %and3A_1203 = arith.andi %add3A_1188, %and3A_1202 : vector<16xi32>
    %or3A_1204 = arith.ori %shift_left3A_1200, %and3A_1203 : vector<16xi32>
    %gather3A_1205 = tpu.vector_load_idx %arg4[%or3A_1204, %and3A_1194] : memref<50x1024xi32, #tpu.memory_space<vmem>>[vector<16xi32>, vector<16xi32>], vector<16xi32>,
    %lt3A_1206 = arith.constant 50048 : i32
    %lt3A_1207 = vector.broadcast %lt3A_1206 : i32 to vector<16xi32>
    %lt3A_1208 = arith.cmpi slt, %gather3A_1205, %lt3A_1207 : vector<16xi32>
    %mul3A_1209 = arith.constant 2 : i32
    %mul3A_1210 = vector.broadcast %mul3A_1209 : i32 to vector<16xi32>
    %mul3A_1211 = arith.muli %gather3A_1205, %mul3A_1210 : vector<16xi32>
    %mul3A_1212 = arith.constant 2 : i32
    %mul3A_1213 = vector.broadcast %mul3A_1212 : i32 to vector<16xi32>
    %mul3A_1214 = arith.muli %gather3A_1205, %mul3A_1213 : vector<16xi32>
    %sub3A_1215 = arith.constant 100095 : i32
    %sub3A_1216 = vector.broadcast %sub3A_1215 : i32 to vector<16xi32>
    %sub3A_1217 = arith.subi %mul3A_1214, %sub3A_1216 : vector<16xi32>
    %select_n3A_1218 = arith.select %lt3A_1208, %mul3A_1211, %sub3A_1217 : vector<16xi1>, vector<16xi32>
    %swap3A_1219 = arith.constant 5 : i32
    %swap3A_1220 = arith.index_cast %swap3A_1219 : i32 to index
    %swap3A_1221 = arith.constant 64 : index
    %swap3A_1222 = tpu.vector_load %arg5[%swap3A_1220, %swap3A_1221] {strides = array<i32>} : memref<20x80xi32, #tpu.memory_space<vmem>>, vector<16xi32>,
    tpu.vector_store %arg5[%swap3A_1220, %swap3A_1221], %select_n3A_1218 {strides = array<i32>} : memref<20x80xi32, #tpu.memory_space<vmem>>, vector<16xi32>,
    %add3A_1223 = arith.constant 480 : i32
    %add3A_1224 = arith.addi %mul3A_2, %add3A_1223 : i32
    %add3A_1225 = arith.constant 0 : i32
    %add3A_1226 = arith.addi %add3A_1224, %add3A_1225 : i32
    %iota3A_1227 = tpu.iota {dimensions = array<i32: 0>} : vector<16xi32>
    %add3A_1228 = vector.broadcast %add3A_1226 : i32 to vector<16xi32>
    %add3A_1229 = arith.addi %add3A_1228, %iota3A_1227 : vector<16xi32>
    %shift_right_arithmetic3A_1230 = arith.constant 1 : i32
    %shift_right_arithmetic3A_1231 = vector.broadcast %shift_right_arithmetic3A_1230 : i32 to vector<16xi32>
    %shift_right_arithmetic3A_1232 = arith.shrsi %add3A_1229, %shift_right_arithmetic3A_1231 : vector<16xi32>
    %and3A_1233 = arith.constant 1023 : i32
    %and3A_1234 = vector.broadcast %and3A_1233 : i32 to vector<16xi32>
    %and3A_1235 = arith.andi %shift_right_arithmetic3A_1232, %and3A_1234 : vector<16xi32>
    %shift_right_arithmetic3A_1236 = arith.constant 10 : i32
    %shift_right_arithmetic3A_1237 = vector.broadcast %shift_right_arithmetic3A_1236 : i32 to vector<16xi32>
    %shift_right_arithmetic3A_1238 = arith.shrsi %shift_right_arithmetic3A_1232, %shift_right_arithmetic3A_1237 : vector<16xi32>
    %shift_left3A_1239 = arith.constant 1 : i32
    %shift_left3A_1240 = vector.broadcast %shift_left3A_1239 : i32 to vector<16xi32>
    %shift_left3A_1241 = arith.shli %shift_right_arithmetic3A_1238, %shift_left3A_1240 : vector<16xi32>
    %and3A_1242 = arith.constant 1 : i32
    %and3A_1243 = vector.broadcast %and3A_1242 : i32 to vector<16xi32>
    %and3A_1244 = arith.andi %add3A_1229, %and3A_1243 : vector<16xi32>
    %or3A_1245 = arith.ori %shift_left3A_1241, %and3A_1244 : vector<16xi32>
    %gather3A_1246 = tpu.vector_load_idx %arg4[%or3A_1245, %and3A_1235] : memref<50x1024xi32, #tpu.memory_space<vmem>>[vector<16xi32>, vector<16xi32>], vector<16xi32>,
    %lt3A_1247 = arith.constant 50048 : i32
    %lt3A_1248 = vector.broadcast %lt3A_1247 : i32 to vector<16xi32>
    %lt3A_1249 = arith.cmpi slt, %gather3A_1246, %lt3A_1248 : vector<16xi32>
    %mul3A_1250 = arith.constant 2 : i32
    %mul3A_1251 = vector.broadcast %mul3A_1250 : i32 to vector<16xi32>
    %mul3A_1252 = arith.muli %gather3A_1246, %mul3A_1251 : vector<16xi32>
    %mul3A_1253 = arith.constant 2 : i32
    %mul3A_1254 = vector.broadcast %mul3A_1253 : i32 to vector<16xi32>
    %mul3A_1255 = arith.muli %gather3A_1246, %mul3A_1254 : vector<16xi32>
    %sub3A_1256 = arith.constant 100095 : i32
    %sub3A_1257 = vector.broadcast %sub3A_1256 : i32 to vector<16xi32>
    %sub3A_1258 = arith.subi %mul3A_1255, %sub3A_1257 : vector<16xi32>
    %select_n3A_1259 = arith.select %lt3A_1249, %mul3A_1252, %sub3A_1258 : vector<16xi1>, vector<16xi32>
    %swap3A_1260 = arith.constant 6 : i32
    %swap3A_1261 = arith.index_cast %swap3A_1260 : i32 to index
    %swap3A_1262 = arith.constant 0 : index
    %swap3A_1263 = tpu.vector_load %arg5[%swap3A_1261, %swap3A_1262] {strides = array<i32>} : memref<20x80xi32, #tpu.memory_space<vmem>>, vector<16xi32>,
    tpu.vector_store %arg5[%swap3A_1261, %swap3A_1262], %select_n3A_1259 {strides = array<i32>} : memref<20x80xi32, #tpu.memory_space<vmem>>, vector<16xi32>,
    %add3A_1264 = arith.constant 480 : i32
    %add3A_1265 = arith.addi %mul3A_2, %add3A_1264 : i32
    %add3A_1266 = arith.constant 16 : i32
    %add3A_1267 = arith.addi %add3A_1265, %add3A_1266 : i32
    %iota3A_1268 = tpu.iota {dimensions = array<i32: 0>} : vector<16xi32>
    %add3A_1269 = vector.broadcast %add3A_1267 : i32 to vector<16xi32>
    %add3A_1270 = arith.addi %add3A_1269, %iota3A_1268 : vector<16xi32>
    %shift_right_arithmetic3A_1271 = arith.constant 1 : i32
    %shift_right_arithmetic3A_1272 = vector.broadcast %shift_right_arithmetic3A_1271 : i32 to vector<16xi32>
    %shift_right_arithmetic3A_1273 = arith.shrsi %add3A_1270, %shift_right_arithmetic3A_1272 : vector<16xi32>
    %and3A_1274 = arith.constant 1023 : i32
    %and3A_1275 = vector.broadcast %and3A_1274 : i32 to vector<16xi32>
    %and3A_1276 = arith.andi %shift_right_arithmetic3A_1273, %and3A_1275 : vector<16xi32>
    %shift_right_arithmetic3A_1277 = arith.constant 10 : i32
    %shift_right_arithmetic3A_1278 = vector.broadcast %shift_right_arithmetic3A_1277 : i32 to vector<16xi32>
    %shift_right_arithmetic3A_1279 = arith.shrsi %shift_right_arithmetic3A_1273, %shift_right_arithmetic3A_1278 : vector<16xi32>
    %shift_left3A_1280 = arith.constant 1 : i32
    %shift_left3A_1281 = vector.broadcast %shift_left3A_1280 : i32 to vector<16xi32>
    %shift_left3A_1282 = arith.shli %shift_right_arithmetic3A_1279, %shift_left3A_1281 : vector<16xi32>
    %and3A_1283 = arith.constant 1 : i32
    %and3A_1284 = vector.broadcast %and3A_1283 : i32 to vector<16xi32>
    %and3A_1285 = arith.andi %add3A_1270, %and3A_1284 : vector<16xi32>
    %or3A_1286 = arith.ori %shift_left3A_1282, %and3A_1285 : vector<16xi32>
    %gather3A_1287 = tpu.vector_load_idx %arg4[%or3A_1286, %and3A_1276] : memref<50x1024xi32, #tpu.memory_space<vmem>>[vector<16xi32>, vector<16xi32>], vector<16xi32>,
    %lt3A_1288 = arith.constant 50048 : i32
    %lt3A_1289 = vector.broadcast %lt3A_1288 : i32 to vector<16xi32>
    %lt3A_1290 = arith.cmpi slt, %gather3A_1287, %lt3A_1289 : vector<16xi32>
    %mul3A_1291 = arith.constant 2 : i32
    %mul3A_1292 = vector.broadcast %mul3A_1291 : i32 to vector<16xi32>
    %mul3A_1293 = arith.muli %gather3A_1287, %mul3A_1292 : vector<16xi32>
    %mul3A_1294 = arith.constant 2 : i32
    %mul3A_1295 = vector.broadcast %mul3A_1294 : i32 to vector<16xi32>
    %mul3A_1296 = arith.muli %gather3A_1287, %mul3A_1295 : vector<16xi32>
    %sub3A_1297 = arith.constant 100095 : i32
    %sub3A_1298 = vector.broadcast %sub3A_1297 : i32 to vector<16xi32>
    %sub3A_1299 = arith.subi %mul3A_1296, %sub3A_1298 : vector<16xi32>
    %select_n3A_1300 = arith.select %lt3A_1290, %mul3A_1293, %sub3A_1299 : vector<16xi1>, vector<16xi32>
    %swap3A_1301 = arith.constant 6 : i32
    %swap3A_1302 = arith.index_cast %swap3A_1301 : i32 to index
    %swap3A_1303 = arith.constant 16 : index
    %swap3A_1304 = tpu.vector_load %arg5[%swap3A_1302, %swap3A_1303] {strides = array<i32>} : memref<20x80xi32, #tpu.memory_space<vmem>>, vector<16xi32>,
    tpu.vector_store %arg5[%swap3A_1302, %swap3A_1303], %select_n3A_1300 {strides = array<i32>} : memref<20x80xi32, #tpu.memory_space<vmem>>, vector<16xi32>,
    %add3A_1305 = arith.constant 480 : i32
    %add3A_1306 = arith.addi %mul3A_2, %add3A_1305 : i32
    %add3A_1307 = arith.constant 32 : i32
    %add3A_1308 = arith.addi %add3A_1306, %add3A_1307 : i32
    %iota3A_1309 = tpu.iota {dimensions = array<i32: 0>} : vector<16xi32>
    %add3A_1310 = vector.broadcast %add3A_1308 : i32 to vector<16xi32>
    %add3A_1311 = arith.addi %add3A_1310, %iota3A_1309 : vector<16xi32>
    %shift_right_arithmetic3A_1312 = arith.constant 1 : i32
    %shift_right_arithmetic3A_1313 = vector.broadcast %shift_right_arithmetic3A_1312 : i32 to vector<16xi32>
    %shift_right_arithmetic3A_1314 = arith.shrsi %add3A_1311, %shift_right_arithmetic3A_1313 : vector<16xi32>
    %and3A_1315 = arith.constant 1023 : i32
    %and3A_1316 = vector.broadcast %and3A_1315 : i32 to vector<16xi32>
    %and3A_1317 = arith.andi %shift_right_arithmetic3A_1314, %and3A_1316 : vector<16xi32>
    %shift_right_arithmetic3A_1318 = arith.constant 10 : i32
    %shift_right_arithmetic3A_1319 = vector.broadcast %shift_right_arithmetic3A_1318 : i32 to vector<16xi32>
    %shift_right_arithmetic3A_1320 = arith.shrsi %shift_right_arithmetic3A_1314, %shift_right_arithmetic3A_1319 : vector<16xi32>
    %shift_left3A_1321 = arith.constant 1 : i32
    %shift_left3A_1322 = vector.broadcast %shift_left3A_1321 : i32 to vector<16xi32>
    %shift_left3A_1323 = arith.shli %shift_right_arithmetic3A_1320, %shift_left3A_1322 : vector<16xi32>
    %and3A_1324 = arith.constant 1 : i32
    %and3A_1325 = vector.broadcast %and3A_1324 : i32 to vector<16xi32>
    %and3A_1326 = arith.andi %add3A_1311, %and3A_1325 : vector<16xi32>
    %or3A_1327 = arith.ori %shift_left3A_1323, %and3A_1326 : vector<16xi32>
    %gather3A_1328 = tpu.vector_load_idx %arg4[%or3A_1327, %and3A_1317] : memref<50x1024xi32, #tpu.memory_space<vmem>>[vector<16xi32>, vector<16xi32>], vector<16xi32>,
    %lt3A_1329 = arith.constant 50048 : i32
    %lt3A_1330 = vector.broadcast %lt3A_1329 : i32 to vector<16xi32>
    %lt3A_1331 = arith.cmpi slt, %gather3A_1328, %lt3A_1330 : vector<16xi32>
    %mul3A_1332 = arith.constant 2 : i32
    %mul3A_1333 = vector.broadcast %mul3A_1332 : i32 to vector<16xi32>
    %mul3A_1334 = arith.muli %gather3A_1328, %mul3A_1333 : vector<16xi32>
    %mul3A_1335 = arith.constant 2 : i32
    %mul3A_1336 = vector.broadcast %mul3A_1335 : i32 to vector<16xi32>
    %mul3A_1337 = arith.muli %gather3A_1328, %mul3A_1336 : vector<16xi32>
    %sub3A_1338 = arith.constant 100095 : i32
    %sub3A_1339 = vector.broadcast %sub3A_1338 : i32 to vector<16xi32>
    %sub3A_1340 = arith.subi %mul3A_1337, %sub3A_1339 : vector<16xi32>
    %select_n3A_1341 = arith.select %lt3A_1331, %mul3A_1334, %sub3A_1340 : vector<16xi1>, vector<16xi32>
    %swap3A_1342 = arith.constant 6 : i32
    %swap3A_1343 = arith.index_cast %swap3A_1342 : i32 to index
    %swap3A_1344 = arith.constant 32 : index
    %swap3A_1345 = tpu.vector_load %arg5[%swap3A_1343, %swap3A_1344] {strides = array<i32>} : memref<20x80xi32, #tpu.memory_space<vmem>>, vector<16xi32>,
    tpu.vector_store %arg5[%swap3A_1343, %swap3A_1344], %select_n3A_1341 {strides = array<i32>} : memref<20x80xi32, #tpu.memory_space<vmem>>, vector<16xi32>,
    %add3A_1346 = arith.constant 480 : i32
    %add3A_1347 = arith.addi %mul3A_2, %add3A_1346 : i32
    %add3A_1348 = arith.constant 48 : i32
    %add3A_1349 = arith.addi %add3A_1347, %add3A_1348 : i32
    %iota3A_1350 = tpu.iota {dimensions = array<i32: 0>} : vector<16xi32>
    %add3A_1351 = vector.broadcast %add3A_1349 : i32 to vector<16xi32>
    %add3A_1352 = arith.addi %add3A_1351, %iota3A_1350 : vector<16xi32>
    %shift_right_arithmetic3A_1353 = arith.constant 1 : i32
    %shift_right_arithmetic3A_1354 = vector.broadcast %shift_right_arithmetic3A_1353 : i32 to vector<16xi32>
    %shift_right_arithmetic3A_1355 = arith.shrsi %add3A_1352, %shift_right_arithmetic3A_1354 : vector<16xi32>
    %and3A_1356 = arith.constant 1023 : i32
    %and3A_1357 = vector.broadcast %and3A_1356 : i32 to vector<16xi32>
    %and3A_1358 = arith.andi %shift_right_arithmetic3A_1355, %and3A_1357 : vector<16xi32>
    %shift_right_arithmetic3A_1359 = arith.constant 10 : i32
    %shift_right_arithmetic3A_1360 = vector.broadcast %shift_right_arithmetic3A_1359 : i32 to vector<16xi32>
    %shift_right_arithmetic3A_1361 = arith.shrsi %shift_right_arithmetic3A_1355, %shift_right_arithmetic3A_1360 : vector<16xi32>
    %shift_left3A_1362 = arith.constant 1 : i32
    %shift_left3A_1363 = vector.broadcast %shift_left3A_1362 : i32 to vector<16xi32>
    %shift_left3A_1364 = arith.shli %shift_right_arithmetic3A_1361, %shift_left3A_1363 : vector<16xi32>
    %and3A_1365 = arith.constant 1 : i32
    %and3A_1366 = vector.broadcast %and3A_1365 : i32 to vector<16xi32>
    %and3A_1367 = arith.andi %add3A_1352, %and3A_1366 : vector<16xi32>
    %or3A_1368 = arith.ori %shift_left3A_1364, %and3A_1367 : vector<16xi32>
    %gather3A_1369 = tpu.vector_load_idx %arg4[%or3A_1368, %and3A_1358] : memref<50x1024xi32, #tpu.memory_space<vmem>>[vector<16xi32>, vector<16xi32>], vector<16xi32>,
    %lt3A_1370 = arith.constant 50048 : i32
    %lt3A_1371 = vector.broadcast %lt3A_1370 : i32 to vector<16xi32>
    %lt3A_1372 = arith.cmpi slt, %gather3A_1369, %lt3A_1371 : vector<16xi32>
    %mul3A_1373 = arith.constant 2 : i32
    %mul3A_1374 = vector.broadcast %mul3A_1373 : i32 to vector<16xi32>
    %mul3A_1375 = arith.muli %gather3A_1369, %mul3A_1374 : vector<16xi32>
    %mul3A_1376 = arith.constant 2 : i32
    %mul3A_1377 = vector.broadcast %mul3A_1376 : i32 to vector<16xi32>
    %mul3A_1378 = arith.muli %gather3A_1369, %mul3A_1377 : vector<16xi32>
    %sub3A_1379 = arith.constant 100095 : i32
    %sub3A_1380 = vector.broadcast %sub3A_1379 : i32 to vector<16xi32>
    %sub3A_1381 = arith.subi %mul3A_1378, %sub3A_1380 : vector<16xi32>
    %select_n3A_1382 = arith.select %lt3A_1372, %mul3A_1375, %sub3A_1381 : vector<16xi1>, vector<16xi32>
    %swap3A_1383 = arith.constant 6 : i32
    %swap3A_1384 = arith.index_cast %swap3A_1383 : i32 to index
    %swap3A_1385 = arith.constant 48 : index
    %swap3A_1386 = tpu.vector_load %arg5[%swap3A_1384, %swap3A_1385] {strides = array<i32>} : memref<20x80xi32, #tpu.memory_space<vmem>>, vector<16xi32>,
    tpu.vector_store %arg5[%swap3A_1384, %swap3A_1385], %select_n3A_1382 {strides = array<i32>} : memref<20x80xi32, #tpu.memory_space<vmem>>, vector<16xi32>,
    %add3A_1387 = arith.constant 480 : i32
    %add3A_1388 = arith.addi %mul3A_2, %add3A_1387 : i32
    %add3A_1389 = arith.constant 64 : i32
    %add3A_1390 = arith.addi %add3A_1388, %add3A_1389 : i32
    %iota3A_1391 = tpu.iota {dimensions = array<i32: 0>} : vector<16xi32>
    %add3A_1392 = vector.broadcast %add3A_1390 : i32 to vector<16xi32>
    %add3A_1393 = arith.addi %add3A_1392, %iota3A_1391 : vector<16xi32>
    %shift_right_arithmetic3A_1394 = arith.constant 1 : i32
    %shift_right_arithmetic3A_1395 = vector.broadcast %shift_right_arithmetic3A_1394 : i32 to vector<16xi32>
    %shift_right_arithmetic3A_1396 = arith.shrsi %add3A_1393, %shift_right_arithmetic3A_1395 : vector<16xi32>
    %and3A_1397 = arith.constant 1023 : i32
    %and3A_1398 = vector.broadcast %and3A_1397 : i32 to vector<16xi32>
    %and3A_1399 = arith.andi %shift_right_arithmetic3A_1396, %and3A_1398 : vector<16xi32>
    %shift_right_arithmetic3A_1400 = arith.constant 10 : i32
    %shift_right_arithmetic3A_1401 = vector.broadcast %shift_right_arithmetic3A_1400 : i32 to vector<16xi32>
    %shift_right_arithmetic3A_1402 = arith.shrsi %shift_right_arithmetic3A_1396, %shift_right_arithmetic3A_1401 : vector<16xi32>
    %shift_left3A_1403 = arith.constant 1 : i32
    %shift_left3A_1404 = vector.broadcast %shift_left3A_1403 : i32 to vector<16xi32>
    %shift_left3A_1405 = arith.shli %shift_right_arithmetic3A_1402, %shift_left3A_1404 : vector<16xi32>
    %and3A_1406 = arith.constant 1 : i32
    %and3A_1407 = vector.broadcast %and3A_1406 : i32 to vector<16xi32>
    %and3A_1408 = arith.andi %add3A_1393, %and3A_1407 : vector<16xi32>
    %or3A_1409 = arith.ori %shift_left3A_1405, %and3A_1408 : vector<16xi32>
    %gather3A_1410 = tpu.vector_load_idx %arg4[%or3A_1409, %and3A_1399] : memref<50x1024xi32, #tpu.memory_space<vmem>>[vector<16xi32>, vector<16xi32>], vector<16xi32>,
    %lt3A_1411 = arith.constant 50048 : i32
    %lt3A_1412 = vector.broadcast %lt3A_1411 : i32 to vector<16xi32>
    %lt3A_1413 = arith.cmpi slt, %gather3A_1410, %lt3A_1412 : vector<16xi32>
    %mul3A_1414 = arith.constant 2 : i32
    %mul3A_1415 = vector.broadcast %mul3A_1414 : i32 to vector<16xi32>
    %mul3A_1416 = arith.muli %gather3A_1410, %mul3A_1415 : vector<16xi32>
    %mul3A_1417 = arith.constant 2 : i32
    %mul3A_1418 = vector.broadcast %mul3A_1417 : i32 to vector<16xi32>
    %mul3A_1419 = arith.muli %gather3A_1410, %mul3A_1418 : vector<16xi32>
    %sub3A_1420 = arith.constant 100095 : i32
    %sub3A_1421 = vector.broadcast %sub3A_1420 : i32 to vector<16xi32>
    %sub3A_1422 = arith.subi %mul3A_1419, %sub3A_1421 : vector<16xi32>
    %select_n3A_1423 = arith.select %lt3A_1413, %mul3A_1416, %sub3A_1422 : vector<16xi1>, vector<16xi32>
    %swap3A_1424 = arith.constant 6 : i32
    %swap3A_1425 = arith.index_cast %swap3A_1424 : i32 to index
    %swap3A_1426 = arith.constant 64 : index
    %swap3A_1427 = tpu.vector_load %arg5[%swap3A_1425, %swap3A_1426] {strides = array<i32>} : memref<20x80xi32, #tpu.memory_space<vmem>>, vector<16xi32>,
    tpu.vector_store %arg5[%swap3A_1425, %swap3A_1426], %select_n3A_1423 {strides = array<i32>} : memref<20x80xi32, #tpu.memory_space<vmem>>, vector<16xi32>,
    %add3A_1428 = arith.constant 560 : i32
    %add3A_1429 = arith.addi %mul3A_2, %add3A_1428 : i32
    %add3A_1430 = arith.constant 0 : i32
    %add3A_1431 = arith.addi %add3A_1429, %add3A_1430 : i32
    %iota3A_1432 = tpu.iota {dimensions = array<i32: 0>} : vector<16xi32>
    %add3A_1433 = vector.broadcast %add3A_1431 : i32 to vector<16xi32>
    %add3A_1434 = arith.addi %add3A_1433, %iota3A_1432 : vector<16xi32>
    %shift_right_arithmetic3A_1435 = arith.constant 1 : i32
    %shift_right_arithmetic3A_1436 = vector.broadcast %shift_right_arithmetic3A_1435 : i32 to vector<16xi32>
    %shift_right_arithmetic3A_1437 = arith.shrsi %add3A_1434, %shift_right_arithmetic3A_1436 : vector<16xi32>
    %and3A_1438 = arith.constant 1023 : i32
    %and3A_1439 = vector.broadcast %and3A_1438 : i32 to vector<16xi32>
    %and3A_1440 = arith.andi %shift_right_arithmetic3A_1437, %and3A_1439 : vector<16xi32>
    %shift_right_arithmetic3A_1441 = arith.constant 10 : i32
    %shift_right_arithmetic3A_1442 = vector.broadcast %shift_right_arithmetic3A_1441 : i32 to vector<16xi32>
    %shift_right_arithmetic3A_1443 = arith.shrsi %shift_right_arithmetic3A_1437, %shift_right_arithmetic3A_1442 : vector<16xi32>
    %shift_left3A_1444 = arith.constant 1 : i32
    %shift_left3A_1445 = vector.broadcast %shift_left3A_1444 : i32 to vector<16xi32>
    %shift_left3A_1446 = arith.shli %shift_right_arithmetic3A_1443, %shift_left3A_1445 : vector<16xi32>
    %and3A_1447 = arith.constant 1 : i32
    %and3A_1448 = vector.broadcast %and3A_1447 : i32 to vector<16xi32>
    %and3A_1449 = arith.andi %add3A_1434, %and3A_1448 : vector<16xi32>
    %or3A_1450 = arith.ori %shift_left3A_1446, %and3A_1449 : vector<16xi32>
    %gather3A_1451 = tpu.vector_load_idx %arg4[%or3A_1450, %and3A_1440] : memref<50x1024xi32, #tpu.memory_space<vmem>>[vector<16xi32>, vector<16xi32>], vector<16xi32>,
    %lt3A_1452 = arith.constant 50048 : i32
    %lt3A_1453 = vector.broadcast %lt3A_1452 : i32 to vector<16xi32>
    %lt3A_1454 = arith.cmpi slt, %gather3A_1451, %lt3A_1453 : vector<16xi32>
    %mul3A_1455 = arith.constant 2 : i32
    %mul3A_1456 = vector.broadcast %mul3A_1455 : i32 to vector<16xi32>
    %mul3A_1457 = arith.muli %gather3A_1451, %mul3A_1456 : vector<16xi32>
    %mul3A_1458 = arith.constant 2 : i32
    %mul3A_1459 = vector.broadcast %mul3A_1458 : i32 to vector<16xi32>
    %mul3A_1460 = arith.muli %gather3A_1451, %mul3A_1459 : vector<16xi32>
    %sub3A_1461 = arith.constant 100095 : i32
    %sub3A_1462 = vector.broadcast %sub3A_1461 : i32 to vector<16xi32>
    %sub3A_1463 = arith.subi %mul3A_1460, %sub3A_1462 : vector<16xi32>
    %select_n3A_1464 = arith.select %lt3A_1454, %mul3A_1457, %sub3A_1463 : vector<16xi1>, vector<16xi32>
    %swap3A_1465 = arith.constant 7 : i32
    %swap3A_1466 = arith.index_cast %swap3A_1465 : i32 to index
    %swap3A_1467 = arith.constant 0 : index
    %swap3A_1468 = tpu.vector_load %arg5[%swap3A_1466, %swap3A_1467] {strides = array<i32>} : memref<20x80xi32, #tpu.memory_space<vmem>>, vector<16xi32>,
    tpu.vector_store %arg5[%swap3A_1466, %swap3A_1467], %select_n3A_1464 {strides = array<i32>} : memref<20x80xi32, #tpu.memory_space<vmem>>, vector<16xi32>,
    %add3A_1469 = arith.constant 560 : i32
    %add3A_1470 = arith.addi %mul3A_2, %add3A_1469 : i32
    %add3A_1471 = arith.constant 16 : i32
    %add3A_1472 = arith.addi %add3A_1470, %add3A_1471 : i32
    %iota3A_1473 = tpu.iota {dimensions = array<i32: 0>} : vector<16xi32>
    %add3A_1474 = vector.broadcast %add3A_1472 : i32 to vector<16xi32>
    %add3A_1475 = arith.addi %add3A_1474, %iota3A_1473 : vector<16xi32>
    %shift_right_arithmetic3A_1476 = arith.constant 1 : i32
    %shift_right_arithmetic3A_1477 = vector.broadcast %shift_right_arithmetic3A_1476 : i32 to vector<16xi32>
    %shift_right_arithmetic3A_1478 = arith.shrsi %add3A_1475, %shift_right_arithmetic3A_1477 : vector<16xi32>
    %and3A_1479 = arith.constant 1023 : i32
    %and3A_1480 = vector.broadcast %and3A_1479 : i32 to vector<16xi32>
    %and3A_1481 = arith.andi %shift_right_arithmetic3A_1478, %and3A_1480 : vector<16xi32>
    %shift_right_arithmetic3A_1482 = arith.constant 10 : i32
    %shift_right_arithmetic3A_1483 = vector.broadcast %shift_right_arithmetic3A_1482 : i32 to vector<16xi32>
    %shift_right_arithmetic3A_1484 = arith.shrsi %shift_right_arithmetic3A_1478, %shift_right_arithmetic3A_1483 : vector<16xi32>
    %shift_left3A_1485 = arith.constant 1 : i32
    %shift_left3A_1486 = vector.broadcast %shift_left3A_1485 : i32 to vector<16xi32>
    %shift_left3A_1487 = arith.shli %shift_right_arithmetic3A_1484, %shift_left3A_1486 : vector<16xi32>
    %and3A_1488 = arith.constant 1 : i32
    %and3A_1489 = vector.broadcast %and3A_1488 : i32 to vector<16xi32>
    %and3A_1490 = arith.andi %add3A_1475, %and3A_1489 : vector<16xi32>
    %or3A_1491 = arith.ori %shift_left3A_1487, %and3A_1490 : vector<16xi32>
    %gather3A_1492 = tpu.vector_load_idx %arg4[%or3A_1491, %and3A_1481] : memref<50x1024xi32, #tpu.memory_space<vmem>>[vector<16xi32>, vector<16xi32>], vector<16xi32>,
    %lt3A_1493 = arith.constant 50048 : i32
    %lt3A_1494 = vector.broadcast %lt3A_1493 : i32 to vector<16xi32>
    %lt3A_1495 = arith.cmpi slt, %gather3A_1492, %lt3A_1494 : vector<16xi32>
    %mul3A_1496 = arith.constant 2 : i32
    %mul3A_1497 = vector.broadcast %mul3A_1496 : i32 to vector<16xi32>
    %mul3A_1498 = arith.muli %gather3A_1492, %mul3A_1497 : vector<16xi32>
    %mul3A_1499 = arith.constant 2 : i32
    %mul3A_1500 = vector.broadcast %mul3A_1499 : i32 to vector<16xi32>
    %mul3A_1501 = arith.muli %gather3A_1492, %mul3A_1500 : vector<16xi32>
    %sub3A_1502 = arith.constant 100095 : i32
    %sub3A_1503 = vector.broadcast %sub3A_1502 : i32 to vector<16xi32>
    %sub3A_1504 = arith.subi %mul3A_1501, %sub3A_1503 : vector<16xi32>
    %select_n3A_1505 = arith.select %lt3A_1495, %mul3A_1498, %sub3A_1504 : vector<16xi1>, vector<16xi32>
    %swap3A_1506 = arith.constant 7 : i32
    %swap3A_1507 = arith.index_cast %swap3A_1506 : i32 to index
    %swap3A_1508 = arith.constant 16 : index
    %swap3A_1509 = tpu.vector_load %arg5[%swap3A_1507, %swap3A_1508] {strides = array<i32>} : memref<20x80xi32, #tpu.memory_space<vmem>>, vector<16xi32>,
    tpu.vector_store %arg5[%swap3A_1507, %swap3A_1508], %select_n3A_1505 {strides = array<i32>} : memref<20x80xi32, #tpu.memory_space<vmem>>, vector<16xi32>,
    %add3A_1510 = arith.constant 560 : i32
    %add3A_1511 = arith.addi %mul3A_2, %add3A_1510 : i32
    %add3A_1512 = arith.constant 32 : i32
    %add3A_1513 = arith.addi %add3A_1511, %add3A_1512 : i32
    %iota3A_1514 = tpu.iota {dimensions = array<i32: 0>} : vector<16xi32>
    %add3A_1515 = vector.broadcast %add3A_1513 : i32 to vector<16xi32>
    %add3A_1516 = arith.addi %add3A_1515, %iota3A_1514 : vector<16xi32>
    %shift_right_arithmetic3A_1517 = arith.constant 1 : i32
    %shift_right_arithmetic3A_1518 = vector.broadcast %shift_right_arithmetic3A_1517 : i32 to vector<16xi32>
    %shift_right_arithmetic3A_1519 = arith.shrsi %add3A_1516, %shift_right_arithmetic3A_1518 : vector<16xi32>
    %and3A_1520 = arith.constant 1023 : i32
    %and3A_1521 = vector.broadcast %and3A_1520 : i32 to vector<16xi32>
    %and3A_1522 = arith.andi %shift_right_arithmetic3A_1519, %and3A_1521 : vector<16xi32>
    %shift_right_arithmetic3A_1523 = arith.constant 10 : i32
    %shift_right_arithmetic3A_1524 = vector.broadcast %shift_right_arithmetic3A_1523 : i32 to vector<16xi32>
    %shift_right_arithmetic3A_1525 = arith.shrsi %shift_right_arithmetic3A_1519, %shift_right_arithmetic3A_1524 : vector<16xi32>
    %shift_left3A_1526 = arith.constant 1 : i32
    %shift_left3A_1527 = vector.broadcast %shift_left3A_1526 : i32 to vector<16xi32>
    %shift_left3A_1528 = arith.shli %shift_right_arithmetic3A_1525, %shift_left3A_1527 : vector<16xi32>
    %and3A_1529 = arith.constant 1 : i32
    %and3A_1530 = vector.broadcast %and3A_1529 : i32 to vector<16xi32>
    %and3A_1531 = arith.andi %add3A_1516, %and3A_1530 : vector<16xi32>
    %or3A_1532 = arith.ori %shift_left3A_1528, %and3A_1531 : vector<16xi32>
    %gather3A_1533 = tpu.vector_load_idx %arg4[%or3A_1532, %and3A_1522] : memref<50x1024xi32, #tpu.memory_space<vmem>>[vector<16xi32>, vector<16xi32>], vector<16xi32>,
    %lt3A_1534 = arith.constant 50048 : i32
    %lt3A_1535 = vector.broadcast %lt3A_1534 : i32 to vector<16xi32>
    %lt3A_1536 = arith.cmpi slt, %gather3A_1533, %lt3A_1535 : vector<16xi32>
    %mul3A_1537 = arith.constant 2 : i32
    %mul3A_1538 = vector.broadcast %mul3A_1537 : i32 to vector<16xi32>
    %mul3A_1539 = arith.muli %gather3A_1533, %mul3A_1538 : vector<16xi32>
    %mul3A_1540 = arith.constant 2 : i32
    %mul3A_1541 = vector.broadcast %mul3A_1540 : i32 to vector<16xi32>
    %mul3A_1542 = arith.muli %gather3A_1533, %mul3A_1541 : vector<16xi32>
    %sub3A_1543 = arith.constant 100095 : i32
    %sub3A_1544 = vector.broadcast %sub3A_1543 : i32 to vector<16xi32>
    %sub3A_1545 = arith.subi %mul3A_1542, %sub3A_1544 : vector<16xi32>
    %select_n3A_1546 = arith.select %lt3A_1536, %mul3A_1539, %sub3A_1545 : vector<16xi1>, vector<16xi32>
    %swap3A_1547 = arith.constant 7 : i32
    %swap3A_1548 = arith.index_cast %swap3A_1547 : i32 to index
    %swap3A_1549 = arith.constant 32 : index
    %swap3A_1550 = tpu.vector_load %arg5[%swap3A_1548, %swap3A_1549] {strides = array<i32>} : memref<20x80xi32, #tpu.memory_space<vmem>>, vector<16xi32>,
    tpu.vector_store %arg5[%swap3A_1548, %swap3A_1549], %select_n3A_1546 {strides = array<i32>} : memref<20x80xi32, #tpu.memory_space<vmem>>, vector<16xi32>,
    %add3A_1551 = arith.constant 560 : i32
    %add3A_1552 = arith.addi %mul3A_2, %add3A_1551 : i32
    %add3A_1553 = arith.constant 48 : i32
    %add3A_1554 = arith.addi %add3A_1552, %add3A_1553 : i32
    %iota3A_1555 = tpu.iota {dimensions = array<i32: 0>} : vector<16xi32>
    %add3A_1556 = vector.broadcast %add3A_1554 : i32 to vector<16xi32>
    %add3A_1557 = arith.addi %add3A_1556, %iota3A_1555 : vector<16xi32>
    %shift_right_arithmetic3A_1558 = arith.constant 1 : i32
    %shift_right_arithmetic3A_1559 = vector.broadcast %shift_right_arithmetic3A_1558 : i32 to vector<16xi32>
    %shift_right_arithmetic3A_1560 = arith.shrsi %add3A_1557, %shift_right_arithmetic3A_1559 : vector<16xi32>
    %and3A_1561 = arith.constant 1023 : i32
    %and3A_1562 = vector.broadcast %and3A_1561 : i32 to vector<16xi32>
    %and3A_1563 = arith.andi %shift_right_arithmetic3A_1560, %and3A_1562 : vector<16xi32>
    %shift_right_arithmetic3A_1564 = arith.constant 10 : i32
    %shift_right_arithmetic3A_1565 = vector.broadcast %shift_right_arithmetic3A_1564 : i32 to vector<16xi32>
    %shift_right_arithmetic3A_1566 = arith.shrsi %shift_right_arithmetic3A_1560, %shift_right_arithmetic3A_1565 : vector<16xi32>
    %shift_left3A_1567 = arith.constant 1 : i32
    %shift_left3A_1568 = vector.broadcast %shift_left3A_1567 : i32 to vector<16xi32>
    %shift_left3A_1569 = arith.shli %shift_right_arithmetic3A_1566, %shift_left3A_1568 : vector<16xi32>
    %and3A_1570 = arith.constant 1 : i32
    %and3A_1571 = vector.broadcast %and3A_1570 : i32 to vector<16xi32>
    %and3A_1572 = arith.andi %add3A_1557, %and3A_1571 : vector<16xi32>
    %or3A_1573 = arith.ori %shift_left3A_1569, %and3A_1572 : vector<16xi32>
    %gather3A_1574 = tpu.vector_load_idx %arg4[%or3A_1573, %and3A_1563] : memref<50x1024xi32, #tpu.memory_space<vmem>>[vector<16xi32>, vector<16xi32>], vector<16xi32>,
    %lt3A_1575 = arith.constant 50048 : i32
    %lt3A_1576 = vector.broadcast %lt3A_1575 : i32 to vector<16xi32>
    %lt3A_1577 = arith.cmpi slt, %gather3A_1574, %lt3A_1576 : vector<16xi32>
    %mul3A_1578 = arith.constant 2 : i32
    %mul3A_1579 = vector.broadcast %mul3A_1578 : i32 to vector<16xi32>
    %mul3A_1580 = arith.muli %gather3A_1574, %mul3A_1579 : vector<16xi32>
    %mul3A_1581 = arith.constant 2 : i32
    %mul3A_1582 = vector.broadcast %mul3A_1581 : i32 to vector<16xi32>
    %mul3A_1583 = arith.muli %gather3A_1574, %mul3A_1582 : vector<16xi32>
    %sub3A_1584 = arith.constant 100095 : i32
    %sub3A_1585 = vector.broadcast %sub3A_1584 : i32 to vector<16xi32>
    %sub3A_1586 = arith.subi %mul3A_1583, %sub3A_1585 : vector<16xi32>
    %select_n3A_1587 = arith.select %lt3A_1577, %mul3A_1580, %sub3A_1586 : vector<16xi1>, vector<16xi32>
    %swap3A_1588 = arith.constant 7 : i32
    %swap3A_1589 = arith.index_cast %swap3A_1588 : i32 to index
    %swap3A_1590 = arith.constant 48 : index
    %swap3A_1591 = tpu.vector_load %arg5[%swap3A_1589, %swap3A_1590] {strides = array<i32>} : memref<20x80xi32, #tpu.memory_space<vmem>>, vector<16xi32>,
    tpu.vector_store %arg5[%swap3A_1589, %swap3A_1590], %select_n3A_1587 {strides = array<i32>} : memref<20x80xi32, #tpu.memory_space<vmem>>, vector<16xi32>,
    %add3A_1592 = arith.constant 560 : i32
    %add3A_1593 = arith.addi %mul3A_2, %add3A_1592 : i32
    %add3A_1594 = arith.constant 64 : i32
    %add3A_1595 = arith.addi %add3A_1593, %add3A_1594 : i32
    %iota3A_1596 = tpu.iota {dimensions = array<i32: 0>} : vector<16xi32>
    %add3A_1597 = vector.broadcast %add3A_1595 : i32 to vector<16xi32>
    %add3A_1598 = arith.addi %add3A_1597, %iota3A_1596 : vector<16xi32>
    %shift_right_arithmetic3A_1599 = arith.constant 1 : i32
    %shift_right_arithmetic3A_1600 = vector.broadcast %shift_right_arithmetic3A_1599 : i32 to vector<16xi32>
    %shift_right_arithmetic3A_1601 = arith.shrsi %add3A_1598, %shift_right_arithmetic3A_1600 : vector<16xi32>
    %and3A_1602 = arith.constant 1023 : i32
    %and3A_1603 = vector.broadcast %and3A_1602 : i32 to vector<16xi32>
    %and3A_1604 = arith.andi %shift_right_arithmetic3A_1601, %and3A_1603 : vector<16xi32>
    %shift_right_arithmetic3A_1605 = arith.constant 10 : i32
    %shift_right_arithmetic3A_1606 = vector.broadcast %shift_right_arithmetic3A_1605 : i32 to vector<16xi32>
    %shift_right_arithmetic3A_1607 = arith.shrsi %shift_right_arithmetic3A_1601, %shift_right_arithmetic3A_1606 : vector<16xi32>
    %shift_left3A_1608 = arith.constant 1 : i32
    %shift_left3A_1609 = vector.broadcast %shift_left3A_1608 : i32 to vector<16xi32>
    %shift_left3A_1610 = arith.shli %shift_right_arithmetic3A_1607, %shift_left3A_1609 : vector<16xi32>
    %and3A_1611 = arith.constant 1 : i32
    %and3A_1612 = vector.broadcast %and3A_1611 : i32 to vector<16xi32>
    %and3A_1613 = arith.andi %add3A_1598, %and3A_1612 : vector<16xi32>
    %or3A_1614 = arith.ori %shift_left3A_1610, %and3A_1613 : vector<16xi32>
    %gather3A_1615 = tpu.vector_load_idx %arg4[%or3A_1614, %and3A_1604] : memref<50x1024xi32, #tpu.memory_space<vmem>>[vector<16xi32>, vector<16xi32>], vector<16xi32>,
    %lt3A_1616 = arith.constant 50048 : i32
    %lt3A_1617 = vector.broadcast %lt3A_1616 : i32 to vector<16xi32>
    %lt3A_1618 = arith.cmpi slt, %gather3A_1615, %lt3A_1617 : vector<16xi32>
    %mul3A_1619 = arith.constant 2 : i32
    %mul3A_1620 = vector.broadcast %mul3A_1619 : i32 to vector<16xi32>
    %mul3A_1621 = arith.muli %gather3A_1615, %mul3A_1620 : vector<16xi32>
    %mul3A_1622 = arith.constant 2 : i32
    %mul3A_1623 = vector.broadcast %mul3A_1622 : i32 to vector<16xi32>
    %mul3A_1624 = arith.muli %gather3A_1615, %mul3A_1623 : vector<16xi32>
    %sub3A_1625 = arith.constant 100095 : i32
    %sub3A_1626 = vector.broadcast %sub3A_1625 : i32 to vector<16xi32>
    %sub3A_1627 = arith.subi %mul3A_1624, %sub3A_1626 : vector<16xi32>
    %select_n3A_1628 = arith.select %lt3A_1618, %mul3A_1621, %sub3A_1627 : vector<16xi1>, vector<16xi32>
    %swap3A_1629 = arith.constant 7 : i32
    %swap3A_1630 = arith.index_cast %swap3A_1629 : i32 to index
    %swap3A_1631 = arith.constant 64 : index
    %swap3A_1632 = tpu.vector_load %arg5[%swap3A_1630, %swap3A_1631] {strides = array<i32>} : memref<20x80xi32, #tpu.memory_space<vmem>>, vector<16xi32>,
    tpu.vector_store %arg5[%swap3A_1630, %swap3A_1631], %select_n3A_1628 {strides = array<i32>} : memref<20x80xi32, #tpu.memory_space<vmem>>, vector<16xi32>,
    %add3A_1633 = arith.constant 640 : i32
    %add3A_1634 = arith.addi %mul3A_2, %add3A_1633 : i32
    %add3A_1635 = arith.constant 0 : i32
    %add3A_1636 = arith.addi %add3A_1634, %add3A_1635 : i32
    %iota3A_1637 = tpu.iota {dimensions = array<i32: 0>} : vector<16xi32>
    %add3A_1638 = vector.broadcast %add3A_1636 : i32 to vector<16xi32>
    %add3A_1639 = arith.addi %add3A_1638, %iota3A_1637 : vector<16xi32>
    %shift_right_arithmetic3A_1640 = arith.constant 1 : i32
    %shift_right_arithmetic3A_1641 = vector.broadcast %shift_right_arithmetic3A_1640 : i32 to vector<16xi32>
    %shift_right_arithmetic3A_1642 = arith.shrsi %add3A_1639, %shift_right_arithmetic3A_1641 : vector<16xi32>
    %and3A_1643 = arith.constant 1023 : i32
    %and3A_1644 = vector.broadcast %and3A_1643 : i32 to vector<16xi32>
    %and3A_1645 = arith.andi %shift_right_arithmetic3A_1642, %and3A_1644 : vector<16xi32>
    %shift_right_arithmetic3A_1646 = arith.constant 10 : i32
    %shift_right_arithmetic3A_1647 = vector.broadcast %shift_right_arithmetic3A_1646 : i32 to vector<16xi32>
    %shift_right_arithmetic3A_1648 = arith.shrsi %shift_right_arithmetic3A_1642, %shift_right_arithmetic3A_1647 : vector<16xi32>
    %shift_left3A_1649 = arith.constant 1 : i32
    %shift_left3A_1650 = vector.broadcast %shift_left3A_1649 : i32 to vector<16xi32>
    %shift_left3A_1651 = arith.shli %shift_right_arithmetic3A_1648, %shift_left3A_1650 : vector<16xi32>
    %and3A_1652 = arith.constant 1 : i32
    %and3A_1653 = vector.broadcast %and3A_1652 : i32 to vector<16xi32>
    %and3A_1654 = arith.andi %add3A_1639, %and3A_1653 : vector<16xi32>
    %or3A_1655 = arith.ori %shift_left3A_1651, %and3A_1654 : vector<16xi32>
    %gather3A_1656 = tpu.vector_load_idx %arg4[%or3A_1655, %and3A_1645] : memref<50x1024xi32, #tpu.memory_space<vmem>>[vector<16xi32>, vector<16xi32>], vector<16xi32>,
    %lt3A_1657 = arith.constant 50048 : i32
    %lt3A_1658 = vector.broadcast %lt3A_1657 : i32 to vector<16xi32>
    %lt3A_1659 = arith.cmpi slt, %gather3A_1656, %lt3A_1658 : vector<16xi32>
    %mul3A_1660 = arith.constant 2 : i32
    %mul3A_1661 = vector.broadcast %mul3A_1660 : i32 to vector<16xi32>
    %mul3A_1662 = arith.muli %gather3A_1656, %mul3A_1661 : vector<16xi32>
    %mul3A_1663 = arith.constant 2 : i32
    %mul3A_1664 = vector.broadcast %mul3A_1663 : i32 to vector<16xi32>
    %mul3A_1665 = arith.muli %gather3A_1656, %mul3A_1664 : vector<16xi32>
    %sub3A_1666 = arith.constant 100095 : i32
    %sub3A_1667 = vector.broadcast %sub3A_1666 : i32 to vector<16xi32>
    %sub3A_1668 = arith.subi %mul3A_1665, %sub3A_1667 : vector<16xi32>
    %select_n3A_1669 = arith.select %lt3A_1659, %mul3A_1662, %sub3A_1668 : vector<16xi1>, vector<16xi32>
    %swap3A_1670 = arith.constant 8 : i32
    %swap3A_1671 = arith.index_cast %swap3A_1670 : i32 to index
    %swap3A_1672 = arith.constant 0 : index
    %swap3A_1673 = tpu.vector_load %arg5[%swap3A_1671, %swap3A_1672] {strides = array<i32>} : memref<20x80xi32, #tpu.memory_space<vmem>>, vector<16xi32>,
    tpu.vector_store %arg5[%swap3A_1671, %swap3A_1672], %select_n3A_1669 {strides = array<i32>} : memref<20x80xi32, #tpu.memory_space<vmem>>, vector<16xi32>,
    %add3A_1674 = arith.constant 640 : i32
    %add3A_1675 = arith.addi %mul3A_2, %add3A_1674 : i32
    %add3A_1676 = arith.constant 16 : i32
    %add3A_1677 = arith.addi %add3A_1675, %add3A_1676 : i32
    %iota3A_1678 = tpu.iota {dimensions = array<i32: 0>} : vector<16xi32>
    %add3A_1679 = vector.broadcast %add3A_1677 : i32 to vector<16xi32>
    %add3A_1680 = arith.addi %add3A_1679, %iota3A_1678 : vector<16xi32>
    %shift_right_arithmetic3A_1681 = arith.constant 1 : i32
    %shift_right_arithmetic3A_1682 = vector.broadcast %shift_right_arithmetic3A_1681 : i32 to vector<16xi32>
    %shift_right_arithmetic3A_1683 = arith.shrsi %add3A_1680, %shift_right_arithmetic3A_1682 : vector<16xi32>
    %and3A_1684 = arith.constant 1023 : i32
    %and3A_1685 = vector.broadcast %and3A_1684 : i32 to vector<16xi32>
    %and3A_1686 = arith.andi %shift_right_arithmetic3A_1683, %and3A_1685 : vector<16xi32>
    %shift_right_arithmetic3A_1687 = arith.constant 10 : i32
    %shift_right_arithmetic3A_1688 = vector.broadcast %shift_right_arithmetic3A_1687 : i32 to vector<16xi32>
    %shift_right_arithmetic3A_1689 = arith.shrsi %shift_right_arithmetic3A_1683, %shift_right_arithmetic3A_1688 : vector<16xi32>
    %shift_left3A_1690 = arith.constant 1 : i32
    %shift_left3A_1691 = vector.broadcast %shift_left3A_1690 : i32 to vector<16xi32>
    %shift_left3A_1692 = arith.shli %shift_right_arithmetic3A_1689, %shift_left3A_1691 : vector<16xi32>
    %and3A_1693 = arith.constant 1 : i32
    %and3A_1694 = vector.broadcast %and3A_1693 : i32 to vector<16xi32>
    %and3A_1695 = arith.andi %add3A_1680, %and3A_1694 : vector<16xi32>
    %or3A_1696 = arith.ori %shift_left3A_1692, %and3A_1695 : vector<16xi32>
    %gather3A_1697 = tpu.vector_load_idx %arg4[%or3A_1696, %and3A_1686] : memref<50x1024xi32, #tpu.memory_space<vmem>>[vector<16xi32>, vector<16xi32>], vector<16xi32>,
    %lt3A_1698 = arith.constant 50048 : i32
    %lt3A_1699 = vector.broadcast %lt3A_1698 : i32 to vector<16xi32>
    %lt3A_1700 = arith.cmpi slt, %gather3A_1697, %lt3A_1699 : vector<16xi32>
    %mul3A_1701 = arith.constant 2 : i32
    %mul3A_1702 = vector.broadcast %mul3A_1701 : i32 to vector<16xi32>
    %mul3A_1703 = arith.muli %gather3A_1697, %mul3A_1702 : vector<16xi32>
    %mul3A_1704 = arith.constant 2 : i32
    %mul3A_1705 = vector.broadcast %mul3A_1704 : i32 to vector<16xi32>
    %mul3A_1706 = arith.muli %gather3A_1697, %mul3A_1705 : vector<16xi32>
    %sub3A_1707 = arith.constant 100095 : i32
    %sub3A_1708 = vector.broadcast %sub3A_1707 : i32 to vector<16xi32>
    %sub3A_1709 = arith.subi %mul3A_1706, %sub3A_1708 : vector<16xi32>
    %select_n3A_1710 = arith.select %lt3A_1700, %mul3A_1703, %sub3A_1709 : vector<16xi1>, vector<16xi32>
    %swap3A_1711 = arith.constant 8 : i32
    %swap3A_1712 = arith.index_cast %swap3A_1711 : i32 to index
    %swap3A_1713 = arith.constant 16 : index
    %swap3A_1714 = tpu.vector_load %arg5[%swap3A_1712, %swap3A_1713] {strides = array<i32>} : memref<20x80xi32, #tpu.memory_space<vmem>>, vector<16xi32>,
    tpu.vector_store %arg5[%swap3A_1712, %swap3A_1713], %select_n3A_1710 {strides = array<i32>} : memref<20x80xi32, #tpu.memory_space<vmem>>, vector<16xi32>,
    %add3A_1715 = arith.constant 640 : i32
    %add3A_1716 = arith.addi %mul3A_2, %add3A_1715 : i32
    %add3A_1717 = arith.constant 32 : i32
    %add3A_1718 = arith.addi %add3A_1716, %add3A_1717 : i32
    %iota3A_1719 = tpu.iota {dimensions = array<i32: 0>} : vector<16xi32>
    %add3A_1720 = vector.broadcast %add3A_1718 : i32 to vector<16xi32>
    %add3A_1721 = arith.addi %add3A_1720, %iota3A_1719 : vector<16xi32>
    %shift_right_arithmetic3A_1722 = arith.constant 1 : i32
    %shift_right_arithmetic3A_1723 = vector.broadcast %shift_right_arithmetic3A_1722 : i32 to vector<16xi32>
    %shift_right_arithmetic3A_1724 = arith.shrsi %add3A_1721, %shift_right_arithmetic3A_1723 : vector<16xi32>
    %and3A_1725 = arith.constant 1023 : i32
    %and3A_1726 = vector.broadcast %and3A_1725 : i32 to vector<16xi32>
    %and3A_1727 = arith.andi %shift_right_arithmetic3A_1724, %and3A_1726 : vector<16xi32>
    %shift_right_arithmetic3A_1728 = arith.constant 10 : i32
    %shift_right_arithmetic3A_1729 = vector.broadcast %shift_right_arithmetic3A_1728 : i32 to vector<16xi32>
    %shift_right_arithmetic3A_1730 = arith.shrsi %shift_right_arithmetic3A_1724, %shift_right_arithmetic3A_1729 : vector<16xi32>
    %shift_left3A_1731 = arith.constant 1 : i32
    %shift_left3A_1732 = vector.broadcast %shift_left3A_1731 : i32 to vector<16xi32>
    %shift_left3A_1733 = arith.shli %shift_right_arithmetic3A_1730, %shift_left3A_1732 : vector<16xi32>
    %and3A_1734 = arith.constant 1 : i32
    %and3A_1735 = vector.broadcast %and3A_1734 : i32 to vector<16xi32>
    %and3A_1736 = arith.andi %add3A_1721, %and3A_1735 : vector<16xi32>
    %or3A_1737 = arith.ori %shift_left3A_1733, %and3A_1736 : vector<16xi32>
    %gather3A_1738 = tpu.vector_load_idx %arg4[%or3A_1737, %and3A_1727] : memref<50x1024xi32, #tpu.memory_space<vmem>>[vector<16xi32>, vector<16xi32>], vector<16xi32>,
    %lt3A_1739 = arith.constant 50048 : i32
    %lt3A_1740 = vector.broadcast %lt3A_1739 : i32 to vector<16xi32>
    %lt3A_1741 = arith.cmpi slt, %gather3A_1738, %lt3A_1740 : vector<16xi32>
    %mul3A_1742 = arith.constant 2 : i32
    %mul3A_1743 = vector.broadcast %mul3A_1742 : i32 to vector<16xi32>
    %mul3A_1744 = arith.muli %gather3A_1738, %mul3A_1743 : vector<16xi32>
    %mul3A_1745 = arith.constant 2 : i32
    %mul3A_1746 = vector.broadcast %mul3A_1745 : i32 to vector<16xi32>
    %mul3A_1747 = arith.muli %gather3A_1738, %mul3A_1746 : vector<16xi32>
    %sub3A_1748 = arith.constant 100095 : i32
    %sub3A_1749 = vector.broadcast %sub3A_1748 : i32 to vector<16xi32>
    %sub3A_1750 = arith.subi %mul3A_1747, %sub3A_1749 : vector<16xi32>
    %select_n3A_1751 = arith.select %lt3A_1741, %mul3A_1744, %sub3A_1750 : vector<16xi1>, vector<16xi32>
    %swap3A_1752 = arith.constant 8 : i32
    %swap3A_1753 = arith.index_cast %swap3A_1752 : i32 to index
    %swap3A_1754 = arith.constant 32 : index
    %swap3A_1755 = tpu.vector_load %arg5[%swap3A_1753, %swap3A_1754] {strides = array<i32>} : memref<20x80xi32, #tpu.memory_space<vmem>>, vector<16xi32>,
    tpu.vector_store %arg5[%swap3A_1753, %swap3A_1754], %select_n3A_1751 {strides = array<i32>} : memref<20x80xi32, #tpu.memory_space<vmem>>, vector<16xi32>,
    %add3A_1756 = arith.constant 640 : i32
    %add3A_1757 = arith.addi %mul3A_2, %add3A_1756 : i32
    %add3A_1758 = arith.constant 48 : i32
    %add3A_1759 = arith.addi %add3A_1757, %add3A_1758 : i32
    %iota3A_1760 = tpu.iota {dimensions = array<i32: 0>} : vector<16xi32>
    %add3A_1761 = vector.broadcast %add3A_1759 : i32 to vector<16xi32>
    %add3A_1762 = arith.addi %add3A_1761, %iota3A_1760 : vector<16xi32>
    %shift_right_arithmetic3A_1763 = arith.constant 1 : i32
    %shift_right_arithmetic3A_1764 = vector.broadcast %shift_right_arithmetic3A_1763 : i32 to vector<16xi32>
    %shift_right_arithmetic3A_1765 = arith.shrsi %add3A_1762, %shift_right_arithmetic3A_1764 : vector<16xi32>
    %and3A_1766 = arith.constant 1023 : i32
    %and3A_1767 = vector.broadcast %and3A_1766 : i32 to vector<16xi32>
    %and3A_1768 = arith.andi %shift_right_arithmetic3A_1765, %and3A_1767 : vector<16xi32>
    %shift_right_arithmetic3A_1769 = arith.constant 10 : i32
    %shift_right_arithmetic3A_1770 = vector.broadcast %shift_right_arithmetic3A_1769 : i32 to vector<16xi32>
    %shift_right_arithmetic3A_1771 = arith.shrsi %shift_right_arithmetic3A_1765, %shift_right_arithmetic3A_1770 : vector<16xi32>
    %shift_left3A_1772 = arith.constant 1 : i32
    %shift_left3A_1773 = vector.broadcast %shift_left3A_1772 : i32 to vector<16xi32>
    %shift_left3A_1774 = arith.shli %shift_right_arithmetic3A_1771, %shift_left3A_1773 : vector<16xi32>
    %and3A_1775 = arith.constant 1 : i32
    %and3A_1776 = vector.broadcast %and3A_1775 : i32 to vector<16xi32>
    %and3A_1777 = arith.andi %add3A_1762, %and3A_1776 : vector<16xi32>
    %or3A_1778 = arith.ori %shift_left3A_1774, %and3A_1777 : vector<16xi32>
    %gather3A_1779 = tpu.vector_load_idx %arg4[%or3A_1778, %and3A_1768] : memref<50x1024xi32, #tpu.memory_space<vmem>>[vector<16xi32>, vector<16xi32>], vector<16xi32>,
    %lt3A_1780 = arith.constant 50048 : i32
    %lt3A_1781 = vector.broadcast %lt3A_1780 : i32 to vector<16xi32>
    %lt3A_1782 = arith.cmpi slt, %gather3A_1779, %lt3A_1781 : vector<16xi32>
    %mul3A_1783 = arith.constant 2 : i32
    %mul3A_1784 = vector.broadcast %mul3A_1783 : i32 to vector<16xi32>
    %mul3A_1785 = arith.muli %gather3A_1779, %mul3A_1784 : vector<16xi32>
    %mul3A_1786 = arith.constant 2 : i32
    %mul3A_1787 = vector.broadcast %mul3A_1786 : i32 to vector<16xi32>
    %mul3A_1788 = arith.muli %gather3A_1779, %mul3A_1787 : vector<16xi32>
    %sub3A_1789 = arith.constant 100095 : i32
    %sub3A_1790 = vector.broadcast %sub3A_1789 : i32 to vector<16xi32>
    %sub3A_1791 = arith.subi %mul3A_1788, %sub3A_1790 : vector<16xi32>
    %select_n3A_1792 = arith.select %lt3A_1782, %mul3A_1785, %sub3A_1791 : vector<16xi1>, vector<16xi32>
    %swap3A_1793 = arith.constant 8 : i32
    %swap3A_1794 = arith.index_cast %swap3A_1793 : i32 to index
    %swap3A_1795 = arith.constant 48 : index
    %swap3A_1796 = tpu.vector_load %arg5[%swap3A_1794, %swap3A_1795] {strides = array<i32>} : memref<20x80xi32, #tpu.memory_space<vmem>>, vector<16xi32>,
    tpu.vector_store %arg5[%swap3A_1794, %swap3A_1795], %select_n3A_1792 {strides = array<i32>} : memref<20x80xi32, #tpu.memory_space<vmem>>, vector<16xi32>,
    %add3A_1797 = arith.constant 640 : i32
    %add3A_1798 = arith.addi %mul3A_2, %add3A_1797 : i32
    %add3A_1799 = arith.constant 64 : i32
    %add3A_1800 = arith.addi %add3A_1798, %add3A_1799 : i32
    %iota3A_1801 = tpu.iota {dimensions = array<i32: 0>} : vector<16xi32>
    %add3A_1802 = vector.broadcast %add3A_1800 : i32 to vector<16xi32>
    %add3A_1803 = arith.addi %add3A_1802, %iota3A_1801 : vector<16xi32>
    %shift_right_arithmetic3A_1804 = arith.constant 1 : i32
    %shift_right_arithmetic3A_1805 = vector.broadcast %shift_right_arithmetic3A_1804 : i32 to vector<16xi32>
    %shift_right_arithmetic3A_1806 = arith.shrsi %add3A_1803, %shift_right_arithmetic3A_1805 : vector<16xi32>
    %and3A_1807 = arith.constant 1023 : i32
    %and3A_1808 = vector.broadcast %and3A_1807 : i32 to vector<16xi32>
    %and3A_1809 = arith.andi %shift_right_arithmetic3A_1806, %and3A_1808 : vector<16xi32>
    %shift_right_arithmetic3A_1810 = arith.constant 10 : i32
    %shift_right_arithmetic3A_1811 = vector.broadcast %shift_right_arithmetic3A_1810 : i32 to vector<16xi32>
    %shift_right_arithmetic3A_1812 = arith.shrsi %shift_right_arithmetic3A_1806, %shift_right_arithmetic3A_1811 : vector<16xi32>
    %shift_left3A_1813 = arith.constant 1 : i32
    %shift_left3A_1814 = vector.broadcast %shift_left3A_1813 : i32 to vector<16xi32>
    %shift_left3A_1815 = arith.shli %shift_right_arithmetic3A_1812, %shift_left3A_1814 : vector<16xi32>
    %and3A_1816 = arith.constant 1 : i32
    %and3A_1817 = vector.broadcast %and3A_1816 : i32 to vector<16xi32>
    %and3A_1818 = arith.andi %add3A_1803, %and3A_1817 : vector<16xi32>
    %or3A_1819 = arith.ori %shift_left3A_1815, %and3A_1818 : vector<16xi32>
    %gather3A_1820 = tpu.vector_load_idx %arg4[%or3A_1819, %and3A_1809] : memref<50x1024xi32, #tpu.memory_space<vmem>>[vector<16xi32>, vector<16xi32>], vector<16xi32>,
    %lt3A_1821 = arith.constant 50048 : i32
    %lt3A_1822 = vector.broadcast %lt3A_1821 : i32 to vector<16xi32>
    %lt3A_1823 = arith.cmpi slt, %gather3A_1820, %lt3A_1822 : vector<16xi32>
    %mul3A_1824 = arith.constant 2 : i32
    %mul3A_1825 = vector.broadcast %mul3A_1824 : i32 to vector<16xi32>
    %mul3A_1826 = arith.muli %gather3A_1820, %mul3A_1825 : vector<16xi32>
    %mul3A_1827 = arith.constant 2 : i32
    %mul3A_1828 = vector.broadcast %mul3A_1827 : i32 to vector<16xi32>
    %mul3A_1829 = arith.muli %gather3A_1820, %mul3A_1828 : vector<16xi32>
    %sub3A_1830 = arith.constant 100095 : i32
    %sub3A_1831 = vector.broadcast %sub3A_1830 : i32 to vector<16xi32>
    %sub3A_1832 = arith.subi %mul3A_1829, %sub3A_1831 : vector<16xi32>
    %select_n3A_1833 = arith.select %lt3A_1823, %mul3A_1826, %sub3A_1832 : vector<16xi1>, vector<16xi32>
    %swap3A_1834 = arith.constant 8 : i32
    %swap3A_1835 = arith.index_cast %swap3A_1834 : i32 to index
    %swap3A_1836 = arith.constant 64 : index
    %swap3A_1837 = tpu.vector_load %arg5[%swap3A_1835, %swap3A_1836] {strides = array<i32>} : memref<20x80xi32, #tpu.memory_space<vmem>>, vector<16xi32>,
    tpu.vector_store %arg5[%swap3A_1835, %swap3A_1836], %select_n3A_1833 {strides = array<i32>} : memref<20x80xi32, #tpu.memory_space<vmem>>, vector<16xi32>,
    %add3A_1838 = arith.constant 720 : i32
    %add3A_1839 = arith.addi %mul3A_2, %add3A_1838 : i32
    %add3A_1840 = arith.constant 0 : i32
    %add3A_1841 = arith.addi %add3A_1839, %add3A_1840 : i32
    %iota3A_1842 = tpu.iota {dimensions = array<i32: 0>} : vector<16xi32>
    %add3A_1843 = vector.broadcast %add3A_1841 : i32 to vector<16xi32>
    %add3A_1844 = arith.addi %add3A_1843, %iota3A_1842 : vector<16xi32>
    %shift_right_arithmetic3A_1845 = arith.constant 1 : i32
    %shift_right_arithmetic3A_1846 = vector.broadcast %shift_right_arithmetic3A_1845 : i32 to vector<16xi32>
    %shift_right_arithmetic3A_1847 = arith.shrsi %add3A_1844, %shift_right_arithmetic3A_1846 : vector<16xi32>
    %and3A_1848 = arith.constant 1023 : i32
    %and3A_1849 = vector.broadcast %and3A_1848 : i32 to vector<16xi32>
    %and3A_1850 = arith.andi %shift_right_arithmetic3A_1847, %and3A_1849 : vector<16xi32>
    %shift_right_arithmetic3A_1851 = arith.constant 10 : i32
    %shift_right_arithmetic3A_1852 = vector.broadcast %shift_right_arithmetic3A_1851 : i32 to vector<16xi32>
    %shift_right_arithmetic3A_1853 = arith.shrsi %shift_right_arithmetic3A_1847, %shift_right_arithmetic3A_1852 : vector<16xi32>
    %shift_left3A_1854 = arith.constant 1 : i32
    %shift_left3A_1855 = vector.broadcast %shift_left3A_1854 : i32 to vector<16xi32>
    %shift_left3A_1856 = arith.shli %shift_right_arithmetic3A_1853, %shift_left3A_1855 : vector<16xi32>
    %and3A_1857 = arith.constant 1 : i32
    %and3A_1858 = vector.broadcast %and3A_1857 : i32 to vector<16xi32>
    %and3A_1859 = arith.andi %add3A_1844, %and3A_1858 : vector<16xi32>
    %or3A_1860 = arith.ori %shift_left3A_1856, %and3A_1859 : vector<16xi32>
    %gather3A_1861 = tpu.vector_load_idx %arg4[%or3A_1860, %and3A_1850] : memref<50x1024xi32, #tpu.memory_space<vmem>>[vector<16xi32>, vector<16xi32>], vector<16xi32>,
    %lt3A_1862 = arith.constant 50048 : i32
    %lt3A_1863 = vector.broadcast %lt3A_1862 : i32 to vector<16xi32>
    %lt3A_1864 = arith.cmpi slt, %gather3A_1861, %lt3A_1863 : vector<16xi32>
    %mul3A_1865 = arith.constant 2 : i32
    %mul3A_1866 = vector.broadcast %mul3A_1865 : i32 to vector<16xi32>
    %mul3A_1867 = arith.muli %gather3A_1861, %mul3A_1866 : vector<16xi32>
    %mul3A_1868 = arith.constant 2 : i32
    %mul3A_1869 = vector.broadcast %mul3A_1868 : i32 to vector<16xi32>
    %mul3A_1870 = arith.muli %gather3A_1861, %mul3A_1869 : vector<16xi32>
    %sub3A_1871 = arith.constant 100095 : i32
    %sub3A_1872 = vector.broadcast %sub3A_1871 : i32 to vector<16xi32>
    %sub3A_1873 = arith.subi %mul3A_1870, %sub3A_1872 : vector<16xi32>
    %select_n3A_1874 = arith.select %lt3A_1864, %mul3A_1867, %sub3A_1873 : vector<16xi1>, vector<16xi32>
    %swap3A_1875 = arith.constant 9 : i32
    %swap3A_1876 = arith.index_cast %swap3A_1875 : i32 to index
    %swap3A_1877 = arith.constant 0 : index
    %swap3A_1878 = tpu.vector_load %arg5[%swap3A_1876, %swap3A_1877] {strides = array<i32>} : memref<20x80xi32, #tpu.memory_space<vmem>>, vector<16xi32>,
    tpu.vector_store %arg5[%swap3A_1876, %swap3A_1877], %select_n3A_1874 {strides = array<i32>} : memref<20x80xi32, #tpu.memory_space<vmem>>, vector<16xi32>,
    %add3A_1879 = arith.constant 720 : i32
    %add3A_1880 = arith.addi %mul3A_2, %add3A_1879 : i32
    %add3A_1881 = arith.constant 16 : i32
    %add3A_1882 = arith.addi %add3A_1880, %add3A_1881 : i32
    %iota3A_1883 = tpu.iota {dimensions = array<i32: 0>} : vector<16xi32>
    %add3A_1884 = vector.broadcast %add3A_1882 : i32 to vector<16xi32>
    %add3A_1885 = arith.addi %add3A_1884, %iota3A_1883 : vector<16xi32>
    %shift_right_arithmetic3A_1886 = arith.constant 1 : i32
    %shift_right_arithmetic3A_1887 = vector.broadcast %shift_right_arithmetic3A_1886 : i32 to vector<16xi32>
    %shift_right_arithmetic3A_1888 = arith.shrsi %add3A_1885, %shift_right_arithmetic3A_1887 : vector<16xi32>
    %and3A_1889 = arith.constant 1023 : i32
    %and3A_1890 = vector.broadcast %and3A_1889 : i32 to vector<16xi32>
    %and3A_1891 = arith.andi %shift_right_arithmetic3A_1888, %and3A_1890 : vector<16xi32>
    %shift_right_arithmetic3A_1892 = arith.constant 10 : i32
    %shift_right_arithmetic3A_1893 = vector.broadcast %shift_right_arithmetic3A_1892 : i32 to vector<16xi32>
    %shift_right_arithmetic3A_1894 = arith.shrsi %shift_right_arithmetic3A_1888, %shift_right_arithmetic3A_1893 : vector<16xi32>
    %shift_left3A_1895 = arith.constant 1 : i32
    %shift_left3A_1896 = vector.broadcast %shift_left3A_1895 : i32 to vector<16xi32>
    %shift_left3A_1897 = arith.shli %shift_right_arithmetic3A_1894, %shift_left3A_1896 : vector<16xi32>
    %and3A_1898 = arith.constant 1 : i32
    %and3A_1899 = vector.broadcast %and3A_1898 : i32 to vector<16xi32>
    %and3A_1900 = arith.andi %add3A_1885, %and3A_1899 : vector<16xi32>
    %or3A_1901 = arith.ori %shift_left3A_1897, %and3A_1900 : vector<16xi32>
    %gather3A_1902 = tpu.vector_load_idx %arg4[%or3A_1901, %and3A_1891] : memref<50x1024xi32, #tpu.memory_space<vmem>>[vector<16xi32>, vector<16xi32>], vector<16xi32>,
    %lt3A_1903 = arith.constant 50048 : i32
    %lt3A_1904 = vector.broadcast %lt3A_1903 : i32 to vector<16xi32>
    %lt3A_1905 = arith.cmpi slt, %gather3A_1902, %lt3A_1904 : vector<16xi32>
    %mul3A_1906 = arith.constant 2 : i32
    %mul3A_1907 = vector.broadcast %mul3A_1906 : i32 to vector<16xi32>
    %mul3A_1908 = arith.muli %gather3A_1902, %mul3A_1907 : vector<16xi32>
    %mul3A_1909 = arith.constant 2 : i32
    %mul3A_1910 = vector.broadcast %mul3A_1909 : i32 to vector<16xi32>
    %mul3A_1911 = arith.muli %gather3A_1902, %mul3A_1910 : vector<16xi32>
    %sub3A_1912 = arith.constant 100095 : i32
    %sub3A_1913 = vector.broadcast %sub3A_1912 : i32 to vector<16xi32>
    %sub3A_1914 = arith.subi %mul3A_1911, %sub3A_1913 : vector<16xi32>
    %select_n3A_1915 = arith.select %lt3A_1905, %mul3A_1908, %sub3A_1914 : vector<16xi1>, vector<16xi32>
    %swap3A_1916 = arith.constant 9 : i32
    %swap3A_1917 = arith.index_cast %swap3A_1916 : i32 to index
    %swap3A_1918 = arith.constant 16 : index
    %swap3A_1919 = tpu.vector_load %arg5[%swap3A_1917, %swap3A_1918] {strides = array<i32>} : memref<20x80xi32, #tpu.memory_space<vmem>>, vector<16xi32>,
    tpu.vector_store %arg5[%swap3A_1917, %swap3A_1918], %select_n3A_1915 {strides = array<i32>} : memref<20x80xi32, #tpu.memory_space<vmem>>, vector<16xi32>,
    %add3A_1920 = arith.constant 720 : i32
    %add3A_1921 = arith.addi %mul3A_2, %add3A_1920 : i32
    %add3A_1922 = arith.constant 32 : i32
    %add3A_1923 = arith.addi %add3A_1921, %add3A_1922 : i32
    %iota3A_1924 = tpu.iota {dimensions = array<i32: 0>} : vector<16xi32>
    %add3A_1925 = vector.broadcast %add3A_1923 : i32 to vector<16xi32>
    %add3A_1926 = arith.addi %add3A_1925, %iota3A_1924 : vector<16xi32>
    %shift_right_arithmetic3A_1927 = arith.constant 1 : i32
    %shift_right_arithmetic3A_1928 = vector.broadcast %shift_right_arithmetic3A_1927 : i32 to vector<16xi32>
    %shift_right_arithmetic3A_1929 = arith.shrsi %add3A_1926, %shift_right_arithmetic3A_1928 : vector<16xi32>
    %and3A_1930 = arith.constant 1023 : i32
    %and3A_1931 = vector.broadcast %and3A_1930 : i32 to vector<16xi32>
    %and3A_1932 = arith.andi %shift_right_arithmetic3A_1929, %and3A_1931 : vector<16xi32>
    %shift_right_arithmetic3A_1933 = arith.constant 10 : i32
    %shift_right_arithmetic3A_1934 = vector.broadcast %shift_right_arithmetic3A_1933 : i32 to vector<16xi32>
    %shift_right_arithmetic3A_1935 = arith.shrsi %shift_right_arithmetic3A_1929, %shift_right_arithmetic3A_1934 : vector<16xi32>
    %shift_left3A_1936 = arith.constant 1 : i32
    %shift_left3A_1937 = vector.broadcast %shift_left3A_1936 : i32 to vector<16xi32>
    %shift_left3A_1938 = arith.shli %shift_right_arithmetic3A_1935, %shift_left3A_1937 : vector<16xi32>
    %and3A_1939 = arith.constant 1 : i32
    %and3A_1940 = vector.broadcast %and3A_1939 : i32 to vector<16xi32>
    %and3A_1941 = arith.andi %add3A_1926, %and3A_1940 : vector<16xi32>
    %or3A_1942 = arith.ori %shift_left3A_1938, %and3A_1941 : vector<16xi32>
    %gather3A_1943 = tpu.vector_load_idx %arg4[%or3A_1942, %and3A_1932] : memref<50x1024xi32, #tpu.memory_space<vmem>>[vector<16xi32>, vector<16xi32>], vector<16xi32>,
    %lt3A_1944 = arith.constant 50048 : i32
    %lt3A_1945 = vector.broadcast %lt3A_1944 : i32 to vector<16xi32>
    %lt3A_1946 = arith.cmpi slt, %gather3A_1943, %lt3A_1945 : vector<16xi32>
    %mul3A_1947 = arith.constant 2 : i32
    %mul3A_1948 = vector.broadcast %mul3A_1947 : i32 to vector<16xi32>
    %mul3A_1949 = arith.muli %gather3A_1943, %mul3A_1948 : vector<16xi32>
    %mul3A_1950 = arith.constant 2 : i32
    %mul3A_1951 = vector.broadcast %mul3A_1950 : i32 to vector<16xi32>
    %mul3A_1952 = arith.muli %gather3A_1943, %mul3A_1951 : vector<16xi32>
    %sub3A_1953 = arith.constant 100095 : i32
    %sub3A_1954 = vector.broadcast %sub3A_1953 : i32 to vector<16xi32>
    %sub3A_1955 = arith.subi %mul3A_1952, %sub3A_1954 : vector<16xi32>
    %select_n3A_1956 = arith.select %lt3A_1946, %mul3A_1949, %sub3A_1955 : vector<16xi1>, vector<16xi32>
    %swap3A_1957 = arith.constant 9 : i32
    %swap3A_1958 = arith.index_cast %swap3A_1957 : i32 to index
    %swap3A_1959 = arith.constant 32 : index
    %swap3A_1960 = tpu.vector_load %arg5[%swap3A_1958, %swap3A_1959] {strides = array<i32>} : memref<20x80xi32, #tpu.memory_space<vmem>>, vector<16xi32>,
    tpu.vector_store %arg5[%swap3A_1958, %swap3A_1959], %select_n3A_1956 {strides = array<i32>} : memref<20x80xi32, #tpu.memory_space<vmem>>, vector<16xi32>,
    %add3A_1961 = arith.constant 720 : i32
    %add3A_1962 = arith.addi %mul3A_2, %add3A_1961 : i32
    %add3A_1963 = arith.constant 48 : i32
    %add3A_1964 = arith.addi %add3A_1962, %add3A_1963 : i32
    %iota3A_1965 = tpu.iota {dimensions = array<i32: 0>} : vector<16xi32>
    %add3A_1966 = vector.broadcast %add3A_1964 : i32 to vector<16xi32>
    %add3A_1967 = arith.addi %add3A_1966, %iota3A_1965 : vector<16xi32>
    %shift_right_arithmetic3A_1968 = arith.constant 1 : i32
    %shift_right_arithmetic3A_1969 = vector.broadcast %shift_right_arithmetic3A_1968 : i32 to vector<16xi32>
    %shift_right_arithmetic3A_1970 = arith.shrsi %add3A_1967, %shift_right_arithmetic3A_1969 : vector<16xi32>
    %and3A_1971 = arith.constant 1023 : i32
    %and3A_1972 = vector.broadcast %and3A_1971 : i32 to vector<16xi32>
    %and3A_1973 = arith.andi %shift_right_arithmetic3A_1970, %and3A_1972 : vector<16xi32>
    %shift_right_arithmetic3A_1974 = arith.constant 10 : i32
    %shift_right_arithmetic3A_1975 = vector.broadcast %shift_right_arithmetic3A_1974 : i32 to vector<16xi32>
    %shift_right_arithmetic3A_1976 = arith.shrsi %shift_right_arithmetic3A_1970, %shift_right_arithmetic3A_1975 : vector<16xi32>
    %shift_left3A_1977 = arith.constant 1 : i32
    %shift_left3A_1978 = vector.broadcast %shift_left3A_1977 : i32 to vector<16xi32>
    %shift_left3A_1979 = arith.shli %shift_right_arithmetic3A_1976, %shift_left3A_1978 : vector<16xi32>
    %and3A_1980 = arith.constant 1 : i32
    %and3A_1981 = vector.broadcast %and3A_1980 : i32 to vector<16xi32>
    %and3A_1982 = arith.andi %add3A_1967, %and3A_1981 : vector<16xi32>
    %or3A_1983 = arith.ori %shift_left3A_1979, %and3A_1982 : vector<16xi32>
    %gather3A_1984 = tpu.vector_load_idx %arg4[%or3A_1983, %and3A_1973] : memref<50x1024xi32, #tpu.memory_space<vmem>>[vector<16xi32>, vector<16xi32>], vector<16xi32>,
    %lt3A_1985 = arith.constant 50048 : i32
    %lt3A_1986 = vector.broadcast %lt3A_1985 : i32 to vector<16xi32>
    %lt3A_1987 = arith.cmpi slt, %gather3A_1984, %lt3A_1986 : vector<16xi32>
    %mul3A_1988 = arith.constant 2 : i32
    %mul3A_1989 = vector.broadcast %mul3A_1988 : i32 to vector<16xi32>
    %mul3A_1990 = arith.muli %gather3A_1984, %mul3A_1989 : vector<16xi32>
    %mul3A_1991 = arith.constant 2 : i32
    %mul3A_1992 = vector.broadcast %mul3A_1991 : i32 to vector<16xi32>
    %mul3A_1993 = arith.muli %gather3A_1984, %mul3A_1992 : vector<16xi32>
    %sub3A_1994 = arith.constant 100095 : i32
    %sub3A_1995 = vector.broadcast %sub3A_1994 : i32 to vector<16xi32>
    %sub3A_1996 = arith.subi %mul3A_1993, %sub3A_1995 : vector<16xi32>
    %select_n3A_1997 = arith.select %lt3A_1987, %mul3A_1990, %sub3A_1996 : vector<16xi1>, vector<16xi32>
    %swap3A_1998 = arith.constant 9 : i32
    %swap3A_1999 = arith.index_cast %swap3A_1998 : i32 to index
    %swap3A_2000 = arith.constant 48 : index
    %swap3A_2001 = tpu.vector_load %arg5[%swap3A_1999, %swap3A_2000] {strides = array<i32>} : memref<20x80xi32, #tpu.memory_space<vmem>>, vector<16xi32>,
    tpu.vector_store %arg5[%swap3A_1999, %swap3A_2000], %select_n3A_1997 {strides = array<i32>} : memref<20x80xi32, #tpu.memory_space<vmem>>, vector<16xi32>,
    %add3A_2002 = arith.constant 720 : i32
    %add3A_2003 = arith.addi %mul3A_2, %add3A_2002 : i32
    %add3A_2004 = arith.constant 64 : i32
    %add3A_2005 = arith.addi %add3A_2003, %add3A_2004 : i32
    %iota3A_2006 = tpu.iota {dimensions = array<i32: 0>} : vector<16xi32>
    %add3A_2007 = vector.broadcast %add3A_2005 : i32 to vector<16xi32>
    %add3A_2008 = arith.addi %add3A_2007, %iota3A_2006 : vector<16xi32>
    %shift_right_arithmetic3A_2009 = arith.constant 1 : i32
    %shift_right_arithmetic3A_2010 = vector.broadcast %shift_right_arithmetic3A_2009 : i32 to vector<16xi32>
    %shift_right_arithmetic3A_2011 = arith.shrsi %add3A_2008, %shift_right_arithmetic3A_2010 : vector<16xi32>
    %and3A_2012 = arith.constant 1023 : i32
    %and3A_2013 = vector.broadcast %and3A_2012 : i32 to vector<16xi32>
    %and3A_2014 = arith.andi %shift_right_arithmetic3A_2011, %and3A_2013 : vector<16xi32>
    %shift_right_arithmetic3A_2015 = arith.constant 10 : i32
    %shift_right_arithmetic3A_2016 = vector.broadcast %shift_right_arithmetic3A_2015 : i32 to vector<16xi32>
    %shift_right_arithmetic3A_2017 = arith.shrsi %shift_right_arithmetic3A_2011, %shift_right_arithmetic3A_2016 : vector<16xi32>
    %shift_left3A_2018 = arith.constant 1 : i32
    %shift_left3A_2019 = vector.broadcast %shift_left3A_2018 : i32 to vector<16xi32>
    %shift_left3A_2020 = arith.shli %shift_right_arithmetic3A_2017, %shift_left3A_2019 : vector<16xi32>
    %and3A_2021 = arith.constant 1 : i32
    %and3A_2022 = vector.broadcast %and3A_2021 : i32 to vector<16xi32>
    %and3A_2023 = arith.andi %add3A_2008, %and3A_2022 : vector<16xi32>
    %or3A_2024 = arith.ori %shift_left3A_2020, %and3A_2023 : vector<16xi32>
    %gather3A_2025 = tpu.vector_load_idx %arg4[%or3A_2024, %and3A_2014] : memref<50x1024xi32, #tpu.memory_space<vmem>>[vector<16xi32>, vector<16xi32>], vector<16xi32>,
    %lt3A_2026 = arith.constant 50048 : i32
    %lt3A_2027 = vector.broadcast %lt3A_2026 : i32 to vector<16xi32>
    %lt3A_2028 = arith.cmpi slt, %gather3A_2025, %lt3A_2027 : vector<16xi32>
    %mul3A_2029 = arith.constant 2 : i32
    %mul3A_2030 = vector.broadcast %mul3A_2029 : i32 to vector<16xi32>
    %mul3A_2031 = arith.muli %gather3A_2025, %mul3A_2030 : vector<16xi32>
    %mul3A_2032 = arith.constant 2 : i32
    %mul3A_2033 = vector.broadcast %mul3A_2032 : i32 to vector<16xi32>
    %mul3A_2034 = arith.muli %gather3A_2025, %mul3A_2033 : vector<16xi32>
    %sub3A_2035 = arith.constant 100095 : i32
    %sub3A_2036 = vector.broadcast %sub3A_2035 : i32 to vector<16xi32>
    %sub3A_2037 = arith.subi %mul3A_2034, %sub3A_2036 : vector<16xi32>
    %select_n3A_2038 = arith.select %lt3A_2028, %mul3A_2031, %sub3A_2037 : vector<16xi1>, vector<16xi32>
    %swap3A_2039 = arith.constant 9 : i32
    %swap3A_2040 = arith.index_cast %swap3A_2039 : i32 to index
    %swap3A_2041 = arith.constant 64 : index
    %swap3A_2042 = tpu.vector_load %arg5[%swap3A_2040, %swap3A_2041] {strides = array<i32>} : memref<20x80xi32, #tpu.memory_space<vmem>>, vector<16xi32>,
    tpu.vector_store %arg5[%swap3A_2040, %swap3A_2041], %select_n3A_2038 {strides = array<i32>} : memref<20x80xi32, #tpu.memory_space<vmem>>, vector<16xi32>,
    %add3A_2043 = arith.constant 800 : i32
    %add3A_2044 = arith.addi %mul3A_2, %add3A_2043 : i32
    %add3A_2045 = arith.constant 0 : i32
    %add3A_2046 = arith.addi %add3A_2044, %add3A_2045 : i32
    %iota3A_2047 = tpu.iota {dimensions = array<i32: 0>} : vector<16xi32>
    %add3A_2048 = vector.broadcast %add3A_2046 : i32 to vector<16xi32>
    %add3A_2049 = arith.addi %add3A_2048, %iota3A_2047 : vector<16xi32>
    %shift_right_arithmetic3A_2050 = arith.constant 1 : i32
    %shift_right_arithmetic3A_2051 = vector.broadcast %shift_right_arithmetic3A_2050 : i32 to vector<16xi32>
    %shift_right_arithmetic3A_2052 = arith.shrsi %add3A_2049, %shift_right_arithmetic3A_2051 : vector<16xi32>
    %and3A_2053 = arith.constant 1023 : i32
    %and3A_2054 = vector.broadcast %and3A_2053 : i32 to vector<16xi32>
    %and3A_2055 = arith.andi %shift_right_arithmetic3A_2052, %and3A_2054 : vector<16xi32>
    %shift_right_arithmetic3A_2056 = arith.constant 10 : i32
    %shift_right_arithmetic3A_2057 = vector.broadcast %shift_right_arithmetic3A_2056 : i32 to vector<16xi32>
    %shift_right_arithmetic3A_2058 = arith.shrsi %shift_right_arithmetic3A_2052, %shift_right_arithmetic3A_2057 : vector<16xi32>
    %shift_left3A_2059 = arith.constant 1 : i32
    %shift_left3A_2060 = vector.broadcast %shift_left3A_2059 : i32 to vector<16xi32>
    %shift_left3A_2061 = arith.shli %shift_right_arithmetic3A_2058, %shift_left3A_2060 : vector<16xi32>
    %and3A_2062 = arith.constant 1 : i32
    %and3A_2063 = vector.broadcast %and3A_2062 : i32 to vector<16xi32>
    %and3A_2064 = arith.andi %add3A_2049, %and3A_2063 : vector<16xi32>
    %or3A_2065 = arith.ori %shift_left3A_2061, %and3A_2064 : vector<16xi32>
    %gather3A_2066 = tpu.vector_load_idx %arg4[%or3A_2065, %and3A_2055] : memref<50x1024xi32, #tpu.memory_space<vmem>>[vector<16xi32>, vector<16xi32>], vector<16xi32>,
    %lt3A_2067 = arith.constant 50048 : i32
    %lt3A_2068 = vector.broadcast %lt3A_2067 : i32 to vector<16xi32>
    %lt3A_2069 = arith.cmpi slt, %gather3A_2066, %lt3A_2068 : vector<16xi32>
    %mul3A_2070 = arith.constant 2 : i32
    %mul3A_2071 = vector.broadcast %mul3A_2070 : i32 to vector<16xi32>
    %mul3A_2072 = arith.muli %gather3A_2066, %mul3A_2071 : vector<16xi32>
    %mul3A_2073 = arith.constant 2 : i32
    %mul3A_2074 = vector.broadcast %mul3A_2073 : i32 to vector<16xi32>
    %mul3A_2075 = arith.muli %gather3A_2066, %mul3A_2074 : vector<16xi32>
    %sub3A_2076 = arith.constant 100095 : i32
    %sub3A_2077 = vector.broadcast %sub3A_2076 : i32 to vector<16xi32>
    %sub3A_2078 = arith.subi %mul3A_2075, %sub3A_2077 : vector<16xi32>
    %select_n3A_2079 = arith.select %lt3A_2069, %mul3A_2072, %sub3A_2078 : vector<16xi1>, vector<16xi32>
    %swap3A_2080 = arith.constant 10 : i32
    %swap3A_2081 = arith.index_cast %swap3A_2080 : i32 to index
    %swap3A_2082 = arith.constant 0 : index
    %swap3A_2083 = tpu.vector_load %arg5[%swap3A_2081, %swap3A_2082] {strides = array<i32>} : memref<20x80xi32, #tpu.memory_space<vmem>>, vector<16xi32>,
    tpu.vector_store %arg5[%swap3A_2081, %swap3A_2082], %select_n3A_2079 {strides = array<i32>} : memref<20x80xi32, #tpu.memory_space<vmem>>, vector<16xi32>,
    %add3A_2084 = arith.constant 800 : i32
    %add3A_2085 = arith.addi %mul3A_2, %add3A_2084 : i32
    %add3A_2086 = arith.constant 16 : i32
    %add3A_2087 = arith.addi %add3A_2085, %add3A_2086 : i32
    %iota3A_2088 = tpu.iota {dimensions = array<i32: 0>} : vector<16xi32>
    %add3A_2089 = vector.broadcast %add3A_2087 : i32 to vector<16xi32>
    %add3A_2090 = arith.addi %add3A_2089, %iota3A_2088 : vector<16xi32>
    %shift_right_arithmetic3A_2091 = arith.constant 1 : i32
    %shift_right_arithmetic3A_2092 = vector.broadcast %shift_right_arithmetic3A_2091 : i32 to vector<16xi32>
    %shift_right_arithmetic3A_2093 = arith.shrsi %add3A_2090, %shift_right_arithmetic3A_2092 : vector<16xi32>
    %and3A_2094 = arith.constant 1023 : i32
    %and3A_2095 = vector.broadcast %and3A_2094 : i32 to vector<16xi32>
    %and3A_2096 = arith.andi %shift_right_arithmetic3A_2093, %and3A_2095 : vector<16xi32>
    %shift_right_arithmetic3A_2097 = arith.constant 10 : i32
    %shift_right_arithmetic3A_2098 = vector.broadcast %shift_right_arithmetic3A_2097 : i32 to vector<16xi32>
    %shift_right_arithmetic3A_2099 = arith.shrsi %shift_right_arithmetic3A_2093, %shift_right_arithmetic3A_2098 : vector<16xi32>
    %shift_left3A_2100 = arith.constant 1 : i32
    %shift_left3A_2101 = vector.broadcast %shift_left3A_2100 : i32 to vector<16xi32>
    %shift_left3A_2102 = arith.shli %shift_right_arithmetic3A_2099, %shift_left3A_2101 : vector<16xi32>
    %and3A_2103 = arith.constant 1 : i32
    %and3A_2104 = vector.broadcast %and3A_2103 : i32 to vector<16xi32>
    %and3A_2105 = arith.andi %add3A_2090, %and3A_2104 : vector<16xi32>
    %or3A_2106 = arith.ori %shift_left3A_2102, %and3A_2105 : vector<16xi32>
    %gather3A_2107 = tpu.vector_load_idx %arg4[%or3A_2106, %and3A_2096] : memref<50x1024xi32, #tpu.memory_space<vmem>>[vector<16xi32>, vector<16xi32>], vector<16xi32>,
    %lt3A_2108 = arith.constant 50048 : i32
    %lt3A_2109 = vector.broadcast %lt3A_2108 : i32 to vector<16xi32>
    %lt3A_2110 = arith.cmpi slt, %gather3A_2107, %lt3A_2109 : vector<16xi32>
    %mul3A_2111 = arith.constant 2 : i32
    %mul3A_2112 = vector.broadcast %mul3A_2111 : i32 to vector<16xi32>
    %mul3A_2113 = arith.muli %gather3A_2107, %mul3A_2112 : vector<16xi32>
    %mul3A_2114 = arith.constant 2 : i32
    %mul3A_2115 = vector.broadcast %mul3A_2114 : i32 to vector<16xi32>
    %mul3A_2116 = arith.muli %gather3A_2107, %mul3A_2115 : vector<16xi32>
    %sub3A_2117 = arith.constant 100095 : i32
    %sub3A_2118 = vector.broadcast %sub3A_2117 : i32 to vector<16xi32>
    %sub3A_2119 = arith.subi %mul3A_2116, %sub3A_2118 : vector<16xi32>
    %select_n3A_2120 = arith.select %lt3A_2110, %mul3A_2113, %sub3A_2119 : vector<16xi1>, vector<16xi32>
    %swap3A_2121 = arith.constant 10 : i32
    %swap3A_2122 = arith.index_cast %swap3A_2121 : i32 to index
    %swap3A_2123 = arith.constant 16 : index
    %swap3A_2124 = tpu.vector_load %arg5[%swap3A_2122, %swap3A_2123] {strides = array<i32>} : memref<20x80xi32, #tpu.memory_space<vmem>>, vector<16xi32>,
    tpu.vector_store %arg5[%swap3A_2122, %swap3A_2123], %select_n3A_2120 {strides = array<i32>} : memref<20x80xi32, #tpu.memory_space<vmem>>, vector<16xi32>,
    %add3A_2125 = arith.constant 800 : i32
    %add3A_2126 = arith.addi %mul3A_2, %add3A_2125 : i32
    %add3A_2127 = arith.constant 32 : i32
    %add3A_2128 = arith.addi %add3A_2126, %add3A_2127 : i32
    %iota3A_2129 = tpu.iota {dimensions = array<i32: 0>} : vector<16xi32>
    %add3A_2130 = vector.broadcast %add3A_2128 : i32 to vector<16xi32>
    %add3A_2131 = arith.addi %add3A_2130, %iota3A_2129 : vector<16xi32>
    %shift_right_arithmetic3A_2132 = arith.constant 1 : i32
    %shift_right_arithmetic3A_2133 = vector.broadcast %shift_right_arithmetic3A_2132 : i32 to vector<16xi32>
    %shift_right_arithmetic3A_2134 = arith.shrsi %add3A_2131, %shift_right_arithmetic3A_2133 : vector<16xi32>
    %and3A_2135 = arith.constant 1023 : i32
    %and3A_2136 = vector.broadcast %and3A_2135 : i32 to vector<16xi32>
    %and3A_2137 = arith.andi %shift_right_arithmetic3A_2134, %and3A_2136 : vector<16xi32>
    %shift_right_arithmetic3A_2138 = arith.constant 10 : i32
    %shift_right_arithmetic3A_2139 = vector.broadcast %shift_right_arithmetic3A_2138 : i32 to vector<16xi32>
    %shift_right_arithmetic3A_2140 = arith.shrsi %shift_right_arithmetic3A_2134, %shift_right_arithmetic3A_2139 : vector<16xi32>
    %shift_left3A_2141 = arith.constant 1 : i32
    %shift_left3A_2142 = vector.broadcast %shift_left3A_2141 : i32 to vector<16xi32>
    %shift_left3A_2143 = arith.shli %shift_right_arithmetic3A_2140, %shift_left3A_2142 : vector<16xi32>
    %and3A_2144 = arith.constant 1 : i32
    %and3A_2145 = vector.broadcast %and3A_2144 : i32 to vector<16xi32>
    %and3A_2146 = arith.andi %add3A_2131, %and3A_2145 : vector<16xi32>
    %or3A_2147 = arith.ori %shift_left3A_2143, %and3A_2146 : vector<16xi32>
    %gather3A_2148 = tpu.vector_load_idx %arg4[%or3A_2147, %and3A_2137] : memref<50x1024xi32, #tpu.memory_space<vmem>>[vector<16xi32>, vector<16xi32>], vector<16xi32>,
    %lt3A_2149 = arith.constant 50048 : i32
    %lt3A_2150 = vector.broadcast %lt3A_2149 : i32 to vector<16xi32>
    %lt3A_2151 = arith.cmpi slt, %gather3A_2148, %lt3A_2150 : vector<16xi32>
    %mul3A_2152 = arith.constant 2 : i32
    %mul3A_2153 = vector.broadcast %mul3A_2152 : i32 to vector<16xi32>
    %mul3A_2154 = arith.muli %gather3A_2148, %mul3A_2153 : vector<16xi32>
    %mul3A_2155 = arith.constant 2 : i32
    %mul3A_2156 = vector.broadcast %mul3A_2155 : i32 to vector<16xi32>
    %mul3A_2157 = arith.muli %gather3A_2148, %mul3A_2156 : vector<16xi32>
    %sub3A_2158 = arith.constant 100095 : i32
    %sub3A_2159 = vector.broadcast %sub3A_2158 : i32 to vector<16xi32>
    %sub3A_2160 = arith.subi %mul3A_2157, %sub3A_2159 : vector<16xi32>
    %select_n3A_2161 = arith.select %lt3A_2151, %mul3A_2154, %sub3A_2160 : vector<16xi1>, vector<16xi32>
    %swap3A_2162 = arith.constant 10 : i32
    %swap3A_2163 = arith.index_cast %swap3A_2162 : i32 to index
    %swap3A_2164 = arith.constant 32 : index
    %swap3A_2165 = tpu.vector_load %arg5[%swap3A_2163, %swap3A_2164] {strides = array<i32>} : memref<20x80xi32, #tpu.memory_space<vmem>>, vector<16xi32>,
    tpu.vector_store %arg5[%swap3A_2163, %swap3A_2164], %select_n3A_2161 {strides = array<i32>} : memref<20x80xi32, #tpu.memory_space<vmem>>, vector<16xi32>,
    %add3A_2166 = arith.constant 800 : i32
    %add3A_2167 = arith.addi %mul3A_2, %add3A_2166 : i32
    %add3A_2168 = arith.constant 48 : i32
    %add3A_2169 = arith.addi %add3A_2167, %add3A_2168 : i32
    %iota3A_2170 = tpu.iota {dimensions = array<i32: 0>} : vector<16xi32>
    %add3A_2171 = vector.broadcast %add3A_2169 : i32 to vector<16xi32>
    %add3A_2172 = arith.addi %add3A_2171, %iota3A_2170 : vector<16xi32>
    %shift_right_arithmetic3A_2173 = arith.constant 1 : i32
    %shift_right_arithmetic3A_2174 = vector.broadcast %shift_right_arithmetic3A_2173 : i32 to vector<16xi32>
    %shift_right_arithmetic3A_2175 = arith.shrsi %add3A_2172, %shift_right_arithmetic3A_2174 : vector<16xi32>
    %and3A_2176 = arith.constant 1023 : i32
    %and3A_2177 = vector.broadcast %and3A_2176 : i32 to vector<16xi32>
    %and3A_2178 = arith.andi %shift_right_arithmetic3A_2175, %and3A_2177 : vector<16xi32>
    %shift_right_arithmetic3A_2179 = arith.constant 10 : i32
    %shift_right_arithmetic3A_2180 = vector.broadcast %shift_right_arithmetic3A_2179 : i32 to vector<16xi32>
    %shift_right_arithmetic3A_2181 = arith.shrsi %shift_right_arithmetic3A_2175, %shift_right_arithmetic3A_2180 : vector<16xi32>
    %shift_left3A_2182 = arith.constant 1 : i32
    %shift_left3A_2183 = vector.broadcast %shift_left3A_2182 : i32 to vector<16xi32>
    %shift_left3A_2184 = arith.shli %shift_right_arithmetic3A_2181, %shift_left3A_2183 : vector<16xi32>
    %and3A_2185 = arith.constant 1 : i32
    %and3A_2186 = vector.broadcast %and3A_2185 : i32 to vector<16xi32>
    %and3A_2187 = arith.andi %add3A_2172, %and3A_2186 : vector<16xi32>
    %or3A_2188 = arith.ori %shift_left3A_2184, %and3A_2187 : vector<16xi32>
    %gather3A_2189 = tpu.vector_load_idx %arg4[%or3A_2188, %and3A_2178] : memref<50x1024xi32, #tpu.memory_space<vmem>>[vector<16xi32>, vector<16xi32>], vector<16xi32>,
    %lt3A_2190 = arith.constant 50048 : i32
    %lt3A_2191 = vector.broadcast %lt3A_2190 : i32 to vector<16xi32>
    %lt3A_2192 = arith.cmpi slt, %gather3A_2189, %lt3A_2191 : vector<16xi32>
    %mul3A_2193 = arith.constant 2 : i32
    %mul3A_2194 = vector.broadcast %mul3A_2193 : i32 to vector<16xi32>
    %mul3A_2195 = arith.muli %gather3A_2189, %mul3A_2194 : vector<16xi32>
    %mul3A_2196 = arith.constant 2 : i32
    %mul3A_2197 = vector.broadcast %mul3A_2196 : i32 to vector<16xi32>
    %mul3A_2198 = arith.muli %gather3A_2189, %mul3A_2197 : vector<16xi32>
    %sub3A_2199 = arith.constant 100095 : i32
    %sub3A_2200 = vector.broadcast %sub3A_2199 : i32 to vector<16xi32>
    %sub3A_2201 = arith.subi %mul3A_2198, %sub3A_2200 : vector<16xi32>
    %select_n3A_2202 = arith.select %lt3A_2192, %mul3A_2195, %sub3A_2201 : vector<16xi1>, vector<16xi32>
    %swap3A_2203 = arith.constant 10 : i32
    %swap3A_2204 = arith.index_cast %swap3A_2203 : i32 to index
    %swap3A_2205 = arith.constant 48 : index
    %swap3A_2206 = tpu.vector_load %arg5[%swap3A_2204, %swap3A_2205] {strides = array<i32>} : memref<20x80xi32, #tpu.memory_space<vmem>>, vector<16xi32>,
    tpu.vector_store %arg5[%swap3A_2204, %swap3A_2205], %select_n3A_2202 {strides = array<i32>} : memref<20x80xi32, #tpu.memory_space<vmem>>, vector<16xi32>,
    %add3A_2207 = arith.constant 800 : i32
    %add3A_2208 = arith.addi %mul3A_2, %add3A_2207 : i32
    %add3A_2209 = arith.constant 64 : i32
    %add3A_2210 = arith.addi %add3A_2208, %add3A_2209 : i32
    %iota3A_2211 = tpu.iota {dimensions = array<i32: 0>} : vector<16xi32>
    %add3A_2212 = vector.broadcast %add3A_2210 : i32 to vector<16xi32>
    %add3A_2213 = arith.addi %add3A_2212, %iota3A_2211 : vector<16xi32>
    %shift_right_arithmetic3A_2214 = arith.constant 1 : i32
    %shift_right_arithmetic3A_2215 = vector.broadcast %shift_right_arithmetic3A_2214 : i32 to vector<16xi32>
    %shift_right_arithmetic3A_2216 = arith.shrsi %add3A_2213, %shift_right_arithmetic3A_2215 : vector<16xi32>
    %and3A_2217 = arith.constant 1023 : i32
    %and3A_2218 = vector.broadcast %and3A_2217 : i32 to vector<16xi32>
    %and3A_2219 = arith.andi %shift_right_arithmetic3A_2216, %and3A_2218 : vector<16xi32>
    %shift_right_arithmetic3A_2220 = arith.constant 10 : i32
    %shift_right_arithmetic3A_2221 = vector.broadcast %shift_right_arithmetic3A_2220 : i32 to vector<16xi32>
    %shift_right_arithmetic3A_2222 = arith.shrsi %shift_right_arithmetic3A_2216, %shift_right_arithmetic3A_2221 : vector<16xi32>
    %shift_left3A_2223 = arith.constant 1 : i32
    %shift_left3A_2224 = vector.broadcast %shift_left3A_2223 : i32 to vector<16xi32>
    %shift_left3A_2225 = arith.shli %shift_right_arithmetic3A_2222, %shift_left3A_2224 : vector<16xi32>
    %and3A_2226 = arith.constant 1 : i32
    %and3A_2227 = vector.broadcast %and3A_2226 : i32 to vector<16xi32>
    %and3A_2228 = arith.andi %add3A_2213, %and3A_2227 : vector<16xi32>
    %or3A_2229 = arith.ori %shift_left3A_2225, %and3A_2228 : vector<16xi32>
    %gather3A_2230 = tpu.vector_load_idx %arg4[%or3A_2229, %and3A_2219] : memref<50x1024xi32, #tpu.memory_space<vmem>>[vector<16xi32>, vector<16xi32>], vector<16xi32>,
    %lt3A_2231 = arith.constant 50048 : i32
    %lt3A_2232 = vector.broadcast %lt3A_2231 : i32 to vector<16xi32>
    %lt3A_2233 = arith.cmpi slt, %gather3A_2230, %lt3A_2232 : vector<16xi32>
    %mul3A_2234 = arith.constant 2 : i32
    %mul3A_2235 = vector.broadcast %mul3A_2234 : i32 to vector<16xi32>
    %mul3A_2236 = arith.muli %gather3A_2230, %mul3A_2235 : vector<16xi32>
    %mul3A_2237 = arith.constant 2 : i32
    %mul3A_2238 = vector.broadcast %mul3A_2237 : i32 to vector<16xi32>
    %mul3A_2239 = arith.muli %gather3A_2230, %mul3A_2238 : vector<16xi32>
    %sub3A_2240 = arith.constant 100095 : i32
    %sub3A_2241 = vector.broadcast %sub3A_2240 : i32 to vector<16xi32>
    %sub3A_2242 = arith.subi %mul3A_2239, %sub3A_2241 : vector<16xi32>
    %select_n3A_2243 = arith.select %lt3A_2233, %mul3A_2236, %sub3A_2242 : vector<16xi1>, vector<16xi32>
    %swap3A_2244 = arith.constant 10 : i32
    %swap3A_2245 = arith.index_cast %swap3A_2244 : i32 to index
    %swap3A_2246 = arith.constant 64 : index
    %swap3A_2247 = tpu.vector_load %arg5[%swap3A_2245, %swap3A_2246] {strides = array<i32>} : memref<20x80xi32, #tpu.memory_space<vmem>>, vector<16xi32>,
    tpu.vector_store %arg5[%swap3A_2245, %swap3A_2246], %select_n3A_2243 {strides = array<i32>} : memref<20x80xi32, #tpu.memory_space<vmem>>, vector<16xi32>,
    %add3A_2248 = arith.constant 880 : i32
    %add3A_2249 = arith.addi %mul3A_2, %add3A_2248 : i32
    %add3A_2250 = arith.constant 0 : i32
    %add3A_2251 = arith.addi %add3A_2249, %add3A_2250 : i32
    %iota3A_2252 = tpu.iota {dimensions = array<i32: 0>} : vector<16xi32>
    %add3A_2253 = vector.broadcast %add3A_2251 : i32 to vector<16xi32>
    %add3A_2254 = arith.addi %add3A_2253, %iota3A_2252 : vector<16xi32>
    %shift_right_arithmetic3A_2255 = arith.constant 1 : i32
    %shift_right_arithmetic3A_2256 = vector.broadcast %shift_right_arithmetic3A_2255 : i32 to vector<16xi32>
    %shift_right_arithmetic3A_2257 = arith.shrsi %add3A_2254, %shift_right_arithmetic3A_2256 : vector<16xi32>
    %and3A_2258 = arith.constant 1023 : i32
    %and3A_2259 = vector.broadcast %and3A_2258 : i32 to vector<16xi32>
    %and3A_2260 = arith.andi %shift_right_arithmetic3A_2257, %and3A_2259 : vector<16xi32>
    %shift_right_arithmetic3A_2261 = arith.constant 10 : i32
    %shift_right_arithmetic3A_2262 = vector.broadcast %shift_right_arithmetic3A_2261 : i32 to vector<16xi32>
    %shift_right_arithmetic3A_2263 = arith.shrsi %shift_right_arithmetic3A_2257, %shift_right_arithmetic3A_2262 : vector<16xi32>
    %shift_left3A_2264 = arith.constant 1 : i32
    %shift_left3A_2265 = vector.broadcast %shift_left3A_2264 : i32 to vector<16xi32>
    %shift_left3A_2266 = arith.shli %shift_right_arithmetic3A_2263, %shift_left3A_2265 : vector<16xi32>
    %and3A_2267 = arith.constant 1 : i32
    %and3A_2268 = vector.broadcast %and3A_2267 : i32 to vector<16xi32>
    %and3A_2269 = arith.andi %add3A_2254, %and3A_2268 : vector<16xi32>
    %or3A_2270 = arith.ori %shift_left3A_2266, %and3A_2269 : vector<16xi32>
    %gather3A_2271 = tpu.vector_load_idx %arg4[%or3A_2270, %and3A_2260] : memref<50x1024xi32, #tpu.memory_space<vmem>>[vector<16xi32>, vector<16xi32>], vector<16xi32>,
    %lt3A_2272 = arith.constant 50048 : i32
    %lt3A_2273 = vector.broadcast %lt3A_2272 : i32 to vector<16xi32>
    %lt3A_2274 = arith.cmpi slt, %gather3A_2271, %lt3A_2273 : vector<16xi32>
    %mul3A_2275 = arith.constant 2 : i32
    %mul3A_2276 = vector.broadcast %mul3A_2275 : i32 to vector<16xi32>
    %mul3A_2277 = arith.muli %gather3A_2271, %mul3A_2276 : vector<16xi32>
    %mul3A_2278 = arith.constant 2 : i32
    %mul3A_2279 = vector.broadcast %mul3A_2278 : i32 to vector<16xi32>
    %mul3A_2280 = arith.muli %gather3A_2271, %mul3A_2279 : vector<16xi32>
    %sub3A_2281 = arith.constant 100095 : i32
    %sub3A_2282 = vector.broadcast %sub3A_2281 : i32 to vector<16xi32>
    %sub3A_2283 = arith.subi %mul3A_2280, %sub3A_2282 : vector<16xi32>
    %select_n3A_2284 = arith.select %lt3A_2274, %mul3A_2277, %sub3A_2283 : vector<16xi1>, vector<16xi32>
    %swap3A_2285 = arith.constant 11 : i32
    %swap3A_2286 = arith.index_cast %swap3A_2285 : i32 to index
    %swap3A_2287 = arith.constant 0 : index
    %swap3A_2288 = tpu.vector_load %arg5[%swap3A_2286, %swap3A_2287] {strides = array<i32>} : memref<20x80xi32, #tpu.memory_space<vmem>>, vector<16xi32>,
    tpu.vector_store %arg5[%swap3A_2286, %swap3A_2287], %select_n3A_2284 {strides = array<i32>} : memref<20x80xi32, #tpu.memory_space<vmem>>, vector<16xi32>,
    %add3A_2289 = arith.constant 880 : i32
    %add3A_2290 = arith.addi %mul3A_2, %add3A_2289 : i32
    %add3A_2291 = arith.constant 16 : i32
    %add3A_2292 = arith.addi %add3A_2290, %add3A_2291 : i32
    %iota3A_2293 = tpu.iota {dimensions = array<i32: 0>} : vector<16xi32>
    %add3A_2294 = vector.broadcast %add3A_2292 : i32 to vector<16xi32>
    %add3A_2295 = arith.addi %add3A_2294, %iota3A_2293 : vector<16xi32>
    %shift_right_arithmetic3A_2296 = arith.constant 1 : i32
    %shift_right_arithmetic3A_2297 = vector.broadcast %shift_right_arithmetic3A_2296 : i32 to vector<16xi32>
    %shift_right_arithmetic3A_2298 = arith.shrsi %add3A_2295, %shift_right_arithmetic3A_2297 : vector<16xi32>
    %and3A_2299 = arith.constant 1023 : i32
    %and3A_2300 = vector.broadcast %and3A_2299 : i32 to vector<16xi32>
    %and3A_2301 = arith.andi %shift_right_arithmetic3A_2298, %and3A_2300 : vector<16xi32>
    %shift_right_arithmetic3A_2302 = arith.constant 10 : i32
    %shift_right_arithmetic3A_2303 = vector.broadcast %shift_right_arithmetic3A_2302 : i32 to vector<16xi32>
    %shift_right_arithmetic3A_2304 = arith.shrsi %shift_right_arithmetic3A_2298, %shift_right_arithmetic3A_2303 : vector<16xi32>
    %shift_left3A_2305 = arith.constant 1 : i32
    %shift_left3A_2306 = vector.broadcast %shift_left3A_2305 : i32 to vector<16xi32>
    %shift_left3A_2307 = arith.shli %shift_right_arithmetic3A_2304, %shift_left3A_2306 : vector<16xi32>
    %and3A_2308 = arith.constant 1 : i32
    %and3A_2309 = vector.broadcast %and3A_2308 : i32 to vector<16xi32>
    %and3A_2310 = arith.andi %add3A_2295, %and3A_2309 : vector<16xi32>
    %or3A_2311 = arith.ori %shift_left3A_2307, %and3A_2310 : vector<16xi32>
    %gather3A_2312 = tpu.vector_load_idx %arg4[%or3A_2311, %and3A_2301] : memref<50x1024xi32, #tpu.memory_space<vmem>>[vector<16xi32>, vector<16xi32>], vector<16xi32>,
    %lt3A_2313 = arith.constant 50048 : i32
    %lt3A_2314 = vector.broadcast %lt3A_2313 : i32 to vector<16xi32>
    %lt3A_2315 = arith.cmpi slt, %gather3A_2312, %lt3A_2314 : vector<16xi32>
    %mul3A_2316 = arith.constant 2 : i32
    %mul3A_2317 = vector.broadcast %mul3A_2316 : i32 to vector<16xi32>
    %mul3A_2318 = arith.muli %gather3A_2312, %mul3A_2317 : vector<16xi32>
    %mul3A_2319 = arith.constant 2 : i32
    %mul3A_2320 = vector.broadcast %mul3A_2319 : i32 to vector<16xi32>
    %mul3A_2321 = arith.muli %gather3A_2312, %mul3A_2320 : vector<16xi32>
    %sub3A_2322 = arith.constant 100095 : i32
    %sub3A_2323 = vector.broadcast %sub3A_2322 : i32 to vector<16xi32>
    %sub3A_2324 = arith.subi %mul3A_2321, %sub3A_2323 : vector<16xi32>
    %select_n3A_2325 = arith.select %lt3A_2315, %mul3A_2318, %sub3A_2324 : vector<16xi1>, vector<16xi32>
    %swap3A_2326 = arith.constant 11 : i32
    %swap3A_2327 = arith.index_cast %swap3A_2326 : i32 to index
    %swap3A_2328 = arith.constant 16 : index
    %swap3A_2329 = tpu.vector_load %arg5[%swap3A_2327, %swap3A_2328] {strides = array<i32>} : memref<20x80xi32, #tpu.memory_space<vmem>>, vector<16xi32>,
    tpu.vector_store %arg5[%swap3A_2327, %swap3A_2328], %select_n3A_2325 {strides = array<i32>} : memref<20x80xi32, #tpu.memory_space<vmem>>, vector<16xi32>,
    %add3A_2330 = arith.constant 880 : i32
    %add3A_2331 = arith.addi %mul3A_2, %add3A_2330 : i32
    %add3A_2332 = arith.constant 32 : i32
    %add3A_2333 = arith.addi %add3A_2331, %add3A_2332 : i32
    %iota3A_2334 = tpu.iota {dimensions = array<i32: 0>} : vector<16xi32>
    %add3A_2335 = vector.broadcast %add3A_2333 : i32 to vector<16xi32>
    %add3A_2336 = arith.addi %add3A_2335, %iota3A_2334 : vector<16xi32>
    %shift_right_arithmetic3A_2337 = arith.constant 1 : i32
    %shift_right_arithmetic3A_2338 = vector.broadcast %shift_right_arithmetic3A_2337 : i32 to vector<16xi32>
    %shift_right_arithmetic3A_2339 = arith.shrsi %add3A_2336, %shift_right_arithmetic3A_2338 : vector<16xi32>
    %and3A_2340 = arith.constant 1023 : i32
    %and3A_2341 = vector.broadcast %and3A_2340 : i32 to vector<16xi32>
    %and3A_2342 = arith.andi %shift_right_arithmetic3A_2339, %and3A_2341 : vector<16xi32>
    %shift_right_arithmetic3A_2343 = arith.constant 10 : i32
    %shift_right_arithmetic3A_2344 = vector.broadcast %shift_right_arithmetic3A_2343 : i32 to vector<16xi32>
    %shift_right_arithmetic3A_2345 = arith.shrsi %shift_right_arithmetic3A_2339, %shift_right_arithmetic3A_2344 : vector<16xi32>
    %shift_left3A_2346 = arith.constant 1 : i32
    %shift_left3A_2347 = vector.broadcast %shift_left3A_2346 : i32 to vector<16xi32>
    %shift_left3A_2348 = arith.shli %shift_right_arithmetic3A_2345, %shift_left3A_2347 : vector<16xi32>
    %and3A_2349 = arith.constant 1 : i32
    %and3A_2350 = vector.broadcast %and3A_2349 : i32 to vector<16xi32>
    %and3A_2351 = arith.andi %add3A_2336, %and3A_2350 : vector<16xi32>
    %or3A_2352 = arith.ori %shift_left3A_2348, %and3A_2351 : vector<16xi32>
    %gather3A_2353 = tpu.vector_load_idx %arg4[%or3A_2352, %and3A_2342] : memref<50x1024xi32, #tpu.memory_space<vmem>>[vector<16xi32>, vector<16xi32>], vector<16xi32>,
    %lt3A_2354 = arith.constant 50048 : i32
    %lt3A_2355 = vector.broadcast %lt3A_2354 : i32 to vector<16xi32>
    %lt3A_2356 = arith.cmpi slt, %gather3A_2353, %lt3A_2355 : vector<16xi32>
    %mul3A_2357 = arith.constant 2 : i32
    %mul3A_2358 = vector.broadcast %mul3A_2357 : i32 to vector<16xi32>
    %mul3A_2359 = arith.muli %gather3A_2353, %mul3A_2358 : vector<16xi32>
    %mul3A_2360 = arith.constant 2 : i32
    %mul3A_2361 = vector.broadcast %mul3A_2360 : i32 to vector<16xi32>
    %mul3A_2362 = arith.muli %gather3A_2353, %mul3A_2361 : vector<16xi32>
    %sub3A_2363 = arith.constant 100095 : i32
    %sub3A_2364 = vector.broadcast %sub3A_2363 : i32 to vector<16xi32>
    %sub3A_2365 = arith.subi %mul3A_2362, %sub3A_2364 : vector<16xi32>
    %select_n3A_2366 = arith.select %lt3A_2356, %mul3A_2359, %sub3A_2365 : vector<16xi1>, vector<16xi32>
    %swap3A_2367 = arith.constant 11 : i32
    %swap3A_2368 = arith.index_cast %swap3A_2367 : i32 to index
    %swap3A_2369 = arith.constant 32 : index
    %swap3A_2370 = tpu.vector_load %arg5[%swap3A_2368, %swap3A_2369] {strides = array<i32>} : memref<20x80xi32, #tpu.memory_space<vmem>>, vector<16xi32>,
    tpu.vector_store %arg5[%swap3A_2368, %swap3A_2369], %select_n3A_2366 {strides = array<i32>} : memref<20x80xi32, #tpu.memory_space<vmem>>, vector<16xi32>,
    %add3A_2371 = arith.constant 880 : i32
    %add3A_2372 = arith.addi %mul3A_2, %add3A_2371 : i32
    %add3A_2373 = arith.constant 48 : i32
    %add3A_2374 = arith.addi %add3A_2372, %add3A_2373 : i32
    %iota3A_2375 = tpu.iota {dimensions = array<i32: 0>} : vector<16xi32>
    %add3A_2376 = vector.broadcast %add3A_2374 : i32 to vector<16xi32>
    %add3A_2377 = arith.addi %add3A_2376, %iota3A_2375 : vector<16xi32>
    %shift_right_arithmetic3A_2378 = arith.constant 1 : i32
    %shift_right_arithmetic3A_2379 = vector.broadcast %shift_right_arithmetic3A_2378 : i32 to vector<16xi32>
    %shift_right_arithmetic3A_2380 = arith.shrsi %add3A_2377, %shift_right_arithmetic3A_2379 : vector<16xi32>
    %and3A_2381 = arith.constant 1023 : i32
    %and3A_2382 = vector.broadcast %and3A_2381 : i32 to vector<16xi32>
    %and3A_2383 = arith.andi %shift_right_arithmetic3A_2380, %and3A_2382 : vector<16xi32>
    %shift_right_arithmetic3A_2384 = arith.constant 10 : i32
    %shift_right_arithmetic3A_2385 = vector.broadcast %shift_right_arithmetic3A_2384 : i32 to vector<16xi32>
    %shift_right_arithmetic3A_2386 = arith.shrsi %shift_right_arithmetic3A_2380, %shift_right_arithmetic3A_2385 : vector<16xi32>
    %shift_left3A_2387 = arith.constant 1 : i32
    %shift_left3A_2388 = vector.broadcast %shift_left3A_2387 : i32 to vector<16xi32>
    %shift_left3A_2389 = arith.shli %shift_right_arithmetic3A_2386, %shift_left3A_2388 : vector<16xi32>
    %and3A_2390 = arith.constant 1 : i32
    %and3A_2391 = vector.broadcast %and3A_2390 : i32 to vector<16xi32>
    %and3A_2392 = arith.andi %add3A_2377, %and3A_2391 : vector<16xi32>
    %or3A_2393 = arith.ori %shift_left3A_2389, %and3A_2392 : vector<16xi32>
    %gather3A_2394 = tpu.vector_load_idx %arg4[%or3A_2393, %and3A_2383] : memref<50x1024xi32, #tpu.memory_space<vmem>>[vector<16xi32>, vector<16xi32>], vector<16xi32>,
    %lt3A_2395 = arith.constant 50048 : i32
    %lt3A_2396 = vector.broadcast %lt3A_2395 : i32 to vector<16xi32>
    %lt3A_2397 = arith.cmpi slt, %gather3A_2394, %lt3A_2396 : vector<16xi32>
    %mul3A_2398 = arith.constant 2 : i32
    %mul3A_2399 = vector.broadcast %mul3A_2398 : i32 to vector<16xi32>
    %mul3A_2400 = arith.muli %gather3A_2394, %mul3A_2399 : vector<16xi32>
    %mul3A_2401 = arith.constant 2 : i32
    %mul3A_2402 = vector.broadcast %mul3A_2401 : i32 to vector<16xi32>
    %mul3A_2403 = arith.muli %gather3A_2394, %mul3A_2402 : vector<16xi32>
    %sub3A_2404 = arith.constant 100095 : i32
    %sub3A_2405 = vector.broadcast %sub3A_2404 : i32 to vector<16xi32>
    %sub3A_2406 = arith.subi %mul3A_2403, %sub3A_2405 : vector<16xi32>
    %select_n3A_2407 = arith.select %lt3A_2397, %mul3A_2400, %sub3A_2406 : vector<16xi1>, vector<16xi32>
    %swap3A_2408 = arith.constant 11 : i32
    %swap3A_2409 = arith.index_cast %swap3A_2408 : i32 to index
    %swap3A_2410 = arith.constant 48 : index
    %swap3A_2411 = tpu.vector_load %arg5[%swap3A_2409, %swap3A_2410] {strides = array<i32>} : memref<20x80xi32, #tpu.memory_space<vmem>>, vector<16xi32>,
    tpu.vector_store %arg5[%swap3A_2409, %swap3A_2410], %select_n3A_2407 {strides = array<i32>} : memref<20x80xi32, #tpu.memory_space<vmem>>, vector<16xi32>,
    %add3A_2412 = arith.constant 880 : i32
    %add3A_2413 = arith.addi %mul3A_2, %add3A_2412 : i32
    %add3A_2414 = arith.constant 64 : i32
    %add3A_2415 = arith.addi %add3A_2413, %add3A_2414 : i32
    %iota3A_2416 = tpu.iota {dimensions = array<i32: 0>} : vector<16xi32>
    %add3A_2417 = vector.broadcast %add3A_2415 : i32 to vector<16xi32>
    %add3A_2418 = arith.addi %add3A_2417, %iota3A_2416 : vector<16xi32>
    %shift_right_arithmetic3A_2419 = arith.constant 1 : i32
    %shift_right_arithmetic3A_2420 = vector.broadcast %shift_right_arithmetic3A_2419 : i32 to vector<16xi32>
    %shift_right_arithmetic3A_2421 = arith.shrsi %add3A_2418, %shift_right_arithmetic3A_2420 : vector<16xi32>
    %and3A_2422 = arith.constant 1023 : i32
    %and3A_2423 = vector.broadcast %and3A_2422 : i32 to vector<16xi32>
    %and3A_2424 = arith.andi %shift_right_arithmetic3A_2421, %and3A_2423 : vector<16xi32>
    %shift_right_arithmetic3A_2425 = arith.constant 10 : i32
    %shift_right_arithmetic3A_2426 = vector.broadcast %shift_right_arithmetic3A_2425 : i32 to vector<16xi32>
    %shift_right_arithmetic3A_2427 = arith.shrsi %shift_right_arithmetic3A_2421, %shift_right_arithmetic3A_2426 : vector<16xi32>
    %shift_left3A_2428 = arith.constant 1 : i32
    %shift_left3A_2429 = vector.broadcast %shift_left3A_2428 : i32 to vector<16xi32>
    %shift_left3A_2430 = arith.shli %shift_right_arithmetic3A_2427, %shift_left3A_2429 : vector<16xi32>
    %and3A_2431 = arith.constant 1 : i32
    %and3A_2432 = vector.broadcast %and3A_2431 : i32 to vector<16xi32>
    %and3A_2433 = arith.andi %add3A_2418, %and3A_2432 : vector<16xi32>
    %or3A_2434 = arith.ori %shift_left3A_2430, %and3A_2433 : vector<16xi32>
    %gather3A_2435 = tpu.vector_load_idx %arg4[%or3A_2434, %and3A_2424] : memref<50x1024xi32, #tpu.memory_space<vmem>>[vector<16xi32>, vector<16xi32>], vector<16xi32>,
    %lt3A_2436 = arith.constant 50048 : i32
    %lt3A_2437 = vector.broadcast %lt3A_2436 : i32 to vector<16xi32>
    %lt3A_2438 = arith.cmpi slt, %gather3A_2435, %lt3A_2437 : vector<16xi32>
    %mul3A_2439 = arith.constant 2 : i32
    %mul3A_2440 = vector.broadcast %mul3A_2439 : i32 to vector<16xi32>
    %mul3A_2441 = arith.muli %gather3A_2435, %mul3A_2440 : vector<16xi32>
    %mul3A_2442 = arith.constant 2 : i32
    %mul3A_2443 = vector.broadcast %mul3A_2442 : i32 to vector<16xi32>
    %mul3A_2444 = arith.muli %gather3A_2435, %mul3A_2443 : vector<16xi32>
    %sub3A_2445 = arith.constant 100095 : i32
    %sub3A_2446 = vector.broadcast %sub3A_2445 : i32 to vector<16xi32>
    %sub3A_2447 = arith.subi %mul3A_2444, %sub3A_2446 : vector<16xi32>
    %select_n3A_2448 = arith.select %lt3A_2438, %mul3A_2441, %sub3A_2447 : vector<16xi1>, vector<16xi32>
    %swap3A_2449 = arith.constant 11 : i32
    %swap3A_2450 = arith.index_cast %swap3A_2449 : i32 to index
    %swap3A_2451 = arith.constant 64 : index
    %swap3A_2452 = tpu.vector_load %arg5[%swap3A_2450, %swap3A_2451] {strides = array<i32>} : memref<20x80xi32, #tpu.memory_space<vmem>>, vector<16xi32>,
    tpu.vector_store %arg5[%swap3A_2450, %swap3A_2451], %select_n3A_2448 {strides = array<i32>} : memref<20x80xi32, #tpu.memory_space<vmem>>, vector<16xi32>,
    %add3A_2453 = arith.constant 960 : i32
    %add3A_2454 = arith.addi %mul3A_2, %add3A_2453 : i32
    %add3A_2455 = arith.constant 0 : i32
    %add3A_2456 = arith.addi %add3A_2454, %add3A_2455 : i32
    %iota3A_2457 = tpu.iota {dimensions = array<i32: 0>} : vector<16xi32>
    %add3A_2458 = vector.broadcast %add3A_2456 : i32 to vector<16xi32>
    %add3A_2459 = arith.addi %add3A_2458, %iota3A_2457 : vector<16xi32>
    %shift_right_arithmetic3A_2460 = arith.constant 1 : i32
    %shift_right_arithmetic3A_2461 = vector.broadcast %shift_right_arithmetic3A_2460 : i32 to vector<16xi32>
    %shift_right_arithmetic3A_2462 = arith.shrsi %add3A_2459, %shift_right_arithmetic3A_2461 : vector<16xi32>
    %and3A_2463 = arith.constant 1023 : i32
    %and3A_2464 = vector.broadcast %and3A_2463 : i32 to vector<16xi32>
    %and3A_2465 = arith.andi %shift_right_arithmetic3A_2462, %and3A_2464 : vector<16xi32>
    %shift_right_arithmetic3A_2466 = arith.constant 10 : i32
    %shift_right_arithmetic3A_2467 = vector.broadcast %shift_right_arithmetic3A_2466 : i32 to vector<16xi32>
    %shift_right_arithmetic3A_2468 = arith.shrsi %shift_right_arithmetic3A_2462, %shift_right_arithmetic3A_2467 : vector<16xi32>
    %shift_left3A_2469 = arith.constant 1 : i32
    %shift_left3A_2470 = vector.broadcast %shift_left3A_2469 : i32 to vector<16xi32>
    %shift_left3A_2471 = arith.shli %shift_right_arithmetic3A_2468, %shift_left3A_2470 : vector<16xi32>
    %and3A_2472 = arith.constant 1 : i32
    %and3A_2473 = vector.broadcast %and3A_2472 : i32 to vector<16xi32>
    %and3A_2474 = arith.andi %add3A_2459, %and3A_2473 : vector<16xi32>
    %or3A_2475 = arith.ori %shift_left3A_2471, %and3A_2474 : vector<16xi32>
    %gather3A_2476 = tpu.vector_load_idx %arg4[%or3A_2475, %and3A_2465] : memref<50x1024xi32, #tpu.memory_space<vmem>>[vector<16xi32>, vector<16xi32>], vector<16xi32>,
    %lt3A_2477 = arith.constant 50048 : i32
    %lt3A_2478 = vector.broadcast %lt3A_2477 : i32 to vector<16xi32>
    %lt3A_2479 = arith.cmpi slt, %gather3A_2476, %lt3A_2478 : vector<16xi32>
    %mul3A_2480 = arith.constant 2 : i32
    %mul3A_2481 = vector.broadcast %mul3A_2480 : i32 to vector<16xi32>
    %mul3A_2482 = arith.muli %gather3A_2476, %mul3A_2481 : vector<16xi32>
    %mul3A_2483 = arith.constant 2 : i32
    %mul3A_2484 = vector.broadcast %mul3A_2483 : i32 to vector<16xi32>
    %mul3A_2485 = arith.muli %gather3A_2476, %mul3A_2484 : vector<16xi32>
    %sub3A_2486 = arith.constant 100095 : i32
    %sub3A_2487 = vector.broadcast %sub3A_2486 : i32 to vector<16xi32>
    %sub3A_2488 = arith.subi %mul3A_2485, %sub3A_2487 : vector<16xi32>
    %select_n3A_2489 = arith.select %lt3A_2479, %mul3A_2482, %sub3A_2488 : vector<16xi1>, vector<16xi32>
    %swap3A_2490 = arith.constant 12 : i32
    %swap3A_2491 = arith.index_cast %swap3A_2490 : i32 to index
    %swap3A_2492 = arith.constant 0 : index
    %swap3A_2493 = tpu.vector_load %arg5[%swap3A_2491, %swap3A_2492] {strides = array<i32>} : memref<20x80xi32, #tpu.memory_space<vmem>>, vector<16xi32>,
    tpu.vector_store %arg5[%swap3A_2491, %swap3A_2492], %select_n3A_2489 {strides = array<i32>} : memref<20x80xi32, #tpu.memory_space<vmem>>, vector<16xi32>,
    %add3A_2494 = arith.constant 960 : i32
    %add3A_2495 = arith.addi %mul3A_2, %add3A_2494 : i32
    %add3A_2496 = arith.constant 16 : i32
    %add3A_2497 = arith.addi %add3A_2495, %add3A_2496 : i32
    %iota3A_2498 = tpu.iota {dimensions = array<i32: 0>} : vector<16xi32>
    %add3A_2499 = vector.broadcast %add3A_2497 : i32 to vector<16xi32>
    %add3A_2500 = arith.addi %add3A_2499, %iota3A_2498 : vector<16xi32>
    %shift_right_arithmetic3A_2501 = arith.constant 1 : i32
    %shift_right_arithmetic3A_2502 = vector.broadcast %shift_right_arithmetic3A_2501 : i32 to vector<16xi32>
    %shift_right_arithmetic3A_2503 = arith.shrsi %add3A_2500, %shift_right_arithmetic3A_2502 : vector<16xi32>
    %and3A_2504 = arith.constant 1023 : i32
    %and3A_2505 = vector.broadcast %and3A_2504 : i32 to vector<16xi32>
    %and3A_2506 = arith.andi %shift_right_arithmetic3A_2503, %and3A_2505 : vector<16xi32>
    %shift_right_arithmetic3A_2507 = arith.constant 10 : i32
    %shift_right_arithmetic3A_2508 = vector.broadcast %shift_right_arithmetic3A_2507 : i32 to vector<16xi32>
    %shift_right_arithmetic3A_2509 = arith.shrsi %shift_right_arithmetic3A_2503, %shift_right_arithmetic3A_2508 : vector<16xi32>
    %shift_left3A_2510 = arith.constant 1 : i32
    %shift_left3A_2511 = vector.broadcast %shift_left3A_2510 : i32 to vector<16xi32>
    %shift_left3A_2512 = arith.shli %shift_right_arithmetic3A_2509, %shift_left3A_2511 : vector<16xi32>
    %and3A_2513 = arith.constant 1 : i32
    %and3A_2514 = vector.broadcast %and3A_2513 : i32 to vector<16xi32>
    %and3A_2515 = arith.andi %add3A_2500, %and3A_2514 : vector<16xi32>
    %or3A_2516 = arith.ori %shift_left3A_2512, %and3A_2515 : vector<16xi32>
    %gather3A_2517 = tpu.vector_load_idx %arg4[%or3A_2516, %and3A_2506] : memref<50x1024xi32, #tpu.memory_space<vmem>>[vector<16xi32>, vector<16xi32>], vector<16xi32>,
    %lt3A_2518 = arith.constant 50048 : i32
    %lt3A_2519 = vector.broadcast %lt3A_2518 : i32 to vector<16xi32>
    %lt3A_2520 = arith.cmpi slt, %gather3A_2517, %lt3A_2519 : vector<16xi32>
    %mul3A_2521 = arith.constant 2 : i32
    %mul3A_2522 = vector.broadcast %mul3A_2521 : i32 to vector<16xi32>
    %mul3A_2523 = arith.muli %gather3A_2517, %mul3A_2522 : vector<16xi32>
    %mul3A_2524 = arith.constant 2 : i32
    %mul3A_2525 = vector.broadcast %mul3A_2524 : i32 to vector<16xi32>
    %mul3A_2526 = arith.muli %gather3A_2517, %mul3A_2525 : vector<16xi32>
    %sub3A_2527 = arith.constant 100095 : i32
    %sub3A_2528 = vector.broadcast %sub3A_2527 : i32 to vector<16xi32>
    %sub3A_2529 = arith.subi %mul3A_2526, %sub3A_2528 : vector<16xi32>
    %select_n3A_2530 = arith.select %lt3A_2520, %mul3A_2523, %sub3A_2529 : vector<16xi1>, vector<16xi32>
    %swap3A_2531 = arith.constant 12 : i32
    %swap3A_2532 = arith.index_cast %swap3A_2531 : i32 to index
    %swap3A_2533 = arith.constant 16 : index
    %swap3A_2534 = tpu.vector_load %arg5[%swap3A_2532, %swap3A_2533] {strides = array<i32>} : memref<20x80xi32, #tpu.memory_space<vmem>>, vector<16xi32>,
    tpu.vector_store %arg5[%swap3A_2532, %swap3A_2533], %select_n3A_2530 {strides = array<i32>} : memref<20x80xi32, #tpu.memory_space<vmem>>, vector<16xi32>,
    %add3A_2535 = arith.constant 960 : i32
    %add3A_2536 = arith.addi %mul3A_2, %add3A_2535 : i32
    %add3A_2537 = arith.constant 32 : i32
    %add3A_2538 = arith.addi %add3A_2536, %add3A_2537 : i32
    %iota3A_2539 = tpu.iota {dimensions = array<i32: 0>} : vector<16xi32>
    %add3A_2540 = vector.broadcast %add3A_2538 : i32 to vector<16xi32>
    %add3A_2541 = arith.addi %add3A_2540, %iota3A_2539 : vector<16xi32>
    %shift_right_arithmetic3A_2542 = arith.constant 1 : i32
    %shift_right_arithmetic3A_2543 = vector.broadcast %shift_right_arithmetic3A_2542 : i32 to vector<16xi32>
    %shift_right_arithmetic3A_2544 = arith.shrsi %add3A_2541, %shift_right_arithmetic3A_2543 : vector<16xi32>
    %and3A_2545 = arith.constant 1023 : i32
    %and3A_2546 = vector.broadcast %and3A_2545 : i32 to vector<16xi32>
    %and3A_2547 = arith.andi %shift_right_arithmetic3A_2544, %and3A_2546 : vector<16xi32>
    %shift_right_arithmetic3A_2548 = arith.constant 10 : i32
    %shift_right_arithmetic3A_2549 = vector.broadcast %shift_right_arithmetic3A_2548 : i32 to vector<16xi32>
    %shift_right_arithmetic3A_2550 = arith.shrsi %shift_right_arithmetic3A_2544, %shift_right_arithmetic3A_2549 : vector<16xi32>
    %shift_left3A_2551 = arith.constant 1 : i32
    %shift_left3A_2552 = vector.broadcast %shift_left3A_2551 : i32 to vector<16xi32>
    %shift_left3A_2553 = arith.shli %shift_right_arithmetic3A_2550, %shift_left3A_2552 : vector<16xi32>
    %and3A_2554 = arith.constant 1 : i32
    %and3A_2555 = vector.broadcast %and3A_2554 : i32 to vector<16xi32>
    %and3A_2556 = arith.andi %add3A_2541, %and3A_2555 : vector<16xi32>
    %or3A_2557 = arith.ori %shift_left3A_2553, %and3A_2556 : vector<16xi32>
    %gather3A_2558 = tpu.vector_load_idx %arg4[%or3A_2557, %and3A_2547] : memref<50x1024xi32, #tpu.memory_space<vmem>>[vector<16xi32>, vector<16xi32>], vector<16xi32>,
    %lt3A_2559 = arith.constant 50048 : i32
    %lt3A_2560 = vector.broadcast %lt3A_2559 : i32 to vector<16xi32>
    %lt3A_2561 = arith.cmpi slt, %gather3A_2558, %lt3A_2560 : vector<16xi32>
    %mul3A_2562 = arith.constant 2 : i32
    %mul3A_2563 = vector.broadcast %mul3A_2562 : i32 to vector<16xi32>
    %mul3A_2564 = arith.muli %gather3A_2558, %mul3A_2563 : vector<16xi32>
    %mul3A_2565 = arith.constant 2 : i32
    %mul3A_2566 = vector.broadcast %mul3A_2565 : i32 to vector<16xi32>
    %mul3A_2567 = arith.muli %gather3A_2558, %mul3A_2566 : vector<16xi32>
    %sub3A_2568 = arith.constant 100095 : i32
    %sub3A_2569 = vector.broadcast %sub3A_2568 : i32 to vector<16xi32>
    %sub3A_2570 = arith.subi %mul3A_2567, %sub3A_2569 : vector<16xi32>
    %select_n3A_2571 = arith.select %lt3A_2561, %mul3A_2564, %sub3A_2570 : vector<16xi1>, vector<16xi32>
    %swap3A_2572 = arith.constant 12 : i32
    %swap3A_2573 = arith.index_cast %swap3A_2572 : i32 to index
    %swap3A_2574 = arith.constant 32 : index
    %swap3A_2575 = tpu.vector_load %arg5[%swap3A_2573, %swap3A_2574] {strides = array<i32>} : memref<20x80xi32, #tpu.memory_space<vmem>>, vector<16xi32>,
    tpu.vector_store %arg5[%swap3A_2573, %swap3A_2574], %select_n3A_2571 {strides = array<i32>} : memref<20x80xi32, #tpu.memory_space<vmem>>, vector<16xi32>,
    %add3A_2576 = arith.constant 960 : i32
    %add3A_2577 = arith.addi %mul3A_2, %add3A_2576 : i32
    %add3A_2578 = arith.constant 48 : i32
    %add3A_2579 = arith.addi %add3A_2577, %add3A_2578 : i32
    %iota3A_2580 = tpu.iota {dimensions = array<i32: 0>} : vector<16xi32>
    %add3A_2581 = vector.broadcast %add3A_2579 : i32 to vector<16xi32>
    %add3A_2582 = arith.addi %add3A_2581, %iota3A_2580 : vector<16xi32>
    %shift_right_arithmetic3A_2583 = arith.constant 1 : i32
    %shift_right_arithmetic3A_2584 = vector.broadcast %shift_right_arithmetic3A_2583 : i32 to vector<16xi32>
    %shift_right_arithmetic3A_2585 = arith.shrsi %add3A_2582, %shift_right_arithmetic3A_2584 : vector<16xi32>
    %and3A_2586 = arith.constant 1023 : i32
    %and3A_2587 = vector.broadcast %and3A_2586 : i32 to vector<16xi32>
    %and3A_2588 = arith.andi %shift_right_arithmetic3A_2585, %and3A_2587 : vector<16xi32>
    %shift_right_arithmetic3A_2589 = arith.constant 10 : i32
    %shift_right_arithmetic3A_2590 = vector.broadcast %shift_right_arithmetic3A_2589 : i32 to vector<16xi32>
    %shift_right_arithmetic3A_2591 = arith.shrsi %shift_right_arithmetic3A_2585, %shift_right_arithmetic3A_2590 : vector<16xi32>
    %shift_left3A_2592 = arith.constant 1 : i32
    %shift_left3A_2593 = vector.broadcast %shift_left3A_2592 : i32 to vector<16xi32>
    %shift_left3A_2594 = arith.shli %shift_right_arithmetic3A_2591, %shift_left3A_2593 : vector<16xi32>
    %and3A_2595 = arith.constant 1 : i32
    %and3A_2596 = vector.broadcast %and3A_2595 : i32 to vector<16xi32>
    %and3A_2597 = arith.andi %add3A_2582, %and3A_2596 : vector<16xi32>
    %or3A_2598 = arith.ori %shift_left3A_2594, %and3A_2597 : vector<16xi32>
    %gather3A_2599 = tpu.vector_load_idx %arg4[%or3A_2598, %and3A_2588] : memref<50x1024xi32, #tpu.memory_space<vmem>>[vector<16xi32>, vector<16xi32>], vector<16xi32>,
    %lt3A_2600 = arith.constant 50048 : i32
    %lt3A_2601 = vector.broadcast %lt3A_2600 : i32 to vector<16xi32>
    %lt3A_2602 = arith.cmpi slt, %gather3A_2599, %lt3A_2601 : vector<16xi32>
    %mul3A_2603 = arith.constant 2 : i32
    %mul3A_2604 = vector.broadcast %mul3A_2603 : i32 to vector<16xi32>
    %mul3A_2605 = arith.muli %gather3A_2599, %mul3A_2604 : vector<16xi32>
    %mul3A_2606 = arith.constant 2 : i32
    %mul3A_2607 = vector.broadcast %mul3A_2606 : i32 to vector<16xi32>
    %mul3A_2608 = arith.muli %gather3A_2599, %mul3A_2607 : vector<16xi32>
    %sub3A_2609 = arith.constant 100095 : i32
    %sub3A_2610 = vector.broadcast %sub3A_2609 : i32 to vector<16xi32>
    %sub3A_2611 = arith.subi %mul3A_2608, %sub3A_2610 : vector<16xi32>
    %select_n3A_2612 = arith.select %lt3A_2602, %mul3A_2605, %sub3A_2611 : vector<16xi1>, vector<16xi32>
    %swap3A_2613 = arith.constant 12 : i32
    %swap3A_2614 = arith.index_cast %swap3A_2613 : i32 to index
    %swap3A_2615 = arith.constant 48 : index
    %swap3A_2616 = tpu.vector_load %arg5[%swap3A_2614, %swap3A_2615] {strides = array<i32>} : memref<20x80xi32, #tpu.memory_space<vmem>>, vector<16xi32>,
    tpu.vector_store %arg5[%swap3A_2614, %swap3A_2615], %select_n3A_2612 {strides = array<i32>} : memref<20x80xi32, #tpu.memory_space<vmem>>, vector<16xi32>,
    %add3A_2617 = arith.constant 960 : i32
    %add3A_2618 = arith.addi %mul3A_2, %add3A_2617 : i32
    %add3A_2619 = arith.constant 64 : i32
    %add3A_2620 = arith.addi %add3A_2618, %add3A_2619 : i32
    %iota3A_2621 = tpu.iota {dimensions = array<i32: 0>} : vector<16xi32>
    %add3A_2622 = vector.broadcast %add3A_2620 : i32 to vector<16xi32>
    %add3A_2623 = arith.addi %add3A_2622, %iota3A_2621 : vector<16xi32>
    %shift_right_arithmetic3A_2624 = arith.constant 1 : i32
    %shift_right_arithmetic3A_2625 = vector.broadcast %shift_right_arithmetic3A_2624 : i32 to vector<16xi32>
    %shift_right_arithmetic3A_2626 = arith.shrsi %add3A_2623, %shift_right_arithmetic3A_2625 : vector<16xi32>
    %and3A_2627 = arith.constant 1023 : i32
    %and3A_2628 = vector.broadcast %and3A_2627 : i32 to vector<16xi32>
    %and3A_2629 = arith.andi %shift_right_arithmetic3A_2626, %and3A_2628 : vector<16xi32>
    %shift_right_arithmetic3A_2630 = arith.constant 10 : i32
    %shift_right_arithmetic3A_2631 = vector.broadcast %shift_right_arithmetic3A_2630 : i32 to vector<16xi32>
    %shift_right_arithmetic3A_2632 = arith.shrsi %shift_right_arithmetic3A_2626, %shift_right_arithmetic3A_2631 : vector<16xi32>
    %shift_left3A_2633 = arith.constant 1 : i32
    %shift_left3A_2634 = vector.broadcast %shift_left3A_2633 : i32 to vector<16xi32>
    %shift_left3A_2635 = arith.shli %shift_right_arithmetic3A_2632, %shift_left3A_2634 : vector<16xi32>
    %and3A_2636 = arith.constant 1 : i32
    %and3A_2637 = vector.broadcast %and3A_2636 : i32 to vector<16xi32>
    %and3A_2638 = arith.andi %add3A_2623, %and3A_2637 : vector<16xi32>
    %or3A_2639 = arith.ori %shift_left3A_2635, %and3A_2638 : vector<16xi32>
    %gather3A_2640 = tpu.vector_load_idx %arg4[%or3A_2639, %and3A_2629] : memref<50x1024xi32, #tpu.memory_space<vmem>>[vector<16xi32>, vector<16xi32>], vector<16xi32>,
    %lt3A_2641 = arith.constant 50048 : i32
    %lt3A_2642 = vector.broadcast %lt3A_2641 : i32 to vector<16xi32>
    %lt3A_2643 = arith.cmpi slt, %gather3A_2640, %lt3A_2642 : vector<16xi32>
    %mul3A_2644 = arith.constant 2 : i32
    %mul3A_2645 = vector.broadcast %mul3A_2644 : i32 to vector<16xi32>
    %mul3A_2646 = arith.muli %gather3A_2640, %mul3A_2645 : vector<16xi32>
    %mul3A_2647 = arith.constant 2 : i32
    %mul3A_2648 = vector.broadcast %mul3A_2647 : i32 to vector<16xi32>
    %mul3A_2649 = arith.muli %gather3A_2640, %mul3A_2648 : vector<16xi32>
    %sub3A_2650 = arith.constant 100095 : i32
    %sub3A_2651 = vector.broadcast %sub3A_2650 : i32 to vector<16xi32>
    %sub3A_2652 = arith.subi %mul3A_2649, %sub3A_2651 : vector<16xi32>
    %select_n3A_2653 = arith.select %lt3A_2643, %mul3A_2646, %sub3A_2652 : vector<16xi1>, vector<16xi32>
    %swap3A_2654 = arith.constant 12 : i32
    %swap3A_2655 = arith.index_cast %swap3A_2654 : i32 to index
    %swap3A_2656 = arith.constant 64 : index
    %swap3A_2657 = tpu.vector_load %arg5[%swap3A_2655, %swap3A_2656] {strides = array<i32>} : memref<20x80xi32, #tpu.memory_space<vmem>>, vector<16xi32>,
    tpu.vector_store %arg5[%swap3A_2655, %swap3A_2656], %select_n3A_2653 {strides = array<i32>} : memref<20x80xi32, #tpu.memory_space<vmem>>, vector<16xi32>,
    %add3A_2658 = arith.constant 1040 : i32
    %add3A_2659 = arith.addi %mul3A_2, %add3A_2658 : i32
    %add3A_2660 = arith.constant 0 : i32
    %add3A_2661 = arith.addi %add3A_2659, %add3A_2660 : i32
    %iota3A_2662 = tpu.iota {dimensions = array<i32: 0>} : vector<16xi32>
    %add3A_2663 = vector.broadcast %add3A_2661 : i32 to vector<16xi32>
    %add3A_2664 = arith.addi %add3A_2663, %iota3A_2662 : vector<16xi32>
    %shift_right_arithmetic3A_2665 = arith.constant 1 : i32
    %shift_right_arithmetic3A_2666 = vector.broadcast %shift_right_arithmetic3A_2665 : i32 to vector<16xi32>
    %shift_right_arithmetic3A_2667 = arith.shrsi %add3A_2664, %shift_right_arithmetic3A_2666 : vector<16xi32>
    %and3A_2668 = arith.constant 1023 : i32
    %and3A_2669 = vector.broadcast %and3A_2668 : i32 to vector<16xi32>
    %and3A_2670 = arith.andi %shift_right_arithmetic3A_2667, %and3A_2669 : vector<16xi32>
    %shift_right_arithmetic3A_2671 = arith.constant 10 : i32
    %shift_right_arithmetic3A_2672 = vector.broadcast %shift_right_arithmetic3A_2671 : i32 to vector<16xi32>
    %shift_right_arithmetic3A_2673 = arith.shrsi %shift_right_arithmetic3A_2667, %shift_right_arithmetic3A_2672 : vector<16xi32>
    %shift_left3A_2674 = arith.constant 1 : i32
    %shift_left3A_2675 = vector.broadcast %shift_left3A_2674 : i32 to vector<16xi32>
    %shift_left3A_2676 = arith.shli %shift_right_arithmetic3A_2673, %shift_left3A_2675 : vector<16xi32>
    %and3A_2677 = arith.constant 1 : i32
    %and3A_2678 = vector.broadcast %and3A_2677 : i32 to vector<16xi32>
    %and3A_2679 = arith.andi %add3A_2664, %and3A_2678 : vector<16xi32>
    %or3A_2680 = arith.ori %shift_left3A_2676, %and3A_2679 : vector<16xi32>
    %gather3A_2681 = tpu.vector_load_idx %arg4[%or3A_2680, %and3A_2670] : memref<50x1024xi32, #tpu.memory_space<vmem>>[vector<16xi32>, vector<16xi32>], vector<16xi32>,
    %lt3A_2682 = arith.constant 50048 : i32
    %lt3A_2683 = vector.broadcast %lt3A_2682 : i32 to vector<16xi32>
    %lt3A_2684 = arith.cmpi slt, %gather3A_2681, %lt3A_2683 : vector<16xi32>
    %mul3A_2685 = arith.constant 2 : i32
    %mul3A_2686 = vector.broadcast %mul3A_2685 : i32 to vector<16xi32>
    %mul3A_2687 = arith.muli %gather3A_2681, %mul3A_2686 : vector<16xi32>
    %mul3A_2688 = arith.constant 2 : i32
    %mul3A_2689 = vector.broadcast %mul3A_2688 : i32 to vector<16xi32>
    %mul3A_2690 = arith.muli %gather3A_2681, %mul3A_2689 : vector<16xi32>
    %sub3A_2691 = arith.constant 100095 : i32
    %sub3A_2692 = vector.broadcast %sub3A_2691 : i32 to vector<16xi32>
    %sub3A_2693 = arith.subi %mul3A_2690, %sub3A_2692 : vector<16xi32>
    %select_n3A_2694 = arith.select %lt3A_2684, %mul3A_2687, %sub3A_2693 : vector<16xi1>, vector<16xi32>
    %swap3A_2695 = arith.constant 13 : i32
    %swap3A_2696 = arith.index_cast %swap3A_2695 : i32 to index
    %swap3A_2697 = arith.constant 0 : index
    %swap3A_2698 = tpu.vector_load %arg5[%swap3A_2696, %swap3A_2697] {strides = array<i32>} : memref<20x80xi32, #tpu.memory_space<vmem>>, vector<16xi32>,
    tpu.vector_store %arg5[%swap3A_2696, %swap3A_2697], %select_n3A_2694 {strides = array<i32>} : memref<20x80xi32, #tpu.memory_space<vmem>>, vector<16xi32>,
    %add3A_2699 = arith.constant 1040 : i32
    %add3A_2700 = arith.addi %mul3A_2, %add3A_2699 : i32
    %add3A_2701 = arith.constant 16 : i32
    %add3A_2702 = arith.addi %add3A_2700, %add3A_2701 : i32
    %iota3A_2703 = tpu.iota {dimensions = array<i32: 0>} : vector<16xi32>
    %add3A_2704 = vector.broadcast %add3A_2702 : i32 to vector<16xi32>
    %add3A_2705 = arith.addi %add3A_2704, %iota3A_2703 : vector<16xi32>
    %shift_right_arithmetic3A_2706 = arith.constant 1 : i32
    %shift_right_arithmetic3A_2707 = vector.broadcast %shift_right_arithmetic3A_2706 : i32 to vector<16xi32>
    %shift_right_arithmetic3A_2708 = arith.shrsi %add3A_2705, %shift_right_arithmetic3A_2707 : vector<16xi32>
    %and3A_2709 = arith.constant 1023 : i32
    %and3A_2710 = vector.broadcast %and3A_2709 : i32 to vector<16xi32>
    %and3A_2711 = arith.andi %shift_right_arithmetic3A_2708, %and3A_2710 : vector<16xi32>
    %shift_right_arithmetic3A_2712 = arith.constant 10 : i32
    %shift_right_arithmetic3A_2713 = vector.broadcast %shift_right_arithmetic3A_2712 : i32 to vector<16xi32>
    %shift_right_arithmetic3A_2714 = arith.shrsi %shift_right_arithmetic3A_2708, %shift_right_arithmetic3A_2713 : vector<16xi32>
    %shift_left3A_2715 = arith.constant 1 : i32
    %shift_left3A_2716 = vector.broadcast %shift_left3A_2715 : i32 to vector<16xi32>
    %shift_left3A_2717 = arith.shli %shift_right_arithmetic3A_2714, %shift_left3A_2716 : vector<16xi32>
    %and3A_2718 = arith.constant 1 : i32
    %and3A_2719 = vector.broadcast %and3A_2718 : i32 to vector<16xi32>
    %and3A_2720 = arith.andi %add3A_2705, %and3A_2719 : vector<16xi32>
    %or3A_2721 = arith.ori %shift_left3A_2717, %and3A_2720 : vector<16xi32>
    %gather3A_2722 = tpu.vector_load_idx %arg4[%or3A_2721, %and3A_2711] : memref<50x1024xi32, #tpu.memory_space<vmem>>[vector<16xi32>, vector<16xi32>], vector<16xi32>,
    %lt3A_2723 = arith.constant 50048 : i32
    %lt3A_2724 = vector.broadcast %lt3A_2723 : i32 to vector<16xi32>
    %lt3A_2725 = arith.cmpi slt, %gather3A_2722, %lt3A_2724 : vector<16xi32>
    %mul3A_2726 = arith.constant 2 : i32
    %mul3A_2727 = vector.broadcast %mul3A_2726 : i32 to vector<16xi32>
    %mul3A_2728 = arith.muli %gather3A_2722, %mul3A_2727 : vector<16xi32>
    %mul3A_2729 = arith.constant 2 : i32
    %mul3A_2730 = vector.broadcast %mul3A_2729 : i32 to vector<16xi32>
    %mul3A_2731 = arith.muli %gather3A_2722, %mul3A_2730 : vector<16xi32>
    %sub3A_2732 = arith.constant 100095 : i32
    %sub3A_2733 = vector.broadcast %sub3A_2732 : i32 to vector<16xi32>
    %sub3A_2734 = arith.subi %mul3A_2731, %sub3A_2733 : vector<16xi32>
    %select_n3A_2735 = arith.select %lt3A_2725, %mul3A_2728, %sub3A_2734 : vector<16xi1>, vector<16xi32>
    %swap3A_2736 = arith.constant 13 : i32
    %swap3A_2737 = arith.index_cast %swap3A_2736 : i32 to index
    %swap3A_2738 = arith.constant 16 : index
    %swap3A_2739 = tpu.vector_load %arg5[%swap3A_2737, %swap3A_2738] {strides = array<i32>} : memref<20x80xi32, #tpu.memory_space<vmem>>, vector<16xi32>,
    tpu.vector_store %arg5[%swap3A_2737, %swap3A_2738], %select_n3A_2735 {strides = array<i32>} : memref<20x80xi32, #tpu.memory_space<vmem>>, vector<16xi32>,
    %add3A_2740 = arith.constant 1040 : i32
    %add3A_2741 = arith.addi %mul3A_2, %add3A_2740 : i32
    %add3A_2742 = arith.constant 32 : i32
    %add3A_2743 = arith.addi %add3A_2741, %add3A_2742 : i32
    %iota3A_2744 = tpu.iota {dimensions = array<i32: 0>} : vector<16xi32>
    %add3A_2745 = vector.broadcast %add3A_2743 : i32 to vector<16xi32>
    %add3A_2746 = arith.addi %add3A_2745, %iota3A_2744 : vector<16xi32>
    %shift_right_arithmetic3A_2747 = arith.constant 1 : i32
    %shift_right_arithmetic3A_2748 = vector.broadcast %shift_right_arithmetic3A_2747 : i32 to vector<16xi32>
    %shift_right_arithmetic3A_2749 = arith.shrsi %add3A_2746, %shift_right_arithmetic3A_2748 : vector<16xi32>
    %and3A_2750 = arith.constant 1023 : i32
    %and3A_2751 = vector.broadcast %and3A_2750 : i32 to vector<16xi32>
    %and3A_2752 = arith.andi %shift_right_arithmetic3A_2749, %and3A_2751 : vector<16xi32>
    %shift_right_arithmetic3A_2753 = arith.constant 10 : i32
    %shift_right_arithmetic3A_2754 = vector.broadcast %shift_right_arithmetic3A_2753 : i32 to vector<16xi32>
    %shift_right_arithmetic3A_2755 = arith.shrsi %shift_right_arithmetic3A_2749, %shift_right_arithmetic3A_2754 : vector<16xi32>
    %shift_left3A_2756 = arith.constant 1 : i32
    %shift_left3A_2757 = vector.broadcast %shift_left3A_2756 : i32 to vector<16xi32>
    %shift_left3A_2758 = arith.shli %shift_right_arithmetic3A_2755, %shift_left3A_2757 : vector<16xi32>
    %and3A_2759 = arith.constant 1 : i32
    %and3A_2760 = vector.broadcast %and3A_2759 : i32 to vector<16xi32>
    %and3A_2761 = arith.andi %add3A_2746, %and3A_2760 : vector<16xi32>
    %or3A_2762 = arith.ori %shift_left3A_2758, %and3A_2761 : vector<16xi32>
    %gather3A_2763 = tpu.vector_load_idx %arg4[%or3A_2762, %and3A_2752] : memref<50x1024xi32, #tpu.memory_space<vmem>>[vector<16xi32>, vector<16xi32>], vector<16xi32>,
    %lt3A_2764 = arith.constant 50048 : i32
    %lt3A_2765 = vector.broadcast %lt3A_2764 : i32 to vector<16xi32>
    %lt3A_2766 = arith.cmpi slt, %gather3A_2763, %lt3A_2765 : vector<16xi32>
    %mul3A_2767 = arith.constant 2 : i32
    %mul3A_2768 = vector.broadcast %mul3A_2767 : i32 to vector<16xi32>
    %mul3A_2769 = arith.muli %gather3A_2763, %mul3A_2768 : vector<16xi32>
    %mul3A_2770 = arith.constant 2 : i32
    %mul3A_2771 = vector.broadcast %mul3A_2770 : i32 to vector<16xi32>
    %mul3A_2772 = arith.muli %gather3A_2763, %mul3A_2771 : vector<16xi32>
    %sub3A_2773 = arith.constant 100095 : i32
    %sub3A_2774 = vector.broadcast %sub3A_2773 : i32 to vector<16xi32>
    %sub3A_2775 = arith.subi %mul3A_2772, %sub3A_2774 : vector<16xi32>
    %select_n3A_2776 = arith.select %lt3A_2766, %mul3A_2769, %sub3A_2775 : vector<16xi1>, vector<16xi32>
    %swap3A_2777 = arith.constant 13 : i32
    %swap3A_2778 = arith.index_cast %swap3A_2777 : i32 to index
    %swap3A_2779 = arith.constant 32 : index
    %swap3A_2780 = tpu.vector_load %arg5[%swap3A_2778, %swap3A_2779] {strides = array<i32>} : memref<20x80xi32, #tpu.memory_space<vmem>>, vector<16xi32>,
    tpu.vector_store %arg5[%swap3A_2778, %swap3A_2779], %select_n3A_2776 {strides = array<i32>} : memref<20x80xi32, #tpu.memory_space<vmem>>, vector<16xi32>,
    %add3A_2781 = arith.constant 1040 : i32
    %add3A_2782 = arith.addi %mul3A_2, %add3A_2781 : i32
    %add3A_2783 = arith.constant 48 : i32
    %add3A_2784 = arith.addi %add3A_2782, %add3A_2783 : i32
    %iota3A_2785 = tpu.iota {dimensions = array<i32: 0>} : vector<16xi32>
    %add3A_2786 = vector.broadcast %add3A_2784 : i32 to vector<16xi32>
    %add3A_2787 = arith.addi %add3A_2786, %iota3A_2785 : vector<16xi32>
    %shift_right_arithmetic3A_2788 = arith.constant 1 : i32
    %shift_right_arithmetic3A_2789 = vector.broadcast %shift_right_arithmetic3A_2788 : i32 to vector<16xi32>
    %shift_right_arithmetic3A_2790 = arith.shrsi %add3A_2787, %shift_right_arithmetic3A_2789 : vector<16xi32>
    %and3A_2791 = arith.constant 1023 : i32
    %and3A_2792 = vector.broadcast %and3A_2791 : i32 to vector<16xi32>
    %and3A_2793 = arith.andi %shift_right_arithmetic3A_2790, %and3A_2792 : vector<16xi32>
    %shift_right_arithmetic3A_2794 = arith.constant 10 : i32
    %shift_right_arithmetic3A_2795 = vector.broadcast %shift_right_arithmetic3A_2794 : i32 to vector<16xi32>
    %shift_right_arithmetic3A_2796 = arith.shrsi %shift_right_arithmetic3A_2790, %shift_right_arithmetic3A_2795 : vector<16xi32>
    %shift_left3A_2797 = arith.constant 1 : i32
    %shift_left3A_2798 = vector.broadcast %shift_left3A_2797 : i32 to vector<16xi32>
    %shift_left3A_2799 = arith.shli %shift_right_arithmetic3A_2796, %shift_left3A_2798 : vector<16xi32>
    %and3A_2800 = arith.constant 1 : i32
    %and3A_2801 = vector.broadcast %and3A_2800 : i32 to vector<16xi32>
    %and3A_2802 = arith.andi %add3A_2787, %and3A_2801 : vector<16xi32>
    %or3A_2803 = arith.ori %shift_left3A_2799, %and3A_2802 : vector<16xi32>
    %gather3A_2804 = tpu.vector_load_idx %arg4[%or3A_2803, %and3A_2793] : memref<50x1024xi32, #tpu.memory_space<vmem>>[vector<16xi32>, vector<16xi32>], vector<16xi32>,
    %lt3A_2805 = arith.constant 50048 : i32
    %lt3A_2806 = vector.broadcast %lt3A_2805 : i32 to vector<16xi32>
    %lt3A_2807 = arith.cmpi slt, %gather3A_2804, %lt3A_2806 : vector<16xi32>
    %mul3A_2808 = arith.constant 2 : i32
    %mul3A_2809 = vector.broadcast %mul3A_2808 : i32 to vector<16xi32>
    %mul3A_2810 = arith.muli %gather3A_2804, %mul3A_2809 : vector<16xi32>
    %mul3A_2811 = arith.constant 2 : i32
    %mul3A_2812 = vector.broadcast %mul3A_2811 : i32 to vector<16xi32>
    %mul3A_2813 = arith.muli %gather3A_2804, %mul3A_2812 : vector<16xi32>
    %sub3A_2814 = arith.constant 100095 : i32
    %sub3A_2815 = vector.broadcast %sub3A_2814 : i32 to vector<16xi32>
    %sub3A_2816 = arith.subi %mul3A_2813, %sub3A_2815 : vector<16xi32>
    %select_n3A_2817 = arith.select %lt3A_2807, %mul3A_2810, %sub3A_2816 : vector<16xi1>, vector<16xi32>
    %swap3A_2818 = arith.constant 13 : i32
    %swap3A_2819 = arith.index_cast %swap3A_2818 : i32 to index
    %swap3A_2820 = arith.constant 48 : index
    %swap3A_2821 = tpu.vector_load %arg5[%swap3A_2819, %swap3A_2820] {strides = array<i32>} : memref<20x80xi32, #tpu.memory_space<vmem>>, vector<16xi32>,
    tpu.vector_store %arg5[%swap3A_2819, %swap3A_2820], %select_n3A_2817 {strides = array<i32>} : memref<20x80xi32, #tpu.memory_space<vmem>>, vector<16xi32>,
    %add3A_2822 = arith.constant 1040 : i32
    %add3A_2823 = arith.addi %mul3A_2, %add3A_2822 : i32
    %add3A_2824 = arith.constant 64 : i32
    %add3A_2825 = arith.addi %add3A_2823, %add3A_2824 : i32
    %iota3A_2826 = tpu.iota {dimensions = array<i32: 0>} : vector<16xi32>
    %add3A_2827 = vector.broadcast %add3A_2825 : i32 to vector<16xi32>
    %add3A_2828 = arith.addi %add3A_2827, %iota3A_2826 : vector<16xi32>
    %shift_right_arithmetic3A_2829 = arith.constant 1 : i32
    %shift_right_arithmetic3A_2830 = vector.broadcast %shift_right_arithmetic3A_2829 : i32 to vector<16xi32>
    %shift_right_arithmetic3A_2831 = arith.shrsi %add3A_2828, %shift_right_arithmetic3A_2830 : vector<16xi32>
    %and3A_2832 = arith.constant 1023 : i32
    %and3A_2833 = vector.broadcast %and3A_2832 : i32 to vector<16xi32>
    %and3A_2834 = arith.andi %shift_right_arithmetic3A_2831, %and3A_2833 : vector<16xi32>
    %shift_right_arithmetic3A_2835 = arith.constant 10 : i32
    %shift_right_arithmetic3A_2836 = vector.broadcast %shift_right_arithmetic3A_2835 : i32 to vector<16xi32>
    %shift_right_arithmetic3A_2837 = arith.shrsi %shift_right_arithmetic3A_2831, %shift_right_arithmetic3A_2836 : vector<16xi32>
    %shift_left3A_2838 = arith.constant 1 : i32
    %shift_left3A_2839 = vector.broadcast %shift_left3A_2838 : i32 to vector<16xi32>
    %shift_left3A_2840 = arith.shli %shift_right_arithmetic3A_2837, %shift_left3A_2839 : vector<16xi32>
    %and3A_2841 = arith.constant 1 : i32
    %and3A_2842 = vector.broadcast %and3A_2841 : i32 to vector<16xi32>
    %and3A_2843 = arith.andi %add3A_2828, %and3A_2842 : vector<16xi32>
    %or3A_2844 = arith.ori %shift_left3A_2840, %and3A_2843 : vector<16xi32>
    %gather3A_2845 = tpu.vector_load_idx %arg4[%or3A_2844, %and3A_2834] : memref<50x1024xi32, #tpu.memory_space<vmem>>[vector<16xi32>, vector<16xi32>], vector<16xi32>,
    %lt3A_2846 = arith.constant 50048 : i32
    %lt3A_2847 = vector.broadcast %lt3A_2846 : i32 to vector<16xi32>
    %lt3A_2848 = arith.cmpi slt, %gather3A_2845, %lt3A_2847 : vector<16xi32>
    %mul3A_2849 = arith.constant 2 : i32
    %mul3A_2850 = vector.broadcast %mul3A_2849 : i32 to vector<16xi32>
    %mul3A_2851 = arith.muli %gather3A_2845, %mul3A_2850 : vector<16xi32>
    %mul3A_2852 = arith.constant 2 : i32
    %mul3A_2853 = vector.broadcast %mul3A_2852 : i32 to vector<16xi32>
    %mul3A_2854 = arith.muli %gather3A_2845, %mul3A_2853 : vector<16xi32>
    %sub3A_2855 = arith.constant 100095 : i32
    %sub3A_2856 = vector.broadcast %sub3A_2855 : i32 to vector<16xi32>
    %sub3A_2857 = arith.subi %mul3A_2854, %sub3A_2856 : vector<16xi32>
    %select_n3A_2858 = arith.select %lt3A_2848, %mul3A_2851, %sub3A_2857 : vector<16xi1>, vector<16xi32>
    %swap3A_2859 = arith.constant 13 : i32
    %swap3A_2860 = arith.index_cast %swap3A_2859 : i32 to index
    %swap3A_2861 = arith.constant 64 : index
    %swap3A_2862 = tpu.vector_load %arg5[%swap3A_2860, %swap3A_2861] {strides = array<i32>} : memref<20x80xi32, #tpu.memory_space<vmem>>, vector<16xi32>,
    tpu.vector_store %arg5[%swap3A_2860, %swap3A_2861], %select_n3A_2858 {strides = array<i32>} : memref<20x80xi32, #tpu.memory_space<vmem>>, vector<16xi32>,
    %add3A_2863 = arith.constant 1120 : i32
    %add3A_2864 = arith.addi %mul3A_2, %add3A_2863 : i32
    %add3A_2865 = arith.constant 0 : i32
    %add3A_2866 = arith.addi %add3A_2864, %add3A_2865 : i32
    %iota3A_2867 = tpu.iota {dimensions = array<i32: 0>} : vector<16xi32>
    %add3A_2868 = vector.broadcast %add3A_2866 : i32 to vector<16xi32>
    %add3A_2869 = arith.addi %add3A_2868, %iota3A_2867 : vector<16xi32>
    %shift_right_arithmetic3A_2870 = arith.constant 1 : i32
    %shift_right_arithmetic3A_2871 = vector.broadcast %shift_right_arithmetic3A_2870 : i32 to vector<16xi32>
    %shift_right_arithmetic3A_2872 = arith.shrsi %add3A_2869, %shift_right_arithmetic3A_2871 : vector<16xi32>
    %and3A_2873 = arith.constant 1023 : i32
    %and3A_2874 = vector.broadcast %and3A_2873 : i32 to vector<16xi32>
    %and3A_2875 = arith.andi %shift_right_arithmetic3A_2872, %and3A_2874 : vector<16xi32>
    %shift_right_arithmetic3A_2876 = arith.constant 10 : i32
    %shift_right_arithmetic3A_2877 = vector.broadcast %shift_right_arithmetic3A_2876 : i32 to vector<16xi32>
    %shift_right_arithmetic3A_2878 = arith.shrsi %shift_right_arithmetic3A_2872, %shift_right_arithmetic3A_2877 : vector<16xi32>
    %shift_left3A_2879 = arith.constant 1 : i32
    %shift_left3A_2880 = vector.broadcast %shift_left3A_2879 : i32 to vector<16xi32>
    %shift_left3A_2881 = arith.shli %shift_right_arithmetic3A_2878, %shift_left3A_2880 : vector<16xi32>
    %and3A_2882 = arith.constant 1 : i32
    %and3A_2883 = vector.broadcast %and3A_2882 : i32 to vector<16xi32>
    %and3A_2884 = arith.andi %add3A_2869, %and3A_2883 : vector<16xi32>
    %or3A_2885 = arith.ori %shift_left3A_2881, %and3A_2884 : vector<16xi32>
    %gather3A_2886 = tpu.vector_load_idx %arg4[%or3A_2885, %and3A_2875] : memref<50x1024xi32, #tpu.memory_space<vmem>>[vector<16xi32>, vector<16xi32>], vector<16xi32>,
    %lt3A_2887 = arith.constant 50048 : i32
    %lt3A_2888 = vector.broadcast %lt3A_2887 : i32 to vector<16xi32>
    %lt3A_2889 = arith.cmpi slt, %gather3A_2886, %lt3A_2888 : vector<16xi32>
    %mul3A_2890 = arith.constant 2 : i32
    %mul3A_2891 = vector.broadcast %mul3A_2890 : i32 to vector<16xi32>
    %mul3A_2892 = arith.muli %gather3A_2886, %mul3A_2891 : vector<16xi32>
    %mul3A_2893 = arith.constant 2 : i32
    %mul3A_2894 = vector.broadcast %mul3A_2893 : i32 to vector<16xi32>
    %mul3A_2895 = arith.muli %gather3A_2886, %mul3A_2894 : vector<16xi32>
    %sub3A_2896 = arith.constant 100095 : i32
    %sub3A_2897 = vector.broadcast %sub3A_2896 : i32 to vector<16xi32>
    %sub3A_2898 = arith.subi %mul3A_2895, %sub3A_2897 : vector<16xi32>
    %select_n3A_2899 = arith.select %lt3A_2889, %mul3A_2892, %sub3A_2898 : vector<16xi1>, vector<16xi32>
    %swap3A_2900 = arith.constant 14 : i32
    %swap3A_2901 = arith.index_cast %swap3A_2900 : i32 to index
    %swap3A_2902 = arith.constant 0 : index
    %swap3A_2903 = tpu.vector_load %arg5[%swap3A_2901, %swap3A_2902] {strides = array<i32>} : memref<20x80xi32, #tpu.memory_space<vmem>>, vector<16xi32>,
    tpu.vector_store %arg5[%swap3A_2901, %swap3A_2902], %select_n3A_2899 {strides = array<i32>} : memref<20x80xi32, #tpu.memory_space<vmem>>, vector<16xi32>,
    %add3A_2904 = arith.constant 1120 : i32
    %add3A_2905 = arith.addi %mul3A_2, %add3A_2904 : i32
    %add3A_2906 = arith.constant 16 : i32
    %add3A_2907 = arith.addi %add3A_2905, %add3A_2906 : i32
    %iota3A_2908 = tpu.iota {dimensions = array<i32: 0>} : vector<16xi32>
    %add3A_2909 = vector.broadcast %add3A_2907 : i32 to vector<16xi32>
    %add3A_2910 = arith.addi %add3A_2909, %iota3A_2908 : vector<16xi32>
    %shift_right_arithmetic3A_2911 = arith.constant 1 : i32
    %shift_right_arithmetic3A_2912 = vector.broadcast %shift_right_arithmetic3A_2911 : i32 to vector<16xi32>
    %shift_right_arithmetic3A_2913 = arith.shrsi %add3A_2910, %shift_right_arithmetic3A_2912 : vector<16xi32>
    %and3A_2914 = arith.constant 1023 : i32
    %and3A_2915 = vector.broadcast %and3A_2914 : i32 to vector<16xi32>
    %and3A_2916 = arith.andi %shift_right_arithmetic3A_2913, %and3A_2915 : vector<16xi32>
    %shift_right_arithmetic3A_2917 = arith.constant 10 : i32
    %shift_right_arithmetic3A_2918 = vector.broadcast %shift_right_arithmetic3A_2917 : i32 to vector<16xi32>
    %shift_right_arithmetic3A_2919 = arith.shrsi %shift_right_arithmetic3A_2913, %shift_right_arithmetic3A_2918 : vector<16xi32>
    %shift_left3A_2920 = arith.constant 1 : i32
    %shift_left3A_2921 = vector.broadcast %shift_left3A_2920 : i32 to vector<16xi32>
    %shift_left3A_2922 = arith.shli %shift_right_arithmetic3A_2919, %shift_left3A_2921 : vector<16xi32>
    %and3A_2923 = arith.constant 1 : i32
    %and3A_2924 = vector.broadcast %and3A_2923 : i32 to vector<16xi32>
    %and3A_2925 = arith.andi %add3A_2910, %and3A_2924 : vector<16xi32>
    %or3A_2926 = arith.ori %shift_left3A_2922, %and3A_2925 : vector<16xi32>
    %gather3A_2927 = tpu.vector_load_idx %arg4[%or3A_2926, %and3A_2916] : memref<50x1024xi32, #tpu.memory_space<vmem>>[vector<16xi32>, vector<16xi32>], vector<16xi32>,
    %lt3A_2928 = arith.constant 50048 : i32
    %lt3A_2929 = vector.broadcast %lt3A_2928 : i32 to vector<16xi32>
    %lt3A_2930 = arith.cmpi slt, %gather3A_2927, %lt3A_2929 : vector<16xi32>
    %mul3A_2931 = arith.constant 2 : i32
    %mul3A_2932 = vector.broadcast %mul3A_2931 : i32 to vector<16xi32>
    %mul3A_2933 = arith.muli %gather3A_2927, %mul3A_2932 : vector<16xi32>
    %mul3A_2934 = arith.constant 2 : i32
    %mul3A_2935 = vector.broadcast %mul3A_2934 : i32 to vector<16xi32>
    %mul3A_2936 = arith.muli %gather3A_2927, %mul3A_2935 : vector<16xi32>
    %sub3A_2937 = arith.constant 100095 : i32
    %sub3A_2938 = vector.broadcast %sub3A_2937 : i32 to vector<16xi32>
    %sub3A_2939 = arith.subi %mul3A_2936, %sub3A_2938 : vector<16xi32>
    %select_n3A_2940 = arith.select %lt3A_2930, %mul3A_2933, %sub3A_2939 : vector<16xi1>, vector<16xi32>
    %swap3A_2941 = arith.constant 14 : i32
    %swap3A_2942 = arith.index_cast %swap3A_2941 : i32 to index
    %swap3A_2943 = arith.constant 16 : index
    %swap3A_2944 = tpu.vector_load %arg5[%swap3A_2942, %swap3A_2943] {strides = array<i32>} : memref<20x80xi32, #tpu.memory_space<vmem>>, vector<16xi32>,
    tpu.vector_store %arg5[%swap3A_2942, %swap3A_2943], %select_n3A_2940 {strides = array<i32>} : memref<20x80xi32, #tpu.memory_space<vmem>>, vector<16xi32>,
    %add3A_2945 = arith.constant 1120 : i32
    %add3A_2946 = arith.addi %mul3A_2, %add3A_2945 : i32
    %add3A_2947 = arith.constant 32 : i32
    %add3A_2948 = arith.addi %add3A_2946, %add3A_2947 : i32
    %iota3A_2949 = tpu.iota {dimensions = array<i32: 0>} : vector<16xi32>
    %add3A_2950 = vector.broadcast %add3A_2948 : i32 to vector<16xi32>
    %add3A_2951 = arith.addi %add3A_2950, %iota3A_2949 : vector<16xi32>
    %shift_right_arithmetic3A_2952 = arith.constant 1 : i32
    %shift_right_arithmetic3A_2953 = vector.broadcast %shift_right_arithmetic3A_2952 : i32 to vector<16xi32>
    %shift_right_arithmetic3A_2954 = arith.shrsi %add3A_2951, %shift_right_arithmetic3A_2953 : vector<16xi32>
    %and3A_2955 = arith.constant 1023 : i32
    %and3A_2956 = vector.broadcast %and3A_2955 : i32 to vector<16xi32>
    %and3A_2957 = arith.andi %shift_right_arithmetic3A_2954, %and3A_2956 : vector<16xi32>
    %shift_right_arithmetic3A_2958 = arith.constant 10 : i32
    %shift_right_arithmetic3A_2959 = vector.broadcast %shift_right_arithmetic3A_2958 : i32 to vector<16xi32>
    %shift_right_arithmetic3A_2960 = arith.shrsi %shift_right_arithmetic3A_2954, %shift_right_arithmetic3A_2959 : vector<16xi32>
    %shift_left3A_2961 = arith.constant 1 : i32
    %shift_left3A_2962 = vector.broadcast %shift_left3A_2961 : i32 to vector<16xi32>
    %shift_left3A_2963 = arith.shli %shift_right_arithmetic3A_2960, %shift_left3A_2962 : vector<16xi32>
    %and3A_2964 = arith.constant 1 : i32
    %and3A_2965 = vector.broadcast %and3A_2964 : i32 to vector<16xi32>
    %and3A_2966 = arith.andi %add3A_2951, %and3A_2965 : vector<16xi32>
    %or3A_2967 = arith.ori %shift_left3A_2963, %and3A_2966 : vector<16xi32>
    %gather3A_2968 = tpu.vector_load_idx %arg4[%or3A_2967, %and3A_2957] : memref<50x1024xi32, #tpu.memory_space<vmem>>[vector<16xi32>, vector<16xi32>], vector<16xi32>,
    %lt3A_2969 = arith.constant 50048 : i32
    %lt3A_2970 = vector.broadcast %lt3A_2969 : i32 to vector<16xi32>
    %lt3A_2971 = arith.cmpi slt, %gather3A_2968, %lt3A_2970 : vector<16xi32>
    %mul3A_2972 = arith.constant 2 : i32
    %mul3A_2973 = vector.broadcast %mul3A_2972 : i32 to vector<16xi32>
    %mul3A_2974 = arith.muli %gather3A_2968, %mul3A_2973 : vector<16xi32>
    %mul3A_2975 = arith.constant 2 : i32
    %mul3A_2976 = vector.broadcast %mul3A_2975 : i32 to vector<16xi32>
    %mul3A_2977 = arith.muli %gather3A_2968, %mul3A_2976 : vector<16xi32>
    %sub3A_2978 = arith.constant 100095 : i32
    %sub3A_2979 = vector.broadcast %sub3A_2978 : i32 to vector<16xi32>
    %sub3A_2980 = arith.subi %mul3A_2977, %sub3A_2979 : vector<16xi32>
    %select_n3A_2981 = arith.select %lt3A_2971, %mul3A_2974, %sub3A_2980 : vector<16xi1>, vector<16xi32>
    %swap3A_2982 = arith.constant 14 : i32
    %swap3A_2983 = arith.index_cast %swap3A_2982 : i32 to index
    %swap3A_2984 = arith.constant 32 : index
    %swap3A_2985 = tpu.vector_load %arg5[%swap3A_2983, %swap3A_2984] {strides = array<i32>} : memref<20x80xi32, #tpu.memory_space<vmem>>, vector<16xi32>,
    tpu.vector_store %arg5[%swap3A_2983, %swap3A_2984], %select_n3A_2981 {strides = array<i32>} : memref<20x80xi32, #tpu.memory_space<vmem>>, vector<16xi32>,
    %add3A_2986 = arith.constant 1120 : i32
    %add3A_2987 = arith.addi %mul3A_2, %add3A_2986 : i32
    %add3A_2988 = arith.constant 48 : i32
    %add3A_2989 = arith.addi %add3A_2987, %add3A_2988 : i32
    %iota3A_2990 = tpu.iota {dimensions = array<i32: 0>} : vector<16xi32>
    %add3A_2991 = vector.broadcast %add3A_2989 : i32 to vector<16xi32>
    %add3A_2992 = arith.addi %add3A_2991, %iota3A_2990 : vector<16xi32>
    %shift_right_arithmetic3A_2993 = arith.constant 1 : i32
    %shift_right_arithmetic3A_2994 = vector.broadcast %shift_right_arithmetic3A_2993 : i32 to vector<16xi32>
    %shift_right_arithmetic3A_2995 = arith.shrsi %add3A_2992, %shift_right_arithmetic3A_2994 : vector<16xi32>
    %and3A_2996 = arith.constant 1023 : i32
    %and3A_2997 = vector.broadcast %and3A_2996 : i32 to vector<16xi32>
    %and3A_2998 = arith.andi %shift_right_arithmetic3A_2995, %and3A_2997 : vector<16xi32>
    %shift_right_arithmetic3A_2999 = arith.constant 10 : i32
    %shift_right_arithmetic3A_3000 = vector.broadcast %shift_right_arithmetic3A_2999 : i32 to vector<16xi32>
    %shift_right_arithmetic3A_3001 = arith.shrsi %shift_right_arithmetic3A_2995, %shift_right_arithmetic3A_3000 : vector<16xi32>
    %shift_left3A_3002 = arith.constant 1 : i32
    %shift_left3A_3003 = vector.broadcast %shift_left3A_3002 : i32 to vector<16xi32>
    %shift_left3A_3004 = arith.shli %shift_right_arithmetic3A_3001, %shift_left3A_3003 : vector<16xi32>
    %and3A_3005 = arith.constant 1 : i32
    %and3A_3006 = vector.broadcast %and3A_3005 : i32 to vector<16xi32>
    %and3A_3007 = arith.andi %add3A_2992, %and3A_3006 : vector<16xi32>
    %or3A_3008 = arith.ori %shift_left3A_3004, %and3A_3007 : vector<16xi32>
    %gather3A_3009 = tpu.vector_load_idx %arg4[%or3A_3008, %and3A_2998] : memref<50x1024xi32, #tpu.memory_space<vmem>>[vector<16xi32>, vector<16xi32>], vector<16xi32>,
    %lt3A_3010 = arith.constant 50048 : i32
    %lt3A_3011 = vector.broadcast %lt3A_3010 : i32 to vector<16xi32>
    %lt3A_3012 = arith.cmpi slt, %gather3A_3009, %lt3A_3011 : vector<16xi32>
    %mul3A_3013 = arith.constant 2 : i32
    %mul3A_3014 = vector.broadcast %mul3A_3013 : i32 to vector<16xi32>
    %mul3A_3015 = arith.muli %gather3A_3009, %mul3A_3014 : vector<16xi32>
    %mul3A_3016 = arith.constant 2 : i32
    %mul3A_3017 = vector.broadcast %mul3A_3016 : i32 to vector<16xi32>
    %mul3A_3018 = arith.muli %gather3A_3009, %mul3A_3017 : vector<16xi32>
    %sub3A_3019 = arith.constant 100095 : i32
    %sub3A_3020 = vector.broadcast %sub3A_3019 : i32 to vector<16xi32>
    %sub3A_3021 = arith.subi %mul3A_3018, %sub3A_3020 : vector<16xi32>
    %select_n3A_3022 = arith.select %lt3A_3012, %mul3A_3015, %sub3A_3021 : vector<16xi1>, vector<16xi32>
    %swap3A_3023 = arith.constant 14 : i32
    %swap3A_3024 = arith.index_cast %swap3A_3023 : i32 to index
    %swap3A_3025 = arith.constant 48 : index
    %swap3A_3026 = tpu.vector_load %arg5[%swap3A_3024, %swap3A_3025] {strides = array<i32>} : memref<20x80xi32, #tpu.memory_space<vmem>>, vector<16xi32>,
    tpu.vector_store %arg5[%swap3A_3024, %swap3A_3025], %select_n3A_3022 {strides = array<i32>} : memref<20x80xi32, #tpu.memory_space<vmem>>, vector<16xi32>,
    %add3A_3027 = arith.constant 1120 : i32
    %add3A_3028 = arith.addi %mul3A_2, %add3A_3027 : i32
    %add3A_3029 = arith.constant 64 : i32
    %add3A_3030 = arith.addi %add3A_3028, %add3A_3029 : i32
    %iota3A_3031 = tpu.iota {dimensions = array<i32: 0>} : vector<16xi32>
    %add3A_3032 = vector.broadcast %add3A_3030 : i32 to vector<16xi32>
    %add3A_3033 = arith.addi %add3A_3032, %iota3A_3031 : vector<16xi32>
    %shift_right_arithmetic3A_3034 = arith.constant 1 : i32
    %shift_right_arithmetic3A_3035 = vector.broadcast %shift_right_arithmetic3A_3034 : i32 to vector<16xi32>
    %shift_right_arithmetic3A_3036 = arith.shrsi %add3A_3033, %shift_right_arithmetic3A_3035 : vector<16xi32>
    %and3A_3037 = arith.constant 1023 : i32
    %and3A_3038 = vector.broadcast %and3A_3037 : i32 to vector<16xi32>
    %and3A_3039 = arith.andi %shift_right_arithmetic3A_3036, %and3A_3038 : vector<16xi32>
    %shift_right_arithmetic3A_3040 = arith.constant 10 : i32
    %shift_right_arithmetic3A_3041 = vector.broadcast %shift_right_arithmetic3A_3040 : i32 to vector<16xi32>
    %shift_right_arithmetic3A_3042 = arith.shrsi %shift_right_arithmetic3A_3036, %shift_right_arithmetic3A_3041 : vector<16xi32>
    %shift_left3A_3043 = arith.constant 1 : i32
    %shift_left3A_3044 = vector.broadcast %shift_left3A_3043 : i32 to vector<16xi32>
    %shift_left3A_3045 = arith.shli %shift_right_arithmetic3A_3042, %shift_left3A_3044 : vector<16xi32>
    %and3A_3046 = arith.constant 1 : i32
    %and3A_3047 = vector.broadcast %and3A_3046 : i32 to vector<16xi32>
    %and3A_3048 = arith.andi %add3A_3033, %and3A_3047 : vector<16xi32>
    %or3A_3049 = arith.ori %shift_left3A_3045, %and3A_3048 : vector<16xi32>
    %gather3A_3050 = tpu.vector_load_idx %arg4[%or3A_3049, %and3A_3039] : memref<50x1024xi32, #tpu.memory_space<vmem>>[vector<16xi32>, vector<16xi32>], vector<16xi32>,
    %lt3A_3051 = arith.constant 50048 : i32
    %lt3A_3052 = vector.broadcast %lt3A_3051 : i32 to vector<16xi32>
    %lt3A_3053 = arith.cmpi slt, %gather3A_3050, %lt3A_3052 : vector<16xi32>
    %mul3A_3054 = arith.constant 2 : i32
    %mul3A_3055 = vector.broadcast %mul3A_3054 : i32 to vector<16xi32>
    %mul3A_3056 = arith.muli %gather3A_3050, %mul3A_3055 : vector<16xi32>
    %mul3A_3057 = arith.constant 2 : i32
    %mul3A_3058 = vector.broadcast %mul3A_3057 : i32 to vector<16xi32>
    %mul3A_3059 = arith.muli %gather3A_3050, %mul3A_3058 : vector<16xi32>
    %sub3A_3060 = arith.constant 100095 : i32
    %sub3A_3061 = vector.broadcast %sub3A_3060 : i32 to vector<16xi32>
    %sub3A_3062 = arith.subi %mul3A_3059, %sub3A_3061 : vector<16xi32>
    %select_n3A_3063 = arith.select %lt3A_3053, %mul3A_3056, %sub3A_3062 : vector<16xi1>, vector<16xi32>
    %swap3A_3064 = arith.constant 14 : i32
    %swap3A_3065 = arith.index_cast %swap3A_3064 : i32 to index
    %swap3A_3066 = arith.constant 64 : index
    %swap3A_3067 = tpu.vector_load %arg5[%swap3A_3065, %swap3A_3066] {strides = array<i32>} : memref<20x80xi32, #tpu.memory_space<vmem>>, vector<16xi32>,
    tpu.vector_store %arg5[%swap3A_3065, %swap3A_3066], %select_n3A_3063 {strides = array<i32>} : memref<20x80xi32, #tpu.memory_space<vmem>>, vector<16xi32>,
    %add3A_3068 = arith.constant 1200 : i32
    %add3A_3069 = arith.addi %mul3A_2, %add3A_3068 : i32
    %add3A_3070 = arith.constant 0 : i32
    %add3A_3071 = arith.addi %add3A_3069, %add3A_3070 : i32
    %iota3A_3072 = tpu.iota {dimensions = array<i32: 0>} : vector<16xi32>
    %add3A_3073 = vector.broadcast %add3A_3071 : i32 to vector<16xi32>
    %add3A_3074 = arith.addi %add3A_3073, %iota3A_3072 : vector<16xi32>
    %shift_right_arithmetic3A_3075 = arith.constant 1 : i32
    %shift_right_arithmetic3A_3076 = vector.broadcast %shift_right_arithmetic3A_3075 : i32 to vector<16xi32>
    %shift_right_arithmetic3A_3077 = arith.shrsi %add3A_3074, %shift_right_arithmetic3A_3076 : vector<16xi32>
    %and3A_3078 = arith.constant 1023 : i32
    %and3A_3079 = vector.broadcast %and3A_3078 : i32 to vector<16xi32>
    %and3A_3080 = arith.andi %shift_right_arithmetic3A_3077, %and3A_3079 : vector<16xi32>
    %shift_right_arithmetic3A_3081 = arith.constant 10 : i32
    %shift_right_arithmetic3A_3082 = vector.broadcast %shift_right_arithmetic3A_3081 : i32 to vector<16xi32>
    %shift_right_arithmetic3A_3083 = arith.shrsi %shift_right_arithmetic3A_3077, %shift_right_arithmetic3A_3082 : vector<16xi32>
    %shift_left3A_3084 = arith.constant 1 : i32
    %shift_left3A_3085 = vector.broadcast %shift_left3A_3084 : i32 to vector<16xi32>
    %shift_left3A_3086 = arith.shli %shift_right_arithmetic3A_3083, %shift_left3A_3085 : vector<16xi32>
    %and3A_3087 = arith.constant 1 : i32
    %and3A_3088 = vector.broadcast %and3A_3087 : i32 to vector<16xi32>
    %and3A_3089 = arith.andi %add3A_3074, %and3A_3088 : vector<16xi32>
    %or3A_3090 = arith.ori %shift_left3A_3086, %and3A_3089 : vector<16xi32>
    %gather3A_3091 = tpu.vector_load_idx %arg4[%or3A_3090, %and3A_3080] : memref<50x1024xi32, #tpu.memory_space<vmem>>[vector<16xi32>, vector<16xi32>], vector<16xi32>,
    %lt3A_3092 = arith.constant 50048 : i32
    %lt3A_3093 = vector.broadcast %lt3A_3092 : i32 to vector<16xi32>
    %lt3A_3094 = arith.cmpi slt, %gather3A_3091, %lt3A_3093 : vector<16xi32>
    %mul3A_3095 = arith.constant 2 : i32
    %mul3A_3096 = vector.broadcast %mul3A_3095 : i32 to vector<16xi32>
    %mul3A_3097 = arith.muli %gather3A_3091, %mul3A_3096 : vector<16xi32>
    %mul3A_3098 = arith.constant 2 : i32
    %mul3A_3099 = vector.broadcast %mul3A_3098 : i32 to vector<16xi32>
    %mul3A_3100 = arith.muli %gather3A_3091, %mul3A_3099 : vector<16xi32>
    %sub3A_3101 = arith.constant 100095 : i32
    %sub3A_3102 = vector.broadcast %sub3A_3101 : i32 to vector<16xi32>
    %sub3A_3103 = arith.subi %mul3A_3100, %sub3A_3102 : vector<16xi32>
    %select_n3A_3104 = arith.select %lt3A_3094, %mul3A_3097, %sub3A_3103 : vector<16xi1>, vector<16xi32>
    %swap3A_3105 = arith.constant 15 : i32
    %swap3A_3106 = arith.index_cast %swap3A_3105 : i32 to index
    %swap3A_3107 = arith.constant 0 : index
    %swap3A_3108 = tpu.vector_load %arg5[%swap3A_3106, %swap3A_3107] {strides = array<i32>} : memref<20x80xi32, #tpu.memory_space<vmem>>, vector<16xi32>,
    tpu.vector_store %arg5[%swap3A_3106, %swap3A_3107], %select_n3A_3104 {strides = array<i32>} : memref<20x80xi32, #tpu.memory_space<vmem>>, vector<16xi32>,
    %add3A_3109 = arith.constant 1200 : i32
    %add3A_3110 = arith.addi %mul3A_2, %add3A_3109 : i32
    %add3A_3111 = arith.constant 16 : i32
    %add3A_3112 = arith.addi %add3A_3110, %add3A_3111 : i32
    %iota3A_3113 = tpu.iota {dimensions = array<i32: 0>} : vector<16xi32>
    %add3A_3114 = vector.broadcast %add3A_3112 : i32 to vector<16xi32>
    %add3A_3115 = arith.addi %add3A_3114, %iota3A_3113 : vector<16xi32>
    %shift_right_arithmetic3A_3116 = arith.constant 1 : i32
    %shift_right_arithmetic3A_3117 = vector.broadcast %shift_right_arithmetic3A_3116 : i32 to vector<16xi32>
    %shift_right_arithmetic3A_3118 = arith.shrsi %add3A_3115, %shift_right_arithmetic3A_3117 : vector<16xi32>
    %and3A_3119 = arith.constant 1023 : i32
    %and3A_3120 = vector.broadcast %and3A_3119 : i32 to vector<16xi32>
    %and3A_3121 = arith.andi %shift_right_arithmetic3A_3118, %and3A_3120 : vector<16xi32>
    %shift_right_arithmetic3A_3122 = arith.constant 10 : i32
    %shift_right_arithmetic3A_3123 = vector.broadcast %shift_right_arithmetic3A_3122 : i32 to vector<16xi32>
    %shift_right_arithmetic3A_3124 = arith.shrsi %shift_right_arithmetic3A_3118, %shift_right_arithmetic3A_3123 : vector<16xi32>
    %shift_left3A_3125 = arith.constant 1 : i32
    %shift_left3A_3126 = vector.broadcast %shift_left3A_3125 : i32 to vector<16xi32>
    %shift_left3A_3127 = arith.shli %shift_right_arithmetic3A_3124, %shift_left3A_3126 : vector<16xi32>
    %and3A_3128 = arith.constant 1 : i32
    %and3A_3129 = vector.broadcast %and3A_3128 : i32 to vector<16xi32>
    %and3A_3130 = arith.andi %add3A_3115, %and3A_3129 : vector<16xi32>
    %or3A_3131 = arith.ori %shift_left3A_3127, %and3A_3130 : vector<16xi32>
    %gather3A_3132 = tpu.vector_load_idx %arg4[%or3A_3131, %and3A_3121] : memref<50x1024xi32, #tpu.memory_space<vmem>>[vector<16xi32>, vector<16xi32>], vector<16xi32>,
    %lt3A_3133 = arith.constant 50048 : i32
    %lt3A_3134 = vector.broadcast %lt3A_3133 : i32 to vector<16xi32>
    %lt3A_3135 = arith.cmpi slt, %gather3A_3132, %lt3A_3134 : vector<16xi32>
    %mul3A_3136 = arith.constant 2 : i32
    %mul3A_3137 = vector.broadcast %mul3A_3136 : i32 to vector<16xi32>
    %mul3A_3138 = arith.muli %gather3A_3132, %mul3A_3137 : vector<16xi32>
    %mul3A_3139 = arith.constant 2 : i32
    %mul3A_3140 = vector.broadcast %mul3A_3139 : i32 to vector<16xi32>
    %mul3A_3141 = arith.muli %gather3A_3132, %mul3A_3140 : vector<16xi32>
    %sub3A_3142 = arith.constant 100095 : i32
    %sub3A_3143 = vector.broadcast %sub3A_3142 : i32 to vector<16xi32>
    %sub3A_3144 = arith.subi %mul3A_3141, %sub3A_3143 : vector<16xi32>
    %select_n3A_3145 = arith.select %lt3A_3135, %mul3A_3138, %sub3A_3144 : vector<16xi1>, vector<16xi32>
    %swap3A_3146 = arith.constant 15 : i32
    %swap3A_3147 = arith.index_cast %swap3A_3146 : i32 to index
    %swap3A_3148 = arith.constant 16 : index
    %swap3A_3149 = tpu.vector_load %arg5[%swap3A_3147, %swap3A_3148] {strides = array<i32>} : memref<20x80xi32, #tpu.memory_space<vmem>>, vector<16xi32>,
    tpu.vector_store %arg5[%swap3A_3147, %swap3A_3148], %select_n3A_3145 {strides = array<i32>} : memref<20x80xi32, #tpu.memory_space<vmem>>, vector<16xi32>,
    %add3A_3150 = arith.constant 1200 : i32
    %add3A_3151 = arith.addi %mul3A_2, %add3A_3150 : i32
    %add3A_3152 = arith.constant 32 : i32
    %add3A_3153 = arith.addi %add3A_3151, %add3A_3152 : i32
    %iota3A_3154 = tpu.iota {dimensions = array<i32: 0>} : vector<16xi32>
    %add3A_3155 = vector.broadcast %add3A_3153 : i32 to vector<16xi32>
    %add3A_3156 = arith.addi %add3A_3155, %iota3A_3154 : vector<16xi32>
    %shift_right_arithmetic3A_3157 = arith.constant 1 : i32
    %shift_right_arithmetic3A_3158 = vector.broadcast %shift_right_arithmetic3A_3157 : i32 to vector<16xi32>
    %shift_right_arithmetic3A_3159 = arith.shrsi %add3A_3156, %shift_right_arithmetic3A_3158 : vector<16xi32>
    %and3A_3160 = arith.constant 1023 : i32
    %and3A_3161 = vector.broadcast %and3A_3160 : i32 to vector<16xi32>
    %and3A_3162 = arith.andi %shift_right_arithmetic3A_3159, %and3A_3161 : vector<16xi32>
    %shift_right_arithmetic3A_3163 = arith.constant 10 : i32
    %shift_right_arithmetic3A_3164 = vector.broadcast %shift_right_arithmetic3A_3163 : i32 to vector<16xi32>
    %shift_right_arithmetic3A_3165 = arith.shrsi %shift_right_arithmetic3A_3159, %shift_right_arithmetic3A_3164 : vector<16xi32>
    %shift_left3A_3166 = arith.constant 1 : i32
    %shift_left3A_3167 = vector.broadcast %shift_left3A_3166 : i32 to vector<16xi32>
    %shift_left3A_3168 = arith.shli %shift_right_arithmetic3A_3165, %shift_left3A_3167 : vector<16xi32>
    %and3A_3169 = arith.constant 1 : i32
    %and3A_3170 = vector.broadcast %and3A_3169 : i32 to vector<16xi32>
    %and3A_3171 = arith.andi %add3A_3156, %and3A_3170 : vector<16xi32>
    %or3A_3172 = arith.ori %shift_left3A_3168, %and3A_3171 : vector<16xi32>
    %gather3A_3173 = tpu.vector_load_idx %arg4[%or3A_3172, %and3A_3162] : memref<50x1024xi32, #tpu.memory_space<vmem>>[vector<16xi32>, vector<16xi32>], vector<16xi32>,
    %lt3A_3174 = arith.constant 50048 : i32
    %lt3A_3175 = vector.broadcast %lt3A_3174 : i32 to vector<16xi32>
    %lt3A_3176 = arith.cmpi slt, %gather3A_3173, %lt3A_3175 : vector<16xi32>
    %mul3A_3177 = arith.constant 2 : i32
    %mul3A_3178 = vector.broadcast %mul3A_3177 : i32 to vector<16xi32>
    %mul3A_3179 = arith.muli %gather3A_3173, %mul3A_3178 : vector<16xi32>
    %mul3A_3180 = arith.constant 2 : i32
    %mul3A_3181 = vector.broadcast %mul3A_3180 : i32 to vector<16xi32>
    %mul3A_3182 = arith.muli %gather3A_3173, %mul3A_3181 : vector<16xi32>
    %sub3A_3183 = arith.constant 100095 : i32
    %sub3A_3184 = vector.broadcast %sub3A_3183 : i32 to vector<16xi32>
    %sub3A_3185 = arith.subi %mul3A_3182, %sub3A_3184 : vector<16xi32>
    %select_n3A_3186 = arith.select %lt3A_3176, %mul3A_3179, %sub3A_3185 : vector<16xi1>, vector<16xi32>
    %swap3A_3187 = arith.constant 15 : i32
    %swap3A_3188 = arith.index_cast %swap3A_3187 : i32 to index
    %swap3A_3189 = arith.constant 32 : index
    %swap3A_3190 = tpu.vector_load %arg5[%swap3A_3188, %swap3A_3189] {strides = array<i32>} : memref<20x80xi32, #tpu.memory_space<vmem>>, vector<16xi32>,
    tpu.vector_store %arg5[%swap3A_3188, %swap3A_3189], %select_n3A_3186 {strides = array<i32>} : memref<20x80xi32, #tpu.memory_space<vmem>>, vector<16xi32>,
    %add3A_3191 = arith.constant 1200 : i32
    %add3A_3192 = arith.addi %mul3A_2, %add3A_3191 : i32
    %add3A_3193 = arith.constant 48 : i32
    %add3A_3194 = arith.addi %add3A_3192, %add3A_3193 : i32
    %iota3A_3195 = tpu.iota {dimensions = array<i32: 0>} : vector<16xi32>
    %add3A_3196 = vector.broadcast %add3A_3194 : i32 to vector<16xi32>
    %add3A_3197 = arith.addi %add3A_3196, %iota3A_3195 : vector<16xi32>
    %shift_right_arithmetic3A_3198 = arith.constant 1 : i32
    %shift_right_arithmetic3A_3199 = vector.broadcast %shift_right_arithmetic3A_3198 : i32 to vector<16xi32>
    %shift_right_arithmetic3A_3200 = arith.shrsi %add3A_3197, %shift_right_arithmetic3A_3199 : vector<16xi32>
    %and3A_3201 = arith.constant 1023 : i32
    %and3A_3202 = vector.broadcast %and3A_3201 : i32 to vector<16xi32>
    %and3A_3203 = arith.andi %shift_right_arithmetic3A_3200, %and3A_3202 : vector<16xi32>
    %shift_right_arithmetic3A_3204 = arith.constant 10 : i32
    %shift_right_arithmetic3A_3205 = vector.broadcast %shift_right_arithmetic3A_3204 : i32 to vector<16xi32>
    %shift_right_arithmetic3A_3206 = arith.shrsi %shift_right_arithmetic3A_3200, %shift_right_arithmetic3A_3205 : vector<16xi32>
    %shift_left3A_3207 = arith.constant 1 : i32
    %shift_left3A_3208 = vector.broadcast %shift_left3A_3207 : i32 to vector<16xi32>
    %shift_left3A_3209 = arith.shli %shift_right_arithmetic3A_3206, %shift_left3A_3208 : vector<16xi32>
    %and3A_3210 = arith.constant 1 : i32
    %and3A_3211 = vector.broadcast %and3A_3210 : i32 to vector<16xi32>
    %and3A_3212 = arith.andi %add3A_3197, %and3A_3211 : vector<16xi32>
    %or3A_3213 = arith.ori %shift_left3A_3209, %and3A_3212 : vector<16xi32>
    %gather3A_3214 = tpu.vector_load_idx %arg4[%or3A_3213, %and3A_3203] : memref<50x1024xi32, #tpu.memory_space<vmem>>[vector<16xi32>, vector<16xi32>], vector<16xi32>,
    %lt3A_3215 = arith.constant 50048 : i32
    %lt3A_3216 = vector.broadcast %lt3A_3215 : i32 to vector<16xi32>
    %lt3A_3217 = arith.cmpi slt, %gather3A_3214, %lt3A_3216 : vector<16xi32>
    %mul3A_3218 = arith.constant 2 : i32
    %mul3A_3219 = vector.broadcast %mul3A_3218 : i32 to vector<16xi32>
    %mul3A_3220 = arith.muli %gather3A_3214, %mul3A_3219 : vector<16xi32>
    %mul3A_3221 = arith.constant 2 : i32
    %mul3A_3222 = vector.broadcast %mul3A_3221 : i32 to vector<16xi32>
    %mul3A_3223 = arith.muli %gather3A_3214, %mul3A_3222 : vector<16xi32>
    %sub3A_3224 = arith.constant 100095 : i32
    %sub3A_3225 = vector.broadcast %sub3A_3224 : i32 to vector<16xi32>
    %sub3A_3226 = arith.subi %mul3A_3223, %sub3A_3225 : vector<16xi32>
    %select_n3A_3227 = arith.select %lt3A_3217, %mul3A_3220, %sub3A_3226 : vector<16xi1>, vector<16xi32>
    %swap3A_3228 = arith.constant 15 : i32
    %swap3A_3229 = arith.index_cast %swap3A_3228 : i32 to index
    %swap3A_3230 = arith.constant 48 : index
    %swap3A_3231 = tpu.vector_load %arg5[%swap3A_3229, %swap3A_3230] {strides = array<i32>} : memref<20x80xi32, #tpu.memory_space<vmem>>, vector<16xi32>,
    tpu.vector_store %arg5[%swap3A_3229, %swap3A_3230], %select_n3A_3227 {strides = array<i32>} : memref<20x80xi32, #tpu.memory_space<vmem>>, vector<16xi32>,
    %add3A_3232 = arith.constant 1200 : i32
    %add3A_3233 = arith.addi %mul3A_2, %add3A_3232 : i32
    %add3A_3234 = arith.constant 64 : i32
    %add3A_3235 = arith.addi %add3A_3233, %add3A_3234 : i32
    %iota3A_3236 = tpu.iota {dimensions = array<i32: 0>} : vector<16xi32>
    %add3A_3237 = vector.broadcast %add3A_3235 : i32 to vector<16xi32>
    %add3A_3238 = arith.addi %add3A_3237, %iota3A_3236 : vector<16xi32>
    %shift_right_arithmetic3A_3239 = arith.constant 1 : i32
    %shift_right_arithmetic3A_3240 = vector.broadcast %shift_right_arithmetic3A_3239 : i32 to vector<16xi32>
    %shift_right_arithmetic3A_3241 = arith.shrsi %add3A_3238, %shift_right_arithmetic3A_3240 : vector<16xi32>
    %and3A_3242 = arith.constant 1023 : i32
    %and3A_3243 = vector.broadcast %and3A_3242 : i32 to vector<16xi32>
    %and3A_3244 = arith.andi %shift_right_arithmetic3A_3241, %and3A_3243 : vector<16xi32>
    %shift_right_arithmetic3A_3245 = arith.constant 10 : i32
    %shift_right_arithmetic3A_3246 = vector.broadcast %shift_right_arithmetic3A_3245 : i32 to vector<16xi32>
    %shift_right_arithmetic3A_3247 = arith.shrsi %shift_right_arithmetic3A_3241, %shift_right_arithmetic3A_3246 : vector<16xi32>
    %shift_left3A_3248 = arith.constant 1 : i32
    %shift_left3A_3249 = vector.broadcast %shift_left3A_3248 : i32 to vector<16xi32>
    %shift_left3A_3250 = arith.shli %shift_right_arithmetic3A_3247, %shift_left3A_3249 : vector<16xi32>
    %and3A_3251 = arith.constant 1 : i32
    %and3A_3252 = vector.broadcast %and3A_3251 : i32 to vector<16xi32>
    %and3A_3253 = arith.andi %add3A_3238, %and3A_3252 : vector<16xi32>
    %or3A_3254 = arith.ori %shift_left3A_3250, %and3A_3253 : vector<16xi32>
    %gather3A_3255 = tpu.vector_load_idx %arg4[%or3A_3254, %and3A_3244] : memref<50x1024xi32, #tpu.memory_space<vmem>>[vector<16xi32>, vector<16xi32>], vector<16xi32>,
    %lt3A_3256 = arith.constant 50048 : i32
    %lt3A_3257 = vector.broadcast %lt3A_3256 : i32 to vector<16xi32>
    %lt3A_3258 = arith.cmpi slt, %gather3A_3255, %lt3A_3257 : vector<16xi32>
    %mul3A_3259 = arith.constant 2 : i32
    %mul3A_3260 = vector.broadcast %mul3A_3259 : i32 to vector<16xi32>
    %mul3A_3261 = arith.muli %gather3A_3255, %mul3A_3260 : vector<16xi32>
    %mul3A_3262 = arith.constant 2 : i32
    %mul3A_3263 = vector.broadcast %mul3A_3262 : i32 to vector<16xi32>
    %mul3A_3264 = arith.muli %gather3A_3255, %mul3A_3263 : vector<16xi32>
    %sub3A_3265 = arith.constant 100095 : i32
    %sub3A_3266 = vector.broadcast %sub3A_3265 : i32 to vector<16xi32>
    %sub3A_3267 = arith.subi %mul3A_3264, %sub3A_3266 : vector<16xi32>
    %select_n3A_3268 = arith.select %lt3A_3258, %mul3A_3261, %sub3A_3267 : vector<16xi1>, vector<16xi32>
    %swap3A_3269 = arith.constant 15 : i32
    %swap3A_3270 = arith.index_cast %swap3A_3269 : i32 to index
    %swap3A_3271 = arith.constant 64 : index
    %swap3A_3272 = tpu.vector_load %arg5[%swap3A_3270, %swap3A_3271] {strides = array<i32>} : memref<20x80xi32, #tpu.memory_space<vmem>>, vector<16xi32>,
    tpu.vector_store %arg5[%swap3A_3270, %swap3A_3271], %select_n3A_3268 {strides = array<i32>} : memref<20x80xi32, #tpu.memory_space<vmem>>, vector<16xi32>,
    %add3A_3273 = arith.constant 1280 : i32
    %add3A_3274 = arith.addi %mul3A_2, %add3A_3273 : i32
    %add3A_3275 = arith.constant 0 : i32
    %add3A_3276 = arith.addi %add3A_3274, %add3A_3275 : i32
    %iota3A_3277 = tpu.iota {dimensions = array<i32: 0>} : vector<16xi32>
    %add3A_3278 = vector.broadcast %add3A_3276 : i32 to vector<16xi32>
    %add3A_3279 = arith.addi %add3A_3278, %iota3A_3277 : vector<16xi32>
    %shift_right_arithmetic3A_3280 = arith.constant 1 : i32
    %shift_right_arithmetic3A_3281 = vector.broadcast %shift_right_arithmetic3A_3280 : i32 to vector<16xi32>
    %shift_right_arithmetic3A_3282 = arith.shrsi %add3A_3279, %shift_right_arithmetic3A_3281 : vector<16xi32>
    %and3A_3283 = arith.constant 1023 : i32
    %and3A_3284 = vector.broadcast %and3A_3283 : i32 to vector<16xi32>
    %and3A_3285 = arith.andi %shift_right_arithmetic3A_3282, %and3A_3284 : vector<16xi32>
    %shift_right_arithmetic3A_3286 = arith.constant 10 : i32
    %shift_right_arithmetic3A_3287 = vector.broadcast %shift_right_arithmetic3A_3286 : i32 to vector<16xi32>
    %shift_right_arithmetic3A_3288 = arith.shrsi %shift_right_arithmetic3A_3282, %shift_right_arithmetic3A_3287 : vector<16xi32>
    %shift_left3A_3289 = arith.constant 1 : i32
    %shift_left3A_3290 = vector.broadcast %shift_left3A_3289 : i32 to vector<16xi32>
    %shift_left3A_3291 = arith.shli %shift_right_arithmetic3A_3288, %shift_left3A_3290 : vector<16xi32>
    %and3A_3292 = arith.constant 1 : i32
    %and3A_3293 = vector.broadcast %and3A_3292 : i32 to vector<16xi32>
    %and3A_3294 = arith.andi %add3A_3279, %and3A_3293 : vector<16xi32>
    %or3A_3295 = arith.ori %shift_left3A_3291, %and3A_3294 : vector<16xi32>
    %gather3A_3296 = tpu.vector_load_idx %arg4[%or3A_3295, %and3A_3285] : memref<50x1024xi32, #tpu.memory_space<vmem>>[vector<16xi32>, vector<16xi32>], vector<16xi32>,
    %lt3A_3297 = arith.constant 50048 : i32
    %lt3A_3298 = vector.broadcast %lt3A_3297 : i32 to vector<16xi32>
    %lt3A_3299 = arith.cmpi slt, %gather3A_3296, %lt3A_3298 : vector<16xi32>
    %mul3A_3300 = arith.constant 2 : i32
    %mul3A_3301 = vector.broadcast %mul3A_3300 : i32 to vector<16xi32>
    %mul3A_3302 = arith.muli %gather3A_3296, %mul3A_3301 : vector<16xi32>
    %mul3A_3303 = arith.constant 2 : i32
    %mul3A_3304 = vector.broadcast %mul3A_3303 : i32 to vector<16xi32>
    %mul3A_3305 = arith.muli %gather3A_3296, %mul3A_3304 : vector<16xi32>
    %sub3A_3306 = arith.constant 100095 : i32
    %sub3A_3307 = vector.broadcast %sub3A_3306 : i32 to vector<16xi32>
    %sub3A_3308 = arith.subi %mul3A_3305, %sub3A_3307 : vector<16xi32>
    %select_n3A_3309 = arith.select %lt3A_3299, %mul3A_3302, %sub3A_3308 : vector<16xi1>, vector<16xi32>
    %swap3A_3310 = arith.constant 16 : i32
    %swap3A_3311 = arith.index_cast %swap3A_3310 : i32 to index
    %swap3A_3312 = arith.constant 0 : index
    %swap3A_3313 = tpu.vector_load %arg5[%swap3A_3311, %swap3A_3312] {strides = array<i32>} : memref<20x80xi32, #tpu.memory_space<vmem>>, vector<16xi32>,
    tpu.vector_store %arg5[%swap3A_3311, %swap3A_3312], %select_n3A_3309 {strides = array<i32>} : memref<20x80xi32, #tpu.memory_space<vmem>>, vector<16xi32>,
    %add3A_3314 = arith.constant 1280 : i32
    %add3A_3315 = arith.addi %mul3A_2, %add3A_3314 : i32
    %add3A_3316 = arith.constant 16 : i32
    %add3A_3317 = arith.addi %add3A_3315, %add3A_3316 : i32
    %iota3A_3318 = tpu.iota {dimensions = array<i32: 0>} : vector<16xi32>
    %add3A_3319 = vector.broadcast %add3A_3317 : i32 to vector<16xi32>
    %add3A_3320 = arith.addi %add3A_3319, %iota3A_3318 : vector<16xi32>
    %shift_right_arithmetic3A_3321 = arith.constant 1 : i32
    %shift_right_arithmetic3A_3322 = vector.broadcast %shift_right_arithmetic3A_3321 : i32 to vector<16xi32>
    %shift_right_arithmetic3A_3323 = arith.shrsi %add3A_3320, %shift_right_arithmetic3A_3322 : vector<16xi32>
    %and3A_3324 = arith.constant 1023 : i32
    %and3A_3325 = vector.broadcast %and3A_3324 : i32 to vector<16xi32>
    %and3A_3326 = arith.andi %shift_right_arithmetic3A_3323, %and3A_3325 : vector<16xi32>
    %shift_right_arithmetic3A_3327 = arith.constant 10 : i32
    %shift_right_arithmetic3A_3328 = vector.broadcast %shift_right_arithmetic3A_3327 : i32 to vector<16xi32>
    %shift_right_arithmetic3A_3329 = arith.shrsi %shift_right_arithmetic3A_3323, %shift_right_arithmetic3A_3328 : vector<16xi32>
    %shift_left3A_3330 = arith.constant 1 : i32
    %shift_left3A_3331 = vector.broadcast %shift_left3A_3330 : i32 to vector<16xi32>
    %shift_left3A_3332 = arith.shli %shift_right_arithmetic3A_3329, %shift_left3A_3331 : vector<16xi32>
    %and3A_3333 = arith.constant 1 : i32
    %and3A_3334 = vector.broadcast %and3A_3333 : i32 to vector<16xi32>
    %and3A_3335 = arith.andi %add3A_3320, %and3A_3334 : vector<16xi32>
    %or3A_3336 = arith.ori %shift_left3A_3332, %and3A_3335 : vector<16xi32>
    %gather3A_3337 = tpu.vector_load_idx %arg4[%or3A_3336, %and3A_3326] : memref<50x1024xi32, #tpu.memory_space<vmem>>[vector<16xi32>, vector<16xi32>], vector<16xi32>,
    %lt3A_3338 = arith.constant 50048 : i32
    %lt3A_3339 = vector.broadcast %lt3A_3338 : i32 to vector<16xi32>
    %lt3A_3340 = arith.cmpi slt, %gather3A_3337, %lt3A_3339 : vector<16xi32>
    %mul3A_3341 = arith.constant 2 : i32
    %mul3A_3342 = vector.broadcast %mul3A_3341 : i32 to vector<16xi32>
    %mul3A_3343 = arith.muli %gather3A_3337, %mul3A_3342 : vector<16xi32>
    %mul3A_3344 = arith.constant 2 : i32
    %mul3A_3345 = vector.broadcast %mul3A_3344 : i32 to vector<16xi32>
    %mul3A_3346 = arith.muli %gather3A_3337, %mul3A_3345 : vector<16xi32>
    %sub3A_3347 = arith.constant 100095 : i32
    %sub3A_3348 = vector.broadcast %sub3A_3347 : i32 to vector<16xi32>
    %sub3A_3349 = arith.subi %mul3A_3346, %sub3A_3348 : vector<16xi32>
    %select_n3A_3350 = arith.select %lt3A_3340, %mul3A_3343, %sub3A_3349 : vector<16xi1>, vector<16xi32>
    %swap3A_3351 = arith.constant 16 : i32
    %swap3A_3352 = arith.index_cast %swap3A_3351 : i32 to index
    %swap3A_3353 = arith.constant 16 : index
    %swap3A_3354 = tpu.vector_load %arg5[%swap3A_3352, %swap3A_3353] {strides = array<i32>} : memref<20x80xi32, #tpu.memory_space<vmem>>, vector<16xi32>,
    tpu.vector_store %arg5[%swap3A_3352, %swap3A_3353], %select_n3A_3350 {strides = array<i32>} : memref<20x80xi32, #tpu.memory_space<vmem>>, vector<16xi32>,
    %add3A_3355 = arith.constant 1280 : i32
    %add3A_3356 = arith.addi %mul3A_2, %add3A_3355 : i32
    %add3A_3357 = arith.constant 32 : i32
    %add3A_3358 = arith.addi %add3A_3356, %add3A_3357 : i32
    %iota3A_3359 = tpu.iota {dimensions = array<i32: 0>} : vector<16xi32>
    %add3A_3360 = vector.broadcast %add3A_3358 : i32 to vector<16xi32>
    %add3A_3361 = arith.addi %add3A_3360, %iota3A_3359 : vector<16xi32>
    %shift_right_arithmetic3A_3362 = arith.constant 1 : i32
    %shift_right_arithmetic3A_3363 = vector.broadcast %shift_right_arithmetic3A_3362 : i32 to vector<16xi32>
    %shift_right_arithmetic3A_3364 = arith.shrsi %add3A_3361, %shift_right_arithmetic3A_3363 : vector<16xi32>
    %and3A_3365 = arith.constant 1023 : i32
    %and3A_3366 = vector.broadcast %and3A_3365 : i32 to vector<16xi32>
    %and3A_3367 = arith.andi %shift_right_arithmetic3A_3364, %and3A_3366 : vector<16xi32>
    %shift_right_arithmetic3A_3368 = arith.constant 10 : i32
    %shift_right_arithmetic3A_3369 = vector.broadcast %shift_right_arithmetic3A_3368 : i32 to vector<16xi32>
    %shift_right_arithmetic3A_3370 = arith.shrsi %shift_right_arithmetic3A_3364, %shift_right_arithmetic3A_3369 : vector<16xi32>
    %shift_left3A_3371 = arith.constant 1 : i32
    %shift_left3A_3372 = vector.broadcast %shift_left3A_3371 : i32 to vector<16xi32>
    %shift_left3A_3373 = arith.shli %shift_right_arithmetic3A_3370, %shift_left3A_3372 : vector<16xi32>
    %and3A_3374 = arith.constant 1 : i32
    %and3A_3375 = vector.broadcast %and3A_3374 : i32 to vector<16xi32>
    %and3A_3376 = arith.andi %add3A_3361, %and3A_3375 : vector<16xi32>
    %or3A_3377 = arith.ori %shift_left3A_3373, %and3A_3376 : vector<16xi32>
    %gather3A_3378 = tpu.vector_load_idx %arg4[%or3A_3377, %and3A_3367] : memref<50x1024xi32, #tpu.memory_space<vmem>>[vector<16xi32>, vector<16xi32>], vector<16xi32>,
    %lt3A_3379 = arith.constant 50048 : i32
    %lt3A_3380 = vector.broadcast %lt3A_3379 : i32 to vector<16xi32>
    %lt3A_3381 = arith.cmpi slt, %gather3A_3378, %lt3A_3380 : vector<16xi32>
    %mul3A_3382 = arith.constant 2 : i32
    %mul3A_3383 = vector.broadcast %mul3A_3382 : i32 to vector<16xi32>
    %mul3A_3384 = arith.muli %gather3A_3378, %mul3A_3383 : vector<16xi32>
    %mul3A_3385 = arith.constant 2 : i32
    %mul3A_3386 = vector.broadcast %mul3A_3385 : i32 to vector<16xi32>
    %mul3A_3387 = arith.muli %gather3A_3378, %mul3A_3386 : vector<16xi32>
    %sub3A_3388 = arith.constant 100095 : i32
    %sub3A_3389 = vector.broadcast %sub3A_3388 : i32 to vector<16xi32>
    %sub3A_3390 = arith.subi %mul3A_3387, %sub3A_3389 : vector<16xi32>
    %select_n3A_3391 = arith.select %lt3A_3381, %mul3A_3384, %sub3A_3390 : vector<16xi1>, vector<16xi32>
    %swap3A_3392 = arith.constant 16 : i32
    %swap3A_3393 = arith.index_cast %swap3A_3392 : i32 to index
    %swap3A_3394 = arith.constant 32 : index
    %swap3A_3395 = tpu.vector_load %arg5[%swap3A_3393, %swap3A_3394] {strides = array<i32>} : memref<20x80xi32, #tpu.memory_space<vmem>>, vector<16xi32>,
    tpu.vector_store %arg5[%swap3A_3393, %swap3A_3394], %select_n3A_3391 {strides = array<i32>} : memref<20x80xi32, #tpu.memory_space<vmem>>, vector<16xi32>,
    %add3A_3396 = arith.constant 1280 : i32
    %add3A_3397 = arith.addi %mul3A_2, %add3A_3396 : i32
    %add3A_3398 = arith.constant 48 : i32
    %add3A_3399 = arith.addi %add3A_3397, %add3A_3398 : i32
    %iota3A_3400 = tpu.iota {dimensions = array<i32: 0>} : vector<16xi32>
    %add3A_3401 = vector.broadcast %add3A_3399 : i32 to vector<16xi32>
    %add3A_3402 = arith.addi %add3A_3401, %iota3A_3400 : vector<16xi32>
    %shift_right_arithmetic3A_3403 = arith.constant 1 : i32
    %shift_right_arithmetic3A_3404 = vector.broadcast %shift_right_arithmetic3A_3403 : i32 to vector<16xi32>
    %shift_right_arithmetic3A_3405 = arith.shrsi %add3A_3402, %shift_right_arithmetic3A_3404 : vector<16xi32>
    %and3A_3406 = arith.constant 1023 : i32
    %and3A_3407 = vector.broadcast %and3A_3406 : i32 to vector<16xi32>
    %and3A_3408 = arith.andi %shift_right_arithmetic3A_3405, %and3A_3407 : vector<16xi32>
    %shift_right_arithmetic3A_3409 = arith.constant 10 : i32
    %shift_right_arithmetic3A_3410 = vector.broadcast %shift_right_arithmetic3A_3409 : i32 to vector<16xi32>
    %shift_right_arithmetic3A_3411 = arith.shrsi %shift_right_arithmetic3A_3405, %shift_right_arithmetic3A_3410 : vector<16xi32>
    %shift_left3A_3412 = arith.constant 1 : i32
    %shift_left3A_3413 = vector.broadcast %shift_left3A_3412 : i32 to vector<16xi32>
    %shift_left3A_3414 = arith.shli %shift_right_arithmetic3A_3411, %shift_left3A_3413 : vector<16xi32>
    %and3A_3415 = arith.constant 1 : i32
    %and3A_3416 = vector.broadcast %and3A_3415 : i32 to vector<16xi32>
    %and3A_3417 = arith.andi %add3A_3402, %and3A_3416 : vector<16xi32>
    %or3A_3418 = arith.ori %shift_left3A_3414, %and3A_3417 : vector<16xi32>
    %gather3A_3419 = tpu.vector_load_idx %arg4[%or3A_3418, %and3A_3408] : memref<50x1024xi32, #tpu.memory_space<vmem>>[vector<16xi32>, vector<16xi32>], vector<16xi32>,
    %lt3A_3420 = arith.constant 50048 : i32
    %lt3A_3421 = vector.broadcast %lt3A_3420 : i32 to vector<16xi32>
    %lt3A_3422 = arith.cmpi slt, %gather3A_3419, %lt3A_3421 : vector<16xi32>
    %mul3A_3423 = arith.constant 2 : i32
    %mul3A_3424 = vector.broadcast %mul3A_3423 : i32 to vector<16xi32>
    %mul3A_3425 = arith.muli %gather3A_3419, %mul3A_3424 : vector<16xi32>
    %mul3A_3426 = arith.constant 2 : i32
    %mul3A_3427 = vector.broadcast %mul3A_3426 : i32 to vector<16xi32>
    %mul3A_3428 = arith.muli %gather3A_3419, %mul3A_3427 : vector<16xi32>
    %sub3A_3429 = arith.constant 100095 : i32
    %sub3A_3430 = vector.broadcast %sub3A_3429 : i32 to vector<16xi32>
    %sub3A_3431 = arith.subi %mul3A_3428, %sub3A_3430 : vector<16xi32>
    %select_n3A_3432 = arith.select %lt3A_3422, %mul3A_3425, %sub3A_3431 : vector<16xi1>, vector<16xi32>
    %swap3A_3433 = arith.constant 16 : i32
    %swap3A_3434 = arith.index_cast %swap3A_3433 : i32 to index
    %swap3A_3435 = arith.constant 48 : index
    %swap3A_3436 = tpu.vector_load %arg5[%swap3A_3434, %swap3A_3435] {strides = array<i32>} : memref<20x80xi32, #tpu.memory_space<vmem>>, vector<16xi32>,
    tpu.vector_store %arg5[%swap3A_3434, %swap3A_3435], %select_n3A_3432 {strides = array<i32>} : memref<20x80xi32, #tpu.memory_space<vmem>>, vector<16xi32>,
    %add3A_3437 = arith.constant 1280 : i32
    %add3A_3438 = arith.addi %mul3A_2, %add3A_3437 : i32
    %add3A_3439 = arith.constant 64 : i32
    %add3A_3440 = arith.addi %add3A_3438, %add3A_3439 : i32
    %iota3A_3441 = tpu.iota {dimensions = array<i32: 0>} : vector<16xi32>
    %add3A_3442 = vector.broadcast %add3A_3440 : i32 to vector<16xi32>
    %add3A_3443 = arith.addi %add3A_3442, %iota3A_3441 : vector<16xi32>
    %shift_right_arithmetic3A_3444 = arith.constant 1 : i32
    %shift_right_arithmetic3A_3445 = vector.broadcast %shift_right_arithmetic3A_3444 : i32 to vector<16xi32>
    %shift_right_arithmetic3A_3446 = arith.shrsi %add3A_3443, %shift_right_arithmetic3A_3445 : vector<16xi32>
    %and3A_3447 = arith.constant 1023 : i32
    %and3A_3448 = vector.broadcast %and3A_3447 : i32 to vector<16xi32>
    %and3A_3449 = arith.andi %shift_right_arithmetic3A_3446, %and3A_3448 : vector<16xi32>
    %shift_right_arithmetic3A_3450 = arith.constant 10 : i32
    %shift_right_arithmetic3A_3451 = vector.broadcast %shift_right_arithmetic3A_3450 : i32 to vector<16xi32>
    %shift_right_arithmetic3A_3452 = arith.shrsi %shift_right_arithmetic3A_3446, %shift_right_arithmetic3A_3451 : vector<16xi32>
    %shift_left3A_3453 = arith.constant 1 : i32
    %shift_left3A_3454 = vector.broadcast %shift_left3A_3453 : i32 to vector<16xi32>
    %shift_left3A_3455 = arith.shli %shift_right_arithmetic3A_3452, %shift_left3A_3454 : vector<16xi32>
    %and3A_3456 = arith.constant 1 : i32
    %and3A_3457 = vector.broadcast %and3A_3456 : i32 to vector<16xi32>
    %and3A_3458 = arith.andi %add3A_3443, %and3A_3457 : vector<16xi32>
    %or3A_3459 = arith.ori %shift_left3A_3455, %and3A_3458 : vector<16xi32>
    %gather3A_3460 = tpu.vector_load_idx %arg4[%or3A_3459, %and3A_3449] : memref<50x1024xi32, #tpu.memory_space<vmem>>[vector<16xi32>, vector<16xi32>], vector<16xi32>,
    %lt3A_3461 = arith.constant 50048 : i32
    %lt3A_3462 = vector.broadcast %lt3A_3461 : i32 to vector<16xi32>
    %lt3A_3463 = arith.cmpi slt, %gather3A_3460, %lt3A_3462 : vector<16xi32>
    %mul3A_3464 = arith.constant 2 : i32
    %mul3A_3465 = vector.broadcast %mul3A_3464 : i32 to vector<16xi32>
    %mul3A_3466 = arith.muli %gather3A_3460, %mul3A_3465 : vector<16xi32>
    %mul3A_3467 = arith.constant 2 : i32
    %mul3A_3468 = vector.broadcast %mul3A_3467 : i32 to vector<16xi32>
    %mul3A_3469 = arith.muli %gather3A_3460, %mul3A_3468 : vector<16xi32>
    %sub3A_3470 = arith.constant 100095 : i32
    %sub3A_3471 = vector.broadcast %sub3A_3470 : i32 to vector<16xi32>
    %sub3A_3472 = arith.subi %mul3A_3469, %sub3A_3471 : vector<16xi32>
    %select_n3A_3473 = arith.select %lt3A_3463, %mul3A_3466, %sub3A_3472 : vector<16xi1>, vector<16xi32>
    %swap3A_3474 = arith.constant 16 : i32
    %swap3A_3475 = arith.index_cast %swap3A_3474 : i32 to index
    %swap3A_3476 = arith.constant 64 : index
    %swap3A_3477 = tpu.vector_load %arg5[%swap3A_3475, %swap3A_3476] {strides = array<i32>} : memref<20x80xi32, #tpu.memory_space<vmem>>, vector<16xi32>,
    tpu.vector_store %arg5[%swap3A_3475, %swap3A_3476], %select_n3A_3473 {strides = array<i32>} : memref<20x80xi32, #tpu.memory_space<vmem>>, vector<16xi32>,
    %add3A_3478 = arith.constant 1360 : i32
    %add3A_3479 = arith.addi %mul3A_2, %add3A_3478 : i32
    %add3A_3480 = arith.constant 0 : i32
    %add3A_3481 = arith.addi %add3A_3479, %add3A_3480 : i32
    %iota3A_3482 = tpu.iota {dimensions = array<i32: 0>} : vector<16xi32>
    %add3A_3483 = vector.broadcast %add3A_3481 : i32 to vector<16xi32>
    %add3A_3484 = arith.addi %add3A_3483, %iota3A_3482 : vector<16xi32>
    %shift_right_arithmetic3A_3485 = arith.constant 1 : i32
    %shift_right_arithmetic3A_3486 = vector.broadcast %shift_right_arithmetic3A_3485 : i32 to vector<16xi32>
    %shift_right_arithmetic3A_3487 = arith.shrsi %add3A_3484, %shift_right_arithmetic3A_3486 : vector<16xi32>
    %and3A_3488 = arith.constant 1023 : i32
    %and3A_3489 = vector.broadcast %and3A_3488 : i32 to vector<16xi32>
    %and3A_3490 = arith.andi %shift_right_arithmetic3A_3487, %and3A_3489 : vector<16xi32>
    %shift_right_arithmetic3A_3491 = arith.constant 10 : i32
    %shift_right_arithmetic3A_3492 = vector.broadcast %shift_right_arithmetic3A_3491 : i32 to vector<16xi32>
    %shift_right_arithmetic3A_3493 = arith.shrsi %shift_right_arithmetic3A_3487, %shift_right_arithmetic3A_3492 : vector<16xi32>
    %shift_left3A_3494 = arith.constant 1 : i32
    %shift_left3A_3495 = vector.broadcast %shift_left3A_3494 : i32 to vector<16xi32>
    %shift_left3A_3496 = arith.shli %shift_right_arithmetic3A_3493, %shift_left3A_3495 : vector<16xi32>
    %and3A_3497 = arith.constant 1 : i32
    %and3A_3498 = vector.broadcast %and3A_3497 : i32 to vector<16xi32>
    %and3A_3499 = arith.andi %add3A_3484, %and3A_3498 : vector<16xi32>
    %or3A_3500 = arith.ori %shift_left3A_3496, %and3A_3499 : vector<16xi32>
    %gather3A_3501 = tpu.vector_load_idx %arg4[%or3A_3500, %and3A_3490] : memref<50x1024xi32, #tpu.memory_space<vmem>>[vector<16xi32>, vector<16xi32>], vector<16xi32>,
    %lt3A_3502 = arith.constant 50048 : i32
    %lt3A_3503 = vector.broadcast %lt3A_3502 : i32 to vector<16xi32>
    %lt3A_3504 = arith.cmpi slt, %gather3A_3501, %lt3A_3503 : vector<16xi32>
    %mul3A_3505 = arith.constant 2 : i32
    %mul3A_3506 = vector.broadcast %mul3A_3505 : i32 to vector<16xi32>
    %mul3A_3507 = arith.muli %gather3A_3501, %mul3A_3506 : vector<16xi32>
    %mul3A_3508 = arith.constant 2 : i32
    %mul3A_3509 = vector.broadcast %mul3A_3508 : i32 to vector<16xi32>
    %mul3A_3510 = arith.muli %gather3A_3501, %mul3A_3509 : vector<16xi32>
    %sub3A_3511 = arith.constant 100095 : i32
    %sub3A_3512 = vector.broadcast %sub3A_3511 : i32 to vector<16xi32>
    %sub3A_3513 = arith.subi %mul3A_3510, %sub3A_3512 : vector<16xi32>
    %select_n3A_3514 = arith.select %lt3A_3504, %mul3A_3507, %sub3A_3513 : vector<16xi1>, vector<16xi32>
    %swap3A_3515 = arith.constant 17 : i32
    %swap3A_3516 = arith.index_cast %swap3A_3515 : i32 to index
    %swap3A_3517 = arith.constant 0 : index
    %swap3A_3518 = tpu.vector_load %arg5[%swap3A_3516, %swap3A_3517] {strides = array<i32>} : memref<20x80xi32, #tpu.memory_space<vmem>>, vector<16xi32>,
    tpu.vector_store %arg5[%swap3A_3516, %swap3A_3517], %select_n3A_3514 {strides = array<i32>} : memref<20x80xi32, #tpu.memory_space<vmem>>, vector<16xi32>,
    %add3A_3519 = arith.constant 1360 : i32
    %add3A_3520 = arith.addi %mul3A_2, %add3A_3519 : i32
    %add3A_3521 = arith.constant 16 : i32
    %add3A_3522 = arith.addi %add3A_3520, %add3A_3521 : i32
    %iota3A_3523 = tpu.iota {dimensions = array<i32: 0>} : vector<16xi32>
    %add3A_3524 = vector.broadcast %add3A_3522 : i32 to vector<16xi32>
    %add3A_3525 = arith.addi %add3A_3524, %iota3A_3523 : vector<16xi32>
    %shift_right_arithmetic3A_3526 = arith.constant 1 : i32
    %shift_right_arithmetic3A_3527 = vector.broadcast %shift_right_arithmetic3A_3526 : i32 to vector<16xi32>
    %shift_right_arithmetic3A_3528 = arith.shrsi %add3A_3525, %shift_right_arithmetic3A_3527 : vector<16xi32>
    %and3A_3529 = arith.constant 1023 : i32
    %and3A_3530 = vector.broadcast %and3A_3529 : i32 to vector<16xi32>
    %and3A_3531 = arith.andi %shift_right_arithmetic3A_3528, %and3A_3530 : vector<16xi32>
    %shift_right_arithmetic3A_3532 = arith.constant 10 : i32
    %shift_right_arithmetic3A_3533 = vector.broadcast %shift_right_arithmetic3A_3532 : i32 to vector<16xi32>
    %shift_right_arithmetic3A_3534 = arith.shrsi %shift_right_arithmetic3A_3528, %shift_right_arithmetic3A_3533 : vector<16xi32>
    %shift_left3A_3535 = arith.constant 1 : i32
    %shift_left3A_3536 = vector.broadcast %shift_left3A_3535 : i32 to vector<16xi32>
    %shift_left3A_3537 = arith.shli %shift_right_arithmetic3A_3534, %shift_left3A_3536 : vector<16xi32>
    %and3A_3538 = arith.constant 1 : i32
    %and3A_3539 = vector.broadcast %and3A_3538 : i32 to vector<16xi32>
    %and3A_3540 = arith.andi %add3A_3525, %and3A_3539 : vector<16xi32>
    %or3A_3541 = arith.ori %shift_left3A_3537, %and3A_3540 : vector<16xi32>
    %gather3A_3542 = tpu.vector_load_idx %arg4[%or3A_3541, %and3A_3531] : memref<50x1024xi32, #tpu.memory_space<vmem>>[vector<16xi32>, vector<16xi32>], vector<16xi32>,
    %lt3A_3543 = arith.constant 50048 : i32
    %lt3A_3544 = vector.broadcast %lt3A_3543 : i32 to vector<16xi32>
    %lt3A_3545 = arith.cmpi slt, %gather3A_3542, %lt3A_3544 : vector<16xi32>
    %mul3A_3546 = arith.constant 2 : i32
    %mul3A_3547 = vector.broadcast %mul3A_3546 : i32 to vector<16xi32>
    %mul3A_3548 = arith.muli %gather3A_3542, %mul3A_3547 : vector<16xi32>
    %mul3A_3549 = arith.constant 2 : i32
    %mul3A_3550 = vector.broadcast %mul3A_3549 : i32 to vector<16xi32>
    %mul3A_3551 = arith.muli %gather3A_3542, %mul3A_3550 : vector<16xi32>
    %sub3A_3552 = arith.constant 100095 : i32
    %sub3A_3553 = vector.broadcast %sub3A_3552 : i32 to vector<16xi32>
    %sub3A_3554 = arith.subi %mul3A_3551, %sub3A_3553 : vector<16xi32>
    %select_n3A_3555 = arith.select %lt3A_3545, %mul3A_3548, %sub3A_3554 : vector<16xi1>, vector<16xi32>
    %swap3A_3556 = arith.constant 17 : i32
    %swap3A_3557 = arith.index_cast %swap3A_3556 : i32 to index
    %swap3A_3558 = arith.constant 16 : index
    %swap3A_3559 = tpu.vector_load %arg5[%swap3A_3557, %swap3A_3558] {strides = array<i32>} : memref<20x80xi32, #tpu.memory_space<vmem>>, vector<16xi32>,
    tpu.vector_store %arg5[%swap3A_3557, %swap3A_3558], %select_n3A_3555 {strides = array<i32>} : memref<20x80xi32, #tpu.memory_space<vmem>>, vector<16xi32>,
    %add3A_3560 = arith.constant 1360 : i32
    %add3A_3561 = arith.addi %mul3A_2, %add3A_3560 : i32
    %add3A_3562 = arith.constant 32 : i32
    %add3A_3563 = arith.addi %add3A_3561, %add3A_3562 : i32
    %iota3A_3564 = tpu.iota {dimensions = array<i32: 0>} : vector<16xi32>
    %add3A_3565 = vector.broadcast %add3A_3563 : i32 to vector<16xi32>
    %add3A_3566 = arith.addi %add3A_3565, %iota3A_3564 : vector<16xi32>
    %shift_right_arithmetic3A_3567 = arith.constant 1 : i32
    %shift_right_arithmetic3A_3568 = vector.broadcast %shift_right_arithmetic3A_3567 : i32 to vector<16xi32>
    %shift_right_arithmetic3A_3569 = arith.shrsi %add3A_3566, %shift_right_arithmetic3A_3568 : vector<16xi32>
    %and3A_3570 = arith.constant 1023 : i32
    %and3A_3571 = vector.broadcast %and3A_3570 : i32 to vector<16xi32>
    %and3A_3572 = arith.andi %shift_right_arithmetic3A_3569, %and3A_3571 : vector<16xi32>
    %shift_right_arithmetic3A_3573 = arith.constant 10 : i32
    %shift_right_arithmetic3A_3574 = vector.broadcast %shift_right_arithmetic3A_3573 : i32 to vector<16xi32>
    %shift_right_arithmetic3A_3575 = arith.shrsi %shift_right_arithmetic3A_3569, %shift_right_arithmetic3A_3574 : vector<16xi32>
    %shift_left3A_3576 = arith.constant 1 : i32
    %shift_left3A_3577 = vector.broadcast %shift_left3A_3576 : i32 to vector<16xi32>
    %shift_left3A_3578 = arith.shli %shift_right_arithmetic3A_3575, %shift_left3A_3577 : vector<16xi32>
    %and3A_3579 = arith.constant 1 : i32
    %and3A_3580 = vector.broadcast %and3A_3579 : i32 to vector<16xi32>
    %and3A_3581 = arith.andi %add3A_3566, %and3A_3580 : vector<16xi32>
    %or3A_3582 = arith.ori %shift_left3A_3578, %and3A_3581 : vector<16xi32>
    %gather3A_3583 = tpu.vector_load_idx %arg4[%or3A_3582, %and3A_3572] : memref<50x1024xi32, #tpu.memory_space<vmem>>[vector<16xi32>, vector<16xi32>], vector<16xi32>,
    %lt3A_3584 = arith.constant 50048 : i32
    %lt3A_3585 = vector.broadcast %lt3A_3584 : i32 to vector<16xi32>
    %lt3A_3586 = arith.cmpi slt, %gather3A_3583, %lt3A_3585 : vector<16xi32>
    %mul3A_3587 = arith.constant 2 : i32
    %mul3A_3588 = vector.broadcast %mul3A_3587 : i32 to vector<16xi32>
    %mul3A_3589 = arith.muli %gather3A_3583, %mul3A_3588 : vector<16xi32>
    %mul3A_3590 = arith.constant 2 : i32
    %mul3A_3591 = vector.broadcast %mul3A_3590 : i32 to vector<16xi32>
    %mul3A_3592 = arith.muli %gather3A_3583, %mul3A_3591 : vector<16xi32>
    %sub3A_3593 = arith.constant 100095 : i32
    %sub3A_3594 = vector.broadcast %sub3A_3593 : i32 to vector<16xi32>
    %sub3A_3595 = arith.subi %mul3A_3592, %sub3A_3594 : vector<16xi32>
    %select_n3A_3596 = arith.select %lt3A_3586, %mul3A_3589, %sub3A_3595 : vector<16xi1>, vector<16xi32>
    %swap3A_3597 = arith.constant 17 : i32
    %swap3A_3598 = arith.index_cast %swap3A_3597 : i32 to index
    %swap3A_3599 = arith.constant 32 : index
    %swap3A_3600 = tpu.vector_load %arg5[%swap3A_3598, %swap3A_3599] {strides = array<i32>} : memref<20x80xi32, #tpu.memory_space<vmem>>, vector<16xi32>,
    tpu.vector_store %arg5[%swap3A_3598, %swap3A_3599], %select_n3A_3596 {strides = array<i32>} : memref<20x80xi32, #tpu.memory_space<vmem>>, vector<16xi32>,
    %add3A_3601 = arith.constant 1360 : i32
    %add3A_3602 = arith.addi %mul3A_2, %add3A_3601 : i32
    %add3A_3603 = arith.constant 48 : i32
    %add3A_3604 = arith.addi %add3A_3602, %add3A_3603 : i32
    %iota3A_3605 = tpu.iota {dimensions = array<i32: 0>} : vector<16xi32>
    %add3A_3606 = vector.broadcast %add3A_3604 : i32 to vector<16xi32>
    %add3A_3607 = arith.addi %add3A_3606, %iota3A_3605 : vector<16xi32>
    %shift_right_arithmetic3A_3608 = arith.constant 1 : i32
    %shift_right_arithmetic3A_3609 = vector.broadcast %shift_right_arithmetic3A_3608 : i32 to vector<16xi32>
    %shift_right_arithmetic3A_3610 = arith.shrsi %add3A_3607, %shift_right_arithmetic3A_3609 : vector<16xi32>
    %and3A_3611 = arith.constant 1023 : i32
    %and3A_3612 = vector.broadcast %and3A_3611 : i32 to vector<16xi32>
    %and3A_3613 = arith.andi %shift_right_arithmetic3A_3610, %and3A_3612 : vector<16xi32>
    %shift_right_arithmetic3A_3614 = arith.constant 10 : i32
    %shift_right_arithmetic3A_3615 = vector.broadcast %shift_right_arithmetic3A_3614 : i32 to vector<16xi32>
    %shift_right_arithmetic3A_3616 = arith.shrsi %shift_right_arithmetic3A_3610, %shift_right_arithmetic3A_3615 : vector<16xi32>
    %shift_left3A_3617 = arith.constant 1 : i32
    %shift_left3A_3618 = vector.broadcast %shift_left3A_3617 : i32 to vector<16xi32>
    %shift_left3A_3619 = arith.shli %shift_right_arithmetic3A_3616, %shift_left3A_3618 : vector<16xi32>
    %and3A_3620 = arith.constant 1 : i32
    %and3A_3621 = vector.broadcast %and3A_3620 : i32 to vector<16xi32>
    %and3A_3622 = arith.andi %add3A_3607, %and3A_3621 : vector<16xi32>
    %or3A_3623 = arith.ori %shift_left3A_3619, %and3A_3622 : vector<16xi32>
    %gather3A_3624 = tpu.vector_load_idx %arg4[%or3A_3623, %and3A_3613] : memref<50x1024xi32, #tpu.memory_space<vmem>>[vector<16xi32>, vector<16xi32>], vector<16xi32>,
    %lt3A_3625 = arith.constant 50048 : i32
    %lt3A_3626 = vector.broadcast %lt3A_3625 : i32 to vector<16xi32>
    %lt3A_3627 = arith.cmpi slt, %gather3A_3624, %lt3A_3626 : vector<16xi32>
    %mul3A_3628 = arith.constant 2 : i32
    %mul3A_3629 = vector.broadcast %mul3A_3628 : i32 to vector<16xi32>
    %mul3A_3630 = arith.muli %gather3A_3624, %mul3A_3629 : vector<16xi32>
    %mul3A_3631 = arith.constant 2 : i32
    %mul3A_3632 = vector.broadcast %mul3A_3631 : i32 to vector<16xi32>
    %mul3A_3633 = arith.muli %gather3A_3624, %mul3A_3632 : vector<16xi32>
    %sub3A_3634 = arith.constant 100095 : i32
    %sub3A_3635 = vector.broadcast %sub3A_3634 : i32 to vector<16xi32>
    %sub3A_3636 = arith.subi %mul3A_3633, %sub3A_3635 : vector<16xi32>
    %select_n3A_3637 = arith.select %lt3A_3627, %mul3A_3630, %sub3A_3636 : vector<16xi1>, vector<16xi32>
    %swap3A_3638 = arith.constant 17 : i32
    %swap3A_3639 = arith.index_cast %swap3A_3638 : i32 to index
    %swap3A_3640 = arith.constant 48 : index
    %swap3A_3641 = tpu.vector_load %arg5[%swap3A_3639, %swap3A_3640] {strides = array<i32>} : memref<20x80xi32, #tpu.memory_space<vmem>>, vector<16xi32>,
    tpu.vector_store %arg5[%swap3A_3639, %swap3A_3640], %select_n3A_3637 {strides = array<i32>} : memref<20x80xi32, #tpu.memory_space<vmem>>, vector<16xi32>,
    %add3A_3642 = arith.constant 1360 : i32
    %add3A_3643 = arith.addi %mul3A_2, %add3A_3642 : i32
    %add3A_3644 = arith.constant 64 : i32
    %add3A_3645 = arith.addi %add3A_3643, %add3A_3644 : i32
    %iota3A_3646 = tpu.iota {dimensions = array<i32: 0>} : vector<16xi32>
    %add3A_3647 = vector.broadcast %add3A_3645 : i32 to vector<16xi32>
    %add3A_3648 = arith.addi %add3A_3647, %iota3A_3646 : vector<16xi32>
    %shift_right_arithmetic3A_3649 = arith.constant 1 : i32
    %shift_right_arithmetic3A_3650 = vector.broadcast %shift_right_arithmetic3A_3649 : i32 to vector<16xi32>
    %shift_right_arithmetic3A_3651 = arith.shrsi %add3A_3648, %shift_right_arithmetic3A_3650 : vector<16xi32>
    %and3A_3652 = arith.constant 1023 : i32
    %and3A_3653 = vector.broadcast %and3A_3652 : i32 to vector<16xi32>
    %and3A_3654 = arith.andi %shift_right_arithmetic3A_3651, %and3A_3653 : vector<16xi32>
    %shift_right_arithmetic3A_3655 = arith.constant 10 : i32
    %shift_right_arithmetic3A_3656 = vector.broadcast %shift_right_arithmetic3A_3655 : i32 to vector<16xi32>
    %shift_right_arithmetic3A_3657 = arith.shrsi %shift_right_arithmetic3A_3651, %shift_right_arithmetic3A_3656 : vector<16xi32>
    %shift_left3A_3658 = arith.constant 1 : i32
    %shift_left3A_3659 = vector.broadcast %shift_left3A_3658 : i32 to vector<16xi32>
    %shift_left3A_3660 = arith.shli %shift_right_arithmetic3A_3657, %shift_left3A_3659 : vector<16xi32>
    %and3A_3661 = arith.constant 1 : i32
    %and3A_3662 = vector.broadcast %and3A_3661 : i32 to vector<16xi32>
    %and3A_3663 = arith.andi %add3A_3648, %and3A_3662 : vector<16xi32>
    %or3A_3664 = arith.ori %shift_left3A_3660, %and3A_3663 : vector<16xi32>
    %gather3A_3665 = tpu.vector_load_idx %arg4[%or3A_3664, %and3A_3654] : memref<50x1024xi32, #tpu.memory_space<vmem>>[vector<16xi32>, vector<16xi32>], vector<16xi32>,
    %lt3A_3666 = arith.constant 50048 : i32
    %lt3A_3667 = vector.broadcast %lt3A_3666 : i32 to vector<16xi32>
    %lt3A_3668 = arith.cmpi slt, %gather3A_3665, %lt3A_3667 : vector<16xi32>
    %mul3A_3669 = arith.constant 2 : i32
    %mul3A_3670 = vector.broadcast %mul3A_3669 : i32 to vector<16xi32>
    %mul3A_3671 = arith.muli %gather3A_3665, %mul3A_3670 : vector<16xi32>
    %mul3A_3672 = arith.constant 2 : i32
    %mul3A_3673 = vector.broadcast %mul3A_3672 : i32 to vector<16xi32>
    %mul3A_3674 = arith.muli %gather3A_3665, %mul3A_3673 : vector<16xi32>
    %sub3A_3675 = arith.constant 100095 : i32
    %sub3A_3676 = vector.broadcast %sub3A_3675 : i32 to vector<16xi32>
    %sub3A_3677 = arith.subi %mul3A_3674, %sub3A_3676 : vector<16xi32>
    %select_n3A_3678 = arith.select %lt3A_3668, %mul3A_3671, %sub3A_3677 : vector<16xi1>, vector<16xi32>
    %swap3A_3679 = arith.constant 17 : i32
    %swap3A_3680 = arith.index_cast %swap3A_3679 : i32 to index
    %swap3A_3681 = arith.constant 64 : index
    %swap3A_3682 = tpu.vector_load %arg5[%swap3A_3680, %swap3A_3681] {strides = array<i32>} : memref<20x80xi32, #tpu.memory_space<vmem>>, vector<16xi32>,
    tpu.vector_store %arg5[%swap3A_3680, %swap3A_3681], %select_n3A_3678 {strides = array<i32>} : memref<20x80xi32, #tpu.memory_space<vmem>>, vector<16xi32>,
    %add3A_3683 = arith.constant 1440 : i32
    %add3A_3684 = arith.addi %mul3A_2, %add3A_3683 : i32
    %add3A_3685 = arith.constant 0 : i32
    %add3A_3686 = arith.addi %add3A_3684, %add3A_3685 : i32
    %iota3A_3687 = tpu.iota {dimensions = array<i32: 0>} : vector<16xi32>
    %add3A_3688 = vector.broadcast %add3A_3686 : i32 to vector<16xi32>
    %add3A_3689 = arith.addi %add3A_3688, %iota3A_3687 : vector<16xi32>
    %shift_right_arithmetic3A_3690 = arith.constant 1 : i32
    %shift_right_arithmetic3A_3691 = vector.broadcast %shift_right_arithmetic3A_3690 : i32 to vector<16xi32>
    %shift_right_arithmetic3A_3692 = arith.shrsi %add3A_3689, %shift_right_arithmetic3A_3691 : vector<16xi32>
    %and3A_3693 = arith.constant 1023 : i32
    %and3A_3694 = vector.broadcast %and3A_3693 : i32 to vector<16xi32>
    %and3A_3695 = arith.andi %shift_right_arithmetic3A_3692, %and3A_3694 : vector<16xi32>
    %shift_right_arithmetic3A_3696 = arith.constant 10 : i32
    %shift_right_arithmetic3A_3697 = vector.broadcast %shift_right_arithmetic3A_3696 : i32 to vector<16xi32>
    %shift_right_arithmetic3A_3698 = arith.shrsi %shift_right_arithmetic3A_3692, %shift_right_arithmetic3A_3697 : vector<16xi32>
    %shift_left3A_3699 = arith.constant 1 : i32
    %shift_left3A_3700 = vector.broadcast %shift_left3A_3699 : i32 to vector<16xi32>
    %shift_left3A_3701 = arith.shli %shift_right_arithmetic3A_3698, %shift_left3A_3700 : vector<16xi32>
    %and3A_3702 = arith.constant 1 : i32
    %and3A_3703 = vector.broadcast %and3A_3702 : i32 to vector<16xi32>
    %and3A_3704 = arith.andi %add3A_3689, %and3A_3703 : vector<16xi32>
    %or3A_3705 = arith.ori %shift_left3A_3701, %and3A_3704 : vector<16xi32>
    %gather3A_3706 = tpu.vector_load_idx %arg4[%or3A_3705, %and3A_3695] : memref<50x1024xi32, #tpu.memory_space<vmem>>[vector<16xi32>, vector<16xi32>], vector<16xi32>,
    %lt3A_3707 = arith.constant 50048 : i32
    %lt3A_3708 = vector.broadcast %lt3A_3707 : i32 to vector<16xi32>
    %lt3A_3709 = arith.cmpi slt, %gather3A_3706, %lt3A_3708 : vector<16xi32>
    %mul3A_3710 = arith.constant 2 : i32
    %mul3A_3711 = vector.broadcast %mul3A_3710 : i32 to vector<16xi32>
    %mul3A_3712 = arith.muli %gather3A_3706, %mul3A_3711 : vector<16xi32>
    %mul3A_3713 = arith.constant 2 : i32
    %mul3A_3714 = vector.broadcast %mul3A_3713 : i32 to vector<16xi32>
    %mul3A_3715 = arith.muli %gather3A_3706, %mul3A_3714 : vector<16xi32>
    %sub3A_3716 = arith.constant 100095 : i32
    %sub3A_3717 = vector.broadcast %sub3A_3716 : i32 to vector<16xi32>
    %sub3A_3718 = arith.subi %mul3A_3715, %sub3A_3717 : vector<16xi32>
    %select_n3A_3719 = arith.select %lt3A_3709, %mul3A_3712, %sub3A_3718 : vector<16xi1>, vector<16xi32>
    %swap3A_3720 = arith.constant 18 : i32
    %swap3A_3721 = arith.index_cast %swap3A_3720 : i32 to index
    %swap3A_3722 = arith.constant 0 : index
    %swap3A_3723 = tpu.vector_load %arg5[%swap3A_3721, %swap3A_3722] {strides = array<i32>} : memref<20x80xi32, #tpu.memory_space<vmem>>, vector<16xi32>,
    tpu.vector_store %arg5[%swap3A_3721, %swap3A_3722], %select_n3A_3719 {strides = array<i32>} : memref<20x80xi32, #tpu.memory_space<vmem>>, vector<16xi32>,
    %add3A_3724 = arith.constant 1440 : i32
    %add3A_3725 = arith.addi %mul3A_2, %add3A_3724 : i32
    %add3A_3726 = arith.constant 16 : i32
    %add3A_3727 = arith.addi %add3A_3725, %add3A_3726 : i32
    %iota3A_3728 = tpu.iota {dimensions = array<i32: 0>} : vector<16xi32>
    %add3A_3729 = vector.broadcast %add3A_3727 : i32 to vector<16xi32>
    %add3A_3730 = arith.addi %add3A_3729, %iota3A_3728 : vector<16xi32>
    %shift_right_arithmetic3A_3731 = arith.constant 1 : i32
    %shift_right_arithmetic3A_3732 = vector.broadcast %shift_right_arithmetic3A_3731 : i32 to vector<16xi32>
    %shift_right_arithmetic3A_3733 = arith.shrsi %add3A_3730, %shift_right_arithmetic3A_3732 : vector<16xi32>
    %and3A_3734 = arith.constant 1023 : i32
    %and3A_3735 = vector.broadcast %and3A_3734 : i32 to vector<16xi32>
    %and3A_3736 = arith.andi %shift_right_arithmetic3A_3733, %and3A_3735 : vector<16xi32>
    %shift_right_arithmetic3A_3737 = arith.constant 10 : i32
    %shift_right_arithmetic3A_3738 = vector.broadcast %shift_right_arithmetic3A_3737 : i32 to vector<16xi32>
    %shift_right_arithmetic3A_3739 = arith.shrsi %shift_right_arithmetic3A_3733, %shift_right_arithmetic3A_3738 : vector<16xi32>
    %shift_left3A_3740 = arith.constant 1 : i32
    %shift_left3A_3741 = vector.broadcast %shift_left3A_3740 : i32 to vector<16xi32>
    %shift_left3A_3742 = arith.shli %shift_right_arithmetic3A_3739, %shift_left3A_3741 : vector<16xi32>
    %and3A_3743 = arith.constant 1 : i32
    %and3A_3744 = vector.broadcast %and3A_3743 : i32 to vector<16xi32>
    %and3A_3745 = arith.andi %add3A_3730, %and3A_3744 : vector<16xi32>
    %or3A_3746 = arith.ori %shift_left3A_3742, %and3A_3745 : vector<16xi32>
    %gather3A_3747 = tpu.vector_load_idx %arg4[%or3A_3746, %and3A_3736] : memref<50x1024xi32, #tpu.memory_space<vmem>>[vector<16xi32>, vector<16xi32>], vector<16xi32>,
    %lt3A_3748 = arith.constant 50048 : i32
    %lt3A_3749 = vector.broadcast %lt3A_3748 : i32 to vector<16xi32>
    %lt3A_3750 = arith.cmpi slt, %gather3A_3747, %lt3A_3749 : vector<16xi32>
    %mul3A_3751 = arith.constant 2 : i32
    %mul3A_3752 = vector.broadcast %mul3A_3751 : i32 to vector<16xi32>
    %mul3A_3753 = arith.muli %gather3A_3747, %mul3A_3752 : vector<16xi32>
    %mul3A_3754 = arith.constant 2 : i32
    %mul3A_3755 = vector.broadcast %mul3A_3754 : i32 to vector<16xi32>
    %mul3A_3756 = arith.muli %gather3A_3747, %mul3A_3755 : vector<16xi32>
    %sub3A_3757 = arith.constant 100095 : i32
    %sub3A_3758 = vector.broadcast %sub3A_3757 : i32 to vector<16xi32>
    %sub3A_3759 = arith.subi %mul3A_3756, %sub3A_3758 : vector<16xi32>
    %select_n3A_3760 = arith.select %lt3A_3750, %mul3A_3753, %sub3A_3759 : vector<16xi1>, vector<16xi32>
    %swap3A_3761 = arith.constant 18 : i32
    %swap3A_3762 = arith.index_cast %swap3A_3761 : i32 to index
    %swap3A_3763 = arith.constant 16 : index
    %swap3A_3764 = tpu.vector_load %arg5[%swap3A_3762, %swap3A_3763] {strides = array<i32>} : memref<20x80xi32, #tpu.memory_space<vmem>>, vector<16xi32>,
    tpu.vector_store %arg5[%swap3A_3762, %swap3A_3763], %select_n3A_3760 {strides = array<i32>} : memref<20x80xi32, #tpu.memory_space<vmem>>, vector<16xi32>,
    %add3A_3765 = arith.constant 1440 : i32
    %add3A_3766 = arith.addi %mul3A_2, %add3A_3765 : i32
    %add3A_3767 = arith.constant 32 : i32
    %add3A_3768 = arith.addi %add3A_3766, %add3A_3767 : i32
    %iota3A_3769 = tpu.iota {dimensions = array<i32: 0>} : vector<16xi32>
    %add3A_3770 = vector.broadcast %add3A_3768 : i32 to vector<16xi32>
    %add3A_3771 = arith.addi %add3A_3770, %iota3A_3769 : vector<16xi32>
    %shift_right_arithmetic3A_3772 = arith.constant 1 : i32
    %shift_right_arithmetic3A_3773 = vector.broadcast %shift_right_arithmetic3A_3772 : i32 to vector<16xi32>
    %shift_right_arithmetic3A_3774 = arith.shrsi %add3A_3771, %shift_right_arithmetic3A_3773 : vector<16xi32>
    %and3A_3775 = arith.constant 1023 : i32
    %and3A_3776 = vector.broadcast %and3A_3775 : i32 to vector<16xi32>
    %and3A_3777 = arith.andi %shift_right_arithmetic3A_3774, %and3A_3776 : vector<16xi32>
    %shift_right_arithmetic3A_3778 = arith.constant 10 : i32
    %shift_right_arithmetic3A_3779 = vector.broadcast %shift_right_arithmetic3A_3778 : i32 to vector<16xi32>
    %shift_right_arithmetic3A_3780 = arith.shrsi %shift_right_arithmetic3A_3774, %shift_right_arithmetic3A_3779 : vector<16xi32>
    %shift_left3A_3781 = arith.constant 1 : i32
    %shift_left3A_3782 = vector.broadcast %shift_left3A_3781 : i32 to vector<16xi32>
    %shift_left3A_3783 = arith.shli %shift_right_arithmetic3A_3780, %shift_left3A_3782 : vector<16xi32>
    %and3A_3784 = arith.constant 1 : i32
    %and3A_3785 = vector.broadcast %and3A_3784 : i32 to vector<16xi32>
    %and3A_3786 = arith.andi %add3A_3771, %and3A_3785 : vector<16xi32>
    %or3A_3787 = arith.ori %shift_left3A_3783, %and3A_3786 : vector<16xi32>
    %gather3A_3788 = tpu.vector_load_idx %arg4[%or3A_3787, %and3A_3777] : memref<50x1024xi32, #tpu.memory_space<vmem>>[vector<16xi32>, vector<16xi32>], vector<16xi32>,
    %lt3A_3789 = arith.constant 50048 : i32
    %lt3A_3790 = vector.broadcast %lt3A_3789 : i32 to vector<16xi32>
    %lt3A_3791 = arith.cmpi slt, %gather3A_3788, %lt3A_3790 : vector<16xi32>
    %mul3A_3792 = arith.constant 2 : i32
    %mul3A_3793 = vector.broadcast %mul3A_3792 : i32 to vector<16xi32>
    %mul3A_3794 = arith.muli %gather3A_3788, %mul3A_3793 : vector<16xi32>
    %mul3A_3795 = arith.constant 2 : i32
    %mul3A_3796 = vector.broadcast %mul3A_3795 : i32 to vector<16xi32>
    %mul3A_3797 = arith.muli %gather3A_3788, %mul3A_3796 : vector<16xi32>
    %sub3A_3798 = arith.constant 100095 : i32
    %sub3A_3799 = vector.broadcast %sub3A_3798 : i32 to vector<16xi32>
    %sub3A_3800 = arith.subi %mul3A_3797, %sub3A_3799 : vector<16xi32>
    %select_n3A_3801 = arith.select %lt3A_3791, %mul3A_3794, %sub3A_3800 : vector<16xi1>, vector<16xi32>
    %swap3A_3802 = arith.constant 18 : i32
    %swap3A_3803 = arith.index_cast %swap3A_3802 : i32 to index
    %swap3A_3804 = arith.constant 32 : index
    %swap3A_3805 = tpu.vector_load %arg5[%swap3A_3803, %swap3A_3804] {strides = array<i32>} : memref<20x80xi32, #tpu.memory_space<vmem>>, vector<16xi32>,
    tpu.vector_store %arg5[%swap3A_3803, %swap3A_3804], %select_n3A_3801 {strides = array<i32>} : memref<20x80xi32, #tpu.memory_space<vmem>>, vector<16xi32>,
    %add3A_3806 = arith.constant 1440 : i32
    %add3A_3807 = arith.addi %mul3A_2, %add3A_3806 : i32
    %add3A_3808 = arith.constant 48 : i32
    %add3A_3809 = arith.addi %add3A_3807, %add3A_3808 : i32
    %iota3A_3810 = tpu.iota {dimensions = array<i32: 0>} : vector<16xi32>
    %add3A_3811 = vector.broadcast %add3A_3809 : i32 to vector<16xi32>
    %add3A_3812 = arith.addi %add3A_3811, %iota3A_3810 : vector<16xi32>
    %shift_right_arithmetic3A_3813 = arith.constant 1 : i32
    %shift_right_arithmetic3A_3814 = vector.broadcast %shift_right_arithmetic3A_3813 : i32 to vector<16xi32>
    %shift_right_arithmetic3A_3815 = arith.shrsi %add3A_3812, %shift_right_arithmetic3A_3814 : vector<16xi32>
    %and3A_3816 = arith.constant 1023 : i32
    %and3A_3817 = vector.broadcast %and3A_3816 : i32 to vector<16xi32>
    %and3A_3818 = arith.andi %shift_right_arithmetic3A_3815, %and3A_3817 : vector<16xi32>
    %shift_right_arithmetic3A_3819 = arith.constant 10 : i32
    %shift_right_arithmetic3A_3820 = vector.broadcast %shift_right_arithmetic3A_3819 : i32 to vector<16xi32>
    %shift_right_arithmetic3A_3821 = arith.shrsi %shift_right_arithmetic3A_3815, %shift_right_arithmetic3A_3820 : vector<16xi32>
    %shift_left3A_3822 = arith.constant 1 : i32
    %shift_left3A_3823 = vector.broadcast %shift_left3A_3822 : i32 to vector<16xi32>
    %shift_left3A_3824 = arith.shli %shift_right_arithmetic3A_3821, %shift_left3A_3823 : vector<16xi32>
    %and3A_3825 = arith.constant 1 : i32
    %and3A_3826 = vector.broadcast %and3A_3825 : i32 to vector<16xi32>
    %and3A_3827 = arith.andi %add3A_3812, %and3A_3826 : vector<16xi32>
    %or3A_3828 = arith.ori %shift_left3A_3824, %and3A_3827 : vector<16xi32>
    %gather3A_3829 = tpu.vector_load_idx %arg4[%or3A_3828, %and3A_3818] : memref<50x1024xi32, #tpu.memory_space<vmem>>[vector<16xi32>, vector<16xi32>], vector<16xi32>,
    %lt3A_3830 = arith.constant 50048 : i32
    %lt3A_3831 = vector.broadcast %lt3A_3830 : i32 to vector<16xi32>
    %lt3A_3832 = arith.cmpi slt, %gather3A_3829, %lt3A_3831 : vector<16xi32>
    %mul3A_3833 = arith.constant 2 : i32
    %mul3A_3834 = vector.broadcast %mul3A_3833 : i32 to vector<16xi32>
    %mul3A_3835 = arith.muli %gather3A_3829, %mul3A_3834 : vector<16xi32>
    %mul3A_3836 = arith.constant 2 : i32
    %mul3A_3837 = vector.broadcast %mul3A_3836 : i32 to vector<16xi32>
    %mul3A_3838 = arith.muli %gather3A_3829, %mul3A_3837 : vector<16xi32>
    %sub3A_3839 = arith.constant 100095 : i32
    %sub3A_3840 = vector.broadcast %sub3A_3839 : i32 to vector<16xi32>
    %sub3A_3841 = arith.subi %mul3A_3838, %sub3A_3840 : vector<16xi32>
    %select_n3A_3842 = arith.select %lt3A_3832, %mul3A_3835, %sub3A_3841 : vector<16xi1>, vector<16xi32>
    %swap3A_3843 = arith.constant 18 : i32
    %swap3A_3844 = arith.index_cast %swap3A_3843 : i32 to index
    %swap3A_3845 = arith.constant 48 : index
    %swap3A_3846 = tpu.vector_load %arg5[%swap3A_3844, %swap3A_3845] {strides = array<i32>} : memref<20x80xi32, #tpu.memory_space<vmem>>, vector<16xi32>,
    tpu.vector_store %arg5[%swap3A_3844, %swap3A_3845], %select_n3A_3842 {strides = array<i32>} : memref<20x80xi32, #tpu.memory_space<vmem>>, vector<16xi32>,
    %add3A_3847 = arith.constant 1440 : i32
    %add3A_3848 = arith.addi %mul3A_2, %add3A_3847 : i32
    %add3A_3849 = arith.constant 64 : i32
    %add3A_3850 = arith.addi %add3A_3848, %add3A_3849 : i32
    %iota3A_3851 = tpu.iota {dimensions = array<i32: 0>} : vector<16xi32>
    %add3A_3852 = vector.broadcast %add3A_3850 : i32 to vector<16xi32>
    %add3A_3853 = arith.addi %add3A_3852, %iota3A_3851 : vector<16xi32>
    %shift_right_arithmetic3A_3854 = arith.constant 1 : i32
    %shift_right_arithmetic3A_3855 = vector.broadcast %shift_right_arithmetic3A_3854 : i32 to vector<16xi32>
    %shift_right_arithmetic3A_3856 = arith.shrsi %add3A_3853, %shift_right_arithmetic3A_3855 : vector<16xi32>
    %and3A_3857 = arith.constant 1023 : i32
    %and3A_3858 = vector.broadcast %and3A_3857 : i32 to vector<16xi32>
    %and3A_3859 = arith.andi %shift_right_arithmetic3A_3856, %and3A_3858 : vector<16xi32>
    %shift_right_arithmetic3A_3860 = arith.constant 10 : i32
    %shift_right_arithmetic3A_3861 = vector.broadcast %shift_right_arithmetic3A_3860 : i32 to vector<16xi32>
    %shift_right_arithmetic3A_3862 = arith.shrsi %shift_right_arithmetic3A_3856, %shift_right_arithmetic3A_3861 : vector<16xi32>
    %shift_left3A_3863 = arith.constant 1 : i32
    %shift_left3A_3864 = vector.broadcast %shift_left3A_3863 : i32 to vector<16xi32>
    %shift_left3A_3865 = arith.shli %shift_right_arithmetic3A_3862, %shift_left3A_3864 : vector<16xi32>
    %and3A_3866 = arith.constant 1 : i32
    %and3A_3867 = vector.broadcast %and3A_3866 : i32 to vector<16xi32>
    %and3A_3868 = arith.andi %add3A_3853, %and3A_3867 : vector<16xi32>
    %or3A_3869 = arith.ori %shift_left3A_3865, %and3A_3868 : vector<16xi32>
    %gather3A_3870 = tpu.vector_load_idx %arg4[%or3A_3869, %and3A_3859] : memref<50x1024xi32, #tpu.memory_space<vmem>>[vector<16xi32>, vector<16xi32>], vector<16xi32>,
    %lt3A_3871 = arith.constant 50048 : i32
    %lt3A_3872 = vector.broadcast %lt3A_3871 : i32 to vector<16xi32>
    %lt3A_3873 = arith.cmpi slt, %gather3A_3870, %lt3A_3872 : vector<16xi32>
    %mul3A_3874 = arith.constant 2 : i32
    %mul3A_3875 = vector.broadcast %mul3A_3874 : i32 to vector<16xi32>
    %mul3A_3876 = arith.muli %gather3A_3870, %mul3A_3875 : vector<16xi32>
    %mul3A_3877 = arith.constant 2 : i32
    %mul3A_3878 = vector.broadcast %mul3A_3877 : i32 to vector<16xi32>
    %mul3A_3879 = arith.muli %gather3A_3870, %mul3A_3878 : vector<16xi32>
    %sub3A_3880 = arith.constant 100095 : i32
    %sub3A_3881 = vector.broadcast %sub3A_3880 : i32 to vector<16xi32>
    %sub3A_3882 = arith.subi %mul3A_3879, %sub3A_3881 : vector<16xi32>
    %select_n3A_3883 = arith.select %lt3A_3873, %mul3A_3876, %sub3A_3882 : vector<16xi1>, vector<16xi32>
    %swap3A_3884 = arith.constant 18 : i32
    %swap3A_3885 = arith.index_cast %swap3A_3884 : i32 to index
    %swap3A_3886 = arith.constant 64 : index
    %swap3A_3887 = tpu.vector_load %arg5[%swap3A_3885, %swap3A_3886] {strides = array<i32>} : memref<20x80xi32, #tpu.memory_space<vmem>>, vector<16xi32>,
    tpu.vector_store %arg5[%swap3A_3885, %swap3A_3886], %select_n3A_3883 {strides = array<i32>} : memref<20x80xi32, #tpu.memory_space<vmem>>, vector<16xi32>,
    %add3A_3888 = arith.constant 1520 : i32
    %add3A_3889 = arith.addi %mul3A_2, %add3A_3888 : i32
    %add3A_3890 = arith.constant 0 : i32
    %add3A_3891 = arith.addi %add3A_3889, %add3A_3890 : i32
    %iota3A_3892 = tpu.iota {dimensions = array<i32: 0>} : vector<16xi32>
    %add3A_3893 = vector.broadcast %add3A_3891 : i32 to vector<16xi32>
    %add3A_3894 = arith.addi %add3A_3893, %iota3A_3892 : vector<16xi32>
    %shift_right_arithmetic3A_3895 = arith.constant 1 : i32
    %shift_right_arithmetic3A_3896 = vector.broadcast %shift_right_arithmetic3A_3895 : i32 to vector<16xi32>
    %shift_right_arithmetic3A_3897 = arith.shrsi %add3A_3894, %shift_right_arithmetic3A_3896 : vector<16xi32>
    %and3A_3898 = arith.constant 1023 : i32
    %and3A_3899 = vector.broadcast %and3A_3898 : i32 to vector<16xi32>
    %and3A_3900 = arith.andi %shift_right_arithmetic3A_3897, %and3A_3899 : vector<16xi32>
    %shift_right_arithmetic3A_3901 = arith.constant 10 : i32
    %shift_right_arithmetic3A_3902 = vector.broadcast %shift_right_arithmetic3A_3901 : i32 to vector<16xi32>
    %shift_right_arithmetic3A_3903 = arith.shrsi %shift_right_arithmetic3A_3897, %shift_right_arithmetic3A_3902 : vector<16xi32>
    %shift_left3A_3904 = arith.constant 1 : i32
    %shift_left3A_3905 = vector.broadcast %shift_left3A_3904 : i32 to vector<16xi32>
    %shift_left3A_3906 = arith.shli %shift_right_arithmetic3A_3903, %shift_left3A_3905 : vector<16xi32>
    %and3A_3907 = arith.constant 1 : i32
    %and3A_3908 = vector.broadcast %and3A_3907 : i32 to vector<16xi32>
    %and3A_3909 = arith.andi %add3A_3894, %and3A_3908 : vector<16xi32>
    %or3A_3910 = arith.ori %shift_left3A_3906, %and3A_3909 : vector<16xi32>
    %gather3A_3911 = tpu.vector_load_idx %arg4[%or3A_3910, %and3A_3900] : memref<50x1024xi32, #tpu.memory_space<vmem>>[vector<16xi32>, vector<16xi32>], vector<16xi32>,
    %lt3A_3912 = arith.constant 50048 : i32
    %lt3A_3913 = vector.broadcast %lt3A_3912 : i32 to vector<16xi32>
    %lt3A_3914 = arith.cmpi slt, %gather3A_3911, %lt3A_3913 : vector<16xi32>
    %mul3A_3915 = arith.constant 2 : i32
    %mul3A_3916 = vector.broadcast %mul3A_3915 : i32 to vector<16xi32>
    %mul3A_3917 = arith.muli %gather3A_3911, %mul3A_3916 : vector<16xi32>
    %mul3A_3918 = arith.constant 2 : i32
    %mul3A_3919 = vector.broadcast %mul3A_3918 : i32 to vector<16xi32>
    %mul3A_3920 = arith.muli %gather3A_3911, %mul3A_3919 : vector<16xi32>
    %sub3A_3921 = arith.constant 100095 : i32
    %sub3A_3922 = vector.broadcast %sub3A_3921 : i32 to vector<16xi32>
    %sub3A_3923 = arith.subi %mul3A_3920, %sub3A_3922 : vector<16xi32>
    %select_n3A_3924 = arith.select %lt3A_3914, %mul3A_3917, %sub3A_3923 : vector<16xi1>, vector<16xi32>
    %swap3A_3925 = arith.constant 19 : i32
    %swap3A_3926 = arith.index_cast %swap3A_3925 : i32 to index
    %swap3A_3927 = arith.constant 0 : index
    %swap3A_3928 = tpu.vector_load %arg5[%swap3A_3926, %swap3A_3927] {strides = array<i32>} : memref<20x80xi32, #tpu.memory_space<vmem>>, vector<16xi32>,
    tpu.vector_store %arg5[%swap3A_3926, %swap3A_3927], %select_n3A_3924 {strides = array<i32>} : memref<20x80xi32, #tpu.memory_space<vmem>>, vector<16xi32>,
    %add3A_3929 = arith.constant 1520 : i32
    %add3A_3930 = arith.addi %mul3A_2, %add3A_3929 : i32
    %add3A_3931 = arith.constant 16 : i32
    %add3A_3932 = arith.addi %add3A_3930, %add3A_3931 : i32
    %iota3A_3933 = tpu.iota {dimensions = array<i32: 0>} : vector<16xi32>
    %add3A_3934 = vector.broadcast %add3A_3932 : i32 to vector<16xi32>
    %add3A_3935 = arith.addi %add3A_3934, %iota3A_3933 : vector<16xi32>
    %shift_right_arithmetic3A_3936 = arith.constant 1 : i32
    %shift_right_arithmetic3A_3937 = vector.broadcast %shift_right_arithmetic3A_3936 : i32 to vector<16xi32>
    %shift_right_arithmetic3A_3938 = arith.shrsi %add3A_3935, %shift_right_arithmetic3A_3937 : vector<16xi32>
    %and3A_3939 = arith.constant 1023 : i32
    %and3A_3940 = vector.broadcast %and3A_3939 : i32 to vector<16xi32>
    %and3A_3941 = arith.andi %shift_right_arithmetic3A_3938, %and3A_3940 : vector<16xi32>
    %shift_right_arithmetic3A_3942 = arith.constant 10 : i32
    %shift_right_arithmetic3A_3943 = vector.broadcast %shift_right_arithmetic3A_3942 : i32 to vector<16xi32>
    %shift_right_arithmetic3A_3944 = arith.shrsi %shift_right_arithmetic3A_3938, %shift_right_arithmetic3A_3943 : vector<16xi32>
    %shift_left3A_3945 = arith.constant 1 : i32
    %shift_left3A_3946 = vector.broadcast %shift_left3A_3945 : i32 to vector<16xi32>
    %shift_left3A_3947 = arith.shli %shift_right_arithmetic3A_3944, %shift_left3A_3946 : vector<16xi32>
    %and3A_3948 = arith.constant 1 : i32
    %and3A_3949 = vector.broadcast %and3A_3948 : i32 to vector<16xi32>
    %and3A_3950 = arith.andi %add3A_3935, %and3A_3949 : vector<16xi32>
    %or3A_3951 = arith.ori %shift_left3A_3947, %and3A_3950 : vector<16xi32>
    %gather3A_3952 = tpu.vector_load_idx %arg4[%or3A_3951, %and3A_3941] : memref<50x1024xi32, #tpu.memory_space<vmem>>[vector<16xi32>, vector<16xi32>], vector<16xi32>,
    %lt3A_3953 = arith.constant 50048 : i32
    %lt3A_3954 = vector.broadcast %lt3A_3953 : i32 to vector<16xi32>
    %lt3A_3955 = arith.cmpi slt, %gather3A_3952, %lt3A_3954 : vector<16xi32>
    %mul3A_3956 = arith.constant 2 : i32
    %mul3A_3957 = vector.broadcast %mul3A_3956 : i32 to vector<16xi32>
    %mul3A_3958 = arith.muli %gather3A_3952, %mul3A_3957 : vector<16xi32>
    %mul3A_3959 = arith.constant 2 : i32
    %mul3A_3960 = vector.broadcast %mul3A_3959 : i32 to vector<16xi32>
    %mul3A_3961 = arith.muli %gather3A_3952, %mul3A_3960 : vector<16xi32>
    %sub3A_3962 = arith.constant 100095 : i32
    %sub3A_3963 = vector.broadcast %sub3A_3962 : i32 to vector<16xi32>
    %sub3A_3964 = arith.subi %mul3A_3961, %sub3A_3963 : vector<16xi32>
    %select_n3A_3965 = arith.select %lt3A_3955, %mul3A_3958, %sub3A_3964 : vector<16xi1>, vector<16xi32>
    %swap3A_3966 = arith.constant 19 : i32
    %swap3A_3967 = arith.index_cast %swap3A_3966 : i32 to index
    %swap3A_3968 = arith.constant 16 : index
    %swap3A_3969 = tpu.vector_load %arg5[%swap3A_3967, %swap3A_3968] {strides = array<i32>} : memref<20x80xi32, #tpu.memory_space<vmem>>, vector<16xi32>,
    tpu.vector_store %arg5[%swap3A_3967, %swap3A_3968], %select_n3A_3965 {strides = array<i32>} : memref<20x80xi32, #tpu.memory_space<vmem>>, vector<16xi32>,
    %add3A_3970 = arith.constant 1520 : i32
    %add3A_3971 = arith.addi %mul3A_2, %add3A_3970 : i32
    %add3A_3972 = arith.constant 32 : i32
    %add3A_3973 = arith.addi %add3A_3971, %add3A_3972 : i32
    %iota3A_3974 = tpu.iota {dimensions = array<i32: 0>} : vector<16xi32>
    %add3A_3975 = vector.broadcast %add3A_3973 : i32 to vector<16xi32>
    %add3A_3976 = arith.addi %add3A_3975, %iota3A_3974 : vector<16xi32>
    %shift_right_arithmetic3A_3977 = arith.constant 1 : i32
    %shift_right_arithmetic3A_3978 = vector.broadcast %shift_right_arithmetic3A_3977 : i32 to vector<16xi32>
    %shift_right_arithmetic3A_3979 = arith.shrsi %add3A_3976, %shift_right_arithmetic3A_3978 : vector<16xi32>
    %and3A_3980 = arith.constant 1023 : i32
    %and3A_3981 = vector.broadcast %and3A_3980 : i32 to vector<16xi32>
    %and3A_3982 = arith.andi %shift_right_arithmetic3A_3979, %and3A_3981 : vector<16xi32>
    %shift_right_arithmetic3A_3983 = arith.constant 10 : i32
    %shift_right_arithmetic3A_3984 = vector.broadcast %shift_right_arithmetic3A_3983 : i32 to vector<16xi32>
    %shift_right_arithmetic3A_3985 = arith.shrsi %shift_right_arithmetic3A_3979, %shift_right_arithmetic3A_3984 : vector<16xi32>
    %shift_left3A_3986 = arith.constant 1 : i32
    %shift_left3A_3987 = vector.broadcast %shift_left3A_3986 : i32 to vector<16xi32>
    %shift_left3A_3988 = arith.shli %shift_right_arithmetic3A_3985, %shift_left3A_3987 : vector<16xi32>
    %and3A_3989 = arith.constant 1 : i32
    %and3A_3990 = vector.broadcast %and3A_3989 : i32 to vector<16xi32>
    %and3A_3991 = arith.andi %add3A_3976, %and3A_3990 : vector<16xi32>
    %or3A_3992 = arith.ori %shift_left3A_3988, %and3A_3991 : vector<16xi32>
    %gather3A_3993 = tpu.vector_load_idx %arg4[%or3A_3992, %and3A_3982] : memref<50x1024xi32, #tpu.memory_space<vmem>>[vector<16xi32>, vector<16xi32>], vector<16xi32>,
    %lt3A_3994 = arith.constant 50048 : i32
    %lt3A_3995 = vector.broadcast %lt3A_3994 : i32 to vector<16xi32>
    %lt3A_3996 = arith.cmpi slt, %gather3A_3993, %lt3A_3995 : vector<16xi32>
    %mul3A_3997 = arith.constant 2 : i32
    %mul3A_3998 = vector.broadcast %mul3A_3997 : i32 to vector<16xi32>
    %mul3A_3999 = arith.muli %gather3A_3993, %mul3A_3998 : vector<16xi32>
    %mul3A_4000 = arith.constant 2 : i32
    %mul3A_4001 = vector.broadcast %mul3A_4000 : i32 to vector<16xi32>
    %mul3A_4002 = arith.muli %gather3A_3993, %mul3A_4001 : vector<16xi32>
    %sub3A_4003 = arith.constant 100095 : i32
    %sub3A_4004 = vector.broadcast %sub3A_4003 : i32 to vector<16xi32>
    %sub3A_4005 = arith.subi %mul3A_4002, %sub3A_4004 : vector<16xi32>
    %select_n3A_4006 = arith.select %lt3A_3996, %mul3A_3999, %sub3A_4005 : vector<16xi1>, vector<16xi32>
    %swap3A_4007 = arith.constant 19 : i32
    %swap3A_4008 = arith.index_cast %swap3A_4007 : i32 to index
    %swap3A_4009 = arith.constant 32 : index
    %swap3A_4010 = tpu.vector_load %arg5[%swap3A_4008, %swap3A_4009] {strides = array<i32>} : memref<20x80xi32, #tpu.memory_space<vmem>>, vector<16xi32>,
    tpu.vector_store %arg5[%swap3A_4008, %swap3A_4009], %select_n3A_4006 {strides = array<i32>} : memref<20x80xi32, #tpu.memory_space<vmem>>, vector<16xi32>,
    %add3A_4011 = arith.constant 1520 : i32
    %add3A_4012 = arith.addi %mul3A_2, %add3A_4011 : i32
    %add3A_4013 = arith.constant 48 : i32
    %add3A_4014 = arith.addi %add3A_4012, %add3A_4013 : i32
    %iota3A_4015 = tpu.iota {dimensions = array<i32: 0>} : vector<16xi32>
    %add3A_4016 = vector.broadcast %add3A_4014 : i32 to vector<16xi32>
    %add3A_4017 = arith.addi %add3A_4016, %iota3A_4015 : vector<16xi32>
    %shift_right_arithmetic3A_4018 = arith.constant 1 : i32
    %shift_right_arithmetic3A_4019 = vector.broadcast %shift_right_arithmetic3A_4018 : i32 to vector<16xi32>
    %shift_right_arithmetic3A_4020 = arith.shrsi %add3A_4017, %shift_right_arithmetic3A_4019 : vector<16xi32>
    %and3A_4021 = arith.constant 1023 : i32
    %and3A_4022 = vector.broadcast %and3A_4021 : i32 to vector<16xi32>
    %and3A_4023 = arith.andi %shift_right_arithmetic3A_4020, %and3A_4022 : vector<16xi32>
    %shift_right_arithmetic3A_4024 = arith.constant 10 : i32
    %shift_right_arithmetic3A_4025 = vector.broadcast %shift_right_arithmetic3A_4024 : i32 to vector<16xi32>
    %shift_right_arithmetic3A_4026 = arith.shrsi %shift_right_arithmetic3A_4020, %shift_right_arithmetic3A_4025 : vector<16xi32>
    %shift_left3A_4027 = arith.constant 1 : i32
    %shift_left3A_4028 = vector.broadcast %shift_left3A_4027 : i32 to vector<16xi32>
    %shift_left3A_4029 = arith.shli %shift_right_arithmetic3A_4026, %shift_left3A_4028 : vector<16xi32>
    %and3A_4030 = arith.constant 1 : i32
    %and3A_4031 = vector.broadcast %and3A_4030 : i32 to vector<16xi32>
    %and3A_4032 = arith.andi %add3A_4017, %and3A_4031 : vector<16xi32>
    %or3A_4033 = arith.ori %shift_left3A_4029, %and3A_4032 : vector<16xi32>
    %gather3A_4034 = tpu.vector_load_idx %arg4[%or3A_4033, %and3A_4023] : memref<50x1024xi32, #tpu.memory_space<vmem>>[vector<16xi32>, vector<16xi32>], vector<16xi32>,
    %lt3A_4035 = arith.constant 50048 : i32
    %lt3A_4036 = vector.broadcast %lt3A_4035 : i32 to vector<16xi32>
    %lt3A_4037 = arith.cmpi slt, %gather3A_4034, %lt3A_4036 : vector<16xi32>
    %mul3A_4038 = arith.constant 2 : i32
    %mul3A_4039 = vector.broadcast %mul3A_4038 : i32 to vector<16xi32>
    %mul3A_4040 = arith.muli %gather3A_4034, %mul3A_4039 : vector<16xi32>
    %mul3A_4041 = arith.constant 2 : i32
    %mul3A_4042 = vector.broadcast %mul3A_4041 : i32 to vector<16xi32>
    %mul3A_4043 = arith.muli %gather3A_4034, %mul3A_4042 : vector<16xi32>
    %sub3A_4044 = arith.constant 100095 : i32
    %sub3A_4045 = vector.broadcast %sub3A_4044 : i32 to vector<16xi32>
    %sub3A_4046 = arith.subi %mul3A_4043, %sub3A_4045 : vector<16xi32>
    %select_n3A_4047 = arith.select %lt3A_4037, %mul3A_4040, %sub3A_4046 : vector<16xi1>, vector<16xi32>
    %swap3A_4048 = arith.constant 19 : i32
    %swap3A_4049 = arith.index_cast %swap3A_4048 : i32 to index
    %swap3A_4050 = arith.constant 48 : index
    %swap3A_4051 = tpu.vector_load %arg5[%swap3A_4049, %swap3A_4050] {strides = array<i32>} : memref<20x80xi32, #tpu.memory_space<vmem>>, vector<16xi32>,
    tpu.vector_store %arg5[%swap3A_4049, %swap3A_4050], %select_n3A_4047 {strides = array<i32>} : memref<20x80xi32, #tpu.memory_space<vmem>>, vector<16xi32>,
    %add3A_4052 = arith.constant 1520 : i32
    %add3A_4053 = arith.addi %mul3A_2, %add3A_4052 : i32
    %add3A_4054 = arith.constant 64 : i32
    %add3A_4055 = arith.addi %add3A_4053, %add3A_4054 : i32
    %iota3A_4056 = tpu.iota {dimensions = array<i32: 0>} : vector<16xi32>
    %add3A_4057 = vector.broadcast %add3A_4055 : i32 to vector<16xi32>
    %add3A_4058 = arith.addi %add3A_4057, %iota3A_4056 : vector<16xi32>
    %shift_right_arithmetic3A_4059 = arith.constant 1 : i32
    %shift_right_arithmetic3A_4060 = vector.broadcast %shift_right_arithmetic3A_4059 : i32 to vector<16xi32>
    %shift_right_arithmetic3A_4061 = arith.shrsi %add3A_4058, %shift_right_arithmetic3A_4060 : vector<16xi32>
    %and3A_4062 = arith.constant 1023 : i32
    %and3A_4063 = vector.broadcast %and3A_4062 : i32 to vector<16xi32>
    %and3A_4064 = arith.andi %shift_right_arithmetic3A_4061, %and3A_4063 : vector<16xi32>
    %shift_right_arithmetic3A_4065 = arith.constant 10 : i32
    %shift_right_arithmetic3A_4066 = vector.broadcast %shift_right_arithmetic3A_4065 : i32 to vector<16xi32>
    %shift_right_arithmetic3A_4067 = arith.shrsi %shift_right_arithmetic3A_4061, %shift_right_arithmetic3A_4066 : vector<16xi32>
    %shift_left3A_4068 = arith.constant 1 : i32
    %shift_left3A_4069 = vector.broadcast %shift_left3A_4068 : i32 to vector<16xi32>
    %shift_left3A_4070 = arith.shli %shift_right_arithmetic3A_4067, %shift_left3A_4069 : vector<16xi32>
    %and3A_4071 = arith.constant 1 : i32
    %and3A_4072 = vector.broadcast %and3A_4071 : i32 to vector<16xi32>
    %and3A_4073 = arith.andi %add3A_4058, %and3A_4072 : vector<16xi32>
    %or3A_4074 = arith.ori %shift_left3A_4070, %and3A_4073 : vector<16xi32>
    %gather3A_4075 = tpu.vector_load_idx %arg4[%or3A_4074, %and3A_4064] : memref<50x1024xi32, #tpu.memory_space<vmem>>[vector<16xi32>, vector<16xi32>], vector<16xi32>,
    %lt3A_4076 = arith.constant 50048 : i32
    %lt3A_4077 = vector.broadcast %lt3A_4076 : i32 to vector<16xi32>
    %lt3A_4078 = arith.cmpi slt, %gather3A_4075, %lt3A_4077 : vector<16xi32>
    %mul3A_4079 = arith.constant 2 : i32
    %mul3A_4080 = vector.broadcast %mul3A_4079 : i32 to vector<16xi32>
    %mul3A_4081 = arith.muli %gather3A_4075, %mul3A_4080 : vector<16xi32>
    %mul3A_4082 = arith.constant 2 : i32
    %mul3A_4083 = vector.broadcast %mul3A_4082 : i32 to vector<16xi32>
    %mul3A_4084 = arith.muli %gather3A_4075, %mul3A_4083 : vector<16xi32>
    %sub3A_4085 = arith.constant 100095 : i32
    %sub3A_4086 = vector.broadcast %sub3A_4085 : i32 to vector<16xi32>
    %sub3A_4087 = arith.subi %mul3A_4084, %sub3A_4086 : vector<16xi32>
    %select_n3A_4088 = arith.select %lt3A_4078, %mul3A_4081, %sub3A_4087 : vector<16xi1>, vector<16xi32>
    %swap3A_4089 = arith.constant 19 : i32
    %swap3A_4090 = arith.index_cast %swap3A_4089 : i32 to index
    %swap3A_4091 = arith.constant 64 : index
    %swap3A_4092 = tpu.vector_load %arg5[%swap3A_4090, %swap3A_4091] {strides = array<i32>} : memref<20x80xi32, #tpu.memory_space<vmem>>, vector<16xi32>,
    tpu.vector_store %arg5[%swap3A_4090, %swap3A_4091], %select_n3A_4088 {strides = array<i32>} : memref<20x80xi32, #tpu.memory_space<vmem>>, vector<16xi32>,
    "tpu.region"() ({
      %run_scoped3A = tpu.sem_alloc : memref<!tpu.dma_semaphore, #tpu.memory_space<semaphore_mem>>
      %dma_start3A = arith.constant 0 : i32
      %dma_start3A_4093 = arith.constant 0 : i32
      %dma_start3A_4094 = tpu.memref_slice %arg3[%add3A, %dma_start3A, %dma_start3A_4093] : memref<32x20x80xi32, #tpu.memory_space<hbm>> -> memref<1x20x80xi32, #tpu.memory_space<hbm>>
      %dma_start3A_4095 = tpu.memref_squeeze %dma_start3A_4094 : memref<1x20x80xi32, #tpu.memory_space<hbm>> -> memref<20x80xi32, #tpu.memory_space<hbm>>
      %dma_start3A_4096 = arith.constant 0 : i32
      %dma_start3A_4097 = arith.constant 0 : i32
      %dma_start3A_4098 = tpu.memref_slice %arg3[%add3A, %dma_start3A_4096, %dma_start3A_4097] : memref<32x20x80xi32, #tpu.memory_space<hbm>> -> memref<1x20x80xi32, #tpu.memory_space<hbm>>
      %dma_start3A_4099 = tpu.memref_squeeze %dma_start3A_4098 : memref<1x20x80xi32, #tpu.memory_space<hbm>> -> memref<20x80xi32, #tpu.memory_space<hbm>>
      tpu.enqueue_dma source(%arg5 : memref<20x80xi32, #tpu.memory_space<vmem>>) target(%dma_start3A_4099 : memref<20x80xi32, #tpu.memory_space<hbm>>) target_semaphore(%run_scoped3A : memref<!tpu.dma_semaphore, #tpu.memory_space<semaphore_mem>>)
      %dma_wait3A = arith.constant 0 : i32
      %dma_wait3A_4100 = arith.constant 0 : i32
      %dma_wait3A_4101 = tpu.memref_slice %arg3[%add3A, %dma_wait3A, %dma_wait3A_4100] : memref<32x20x80xi32, #tpu.memory_space<hbm>> -> memref<1x20x80xi32, #tpu.memory_space<hbm>>
      %dma_wait3A_4102 = tpu.memref_squeeze %dma_wait3A_4101 : memref<1x20x80xi32, #tpu.memory_space<hbm>> -> memref<20x80xi32, #tpu.memory_space<hbm>>
      %dma_wait3A_4103 = arith.constant 0 : i32
      %dma_wait3A_4104 = arith.constant 0 : i32
      %dma_wait3A_4105 = tpu.memref_slice %arg3[%add3A, %dma_wait3A_4103, %dma_wait3A_4104] : memref<32x20x80xi32, #tpu.memory_space<hbm>> -> memref<1x20x80xi32, #tpu.memory_space<hbm>>
      %dma_wait3A_4106 = tpu.memref_squeeze %dma_wait3A_4105 : memref<1x20x80xi32, #tpu.memory_space<hbm>> -> memref<20x80xi32, #tpu.memory_space<hbm>>
      tpu.wait_dma2 semaphore(%run_scoped3A : memref<!tpu.dma_semaphore, #tpu.memory_space<semaphore_mem>>) src(%arg5 : memref<20x80xi32, #tpu.memory_space<vmem>>) dst(%dma_wait3A_4106 : memref<20x80xi32, #tpu.memory_space<hbm>>)
      tpu.yield
    }) : () -> ()
    return
  }
}

#map = affine_map<(d0, d1) -> (0, 0)>
#map1 = affine_map<(d0, d1) -> (0, 0, 0)>
module attributes {stable_mosaic.version = 14 : i64} {
  func.func @_gather_body(%arg0: i32, %arg1: i32, %arg2: memref<100096x64xf32, #tpu.memory_space<hbm>>, %arg3: memref<32x20x80xi32, #tpu.memory_space<hbm>>, %arg4: memref<51200x64xf32, #tpu.memory_space<hbm>>, %arg5: memref<20x80xi32, #tpu.memory_space<vmem>>, %arg6: memref<1600x64xf32, #tpu.memory_space<vmem>>, %arg7: memref<!tpu.dma_semaphore, #tpu.memory_space<semaphore_mem>>) attributes {dimension_semantics = [#tpu.dimension_semantics<core_parallel>, #tpu.dimension_semantics<subcore_parallel>], iteration_bounds = array<i64: 2, 16>, scalar_prefetch = 0 : i64, scratch_operands = 3 : i64, tpu.core_type = #tpu.core_type<sc_vector_subcore>, window_params = [{transform_indices = #map}, {transform_indices = #map1}, {transform_indices = #map}]} {
    %mul3A = arith.constant 2 : i32
    %mul3A_0 = arith.muli %arg1, %mul3A : i32
    %add3A = arith.addi %mul3A_0, %arg0 : i32
    %mul3A_1 = arith.constant 1600 : i32
    %mul3A_2 = arith.muli %add3A, %mul3A_1 : i32
    "tpu.region"() ({
      %run_scoped3A = tpu.sem_alloc : memref<!tpu.dma_semaphore, #tpu.memory_space<semaphore_mem>>
      %dma_start3A_401 = arith.constant 0 : i32
      %dma_start3A_402 = arith.constant 0 : i32
      %dma_start3A_403 = tpu.memref_slice %arg3[%add3A, %dma_start3A_401, %dma_start3A_402] : memref<32x20x80xi32, #tpu.memory_space<hbm>> -> memref<1x20x80xi32, #tpu.memory_space<hbm>>
      %dma_start3A_404 = tpu.memref_squeeze %dma_start3A_403 : memref<1x20x80xi32, #tpu.memory_space<hbm>> -> memref<20x80xi32, #tpu.memory_space<hbm>>
      %dma_start3A_405 = arith.constant 0 : i32
      %dma_start3A_406 = arith.constant 0 : i32
      %dma_start3A_407 = tpu.memref_slice %arg3[%add3A, %dma_start3A_405, %dma_start3A_406] : memref<32x20x80xi32, #tpu.memory_space<hbm>> -> memref<1x20x80xi32, #tpu.memory_space<hbm>>
      %dma_start3A_408 = tpu.memref_squeeze %dma_start3A_407 : memref<1x20x80xi32, #tpu.memory_space<hbm>> -> memref<20x80xi32, #tpu.memory_space<hbm>>
      tpu.enqueue_dma source(%dma_start3A_408 : memref<20x80xi32, #tpu.memory_space<hbm>>) target(%arg5 : memref<20x80xi32, #tpu.memory_space<vmem>>) target_semaphore(%run_scoped3A : memref<!tpu.dma_semaphore, #tpu.memory_space<semaphore_mem>>)
      %dma_wait3A_409 = arith.constant 0 : i32
      %dma_wait3A_410 = arith.constant 0 : i32
      %dma_wait3A_411 = tpu.memref_slice %arg3[%add3A, %dma_wait3A_409, %dma_wait3A_410] : memref<32x20x80xi32, #tpu.memory_space<hbm>> -> memref<1x20x80xi32, #tpu.memory_space<hbm>>
      %dma_wait3A_412 = tpu.memref_squeeze %dma_wait3A_411 : memref<1x20x80xi32, #tpu.memory_space<hbm>> -> memref<20x80xi32, #tpu.memory_space<hbm>>
      %dma_wait3A_413 = arith.constant 0 : i32
      %dma_wait3A_414 = arith.constant 0 : i32
      %dma_wait3A_415 = tpu.memref_slice %arg3[%add3A, %dma_wait3A_413, %dma_wait3A_414] : memref<32x20x80xi32, #tpu.memory_space<hbm>> -> memref<1x20x80xi32, #tpu.memory_space<hbm>>
      %dma_wait3A_416 = tpu.memref_squeeze %dma_wait3A_415 : memref<1x20x80xi32, #tpu.memory_space<hbm>> -> memref<20x80xi32, #tpu.memory_space<hbm>>
      tpu.wait_dma2 semaphore(%run_scoped3A : memref<!tpu.dma_semaphore, #tpu.memory_space<semaphore_mem>>) src(%dma_wait3A_416 : memref<20x80xi32, #tpu.memory_space<hbm>>) dst(%arg5 : memref<20x80xi32, #tpu.memory_space<vmem>>)
      tpu.yield
    }) : () -> ()
    %dma_start3A = arith.constant 0 : i32
    %dma_start3A_3 = arith.constant 0 : i32
    %dma_start3A_4 = arith.constant 0 : i32
    %dma_start3A_5 = tpu.memref_slice %arg6[%dma_start3A_3, %dma_start3A_4] : memref<1600x64xf32, #tpu.memory_space<vmem>> -> memref<80x64xf32, #tpu.memory_space<vmem>>
    %dma_start3A_6 = arith.constant 0 : i32
    %dma_start3A_7 = tpu.memref_slice %arg5[%dma_start3A, %dma_start3A_6] : memref<20x80xi32, #tpu.memory_space<vmem>> -> memref<1x80xi32, #tpu.memory_space<vmem>>
    %dma_start3A_8 = tpu.memref_squeeze %dma_start3A_7 : memref<1x80xi32, #tpu.memory_space<vmem>> -> memref<80xi32, #tpu.memory_space<vmem>>
    %dma_start3A_9 = arith.constant 0 : i32
    %dma_start3A_10 = arith.constant 0 : i32
    %dma_start3A_11 = tpu.memref_slice %arg2[%dma_start3A_9, %dma_start3A_10] : memref<100096x64xf32, #tpu.memory_space<hbm>> -> memref<100096x64xf32, #tpu.memory_space<hbm>>
    tpu.enqueue_indirect_dma source(%dma_start3A_11 : memref<100096x64xf32, #tpu.memory_space<hbm>>) target(%dma_start3A_5 : memref<80x64xf32, #tpu.memory_space<vmem>>) offsets(%dma_start3A_8 : memref<80xi32, #tpu.memory_space<vmem>>) semaphore(%arg7 : memref<!tpu.dma_semaphore, #tpu.memory_space<semaphore_mem>>)
    %dma_start3A_12 = arith.constant 1 : i32
    %dma_start3A_13 = arith.constant 80 : i32
    %dma_start3A_14 = arith.constant 0 : i32
    %dma_start3A_15 = tpu.memref_slice %arg6[%dma_start3A_13, %dma_start3A_14] : memref<1600x64xf32, #tpu.memory_space<vmem>> -> memref<80x64xf32, #tpu.memory_space<vmem>>
    %dma_start3A_16 = arith.constant 0 : i32
    %dma_start3A_17 = tpu.memref_slice %arg5[%dma_start3A_12, %dma_start3A_16] : memref<20x80xi32, #tpu.memory_space<vmem>> -> memref<1x80xi32, #tpu.memory_space<vmem>>
    %dma_start3A_18 = tpu.memref_squeeze %dma_start3A_17 : memref<1x80xi32, #tpu.memory_space<vmem>> -> memref<80xi32, #tpu.memory_space<vmem>>
    %dma_start3A_19 = arith.constant 0 : i32
    %dma_start3A_20 = arith.constant 0 : i32
    %dma_start3A_21 = tpu.memref_slice %arg2[%dma_start3A_19, %dma_start3A_20] : memref<100096x64xf32, #tpu.memory_space<hbm>> -> memref<100096x64xf32, #tpu.memory_space<hbm>>
    tpu.enqueue_indirect_dma source(%dma_start3A_21 : memref<100096x64xf32, #tpu.memory_space<hbm>>) target(%dma_start3A_15 : memref<80x64xf32, #tpu.memory_space<vmem>>) offsets(%dma_start3A_18 : memref<80xi32, #tpu.memory_space<vmem>>) semaphore(%arg7 : memref<!tpu.dma_semaphore, #tpu.memory_space<semaphore_mem>>)
    %dma_start3A_22 = arith.constant 2 : i32
    %dma_start3A_23 = arith.constant 160 : i32
    %dma_start3A_24 = arith.constant 0 : i32
    %dma_start3A_25 = tpu.memref_slice %arg6[%dma_start3A_23, %dma_start3A_24] : memref<1600x64xf32, #tpu.memory_space<vmem>> -> memref<80x64xf32, #tpu.memory_space<vmem>>
    %dma_start3A_26 = arith.constant 0 : i32
    %dma_start3A_27 = tpu.memref_slice %arg5[%dma_start3A_22, %dma_start3A_26] : memref<20x80xi32, #tpu.memory_space<vmem>> -> memref<1x80xi32, #tpu.memory_space<vmem>>
    %dma_start3A_28 = tpu.memref_squeeze %dma_start3A_27 : memref<1x80xi32, #tpu.memory_space<vmem>> -> memref<80xi32, #tpu.memory_space<vmem>>
    %dma_start3A_29 = arith.constant 0 : i32
    %dma_start3A_30 = arith.constant 0 : i32
    %dma_start3A_31 = tpu.memref_slice %arg2[%dma_start3A_29, %dma_start3A_30] : memref<100096x64xf32, #tpu.memory_space<hbm>> -> memref<100096x64xf32, #tpu.memory_space<hbm>>
    tpu.enqueue_indirect_dma source(%dma_start3A_31 : memref<100096x64xf32, #tpu.memory_space<hbm>>) target(%dma_start3A_25 : memref<80x64xf32, #tpu.memory_space<vmem>>) offsets(%dma_start3A_28 : memref<80xi32, #tpu.memory_space<vmem>>) semaphore(%arg7 : memref<!tpu.dma_semaphore, #tpu.memory_space<semaphore_mem>>)
    %dma_start3A_32 = arith.constant 3 : i32
    %dma_start3A_33 = arith.constant 240 : i32
    %dma_start3A_34 = arith.constant 0 : i32
    %dma_start3A_35 = tpu.memref_slice %arg6[%dma_start3A_33, %dma_start3A_34] : memref<1600x64xf32, #tpu.memory_space<vmem>> -> memref<80x64xf32, #tpu.memory_space<vmem>>
    %dma_start3A_36 = arith.constant 0 : i32
    %dma_start3A_37 = tpu.memref_slice %arg5[%dma_start3A_32, %dma_start3A_36] : memref<20x80xi32, #tpu.memory_space<vmem>> -> memref<1x80xi32, #tpu.memory_space<vmem>>
    %dma_start3A_38 = tpu.memref_squeeze %dma_start3A_37 : memref<1x80xi32, #tpu.memory_space<vmem>> -> memref<80xi32, #tpu.memory_space<vmem>>
    %dma_start3A_39 = arith.constant 0 : i32
    %dma_start3A_40 = arith.constant 0 : i32
    %dma_start3A_41 = tpu.memref_slice %arg2[%dma_start3A_39, %dma_start3A_40] : memref<100096x64xf32, #tpu.memory_space<hbm>> -> memref<100096x64xf32, #tpu.memory_space<hbm>>
    tpu.enqueue_indirect_dma source(%dma_start3A_41 : memref<100096x64xf32, #tpu.memory_space<hbm>>) target(%dma_start3A_35 : memref<80x64xf32, #tpu.memory_space<vmem>>) offsets(%dma_start3A_38 : memref<80xi32, #tpu.memory_space<vmem>>) semaphore(%arg7 : memref<!tpu.dma_semaphore, #tpu.memory_space<semaphore_mem>>)
    %dma_start3A_42 = arith.constant 4 : i32
    %dma_start3A_43 = arith.constant 320 : i32
    %dma_start3A_44 = arith.constant 0 : i32
    %dma_start3A_45 = tpu.memref_slice %arg6[%dma_start3A_43, %dma_start3A_44] : memref<1600x64xf32, #tpu.memory_space<vmem>> -> memref<80x64xf32, #tpu.memory_space<vmem>>
    %dma_start3A_46 = arith.constant 0 : i32
    %dma_start3A_47 = tpu.memref_slice %arg5[%dma_start3A_42, %dma_start3A_46] : memref<20x80xi32, #tpu.memory_space<vmem>> -> memref<1x80xi32, #tpu.memory_space<vmem>>
    %dma_start3A_48 = tpu.memref_squeeze %dma_start3A_47 : memref<1x80xi32, #tpu.memory_space<vmem>> -> memref<80xi32, #tpu.memory_space<vmem>>
    %dma_start3A_49 = arith.constant 0 : i32
    %dma_start3A_50 = arith.constant 0 : i32
    %dma_start3A_51 = tpu.memref_slice %arg2[%dma_start3A_49, %dma_start3A_50] : memref<100096x64xf32, #tpu.memory_space<hbm>> -> memref<100096x64xf32, #tpu.memory_space<hbm>>
    tpu.enqueue_indirect_dma source(%dma_start3A_51 : memref<100096x64xf32, #tpu.memory_space<hbm>>) target(%dma_start3A_45 : memref<80x64xf32, #tpu.memory_space<vmem>>) offsets(%dma_start3A_48 : memref<80xi32, #tpu.memory_space<vmem>>) semaphore(%arg7 : memref<!tpu.dma_semaphore, #tpu.memory_space<semaphore_mem>>)
    %dma_start3A_52 = arith.constant 5 : i32
    %dma_start3A_53 = arith.constant 400 : i32
    %dma_start3A_54 = arith.constant 0 : i32
    %dma_start3A_55 = tpu.memref_slice %arg6[%dma_start3A_53, %dma_start3A_54] : memref<1600x64xf32, #tpu.memory_space<vmem>> -> memref<80x64xf32, #tpu.memory_space<vmem>>
    %dma_start3A_56 = arith.constant 0 : i32
    %dma_start3A_57 = tpu.memref_slice %arg5[%dma_start3A_52, %dma_start3A_56] : memref<20x80xi32, #tpu.memory_space<vmem>> -> memref<1x80xi32, #tpu.memory_space<vmem>>
    %dma_start3A_58 = tpu.memref_squeeze %dma_start3A_57 : memref<1x80xi32, #tpu.memory_space<vmem>> -> memref<80xi32, #tpu.memory_space<vmem>>
    %dma_start3A_59 = arith.constant 0 : i32
    %dma_start3A_60 = arith.constant 0 : i32
    %dma_start3A_61 = tpu.memref_slice %arg2[%dma_start3A_59, %dma_start3A_60] : memref<100096x64xf32, #tpu.memory_space<hbm>> -> memref<100096x64xf32, #tpu.memory_space<hbm>>
    tpu.enqueue_indirect_dma source(%dma_start3A_61 : memref<100096x64xf32, #tpu.memory_space<hbm>>) target(%dma_start3A_55 : memref<80x64xf32, #tpu.memory_space<vmem>>) offsets(%dma_start3A_58 : memref<80xi32, #tpu.memory_space<vmem>>) semaphore(%arg7 : memref<!tpu.dma_semaphore, #tpu.memory_space<semaphore_mem>>)
    %dma_start3A_62 = arith.constant 6 : i32
    %dma_start3A_63 = arith.constant 480 : i32
    %dma_start3A_64 = arith.constant 0 : i32
    %dma_start3A_65 = tpu.memref_slice %arg6[%dma_start3A_63, %dma_start3A_64] : memref<1600x64xf32, #tpu.memory_space<vmem>> -> memref<80x64xf32, #tpu.memory_space<vmem>>
    %dma_start3A_66 = arith.constant 0 : i32
    %dma_start3A_67 = tpu.memref_slice %arg5[%dma_start3A_62, %dma_start3A_66] : memref<20x80xi32, #tpu.memory_space<vmem>> -> memref<1x80xi32, #tpu.memory_space<vmem>>
    %dma_start3A_68 = tpu.memref_squeeze %dma_start3A_67 : memref<1x80xi32, #tpu.memory_space<vmem>> -> memref<80xi32, #tpu.memory_space<vmem>>
    %dma_start3A_69 = arith.constant 0 : i32
    %dma_start3A_70 = arith.constant 0 : i32
    %dma_start3A_71 = tpu.memref_slice %arg2[%dma_start3A_69, %dma_start3A_70] : memref<100096x64xf32, #tpu.memory_space<hbm>> -> memref<100096x64xf32, #tpu.memory_space<hbm>>
    tpu.enqueue_indirect_dma source(%dma_start3A_71 : memref<100096x64xf32, #tpu.memory_space<hbm>>) target(%dma_start3A_65 : memref<80x64xf32, #tpu.memory_space<vmem>>) offsets(%dma_start3A_68 : memref<80xi32, #tpu.memory_space<vmem>>) semaphore(%arg7 : memref<!tpu.dma_semaphore, #tpu.memory_space<semaphore_mem>>)
    %dma_start3A_72 = arith.constant 7 : i32
    %dma_start3A_73 = arith.constant 560 : i32
    %dma_start3A_74 = arith.constant 0 : i32
    %dma_start3A_75 = tpu.memref_slice %arg6[%dma_start3A_73, %dma_start3A_74] : memref<1600x64xf32, #tpu.memory_space<vmem>> -> memref<80x64xf32, #tpu.memory_space<vmem>>
    %dma_start3A_76 = arith.constant 0 : i32
    %dma_start3A_77 = tpu.memref_slice %arg5[%dma_start3A_72, %dma_start3A_76] : memref<20x80xi32, #tpu.memory_space<vmem>> -> memref<1x80xi32, #tpu.memory_space<vmem>>
    %dma_start3A_78 = tpu.memref_squeeze %dma_start3A_77 : memref<1x80xi32, #tpu.memory_space<vmem>> -> memref<80xi32, #tpu.memory_space<vmem>>
    %dma_start3A_79 = arith.constant 0 : i32
    %dma_start3A_80 = arith.constant 0 : i32
    %dma_start3A_81 = tpu.memref_slice %arg2[%dma_start3A_79, %dma_start3A_80] : memref<100096x64xf32, #tpu.memory_space<hbm>> -> memref<100096x64xf32, #tpu.memory_space<hbm>>
    tpu.enqueue_indirect_dma source(%dma_start3A_81 : memref<100096x64xf32, #tpu.memory_space<hbm>>) target(%dma_start3A_75 : memref<80x64xf32, #tpu.memory_space<vmem>>) offsets(%dma_start3A_78 : memref<80xi32, #tpu.memory_space<vmem>>) semaphore(%arg7 : memref<!tpu.dma_semaphore, #tpu.memory_space<semaphore_mem>>)
    %dma_start3A_82 = arith.constant 8 : i32
    %dma_start3A_83 = arith.constant 640 : i32
    %dma_start3A_84 = arith.constant 0 : i32
    %dma_start3A_85 = tpu.memref_slice %arg6[%dma_start3A_83, %dma_start3A_84] : memref<1600x64xf32, #tpu.memory_space<vmem>> -> memref<80x64xf32, #tpu.memory_space<vmem>>
    %dma_start3A_86 = arith.constant 0 : i32
    %dma_start3A_87 = tpu.memref_slice %arg5[%dma_start3A_82, %dma_start3A_86] : memref<20x80xi32, #tpu.memory_space<vmem>> -> memref<1x80xi32, #tpu.memory_space<vmem>>
    %dma_start3A_88 = tpu.memref_squeeze %dma_start3A_87 : memref<1x80xi32, #tpu.memory_space<vmem>> -> memref<80xi32, #tpu.memory_space<vmem>>
    %dma_start3A_89 = arith.constant 0 : i32
    %dma_start3A_90 = arith.constant 0 : i32
    %dma_start3A_91 = tpu.memref_slice %arg2[%dma_start3A_89, %dma_start3A_90] : memref<100096x64xf32, #tpu.memory_space<hbm>> -> memref<100096x64xf32, #tpu.memory_space<hbm>>
    tpu.enqueue_indirect_dma source(%dma_start3A_91 : memref<100096x64xf32, #tpu.memory_space<hbm>>) target(%dma_start3A_85 : memref<80x64xf32, #tpu.memory_space<vmem>>) offsets(%dma_start3A_88 : memref<80xi32, #tpu.memory_space<vmem>>) semaphore(%arg7 : memref<!tpu.dma_semaphore, #tpu.memory_space<semaphore_mem>>)
    %dma_start3A_92 = arith.constant 9 : i32
    %dma_start3A_93 = arith.constant 720 : i32
    %dma_start3A_94 = arith.constant 0 : i32
    %dma_start3A_95 = tpu.memref_slice %arg6[%dma_start3A_93, %dma_start3A_94] : memref<1600x64xf32, #tpu.memory_space<vmem>> -> memref<80x64xf32, #tpu.memory_space<vmem>>
    %dma_start3A_96 = arith.constant 0 : i32
    %dma_start3A_97 = tpu.memref_slice %arg5[%dma_start3A_92, %dma_start3A_96] : memref<20x80xi32, #tpu.memory_space<vmem>> -> memref<1x80xi32, #tpu.memory_space<vmem>>
    %dma_start3A_98 = tpu.memref_squeeze %dma_start3A_97 : memref<1x80xi32, #tpu.memory_space<vmem>> -> memref<80xi32, #tpu.memory_space<vmem>>
    %dma_start3A_99 = arith.constant 0 : i32
    %dma_start3A_100 = arith.constant 0 : i32
    %dma_start3A_101 = tpu.memref_slice %arg2[%dma_start3A_99, %dma_start3A_100] : memref<100096x64xf32, #tpu.memory_space<hbm>> -> memref<100096x64xf32, #tpu.memory_space<hbm>>
    tpu.enqueue_indirect_dma source(%dma_start3A_101 : memref<100096x64xf32, #tpu.memory_space<hbm>>) target(%dma_start3A_95 : memref<80x64xf32, #tpu.memory_space<vmem>>) offsets(%dma_start3A_98 : memref<80xi32, #tpu.memory_space<vmem>>) semaphore(%arg7 : memref<!tpu.dma_semaphore, #tpu.memory_space<semaphore_mem>>)
    %dma_start3A_102 = arith.constant 10 : i32
    %dma_start3A_103 = arith.constant 800 : i32
    %dma_start3A_104 = arith.constant 0 : i32
    %dma_start3A_105 = tpu.memref_slice %arg6[%dma_start3A_103, %dma_start3A_104] : memref<1600x64xf32, #tpu.memory_space<vmem>> -> memref<80x64xf32, #tpu.memory_space<vmem>>
    %dma_start3A_106 = arith.constant 0 : i32
    %dma_start3A_107 = tpu.memref_slice %arg5[%dma_start3A_102, %dma_start3A_106] : memref<20x80xi32, #tpu.memory_space<vmem>> -> memref<1x80xi32, #tpu.memory_space<vmem>>
    %dma_start3A_108 = tpu.memref_squeeze %dma_start3A_107 : memref<1x80xi32, #tpu.memory_space<vmem>> -> memref<80xi32, #tpu.memory_space<vmem>>
    %dma_start3A_109 = arith.constant 0 : i32
    %dma_start3A_110 = arith.constant 0 : i32
    %dma_start3A_111 = tpu.memref_slice %arg2[%dma_start3A_109, %dma_start3A_110] : memref<100096x64xf32, #tpu.memory_space<hbm>> -> memref<100096x64xf32, #tpu.memory_space<hbm>>
    tpu.enqueue_indirect_dma source(%dma_start3A_111 : memref<100096x64xf32, #tpu.memory_space<hbm>>) target(%dma_start3A_105 : memref<80x64xf32, #tpu.memory_space<vmem>>) offsets(%dma_start3A_108 : memref<80xi32, #tpu.memory_space<vmem>>) semaphore(%arg7 : memref<!tpu.dma_semaphore, #tpu.memory_space<semaphore_mem>>)
    %dma_start3A_112 = arith.constant 11 : i32
    %dma_start3A_113 = arith.constant 880 : i32
    %dma_start3A_114 = arith.constant 0 : i32
    %dma_start3A_115 = tpu.memref_slice %arg6[%dma_start3A_113, %dma_start3A_114] : memref<1600x64xf32, #tpu.memory_space<vmem>> -> memref<80x64xf32, #tpu.memory_space<vmem>>
    %dma_start3A_116 = arith.constant 0 : i32
    %dma_start3A_117 = tpu.memref_slice %arg5[%dma_start3A_112, %dma_start3A_116] : memref<20x80xi32, #tpu.memory_space<vmem>> -> memref<1x80xi32, #tpu.memory_space<vmem>>
    %dma_start3A_118 = tpu.memref_squeeze %dma_start3A_117 : memref<1x80xi32, #tpu.memory_space<vmem>> -> memref<80xi32, #tpu.memory_space<vmem>>
    %dma_start3A_119 = arith.constant 0 : i32
    %dma_start3A_120 = arith.constant 0 : i32
    %dma_start3A_121 = tpu.memref_slice %arg2[%dma_start3A_119, %dma_start3A_120] : memref<100096x64xf32, #tpu.memory_space<hbm>> -> memref<100096x64xf32, #tpu.memory_space<hbm>>
    tpu.enqueue_indirect_dma source(%dma_start3A_121 : memref<100096x64xf32, #tpu.memory_space<hbm>>) target(%dma_start3A_115 : memref<80x64xf32, #tpu.memory_space<vmem>>) offsets(%dma_start3A_118 : memref<80xi32, #tpu.memory_space<vmem>>) semaphore(%arg7 : memref<!tpu.dma_semaphore, #tpu.memory_space<semaphore_mem>>)
    %dma_start3A_122 = arith.constant 12 : i32
    %dma_start3A_123 = arith.constant 960 : i32
    %dma_start3A_124 = arith.constant 0 : i32
    %dma_start3A_125 = tpu.memref_slice %arg6[%dma_start3A_123, %dma_start3A_124] : memref<1600x64xf32, #tpu.memory_space<vmem>> -> memref<80x64xf32, #tpu.memory_space<vmem>>
    %dma_start3A_126 = arith.constant 0 : i32
    %dma_start3A_127 = tpu.memref_slice %arg5[%dma_start3A_122, %dma_start3A_126] : memref<20x80xi32, #tpu.memory_space<vmem>> -> memref<1x80xi32, #tpu.memory_space<vmem>>
    %dma_start3A_128 = tpu.memref_squeeze %dma_start3A_127 : memref<1x80xi32, #tpu.memory_space<vmem>> -> memref<80xi32, #tpu.memory_space<vmem>>
    %dma_start3A_129 = arith.constant 0 : i32
    %dma_start3A_130 = arith.constant 0 : i32
    %dma_start3A_131 = tpu.memref_slice %arg2[%dma_start3A_129, %dma_start3A_130] : memref<100096x64xf32, #tpu.memory_space<hbm>> -> memref<100096x64xf32, #tpu.memory_space<hbm>>
    tpu.enqueue_indirect_dma source(%dma_start3A_131 : memref<100096x64xf32, #tpu.memory_space<hbm>>) target(%dma_start3A_125 : memref<80x64xf32, #tpu.memory_space<vmem>>) offsets(%dma_start3A_128 : memref<80xi32, #tpu.memory_space<vmem>>) semaphore(%arg7 : memref<!tpu.dma_semaphore, #tpu.memory_space<semaphore_mem>>)
    %dma_start3A_132 = arith.constant 13 : i32
    %dma_start3A_133 = arith.constant 1040 : i32
    %dma_start3A_134 = arith.constant 0 : i32
    %dma_start3A_135 = tpu.memref_slice %arg6[%dma_start3A_133, %dma_start3A_134] : memref<1600x64xf32, #tpu.memory_space<vmem>> -> memref<80x64xf32, #tpu.memory_space<vmem>>
    %dma_start3A_136 = arith.constant 0 : i32
    %dma_start3A_137 = tpu.memref_slice %arg5[%dma_start3A_132, %dma_start3A_136] : memref<20x80xi32, #tpu.memory_space<vmem>> -> memref<1x80xi32, #tpu.memory_space<vmem>>
    %dma_start3A_138 = tpu.memref_squeeze %dma_start3A_137 : memref<1x80xi32, #tpu.memory_space<vmem>> -> memref<80xi32, #tpu.memory_space<vmem>>
    %dma_start3A_139 = arith.constant 0 : i32
    %dma_start3A_140 = arith.constant 0 : i32
    %dma_start3A_141 = tpu.memref_slice %arg2[%dma_start3A_139, %dma_start3A_140] : memref<100096x64xf32, #tpu.memory_space<hbm>> -> memref<100096x64xf32, #tpu.memory_space<hbm>>
    tpu.enqueue_indirect_dma source(%dma_start3A_141 : memref<100096x64xf32, #tpu.memory_space<hbm>>) target(%dma_start3A_135 : memref<80x64xf32, #tpu.memory_space<vmem>>) offsets(%dma_start3A_138 : memref<80xi32, #tpu.memory_space<vmem>>) semaphore(%arg7 : memref<!tpu.dma_semaphore, #tpu.memory_space<semaphore_mem>>)
    %dma_start3A_142 = arith.constant 14 : i32
    %dma_start3A_143 = arith.constant 1120 : i32
    %dma_start3A_144 = arith.constant 0 : i32
    %dma_start3A_145 = tpu.memref_slice %arg6[%dma_start3A_143, %dma_start3A_144] : memref<1600x64xf32, #tpu.memory_space<vmem>> -> memref<80x64xf32, #tpu.memory_space<vmem>>
    %dma_start3A_146 = arith.constant 0 : i32
    %dma_start3A_147 = tpu.memref_slice %arg5[%dma_start3A_142, %dma_start3A_146] : memref<20x80xi32, #tpu.memory_space<vmem>> -> memref<1x80xi32, #tpu.memory_space<vmem>>
    %dma_start3A_148 = tpu.memref_squeeze %dma_start3A_147 : memref<1x80xi32, #tpu.memory_space<vmem>> -> memref<80xi32, #tpu.memory_space<vmem>>
    %dma_start3A_149 = arith.constant 0 : i32
    %dma_start3A_150 = arith.constant 0 : i32
    %dma_start3A_151 = tpu.memref_slice %arg2[%dma_start3A_149, %dma_start3A_150] : memref<100096x64xf32, #tpu.memory_space<hbm>> -> memref<100096x64xf32, #tpu.memory_space<hbm>>
    tpu.enqueue_indirect_dma source(%dma_start3A_151 : memref<100096x64xf32, #tpu.memory_space<hbm>>) target(%dma_start3A_145 : memref<80x64xf32, #tpu.memory_space<vmem>>) offsets(%dma_start3A_148 : memref<80xi32, #tpu.memory_space<vmem>>) semaphore(%arg7 : memref<!tpu.dma_semaphore, #tpu.memory_space<semaphore_mem>>)
    %dma_start3A_152 = arith.constant 15 : i32
    %dma_start3A_153 = arith.constant 1200 : i32
    %dma_start3A_154 = arith.constant 0 : i32
    %dma_start3A_155 = tpu.memref_slice %arg6[%dma_start3A_153, %dma_start3A_154] : memref<1600x64xf32, #tpu.memory_space<vmem>> -> memref<80x64xf32, #tpu.memory_space<vmem>>
    %dma_start3A_156 = arith.constant 0 : i32
    %dma_start3A_157 = tpu.memref_slice %arg5[%dma_start3A_152, %dma_start3A_156] : memref<20x80xi32, #tpu.memory_space<vmem>> -> memref<1x80xi32, #tpu.memory_space<vmem>>
    %dma_start3A_158 = tpu.memref_squeeze %dma_start3A_157 : memref<1x80xi32, #tpu.memory_space<vmem>> -> memref<80xi32, #tpu.memory_space<vmem>>
    %dma_start3A_159 = arith.constant 0 : i32
    %dma_start3A_160 = arith.constant 0 : i32
    %dma_start3A_161 = tpu.memref_slice %arg2[%dma_start3A_159, %dma_start3A_160] : memref<100096x64xf32, #tpu.memory_space<hbm>> -> memref<100096x64xf32, #tpu.memory_space<hbm>>
    tpu.enqueue_indirect_dma source(%dma_start3A_161 : memref<100096x64xf32, #tpu.memory_space<hbm>>) target(%dma_start3A_155 : memref<80x64xf32, #tpu.memory_space<vmem>>) offsets(%dma_start3A_158 : memref<80xi32, #tpu.memory_space<vmem>>) semaphore(%arg7 : memref<!tpu.dma_semaphore, #tpu.memory_space<semaphore_mem>>)
    %dma_start3A_162 = arith.constant 16 : i32
    %dma_start3A_163 = arith.constant 1280 : i32
    %dma_start3A_164 = arith.constant 0 : i32
    %dma_start3A_165 = tpu.memref_slice %arg6[%dma_start3A_163, %dma_start3A_164] : memref<1600x64xf32, #tpu.memory_space<vmem>> -> memref<80x64xf32, #tpu.memory_space<vmem>>
    %dma_start3A_166 = arith.constant 0 : i32
    %dma_start3A_167 = tpu.memref_slice %arg5[%dma_start3A_162, %dma_start3A_166] : memref<20x80xi32, #tpu.memory_space<vmem>> -> memref<1x80xi32, #tpu.memory_space<vmem>>
    %dma_start3A_168 = tpu.memref_squeeze %dma_start3A_167 : memref<1x80xi32, #tpu.memory_space<vmem>> -> memref<80xi32, #tpu.memory_space<vmem>>
    %dma_start3A_169 = arith.constant 0 : i32
    %dma_start3A_170 = arith.constant 0 : i32
    %dma_start3A_171 = tpu.memref_slice %arg2[%dma_start3A_169, %dma_start3A_170] : memref<100096x64xf32, #tpu.memory_space<hbm>> -> memref<100096x64xf32, #tpu.memory_space<hbm>>
    tpu.enqueue_indirect_dma source(%dma_start3A_171 : memref<100096x64xf32, #tpu.memory_space<hbm>>) target(%dma_start3A_165 : memref<80x64xf32, #tpu.memory_space<vmem>>) offsets(%dma_start3A_168 : memref<80xi32, #tpu.memory_space<vmem>>) semaphore(%arg7 : memref<!tpu.dma_semaphore, #tpu.memory_space<semaphore_mem>>)
    %dma_start3A_172 = arith.constant 17 : i32
    %dma_start3A_173 = arith.constant 1360 : i32
    %dma_start3A_174 = arith.constant 0 : i32
    %dma_start3A_175 = tpu.memref_slice %arg6[%dma_start3A_173, %dma_start3A_174] : memref<1600x64xf32, #tpu.memory_space<vmem>> -> memref<80x64xf32, #tpu.memory_space<vmem>>
    %dma_start3A_176 = arith.constant 0 : i32
    %dma_start3A_177 = tpu.memref_slice %arg5[%dma_start3A_172, %dma_start3A_176] : memref<20x80xi32, #tpu.memory_space<vmem>> -> memref<1x80xi32, #tpu.memory_space<vmem>>
    %dma_start3A_178 = tpu.memref_squeeze %dma_start3A_177 : memref<1x80xi32, #tpu.memory_space<vmem>> -> memref<80xi32, #tpu.memory_space<vmem>>
    %dma_start3A_179 = arith.constant 0 : i32
    %dma_start3A_180 = arith.constant 0 : i32
    %dma_start3A_181 = tpu.memref_slice %arg2[%dma_start3A_179, %dma_start3A_180] : memref<100096x64xf32, #tpu.memory_space<hbm>> -> memref<100096x64xf32, #tpu.memory_space<hbm>>
    tpu.enqueue_indirect_dma source(%dma_start3A_181 : memref<100096x64xf32, #tpu.memory_space<hbm>>) target(%dma_start3A_175 : memref<80x64xf32, #tpu.memory_space<vmem>>) offsets(%dma_start3A_178 : memref<80xi32, #tpu.memory_space<vmem>>) semaphore(%arg7 : memref<!tpu.dma_semaphore, #tpu.memory_space<semaphore_mem>>)
    %dma_start3A_182 = arith.constant 18 : i32
    %dma_start3A_183 = arith.constant 1440 : i32
    %dma_start3A_184 = arith.constant 0 : i32
    %dma_start3A_185 = tpu.memref_slice %arg6[%dma_start3A_183, %dma_start3A_184] : memref<1600x64xf32, #tpu.memory_space<vmem>> -> memref<80x64xf32, #tpu.memory_space<vmem>>
    %dma_start3A_186 = arith.constant 0 : i32
    %dma_start3A_187 = tpu.memref_slice %arg5[%dma_start3A_182, %dma_start3A_186] : memref<20x80xi32, #tpu.memory_space<vmem>> -> memref<1x80xi32, #tpu.memory_space<vmem>>
    %dma_start3A_188 = tpu.memref_squeeze %dma_start3A_187 : memref<1x80xi32, #tpu.memory_space<vmem>> -> memref<80xi32, #tpu.memory_space<vmem>>
    %dma_start3A_189 = arith.constant 0 : i32
    %dma_start3A_190 = arith.constant 0 : i32
    %dma_start3A_191 = tpu.memref_slice %arg2[%dma_start3A_189, %dma_start3A_190] : memref<100096x64xf32, #tpu.memory_space<hbm>> -> memref<100096x64xf32, #tpu.memory_space<hbm>>
    tpu.enqueue_indirect_dma source(%dma_start3A_191 : memref<100096x64xf32, #tpu.memory_space<hbm>>) target(%dma_start3A_185 : memref<80x64xf32, #tpu.memory_space<vmem>>) offsets(%dma_start3A_188 : memref<80xi32, #tpu.memory_space<vmem>>) semaphore(%arg7 : memref<!tpu.dma_semaphore, #tpu.memory_space<semaphore_mem>>)
    %dma_start3A_192 = arith.constant 19 : i32
    %dma_start3A_193 = arith.constant 1520 : i32
    %dma_start3A_194 = arith.constant 0 : i32
    %dma_start3A_195 = tpu.memref_slice %arg6[%dma_start3A_193, %dma_start3A_194] : memref<1600x64xf32, #tpu.memory_space<vmem>> -> memref<80x64xf32, #tpu.memory_space<vmem>>
    %dma_start3A_196 = arith.constant 0 : i32
    %dma_start3A_197 = tpu.memref_slice %arg5[%dma_start3A_192, %dma_start3A_196] : memref<20x80xi32, #tpu.memory_space<vmem>> -> memref<1x80xi32, #tpu.memory_space<vmem>>
    %dma_start3A_198 = tpu.memref_squeeze %dma_start3A_197 : memref<1x80xi32, #tpu.memory_space<vmem>> -> memref<80xi32, #tpu.memory_space<vmem>>
    %dma_start3A_199 = arith.constant 0 : i32
    %dma_start3A_200 = arith.constant 0 : i32
    %dma_start3A_201 = tpu.memref_slice %arg2[%dma_start3A_199, %dma_start3A_200] : memref<100096x64xf32, #tpu.memory_space<hbm>> -> memref<100096x64xf32, #tpu.memory_space<hbm>>
    tpu.enqueue_indirect_dma source(%dma_start3A_201 : memref<100096x64xf32, #tpu.memory_space<hbm>>) target(%dma_start3A_195 : memref<80x64xf32, #tpu.memory_space<vmem>>) offsets(%dma_start3A_198 : memref<80xi32, #tpu.memory_space<vmem>>) semaphore(%arg7 : memref<!tpu.dma_semaphore, #tpu.memory_space<semaphore_mem>>)
    %dma_wait3A = arith.constant 0 : i32
    %dma_wait3A_202 = arith.constant 0 : i32
    %dma_wait3A_203 = arith.constant 0 : i32
    %dma_wait3A_204 = tpu.memref_slice %arg6[%dma_wait3A_202, %dma_wait3A_203] : memref<1600x64xf32, #tpu.memory_space<vmem>> -> memref<80x64xf32, #tpu.memory_space<vmem>>
    %dma_wait3A_205 = arith.constant 0 : i32
    %dma_wait3A_206 = tpu.memref_slice %arg5[%dma_wait3A, %dma_wait3A_205] : memref<20x80xi32, #tpu.memory_space<vmem>> -> memref<1x80xi32, #tpu.memory_space<vmem>>
    %dma_wait3A_207 = tpu.memref_squeeze %dma_wait3A_206 : memref<1x80xi32, #tpu.memory_space<vmem>> -> memref<80xi32, #tpu.memory_space<vmem>>
    %dma_wait3A_208 = arith.constant 0 : i32
    %dma_wait3A_209 = arith.constant 0 : i32
    %dma_wait3A_210 = tpu.memref_slice %arg2[%dma_wait3A_208, %dma_wait3A_209] : memref<100096x64xf32, #tpu.memory_space<hbm>> -> memref<100096x64xf32, #tpu.memory_space<hbm>>
    tpu.wait_indirect_dma semaphore(%arg7 : memref<!tpu.dma_semaphore, #tpu.memory_space<semaphore_mem>>) src(%dma_wait3A_210 : memref<100096x64xf32, #tpu.memory_space<hbm>>) dst(%dma_wait3A_204 : memref<80x64xf32, #tpu.memory_space<vmem>>)
    %dma_wait3A_211 = arith.constant 1 : i32
    %dma_wait3A_212 = arith.constant 80 : i32
    %dma_wait3A_213 = arith.constant 0 : i32
    %dma_wait3A_214 = tpu.memref_slice %arg6[%dma_wait3A_212, %dma_wait3A_213] : memref<1600x64xf32, #tpu.memory_space<vmem>> -> memref<80x64xf32, #tpu.memory_space<vmem>>
    %dma_wait3A_215 = arith.constant 0 : i32
    %dma_wait3A_216 = tpu.memref_slice %arg5[%dma_wait3A_211, %dma_wait3A_215] : memref<20x80xi32, #tpu.memory_space<vmem>> -> memref<1x80xi32, #tpu.memory_space<vmem>>
    %dma_wait3A_217 = tpu.memref_squeeze %dma_wait3A_216 : memref<1x80xi32, #tpu.memory_space<vmem>> -> memref<80xi32, #tpu.memory_space<vmem>>
    %dma_wait3A_218 = arith.constant 0 : i32
    %dma_wait3A_219 = arith.constant 0 : i32
    %dma_wait3A_220 = tpu.memref_slice %arg2[%dma_wait3A_218, %dma_wait3A_219] : memref<100096x64xf32, #tpu.memory_space<hbm>> -> memref<100096x64xf32, #tpu.memory_space<hbm>>
    tpu.wait_indirect_dma semaphore(%arg7 : memref<!tpu.dma_semaphore, #tpu.memory_space<semaphore_mem>>) src(%dma_wait3A_220 : memref<100096x64xf32, #tpu.memory_space<hbm>>) dst(%dma_wait3A_214 : memref<80x64xf32, #tpu.memory_space<vmem>>)
    %dma_wait3A_221 = arith.constant 2 : i32
    %dma_wait3A_222 = arith.constant 160 : i32
    %dma_wait3A_223 = arith.constant 0 : i32
    %dma_wait3A_224 = tpu.memref_slice %arg6[%dma_wait3A_222, %dma_wait3A_223] : memref<1600x64xf32, #tpu.memory_space<vmem>> -> memref<80x64xf32, #tpu.memory_space<vmem>>
    %dma_wait3A_225 = arith.constant 0 : i32
    %dma_wait3A_226 = tpu.memref_slice %arg5[%dma_wait3A_221, %dma_wait3A_225] : memref<20x80xi32, #tpu.memory_space<vmem>> -> memref<1x80xi32, #tpu.memory_space<vmem>>
    %dma_wait3A_227 = tpu.memref_squeeze %dma_wait3A_226 : memref<1x80xi32, #tpu.memory_space<vmem>> -> memref<80xi32, #tpu.memory_space<vmem>>
    %dma_wait3A_228 = arith.constant 0 : i32
    %dma_wait3A_229 = arith.constant 0 : i32
    %dma_wait3A_230 = tpu.memref_slice %arg2[%dma_wait3A_228, %dma_wait3A_229] : memref<100096x64xf32, #tpu.memory_space<hbm>> -> memref<100096x64xf32, #tpu.memory_space<hbm>>
    tpu.wait_indirect_dma semaphore(%arg7 : memref<!tpu.dma_semaphore, #tpu.memory_space<semaphore_mem>>) src(%dma_wait3A_230 : memref<100096x64xf32, #tpu.memory_space<hbm>>) dst(%dma_wait3A_224 : memref<80x64xf32, #tpu.memory_space<vmem>>)
    %dma_wait3A_231 = arith.constant 3 : i32
    %dma_wait3A_232 = arith.constant 240 : i32
    %dma_wait3A_233 = arith.constant 0 : i32
    %dma_wait3A_234 = tpu.memref_slice %arg6[%dma_wait3A_232, %dma_wait3A_233] : memref<1600x64xf32, #tpu.memory_space<vmem>> -> memref<80x64xf32, #tpu.memory_space<vmem>>
    %dma_wait3A_235 = arith.constant 0 : i32
    %dma_wait3A_236 = tpu.memref_slice %arg5[%dma_wait3A_231, %dma_wait3A_235] : memref<20x80xi32, #tpu.memory_space<vmem>> -> memref<1x80xi32, #tpu.memory_space<vmem>>
    %dma_wait3A_237 = tpu.memref_squeeze %dma_wait3A_236 : memref<1x80xi32, #tpu.memory_space<vmem>> -> memref<80xi32, #tpu.memory_space<vmem>>
    %dma_wait3A_238 = arith.constant 0 : i32
    %dma_wait3A_239 = arith.constant 0 : i32
    %dma_wait3A_240 = tpu.memref_slice %arg2[%dma_wait3A_238, %dma_wait3A_239] : memref<100096x64xf32, #tpu.memory_space<hbm>> -> memref<100096x64xf32, #tpu.memory_space<hbm>>
    tpu.wait_indirect_dma semaphore(%arg7 : memref<!tpu.dma_semaphore, #tpu.memory_space<semaphore_mem>>) src(%dma_wait3A_240 : memref<100096x64xf32, #tpu.memory_space<hbm>>) dst(%dma_wait3A_234 : memref<80x64xf32, #tpu.memory_space<vmem>>)
    %dma_wait3A_241 = arith.constant 4 : i32
    %dma_wait3A_242 = arith.constant 320 : i32
    %dma_wait3A_243 = arith.constant 0 : i32
    %dma_wait3A_244 = tpu.memref_slice %arg6[%dma_wait3A_242, %dma_wait3A_243] : memref<1600x64xf32, #tpu.memory_space<vmem>> -> memref<80x64xf32, #tpu.memory_space<vmem>>
    %dma_wait3A_245 = arith.constant 0 : i32
    %dma_wait3A_246 = tpu.memref_slice %arg5[%dma_wait3A_241, %dma_wait3A_245] : memref<20x80xi32, #tpu.memory_space<vmem>> -> memref<1x80xi32, #tpu.memory_space<vmem>>
    %dma_wait3A_247 = tpu.memref_squeeze %dma_wait3A_246 : memref<1x80xi32, #tpu.memory_space<vmem>> -> memref<80xi32, #tpu.memory_space<vmem>>
    %dma_wait3A_248 = arith.constant 0 : i32
    %dma_wait3A_249 = arith.constant 0 : i32
    %dma_wait3A_250 = tpu.memref_slice %arg2[%dma_wait3A_248, %dma_wait3A_249] : memref<100096x64xf32, #tpu.memory_space<hbm>> -> memref<100096x64xf32, #tpu.memory_space<hbm>>
    tpu.wait_indirect_dma semaphore(%arg7 : memref<!tpu.dma_semaphore, #tpu.memory_space<semaphore_mem>>) src(%dma_wait3A_250 : memref<100096x64xf32, #tpu.memory_space<hbm>>) dst(%dma_wait3A_244 : memref<80x64xf32, #tpu.memory_space<vmem>>)
    %dma_wait3A_251 = arith.constant 5 : i32
    %dma_wait3A_252 = arith.constant 400 : i32
    %dma_wait3A_253 = arith.constant 0 : i32
    %dma_wait3A_254 = tpu.memref_slice %arg6[%dma_wait3A_252, %dma_wait3A_253] : memref<1600x64xf32, #tpu.memory_space<vmem>> -> memref<80x64xf32, #tpu.memory_space<vmem>>
    %dma_wait3A_255 = arith.constant 0 : i32
    %dma_wait3A_256 = tpu.memref_slice %arg5[%dma_wait3A_251, %dma_wait3A_255] : memref<20x80xi32, #tpu.memory_space<vmem>> -> memref<1x80xi32, #tpu.memory_space<vmem>>
    %dma_wait3A_257 = tpu.memref_squeeze %dma_wait3A_256 : memref<1x80xi32, #tpu.memory_space<vmem>> -> memref<80xi32, #tpu.memory_space<vmem>>
    %dma_wait3A_258 = arith.constant 0 : i32
    %dma_wait3A_259 = arith.constant 0 : i32
    %dma_wait3A_260 = tpu.memref_slice %arg2[%dma_wait3A_258, %dma_wait3A_259] : memref<100096x64xf32, #tpu.memory_space<hbm>> -> memref<100096x64xf32, #tpu.memory_space<hbm>>
    tpu.wait_indirect_dma semaphore(%arg7 : memref<!tpu.dma_semaphore, #tpu.memory_space<semaphore_mem>>) src(%dma_wait3A_260 : memref<100096x64xf32, #tpu.memory_space<hbm>>) dst(%dma_wait3A_254 : memref<80x64xf32, #tpu.memory_space<vmem>>)
    %dma_wait3A_261 = arith.constant 6 : i32
    %dma_wait3A_262 = arith.constant 480 : i32
    %dma_wait3A_263 = arith.constant 0 : i32
    %dma_wait3A_264 = tpu.memref_slice %arg6[%dma_wait3A_262, %dma_wait3A_263] : memref<1600x64xf32, #tpu.memory_space<vmem>> -> memref<80x64xf32, #tpu.memory_space<vmem>>
    %dma_wait3A_265 = arith.constant 0 : i32
    %dma_wait3A_266 = tpu.memref_slice %arg5[%dma_wait3A_261, %dma_wait3A_265] : memref<20x80xi32, #tpu.memory_space<vmem>> -> memref<1x80xi32, #tpu.memory_space<vmem>>
    %dma_wait3A_267 = tpu.memref_squeeze %dma_wait3A_266 : memref<1x80xi32, #tpu.memory_space<vmem>> -> memref<80xi32, #tpu.memory_space<vmem>>
    %dma_wait3A_268 = arith.constant 0 : i32
    %dma_wait3A_269 = arith.constant 0 : i32
    %dma_wait3A_270 = tpu.memref_slice %arg2[%dma_wait3A_268, %dma_wait3A_269] : memref<100096x64xf32, #tpu.memory_space<hbm>> -> memref<100096x64xf32, #tpu.memory_space<hbm>>
    tpu.wait_indirect_dma semaphore(%arg7 : memref<!tpu.dma_semaphore, #tpu.memory_space<semaphore_mem>>) src(%dma_wait3A_270 : memref<100096x64xf32, #tpu.memory_space<hbm>>) dst(%dma_wait3A_264 : memref<80x64xf32, #tpu.memory_space<vmem>>)
    %dma_wait3A_271 = arith.constant 7 : i32
    %dma_wait3A_272 = arith.constant 560 : i32
    %dma_wait3A_273 = arith.constant 0 : i32
    %dma_wait3A_274 = tpu.memref_slice %arg6[%dma_wait3A_272, %dma_wait3A_273] : memref<1600x64xf32, #tpu.memory_space<vmem>> -> memref<80x64xf32, #tpu.memory_space<vmem>>
    %dma_wait3A_275 = arith.constant 0 : i32
    %dma_wait3A_276 = tpu.memref_slice %arg5[%dma_wait3A_271, %dma_wait3A_275] : memref<20x80xi32, #tpu.memory_space<vmem>> -> memref<1x80xi32, #tpu.memory_space<vmem>>
    %dma_wait3A_277 = tpu.memref_squeeze %dma_wait3A_276 : memref<1x80xi32, #tpu.memory_space<vmem>> -> memref<80xi32, #tpu.memory_space<vmem>>
    %dma_wait3A_278 = arith.constant 0 : i32
    %dma_wait3A_279 = arith.constant 0 : i32
    %dma_wait3A_280 = tpu.memref_slice %arg2[%dma_wait3A_278, %dma_wait3A_279] : memref<100096x64xf32, #tpu.memory_space<hbm>> -> memref<100096x64xf32, #tpu.memory_space<hbm>>
    tpu.wait_indirect_dma semaphore(%arg7 : memref<!tpu.dma_semaphore, #tpu.memory_space<semaphore_mem>>) src(%dma_wait3A_280 : memref<100096x64xf32, #tpu.memory_space<hbm>>) dst(%dma_wait3A_274 : memref<80x64xf32, #tpu.memory_space<vmem>>)
    %dma_wait3A_281 = arith.constant 8 : i32
    %dma_wait3A_282 = arith.constant 640 : i32
    %dma_wait3A_283 = arith.constant 0 : i32
    %dma_wait3A_284 = tpu.memref_slice %arg6[%dma_wait3A_282, %dma_wait3A_283] : memref<1600x64xf32, #tpu.memory_space<vmem>> -> memref<80x64xf32, #tpu.memory_space<vmem>>
    %dma_wait3A_285 = arith.constant 0 : i32
    %dma_wait3A_286 = tpu.memref_slice %arg5[%dma_wait3A_281, %dma_wait3A_285] : memref<20x80xi32, #tpu.memory_space<vmem>> -> memref<1x80xi32, #tpu.memory_space<vmem>>
    %dma_wait3A_287 = tpu.memref_squeeze %dma_wait3A_286 : memref<1x80xi32, #tpu.memory_space<vmem>> -> memref<80xi32, #tpu.memory_space<vmem>>
    %dma_wait3A_288 = arith.constant 0 : i32
    %dma_wait3A_289 = arith.constant 0 : i32
    %dma_wait3A_290 = tpu.memref_slice %arg2[%dma_wait3A_288, %dma_wait3A_289] : memref<100096x64xf32, #tpu.memory_space<hbm>> -> memref<100096x64xf32, #tpu.memory_space<hbm>>
    tpu.wait_indirect_dma semaphore(%arg7 : memref<!tpu.dma_semaphore, #tpu.memory_space<semaphore_mem>>) src(%dma_wait3A_290 : memref<100096x64xf32, #tpu.memory_space<hbm>>) dst(%dma_wait3A_284 : memref<80x64xf32, #tpu.memory_space<vmem>>)
    %dma_wait3A_291 = arith.constant 9 : i32
    %dma_wait3A_292 = arith.constant 720 : i32
    %dma_wait3A_293 = arith.constant 0 : i32
    %dma_wait3A_294 = tpu.memref_slice %arg6[%dma_wait3A_292, %dma_wait3A_293] : memref<1600x64xf32, #tpu.memory_space<vmem>> -> memref<80x64xf32, #tpu.memory_space<vmem>>
    %dma_wait3A_295 = arith.constant 0 : i32
    %dma_wait3A_296 = tpu.memref_slice %arg5[%dma_wait3A_291, %dma_wait3A_295] : memref<20x80xi32, #tpu.memory_space<vmem>> -> memref<1x80xi32, #tpu.memory_space<vmem>>
    %dma_wait3A_297 = tpu.memref_squeeze %dma_wait3A_296 : memref<1x80xi32, #tpu.memory_space<vmem>> -> memref<80xi32, #tpu.memory_space<vmem>>
    %dma_wait3A_298 = arith.constant 0 : i32
    %dma_wait3A_299 = arith.constant 0 : i32
    %dma_wait3A_300 = tpu.memref_slice %arg2[%dma_wait3A_298, %dma_wait3A_299] : memref<100096x64xf32, #tpu.memory_space<hbm>> -> memref<100096x64xf32, #tpu.memory_space<hbm>>
    tpu.wait_indirect_dma semaphore(%arg7 : memref<!tpu.dma_semaphore, #tpu.memory_space<semaphore_mem>>) src(%dma_wait3A_300 : memref<100096x64xf32, #tpu.memory_space<hbm>>) dst(%dma_wait3A_294 : memref<80x64xf32, #tpu.memory_space<vmem>>)
    %dma_wait3A_301 = arith.constant 10 : i32
    %dma_wait3A_302 = arith.constant 800 : i32
    %dma_wait3A_303 = arith.constant 0 : i32
    %dma_wait3A_304 = tpu.memref_slice %arg6[%dma_wait3A_302, %dma_wait3A_303] : memref<1600x64xf32, #tpu.memory_space<vmem>> -> memref<80x64xf32, #tpu.memory_space<vmem>>
    %dma_wait3A_305 = arith.constant 0 : i32
    %dma_wait3A_306 = tpu.memref_slice %arg5[%dma_wait3A_301, %dma_wait3A_305] : memref<20x80xi32, #tpu.memory_space<vmem>> -> memref<1x80xi32, #tpu.memory_space<vmem>>
    %dma_wait3A_307 = tpu.memref_squeeze %dma_wait3A_306 : memref<1x80xi32, #tpu.memory_space<vmem>> -> memref<80xi32, #tpu.memory_space<vmem>>
    %dma_wait3A_308 = arith.constant 0 : i32
    %dma_wait3A_309 = arith.constant 0 : i32
    %dma_wait3A_310 = tpu.memref_slice %arg2[%dma_wait3A_308, %dma_wait3A_309] : memref<100096x64xf32, #tpu.memory_space<hbm>> -> memref<100096x64xf32, #tpu.memory_space<hbm>>
    tpu.wait_indirect_dma semaphore(%arg7 : memref<!tpu.dma_semaphore, #tpu.memory_space<semaphore_mem>>) src(%dma_wait3A_310 : memref<100096x64xf32, #tpu.memory_space<hbm>>) dst(%dma_wait3A_304 : memref<80x64xf32, #tpu.memory_space<vmem>>)
    %dma_wait3A_311 = arith.constant 11 : i32
    %dma_wait3A_312 = arith.constant 880 : i32
    %dma_wait3A_313 = arith.constant 0 : i32
    %dma_wait3A_314 = tpu.memref_slice %arg6[%dma_wait3A_312, %dma_wait3A_313] : memref<1600x64xf32, #tpu.memory_space<vmem>> -> memref<80x64xf32, #tpu.memory_space<vmem>>
    %dma_wait3A_315 = arith.constant 0 : i32
    %dma_wait3A_316 = tpu.memref_slice %arg5[%dma_wait3A_311, %dma_wait3A_315] : memref<20x80xi32, #tpu.memory_space<vmem>> -> memref<1x80xi32, #tpu.memory_space<vmem>>
    %dma_wait3A_317 = tpu.memref_squeeze %dma_wait3A_316 : memref<1x80xi32, #tpu.memory_space<vmem>> -> memref<80xi32, #tpu.memory_space<vmem>>
    %dma_wait3A_318 = arith.constant 0 : i32
    %dma_wait3A_319 = arith.constant 0 : i32
    %dma_wait3A_320 = tpu.memref_slice %arg2[%dma_wait3A_318, %dma_wait3A_319] : memref<100096x64xf32, #tpu.memory_space<hbm>> -> memref<100096x64xf32, #tpu.memory_space<hbm>>
    tpu.wait_indirect_dma semaphore(%arg7 : memref<!tpu.dma_semaphore, #tpu.memory_space<semaphore_mem>>) src(%dma_wait3A_320 : memref<100096x64xf32, #tpu.memory_space<hbm>>) dst(%dma_wait3A_314 : memref<80x64xf32, #tpu.memory_space<vmem>>)
    %dma_wait3A_321 = arith.constant 12 : i32
    %dma_wait3A_322 = arith.constant 960 : i32
    %dma_wait3A_323 = arith.constant 0 : i32
    %dma_wait3A_324 = tpu.memref_slice %arg6[%dma_wait3A_322, %dma_wait3A_323] : memref<1600x64xf32, #tpu.memory_space<vmem>> -> memref<80x64xf32, #tpu.memory_space<vmem>>
    %dma_wait3A_325 = arith.constant 0 : i32
    %dma_wait3A_326 = tpu.memref_slice %arg5[%dma_wait3A_321, %dma_wait3A_325] : memref<20x80xi32, #tpu.memory_space<vmem>> -> memref<1x80xi32, #tpu.memory_space<vmem>>
    %dma_wait3A_327 = tpu.memref_squeeze %dma_wait3A_326 : memref<1x80xi32, #tpu.memory_space<vmem>> -> memref<80xi32, #tpu.memory_space<vmem>>
    %dma_wait3A_328 = arith.constant 0 : i32
    %dma_wait3A_329 = arith.constant 0 : i32
    %dma_wait3A_330 = tpu.memref_slice %arg2[%dma_wait3A_328, %dma_wait3A_329] : memref<100096x64xf32, #tpu.memory_space<hbm>> -> memref<100096x64xf32, #tpu.memory_space<hbm>>
    tpu.wait_indirect_dma semaphore(%arg7 : memref<!tpu.dma_semaphore, #tpu.memory_space<semaphore_mem>>) src(%dma_wait3A_330 : memref<100096x64xf32, #tpu.memory_space<hbm>>) dst(%dma_wait3A_324 : memref<80x64xf32, #tpu.memory_space<vmem>>)
    %dma_wait3A_331 = arith.constant 13 : i32
    %dma_wait3A_332 = arith.constant 1040 : i32
    %dma_wait3A_333 = arith.constant 0 : i32
    %dma_wait3A_334 = tpu.memref_slice %arg6[%dma_wait3A_332, %dma_wait3A_333] : memref<1600x64xf32, #tpu.memory_space<vmem>> -> memref<80x64xf32, #tpu.memory_space<vmem>>
    %dma_wait3A_335 = arith.constant 0 : i32
    %dma_wait3A_336 = tpu.memref_slice %arg5[%dma_wait3A_331, %dma_wait3A_335] : memref<20x80xi32, #tpu.memory_space<vmem>> -> memref<1x80xi32, #tpu.memory_space<vmem>>
    %dma_wait3A_337 = tpu.memref_squeeze %dma_wait3A_336 : memref<1x80xi32, #tpu.memory_space<vmem>> -> memref<80xi32, #tpu.memory_space<vmem>>
    %dma_wait3A_338 = arith.constant 0 : i32
    %dma_wait3A_339 = arith.constant 0 : i32
    %dma_wait3A_340 = tpu.memref_slice %arg2[%dma_wait3A_338, %dma_wait3A_339] : memref<100096x64xf32, #tpu.memory_space<hbm>> -> memref<100096x64xf32, #tpu.memory_space<hbm>>
    tpu.wait_indirect_dma semaphore(%arg7 : memref<!tpu.dma_semaphore, #tpu.memory_space<semaphore_mem>>) src(%dma_wait3A_340 : memref<100096x64xf32, #tpu.memory_space<hbm>>) dst(%dma_wait3A_334 : memref<80x64xf32, #tpu.memory_space<vmem>>)
    %dma_wait3A_341 = arith.constant 14 : i32
    %dma_wait3A_342 = arith.constant 1120 : i32
    %dma_wait3A_343 = arith.constant 0 : i32
    %dma_wait3A_344 = tpu.memref_slice %arg6[%dma_wait3A_342, %dma_wait3A_343] : memref<1600x64xf32, #tpu.memory_space<vmem>> -> memref<80x64xf32, #tpu.memory_space<vmem>>
    %dma_wait3A_345 = arith.constant 0 : i32
    %dma_wait3A_346 = tpu.memref_slice %arg5[%dma_wait3A_341, %dma_wait3A_345] : memref<20x80xi32, #tpu.memory_space<vmem>> -> memref<1x80xi32, #tpu.memory_space<vmem>>
    %dma_wait3A_347 = tpu.memref_squeeze %dma_wait3A_346 : memref<1x80xi32, #tpu.memory_space<vmem>> -> memref<80xi32, #tpu.memory_space<vmem>>
    %dma_wait3A_348 = arith.constant 0 : i32
    %dma_wait3A_349 = arith.constant 0 : i32
    %dma_wait3A_350 = tpu.memref_slice %arg2[%dma_wait3A_348, %dma_wait3A_349] : memref<100096x64xf32, #tpu.memory_space<hbm>> -> memref<100096x64xf32, #tpu.memory_space<hbm>>
    tpu.wait_indirect_dma semaphore(%arg7 : memref<!tpu.dma_semaphore, #tpu.memory_space<semaphore_mem>>) src(%dma_wait3A_350 : memref<100096x64xf32, #tpu.memory_space<hbm>>) dst(%dma_wait3A_344 : memref<80x64xf32, #tpu.memory_space<vmem>>)
    %dma_wait3A_351 = arith.constant 15 : i32
    %dma_wait3A_352 = arith.constant 1200 : i32
    %dma_wait3A_353 = arith.constant 0 : i32
    %dma_wait3A_354 = tpu.memref_slice %arg6[%dma_wait3A_352, %dma_wait3A_353] : memref<1600x64xf32, #tpu.memory_space<vmem>> -> memref<80x64xf32, #tpu.memory_space<vmem>>
    %dma_wait3A_355 = arith.constant 0 : i32
    %dma_wait3A_356 = tpu.memref_slice %arg5[%dma_wait3A_351, %dma_wait3A_355] : memref<20x80xi32, #tpu.memory_space<vmem>> -> memref<1x80xi32, #tpu.memory_space<vmem>>
    %dma_wait3A_357 = tpu.memref_squeeze %dma_wait3A_356 : memref<1x80xi32, #tpu.memory_space<vmem>> -> memref<80xi32, #tpu.memory_space<vmem>>
    %dma_wait3A_358 = arith.constant 0 : i32
    %dma_wait3A_359 = arith.constant 0 : i32
    %dma_wait3A_360 = tpu.memref_slice %arg2[%dma_wait3A_358, %dma_wait3A_359] : memref<100096x64xf32, #tpu.memory_space<hbm>> -> memref<100096x64xf32, #tpu.memory_space<hbm>>
    tpu.wait_indirect_dma semaphore(%arg7 : memref<!tpu.dma_semaphore, #tpu.memory_space<semaphore_mem>>) src(%dma_wait3A_360 : memref<100096x64xf32, #tpu.memory_space<hbm>>) dst(%dma_wait3A_354 : memref<80x64xf32, #tpu.memory_space<vmem>>)
    %dma_wait3A_361 = arith.constant 16 : i32
    %dma_wait3A_362 = arith.constant 1280 : i32
    %dma_wait3A_363 = arith.constant 0 : i32
    %dma_wait3A_364 = tpu.memref_slice %arg6[%dma_wait3A_362, %dma_wait3A_363] : memref<1600x64xf32, #tpu.memory_space<vmem>> -> memref<80x64xf32, #tpu.memory_space<vmem>>
    %dma_wait3A_365 = arith.constant 0 : i32
    %dma_wait3A_366 = tpu.memref_slice %arg5[%dma_wait3A_361, %dma_wait3A_365] : memref<20x80xi32, #tpu.memory_space<vmem>> -> memref<1x80xi32, #tpu.memory_space<vmem>>
    %dma_wait3A_367 = tpu.memref_squeeze %dma_wait3A_366 : memref<1x80xi32, #tpu.memory_space<vmem>> -> memref<80xi32, #tpu.memory_space<vmem>>
    %dma_wait3A_368 = arith.constant 0 : i32
    %dma_wait3A_369 = arith.constant 0 : i32
    %dma_wait3A_370 = tpu.memref_slice %arg2[%dma_wait3A_368, %dma_wait3A_369] : memref<100096x64xf32, #tpu.memory_space<hbm>> -> memref<100096x64xf32, #tpu.memory_space<hbm>>
    tpu.wait_indirect_dma semaphore(%arg7 : memref<!tpu.dma_semaphore, #tpu.memory_space<semaphore_mem>>) src(%dma_wait3A_370 : memref<100096x64xf32, #tpu.memory_space<hbm>>) dst(%dma_wait3A_364 : memref<80x64xf32, #tpu.memory_space<vmem>>)
    %dma_wait3A_371 = arith.constant 17 : i32
    %dma_wait3A_372 = arith.constant 1360 : i32
    %dma_wait3A_373 = arith.constant 0 : i32
    %dma_wait3A_374 = tpu.memref_slice %arg6[%dma_wait3A_372, %dma_wait3A_373] : memref<1600x64xf32, #tpu.memory_space<vmem>> -> memref<80x64xf32, #tpu.memory_space<vmem>>
    %dma_wait3A_375 = arith.constant 0 : i32
    %dma_wait3A_376 = tpu.memref_slice %arg5[%dma_wait3A_371, %dma_wait3A_375] : memref<20x80xi32, #tpu.memory_space<vmem>> -> memref<1x80xi32, #tpu.memory_space<vmem>>
    %dma_wait3A_377 = tpu.memref_squeeze %dma_wait3A_376 : memref<1x80xi32, #tpu.memory_space<vmem>> -> memref<80xi32, #tpu.memory_space<vmem>>
    %dma_wait3A_378 = arith.constant 0 : i32
    %dma_wait3A_379 = arith.constant 0 : i32
    %dma_wait3A_380 = tpu.memref_slice %arg2[%dma_wait3A_378, %dma_wait3A_379] : memref<100096x64xf32, #tpu.memory_space<hbm>> -> memref<100096x64xf32, #tpu.memory_space<hbm>>
    tpu.wait_indirect_dma semaphore(%arg7 : memref<!tpu.dma_semaphore, #tpu.memory_space<semaphore_mem>>) src(%dma_wait3A_380 : memref<100096x64xf32, #tpu.memory_space<hbm>>) dst(%dma_wait3A_374 : memref<80x64xf32, #tpu.memory_space<vmem>>)
    %dma_wait3A_381 = arith.constant 18 : i32
    %dma_wait3A_382 = arith.constant 1440 : i32
    %dma_wait3A_383 = arith.constant 0 : i32
    %dma_wait3A_384 = tpu.memref_slice %arg6[%dma_wait3A_382, %dma_wait3A_383] : memref<1600x64xf32, #tpu.memory_space<vmem>> -> memref<80x64xf32, #tpu.memory_space<vmem>>
    %dma_wait3A_385 = arith.constant 0 : i32
    %dma_wait3A_386 = tpu.memref_slice %arg5[%dma_wait3A_381, %dma_wait3A_385] : memref<20x80xi32, #tpu.memory_space<vmem>> -> memref<1x80xi32, #tpu.memory_space<vmem>>
    %dma_wait3A_387 = tpu.memref_squeeze %dma_wait3A_386 : memref<1x80xi32, #tpu.memory_space<vmem>> -> memref<80xi32, #tpu.memory_space<vmem>>
    %dma_wait3A_388 = arith.constant 0 : i32
    %dma_wait3A_389 = arith.constant 0 : i32
    %dma_wait3A_390 = tpu.memref_slice %arg2[%dma_wait3A_388, %dma_wait3A_389] : memref<100096x64xf32, #tpu.memory_space<hbm>> -> memref<100096x64xf32, #tpu.memory_space<hbm>>
    tpu.wait_indirect_dma semaphore(%arg7 : memref<!tpu.dma_semaphore, #tpu.memory_space<semaphore_mem>>) src(%dma_wait3A_390 : memref<100096x64xf32, #tpu.memory_space<hbm>>) dst(%dma_wait3A_384 : memref<80x64xf32, #tpu.memory_space<vmem>>)
    %dma_wait3A_391 = arith.constant 19 : i32
    %dma_wait3A_392 = arith.constant 1520 : i32
    %dma_wait3A_393 = arith.constant 0 : i32
    %dma_wait3A_394 = tpu.memref_slice %arg6[%dma_wait3A_392, %dma_wait3A_393] : memref<1600x64xf32, #tpu.memory_space<vmem>> -> memref<80x64xf32, #tpu.memory_space<vmem>>
    %dma_wait3A_395 = arith.constant 0 : i32
    %dma_wait3A_396 = tpu.memref_slice %arg5[%dma_wait3A_391, %dma_wait3A_395] : memref<20x80xi32, #tpu.memory_space<vmem>> -> memref<1x80xi32, #tpu.memory_space<vmem>>
    %dma_wait3A_397 = tpu.memref_squeeze %dma_wait3A_396 : memref<1x80xi32, #tpu.memory_space<vmem>> -> memref<80xi32, #tpu.memory_space<vmem>>
    %dma_wait3A_398 = arith.constant 0 : i32
    %dma_wait3A_399 = arith.constant 0 : i32
    %dma_wait3A_400 = tpu.memref_slice %arg2[%dma_wait3A_398, %dma_wait3A_399] : memref<100096x64xf32, #tpu.memory_space<hbm>> -> memref<100096x64xf32, #tpu.memory_space<hbm>>
    tpu.wait_indirect_dma semaphore(%arg7 : memref<!tpu.dma_semaphore, #tpu.memory_space<semaphore_mem>>) src(%dma_wait3A_400 : memref<100096x64xf32, #tpu.memory_space<hbm>>) dst(%dma_wait3A_394 : memref<80x64xf32, #tpu.memory_space<vmem>>)
    "tpu.region"() ({
      %run_scoped3A = tpu.sem_alloc : memref<!tpu.dma_semaphore, #tpu.memory_space<semaphore_mem>>
      %dma_start3A_401 = arith.constant 0 : i32
      %dma_start3A_402 = tpu.memref_slice %arg4[%mul3A_2, %dma_start3A_401] : memref<51200x64xf32, #tpu.memory_space<hbm>> -> memref<1600x64xf32, #tpu.memory_space<hbm>>
      %dma_start3A_403 = arith.constant 0 : i32
      %dma_start3A_404 = tpu.memref_slice %arg4[%mul3A_2, %dma_start3A_403] : memref<51200x64xf32, #tpu.memory_space<hbm>> -> memref<1600x64xf32, #tpu.memory_space<hbm>>
      tpu.enqueue_dma source(%arg6 : memref<1600x64xf32, #tpu.memory_space<vmem>>) target(%dma_start3A_404 : memref<1600x64xf32, #tpu.memory_space<hbm>>) target_semaphore(%run_scoped3A : memref<!tpu.dma_semaphore, #tpu.memory_space<semaphore_mem>>)
      %dma_wait3A_405 = arith.constant 0 : i32
      %dma_wait3A_406 = tpu.memref_slice %arg4[%mul3A_2, %dma_wait3A_405] : memref<51200x64xf32, #tpu.memory_space<hbm>> -> memref<1600x64xf32, #tpu.memory_space<hbm>>
      %dma_wait3A_407 = arith.constant 0 : i32
      %dma_wait3A_408 = tpu.memref_slice %arg4[%mul3A_2, %dma_wait3A_407] : memref<51200x64xf32, #tpu.memory_space<hbm>> -> memref<1600x64xf32, #tpu.memory_space<hbm>>
      tpu.wait_dma2 semaphore(%run_scoped3A : memref<!tpu.dma_semaphore, #tpu.memory_space<semaphore_mem>>) src(%arg6 : memref<1600x64xf32, #tpu.memory_space<vmem>>) dst(%dma_wait3A_408 : memref<1600x64xf32, #tpu.memory_space<hbm>>)
      tpu.yield
    }) : () -> ()
    return
  }
}

module attributes {stable_mosaic.version = 14 : i64} {
  func.func @_transpose_body(%arg0: i32, %arg1: memref<64x2944xf32, #tpu.memory_space<vmem>>, %arg2: memref<64x2944xf32, #tpu.memory_space<vmem>>, %arg3: memref<2944x128xf32, #tpu.memory_space<vmem>>) attributes {dimension_semantics = [#tpu.dimension_semantics<arbitrary>], iteration_bounds = array<i64: 17>, scalar_prefetch = 0 : i64, scratch_operands = 0 : i64, tpu.core_type = #tpu.core_type<tc>, window_params = [{transform_indices = @transform_0, window_bounds = array<i64: 64, 2944>}, {transform_indices = @transform_1, window_bounds = array<i64: 64, 2944>}, {transform_indices = @transform_2, window_bounds = array<i64: 2944, 128>}]} {
    %get3A = arith.constant 0 : index
    %get3A_0 = arith.constant 0 : index
    %get3A_1 = vector.load %arg1[%get3A, %get3A_0] : memref<64x2944xf32, #tpu.memory_space<vmem>>, vector<64x2944xf32>
    %transpose3A = tpu.transpose %get3A_1, [1, 0] : vector<64x2944xf32> -> vector<2944x64xf32>
    %get3A_2 = arith.constant 0 : index
    %get3A_3 = arith.constant 0 : index
    %get3A_4 = vector.load %arg2[%get3A_2, %get3A_3] : memref<64x2944xf32, #tpu.memory_space<vmem>>, vector<64x2944xf32>
    %transpose3A_5 = tpu.transpose %get3A_4, [1, 0] : vector<64x2944xf32> -> vector<2944x64xf32>
    %concatenate3A = tpu.concatenate %transpose3A, %transpose3A_5 in 1 : vector<2944x64xf32>, vector<2944x64xf32> -> vector<2944x128xf32>
    %swap3A = arith.constant 0 : index
    %swap3A_6 = arith.constant 0 : index
    %swap3A_7 = vector.load %arg3[%swap3A, %swap3A_6] : memref<2944x128xf32, #tpu.memory_space<vmem>>, vector<2944x128xf32>
    tpu.vector_store %arg3[%swap3A, %swap3A_6], %concatenate3A {strides = array<i32>} : memref<2944x128xf32, #tpu.memory_space<vmem>>, vector<2944x128xf32>,
    return
  }
  func.func @transform_0(%arg0: i32) -> (i32, i32) {
    %c0_i32 = arith.constant 0 : i32
    %c0_i32_0 = arith.constant 0 : i32
    return %c0_i32, %arg0 : i32, i32
  }
  func.func @transform_1(%arg0: i32) -> (i32, i32) {
    %add3A = arith.constant 17 : i32
    %add3A_0 = arith.addi %arg0, %add3A : i32
    %c0_i32 = arith.constant 0 : i32
    %c0_i32_1 = arith.constant 0 : i32
    return %c0_i32, %add3A_0 : i32, i32
  }
  func.func @transform_2(%arg0: i32) -> (i32, i32) {
    %c0_i32 = arith.constant 0 : i32
    %c0_i32_0 = arith.constant 0 : i32
    return %arg0, %c0_i32 : i32, i32
  }
}

module attributes {stable_mosaic.version = 14 : i64} {
  func.func @_lstm_body(%arg0: i32, %arg1: memref<1024x1xi32, #tpu.memory_space<vmem>>, %arg2: memref<1x1024x128xf32, #tpu.memory_space<vmem>>, %arg3: memref<256x512xf32, #tpu.memory_space<vmem>>, %arg4: memref<256x512xf32, #tpu.memory_space<vmem>>, %arg5: memref<1x512xf32, #tpu.memory_space<vmem>>, %arg6: memref<1024x128xf32, #tpu.memory_space<vmem>>, %arg7: memref<1024x256xf32, #tpu.memory_space<vmem>>, %arg8: memref<1024x128xf32, #tpu.memory_space<vmem>>) attributes {dimension_semantics = [#tpu.dimension_semantics<arbitrary>], iteration_bounds = array<i64: 25>, scalar_prefetch = 0 : i64, scratch_operands = 2 : i64, tpu.core_type = #tpu.core_type<tc>, window_params = [{pipeline_mode = #tpu.pipeline_mode<synchronous>, transform_indices = @transform_0, window_bounds = array<i64: 1024, 1>}, {transform_indices = @transform_1, window_bounds = array<i64: 1, 1024, 128>}, {pipeline_mode = #tpu.pipeline_mode<synchronous>, transform_indices = @transform_2, window_bounds = array<i64: 256, 512>}, {pipeline_mode = #tpu.pipeline_mode<synchronous>, transform_indices = @transform_3, window_bounds = array<i64: 256, 512>}, {pipeline_mode = #tpu.pipeline_mode<synchronous>, transform_indices = @transform_4, window_bounds = array<i64: 1, 512>}, {pipeline_mode = #tpu.pipeline_mode<synchronous>, transform_indices = @transform_5, window_bounds = array<i64: 1024, 128>}]} {
    %eq3A = arith.constant 0 : i32
    %eq3A_0 = arith.cmpi eq, %arg0, %eq3A : i32
    %convert_element_type3A = arith.extui %eq3A_0 : i1 to i32
    %cond3A = arith.constant 0 : i32
    %cond3A_1 = arith.cmpi ne, %convert_element_type3A, %cond3A : i32
    scf.if %cond3A_1 {
      %broadcast_in_dim3A_141 = arith.constant 0.000000e+00 : f32
      %broadcast_in_dim3A_142 = vector.broadcast %broadcast_in_dim3A_141 : f32 to vector<1024x256xf32>
      %swap3A_143 = arith.constant 0 : index
      %swap3A_144 = arith.constant 0 : index
      %swap3A_145 = vector.load %arg7[%swap3A_143, %swap3A_144] : memref<1024x256xf32, #tpu.memory_space<vmem>>, vector<1024x256xf32>
      tpu.vector_store %arg7[%swap3A_143, %swap3A_144], %broadcast_in_dim3A_142 {strides = array<i32>} : memref<1024x256xf32, #tpu.memory_space<vmem>>, vector<1024x256xf32>,
      %broadcast_in_dim3A_146 = arith.constant 0.000000e+00 : f32
      %broadcast_in_dim3A_147 = vector.broadcast %broadcast_in_dim3A_146 : f32 to vector<1024x128xf32>
      %swap3A_148 = arith.constant 0 : index
      %swap3A_149 = arith.constant 0 : index
      %swap3A_150 = vector.load %arg8[%swap3A_148, %swap3A_149] : memref<1024x128xf32, #tpu.memory_space<vmem>>, vector<1024x128xf32>
      tpu.vector_store %arg8[%swap3A_148, %swap3A_149], %broadcast_in_dim3A_147 {strides = array<i32>} : memref<1024x128xf32, #tpu.memory_space<vmem>>, vector<1024x128xf32>,
    } else {
    }
    %get3A = arith.constant 0 : index
    %get3A_2 = arith.constant 0 : index
    %get3A_3 = arith.constant 0 : index
    %get3A_4 = vector.load %arg2[%get3A, %get3A_2, %get3A_3] : memref<1x1024x128xf32, #tpu.memory_space<vmem>>, vector<1x1024x128xf32>
    %get3A_5 = vector.shape_cast %get3A_4 : vector<1x1024x128xf32> to vector<1024x128xf32>
    %swap3A = arith.constant 0 : index
    %swap3A_6 = arith.constant 0 : index
    %swap3A_7 = vector.load %arg7[%swap3A, %swap3A_6] : memref<1024x256xf32, #tpu.memory_space<vmem>>, vector<1024x128xf32>
    tpu.vector_store %arg7[%swap3A, %swap3A_6], %get3A_5 {strides = array<i32>} : memref<1024x256xf32, #tpu.memory_space<vmem>>, vector<1024x128xf32>,
    %get3A_8 = arith.constant 0 : index
    %get3A_9 = arith.constant 128 : index
    %get3A_10 = vector.load %arg7[%get3A_8, %get3A_9] : memref<1024x256xf32, #tpu.memory_space<vmem>>, vector<1024x128xf32>
    %get3A_11 = arith.constant 0 : index
    %get3A_12 = arith.constant 0 : index
    %get3A_13 = vector.load %arg8[%get3A_11, %get3A_12] : memref<1024x128xf32, #tpu.memory_space<vmem>>, vector<1024x128xf32>
    %get3A_14 = arith.constant 0 : index
    %get3A_15 = arith.constant 0 : index
    %get3A_16 = vector.load %arg7[%get3A_14, %get3A_15] : memref<1024x256xf32, #tpu.memory_space<vmem>>, vector<1024x256xf32>
    %get3A_17 = arith.constant 0 : index
    %get3A_18 = arith.constant 0 : index
    %get3A_19 = vector.load %arg3[%get3A_17, %get3A_18] : memref<256x512xf32, #tpu.memory_space<vmem>>, vector<256x512xf32>
    %dot_general3A = arith.constant dense<0.000000e+00> : vector<1024x512xf32>
    %dot_general3A_20 = tpu.matmul %get3A_16, %get3A_19, %dot_general3A {dimension_numbers = #tpu.dot_dimension_numbers<[1], [0], [0], [1], [0, 0, 1, 1], [], []>, transpose_lhs_hint = false} : vector<1024x256xf32>, vector<256x512xf32>, vector<1024x512xf32> -> vector<1024x512xf32>
    %get3A_21 = arith.constant 0 : index
    %get3A_22 = arith.constant 0 : index
    %get3A_23 = vector.load %arg5[%get3A_21, %get3A_22] : memref<1x512xf32, #tpu.memory_space<vmem>>, vector<1x512xf32>
    %add3A = vector.broadcast %get3A_23 : vector<1x512xf32> to vector<1024x512xf32>
    %add3A_24 = arith.addf %dot_general3A_20, %add3A : vector<1024x512xf32>
    %tanh3A = math.tanh %add3A_24 : vector<1024x512xf32>
    %slice3A = vector.extract_strided_slice %tanh3A {offsets = [0, 0], sizes = [1024, 128], strides = [1, 1]} : vector<1024x512xf32> to vector<1024x128xf32>
    %mul3A = arith.constant 5.000000e-01 : f32
    %mul3A_25 = vector.broadcast %mul3A : f32 to vector<1024x128xf32>
    %mul3A_26 = arith.mulf %slice3A, %mul3A_25 : vector<1024x128xf32>
    %add3A_27 = arith.constant 5.000000e-01 : f32
    %add3A_28 = vector.broadcast %add3A_27 : f32 to vector<1024x128xf32>
    %add3A_29 = arith.addf %mul3A_26, %add3A_28 : vector<1024x128xf32>
    %slice3A_30 = vector.extract_strided_slice %tanh3A {offsets = [0, 128], sizes = [1024, 128], strides = [1, 1]} : vector<1024x512xf32> to vector<1024x128xf32>
    %mul3A_31 = arith.constant 5.000000e-01 : f32
    %mul3A_32 = vector.broadcast %mul3A_31 : f32 to vector<1024x128xf32>
    %mul3A_33 = arith.mulf %slice3A_30, %mul3A_32 : vector<1024x128xf32>
    %add3A_34 = arith.constant 5.000000e-01 : f32
    %add3A_35 = vector.broadcast %add3A_34 : f32 to vector<1024x128xf32>
    %add3A_36 = arith.addf %mul3A_33, %add3A_35 : vector<1024x128xf32>
    %slice3A_37 = vector.extract_strided_slice %tanh3A {offsets = [0, 256], sizes = [1024, 128], strides = [1, 1]} : vector<1024x512xf32> to vector<1024x128xf32>
    %slice3A_38 = vector.extract_strided_slice %tanh3A {offsets = [0, 384], sizes = [1024, 128], strides = [1, 1]} : vector<1024x512xf32> to vector<1024x128xf32>
    %mul3A_39 = arith.constant 5.000000e-01 : f32
    %mul3A_40 = vector.broadcast %mul3A_39 : f32 to vector<1024x128xf32>
    %mul3A_41 = arith.mulf %slice3A_38, %mul3A_40 : vector<1024x128xf32>
    %add3A_42 = arith.constant 5.000000e-01 : f32
    %add3A_43 = vector.broadcast %add3A_42 : f32 to vector<1024x128xf32>
    %add3A_44 = arith.addf %mul3A_41, %add3A_43 : vector<1024x128xf32>
    %mul3A_45 = arith.mulf %add3A_36, %get3A_13 : vector<1024x128xf32>
    %mul3A_46 = arith.mulf %add3A_29, %slice3A_37 : vector<1024x128xf32>
    %add3A_47 = arith.addf %mul3A_45, %mul3A_46 : vector<1024x128xf32>
    %tanh3A_48 = math.tanh %add3A_47 : vector<1024x128xf32>
    %mul3A_49 = arith.mulf %add3A_44, %tanh3A_48 : vector<1024x128xf32>
    %get3A_50 = arith.constant 0 : index
    %get3A_51 = arith.constant 0 : index
    %get3A_52 = vector.load %arg1[%get3A_50, %get3A_51] : memref<1024x1xi32, #tpu.memory_space<vmem>>, vector<1024x1xi32>
    %mul3A_53 = arith.constant 2 : i32
    %mul3A_54 = arith.muli %mul3A_53, %arg0 : i32
    %add3A_55 = arith.constant 0 : i32
    %add3A_56 = arith.addi %mul3A_54, %add3A_55 : i32
    %gt3A = vector.broadcast %add3A_56 : i32 to vector<1024x1xi32>
    %gt3A_57 = arith.cmpi sgt, %get3A_52, %gt3A : vector<1024x1xi32>
    %broadcast_in_dim3A = vector.shape_cast %gt3A_57 : vector<1024x1xi1> to vector<1024x1xi1>
    %broadcast_in_dim3A_58 = vector.broadcast %broadcast_in_dim3A : vector<1024x1xi1> to vector<1024x128xi1>
    %select_n3A = arith.select %broadcast_in_dim3A_58, %mul3A_49, %get3A_10 : vector<1024x128xi1>, vector<1024x128xf32>
    %swap3A_59 = arith.constant 0 : index
    %swap3A_60 = arith.constant 128 : index
    %swap3A_61 = vector.load %arg7[%swap3A_59, %swap3A_60] : memref<1024x256xf32, #tpu.memory_space<vmem>>, vector<1024x128xf32>
    tpu.vector_store %arg7[%swap3A_59, %swap3A_60], %select_n3A {strides = array<i32>} : memref<1024x256xf32, #tpu.memory_space<vmem>>, vector<1024x128xf32>,
    %broadcast_in_dim3A_62 = vector.shape_cast %gt3A_57 : vector<1024x1xi1> to vector<1024x1xi1>
    %broadcast_in_dim3A_63 = vector.broadcast %broadcast_in_dim3A_62 : vector<1024x1xi1> to vector<1024x128xi1>
    %select_n3A_64 = arith.select %broadcast_in_dim3A_63, %add3A_47, %get3A_13 : vector<1024x128xi1>, vector<1024x128xf32>
    %swap3A_65 = arith.constant 0 : index
    %swap3A_66 = arith.constant 0 : index
    %swap3A_67 = vector.load %arg8[%swap3A_65, %swap3A_66] : memref<1024x128xf32, #tpu.memory_space<vmem>>, vector<1024x128xf32>
    tpu.vector_store %arg8[%swap3A_65, %swap3A_66], %select_n3A_64 {strides = array<i32>} : memref<1024x128xf32, #tpu.memory_space<vmem>>, vector<1024x128xf32>,
    %get3A_68 = arith.constant 0 : index
    %get3A_69 = arith.constant 128 : index
    %get3A_70 = vector.load %arg7[%get3A_68, %get3A_69] : memref<1024x256xf32, #tpu.memory_space<vmem>>, vector<1024x128xf32>
    %get3A_71 = arith.constant 0 : index
    %get3A_72 = arith.constant 0 : index
    %get3A_73 = vector.load %arg8[%get3A_71, %get3A_72] : memref<1024x128xf32, #tpu.memory_space<vmem>>, vector<1024x128xf32>
    %get3A_74 = arith.constant 0 : index
    %get3A_75 = arith.constant 0 : index
    %get3A_76 = vector.load %arg7[%get3A_74, %get3A_75] : memref<1024x256xf32, #tpu.memory_space<vmem>>, vector<1024x256xf32>
    %get3A_77 = arith.constant 0 : index
    %get3A_78 = arith.constant 0 : index
    %get3A_79 = vector.load %arg4[%get3A_77, %get3A_78] : memref<256x512xf32, #tpu.memory_space<vmem>>, vector<256x512xf32>
    %dot_general3A_80 = arith.constant dense<0.000000e+00> : vector<1024x512xf32>
    %dot_general3A_81 = tpu.matmul %get3A_76, %get3A_79, %dot_general3A_80 {dimension_numbers = #tpu.dot_dimension_numbers<[1], [0], [0], [1], [0, 0, 1, 1], [], []>, transpose_lhs_hint = false} : vector<1024x256xf32>, vector<256x512xf32>, vector<1024x512xf32> -> vector<1024x512xf32>
    %get3A_82 = arith.constant 0 : index
    %get3A_83 = arith.constant 0 : index
    %get3A_84 = vector.load %arg5[%get3A_82, %get3A_83] : memref<1x512xf32, #tpu.memory_space<vmem>>, vector<1x512xf32>
    %add3A_85 = vector.broadcast %get3A_84 : vector<1x512xf32> to vector<1024x512xf32>
    %add3A_86 = arith.addf %dot_general3A_81, %add3A_85 : vector<1024x512xf32>
    %tanh3A_87 = math.tanh %add3A_86 : vector<1024x512xf32>
    %slice3A_88 = vector.extract_strided_slice %tanh3A_87 {offsets = [0, 0], sizes = [1024, 128], strides = [1, 1]} : vector<1024x512xf32> to vector<1024x128xf32>
    %mul3A_89 = arith.constant 5.000000e-01 : f32
    %mul3A_90 = vector.broadcast %mul3A_89 : f32 to vector<1024x128xf32>
    %mul3A_91 = arith.mulf %slice3A_88, %mul3A_90 : vector<1024x128xf32>
    %add3A_92 = arith.constant 5.000000e-01 : f32
    %add3A_93 = vector.broadcast %add3A_92 : f32 to vector<1024x128xf32>
    %add3A_94 = arith.addf %mul3A_91, %add3A_93 : vector<1024x128xf32>
    %slice3A_95 = vector.extract_strided_slice %tanh3A_87 {offsets = [0, 128], sizes = [1024, 128], strides = [1, 1]} : vector<1024x512xf32> to vector<1024x128xf32>
    %mul3A_96 = arith.constant 5.000000e-01 : f32
    %mul3A_97 = vector.broadcast %mul3A_96 : f32 to vector<1024x128xf32>
    %mul3A_98 = arith.mulf %slice3A_95, %mul3A_97 : vector<1024x128xf32>
    %add3A_99 = arith.constant 5.000000e-01 : f32
    %add3A_100 = vector.broadcast %add3A_99 : f32 to vector<1024x128xf32>
    %add3A_101 = arith.addf %mul3A_98, %add3A_100 : vector<1024x128xf32>
    %slice3A_102 = vector.extract_strided_slice %tanh3A_87 {offsets = [0, 256], sizes = [1024, 128], strides = [1, 1]} : vector<1024x512xf32> to vector<1024x128xf32>
    %slice3A_103 = vector.extract_strided_slice %tanh3A_87 {offsets = [0, 384], sizes = [1024, 128], strides = [1, 1]} : vector<1024x512xf32> to vector<1024x128xf32>
    %mul3A_104 = arith.constant 5.000000e-01 : f32
    %mul3A_105 = vector.broadcast %mul3A_104 : f32 to vector<1024x128xf32>
    %mul3A_106 = arith.mulf %slice3A_103, %mul3A_105 : vector<1024x128xf32>
    %add3A_107 = arith.constant 5.000000e-01 : f32
    %add3A_108 = vector.broadcast %add3A_107 : f32 to vector<1024x128xf32>
    %add3A_109 = arith.addf %mul3A_106, %add3A_108 : vector<1024x128xf32>
    %mul3A_110 = arith.mulf %add3A_101, %get3A_73 : vector<1024x128xf32>
    %mul3A_111 = arith.mulf %add3A_94, %slice3A_102 : vector<1024x128xf32>
    %add3A_112 = arith.addf %mul3A_110, %mul3A_111 : vector<1024x128xf32>
    %tanh3A_113 = math.tanh %add3A_112 : vector<1024x128xf32>
    %mul3A_114 = arith.mulf %add3A_109, %tanh3A_113 : vector<1024x128xf32>
    %get3A_115 = arith.constant 0 : index
    %get3A_116 = arith.constant 0 : index
    %get3A_117 = vector.load %arg1[%get3A_115, %get3A_116] : memref<1024x1xi32, #tpu.memory_space<vmem>>, vector<1024x1xi32>
    %mul3A_118 = arith.constant 2 : i32
    %mul3A_119 = arith.muli %mul3A_118, %arg0 : i32
    %add3A_120 = arith.constant 1 : i32
    %add3A_121 = arith.addi %mul3A_119, %add3A_120 : i32
    %gt3A_122 = vector.broadcast %add3A_121 : i32 to vector<1024x1xi32>
    %gt3A_123 = arith.cmpi sgt, %get3A_117, %gt3A_122 : vector<1024x1xi32>
    %broadcast_in_dim3A_124 = vector.shape_cast %gt3A_123 : vector<1024x1xi1> to vector<1024x1xi1>
    %broadcast_in_dim3A_125 = vector.broadcast %broadcast_in_dim3A_124 : vector<1024x1xi1> to vector<1024x128xi1>
    %select_n3A_126 = arith.select %broadcast_in_dim3A_125, %mul3A_114, %get3A_70 : vector<1024x128xi1>, vector<1024x128xf32>
    %swap3A_127 = arith.constant 0 : index
    %swap3A_128 = arith.constant 128 : index
    %swap3A_129 = vector.load %arg7[%swap3A_127, %swap3A_128] : memref<1024x256xf32, #tpu.memory_space<vmem>>, vector<1024x128xf32>
    tpu.vector_store %arg7[%swap3A_127, %swap3A_128], %select_n3A_126 {strides = array<i32>} : memref<1024x256xf32, #tpu.memory_space<vmem>>, vector<1024x128xf32>,
    %broadcast_in_dim3A_130 = vector.shape_cast %gt3A_123 : vector<1024x1xi1> to vector<1024x1xi1>
    %broadcast_in_dim3A_131 = vector.broadcast %broadcast_in_dim3A_130 : vector<1024x1xi1> to vector<1024x128xi1>
    %select_n3A_132 = arith.select %broadcast_in_dim3A_131, %add3A_112, %get3A_73 : vector<1024x128xi1>, vector<1024x128xf32>
    %swap3A_133 = arith.constant 0 : index
    %swap3A_134 = arith.constant 0 : index
    %swap3A_135 = vector.load %arg8[%swap3A_133, %swap3A_134] : memref<1024x128xf32, #tpu.memory_space<vmem>>, vector<1024x128xf32>
    tpu.vector_store %arg8[%swap3A_133, %swap3A_134], %select_n3A_132 {strides = array<i32>} : memref<1024x128xf32, #tpu.memory_space<vmem>>, vector<1024x128xf32>,
    %eq3A_136 = arith.constant 24 : i32
    %eq3A_137 = arith.cmpi eq, %arg0, %eq3A_136 : i32
    %convert_element_type3A_138 = arith.extui %eq3A_137 : i1 to i32
    %cond3A_139 = arith.constant 0 : i32
    %cond3A_140 = arith.cmpi ne, %convert_element_type3A_138, %cond3A_139 : i32
    scf.if %cond3A_140 {
      %get3A_141 = arith.constant 0 : index
      %get3A_142 = arith.constant 128 : index
      %get3A_143 = vector.load %arg7[%get3A_141, %get3A_142] : memref<1024x256xf32, #tpu.memory_space<vmem>>, vector<1024x128xf32>
      %swap3A_144 = arith.constant 0 : index
      %swap3A_145 = arith.constant 0 : index
      %swap3A_146 = vector.load %arg6[%swap3A_144, %swap3A_145] : memref<1024x128xf32, #tpu.memory_space<vmem>>, vector<1024x128xf32>
      tpu.vector_store %arg6[%swap3A_144, %swap3A_145], %get3A_143 {strides = array<i32>} : memref<1024x128xf32, #tpu.memory_space<vmem>>, vector<1024x128xf32>,
    } else {
    }
    return
  }
  func.func @transform_0(%arg0: i32) -> (i32, i32) {
    %c0_i32 = arith.constant 0 : i32
    %c0_i32_0 = arith.constant 0 : i32
    %c0_i32_1 = arith.constant 0 : i32
    return %c0_i32, %c0_i32_0 : i32, i32
  }
  func.func @transform_1(%arg0: i32) -> (i32, i32, i32) {
    %c0_i32 = arith.constant 0 : i32
    %c0_i32_0 = arith.constant 0 : i32
    %c0_i32_1 = arith.constant 0 : i32
    return %arg0, %c0_i32, %c0_i32_0 : i32, i32, i32
  }
  func.func @transform_2(%arg0: i32) -> (i32, i32) {
    %c0_i32 = arith.constant 0 : i32
    %c0_i32_0 = arith.constant 0 : i32
    %c0_i32_1 = arith.constant 0 : i32
    return %c0_i32, %c0_i32_0 : i32, i32
  }
  func.func @transform_3(%arg0: i32) -> (i32, i32) {
    %c0_i32 = arith.constant 0 : i32
    %c0_i32_0 = arith.constant 0 : i32
    %c0_i32_1 = arith.constant 0 : i32
    return %c0_i32, %c0_i32_0 : i32, i32
  }
  func.func @transform_4(%arg0: i32) -> (i32, i32) {
    %c0_i32 = arith.constant 0 : i32
    %c0_i32_0 = arith.constant 0 : i32
    %c0_i32_1 = arith.constant 0 : i32
    return %c0_i32, %c0_i32_0 : i32, i32
  }
  func.func @transform_5(%arg0: i32) -> (i32, i32) {
    %c0_i32 = arith.constant 0 : i32
    %c0_i32_0 = arith.constant 0 : i32
    %c0_i32_1 = arith.constant 0 : i32
    return %c0_i32, %c0_i32_0 : i32, i32
  }
}

</mosaic_0001>

<sc_bundles>
// kernel: kernel.6.cloned.1.call-start
scs
__scs_entry_jumppad:
0x0: {  	(pc) =	sbr.rel $0x88, $3  }
0x1: {  	(tag) =	ssettag $0x0;
	lr =	simm.s32 $0x1  }
0x2: {  	[smem:$0x3F9A] =	sst lr;
	_ =	strace $0xD0000000  }
0x3: {  	_ = 	snop  }
0x4: {  	_ = 	snop  }
0x5: {  	_ = 	snop  }
0x6: {  	_ = 	snop  }
0x7: {  	_ = 	snop  }
__scs_overlays_trampoline_lowered:
0x8: {  	[smem:$0x3FA9] =	sst s0  }
0x9: {  	[smem:$0x3FAA] =	sst s1  }
0xa: {  	[smem:$0x3FAB] =	sst s2  }
0xb: {  	[smem:$0x3FAC] =	sst s3  }
0xc: {  	[smem:$0x3FAD] =	sst s4  }
0xd: {  	[smem:$0x3FAE] =	sst s5  }
0xe: {  	[smem:$0x3FAF] =	sst s6  }
0xf: {  	[smem:$0x3FB0] =	sst s7  }
0x10: {  	[smem:$0x3FB1] =	sst s8  }
0x11: {  	[smem:$0x3FB2] =	sst s9;
	s0 =	simm.s32 @!p0 $0x0  }
0x12: {  	s1 =	sld [smem:$0x3F98];
	s0 =	simm.s32 @p0 $0x1  }
0x13: {  	[smem:$0x3FB3] =	sst s0;
	s0 =	simm.s32 @!p1 $0x0  }
0x14: {  	s2 =	sld [smem:$0x3F97];
	s0 =	simm.s32 @p1 $0x1  }
0x15: {  	[smem:$0x3FB4] =	sst s0;
	s0 =	simm.s32 @!p2 $0x0  }
0x16: {  	s3 =	sld [smem:$0x3FDB];
	s0 =	simm.s32 @p2 $0x1  }
0x17: {  	s4 =	simm.s32 $0x1BF5;
	[smem:$0x3FB6] =	sst s0  }
0x18: {  	s0 =	sld [smem:$0x3F99];
	_ =	swait.ge [sflag:s4], $0x0  }
0x19: {  	s7 =	sld [smem:$0x3F9A]  }
0x1a: {  	s8 =	sadd.s32 $0xFFFFE003, lr  }
0x1b: {  	s9 =	sadd.s32 $0xFFFFFEF7, lr;
	s5 =	simm.s32 $0xFFFFFFFF;
	p2 =	slt.u32 s8, $0xFFFFF086  }
0x1c: {  	p1 =	slt.u32 s9, $0xF7A;
	s5 =	simm.s32 @!p2 $0x0  }
0x1d: {  	s5 =	simm.s32 @p1 $0x1;
	p0 =	seq.s32 s7, s2  }
0x1e: {  	s7 =	smul.u32 @!p0 $0xF7A, s2;
	p2 =	seq.s32 @!p0 s5, $0x0  }
0x1f: {  	s9 =	smul.u32 $0xF7A, s1;
	s8 =	simm.s32 @!p0 $0x1BF5;
	p2 =	por !p2, p0  }
0x20: {  	[sflag:s8] =	ssyncset.s32 @!p0 $0xFFFFF086;
	s6 =	sadd.s32 @!p0 s3, s7;
	s7 =	simm.s32 @!p0 $0x108  }
0x21: {  	s3 =	sadd.s32 s3, s9;
	s6 =	sadd.s32 @!p0 $0x88, s6;
	s7 =	simm.s32 @p2 $0x1082  }
0x22: {  	[simem:s7], [sflag:s8] =	dma.local @!p0 [hbm:s6], $0xF7A  }
0x23: {  	s9 =	sor.u32 $0xD0000000, s2;
	s6 =	simm.s32 $0x108;
	_ =	swait.ge @!p0 [sflag:s8], $0x0  }
0x24: {  	s3 =	sadd.s32 $0x88, s3;
	s6 =	simm.s32 @!p1 $0x1082;
	[sflag:s4] =	ssyncset.s32 $0xFFFFF086  }
0x25: {  	[simem:s6], [sflag:s4] =	dma.local [hbm:s3], $0xF7A  }
0x26: {  	[smem:$0x3F9A] =	sst s1;
	(tag) =	ssettag s2;
	_ =	strace s9  }
0x27: {  	s1 =	sld [smem:$0x3FAA]  }
0x28: {  	s2 =	sld [smem:$0x3FAB]  }
0x29: {  	s4 =	sld [smem:$0x3FAD]  }
0x2a: {  	p0 =	seq.s32 s5, $0x0;
	s5 =	sld [smem:$0x3FAE]  }
0x2b: {  	s6 =	sld [smem:$0x3FAF]  }
0x2c: {  	s7 =	sld [smem:$0x3FB0]  }
0x2d: {  	s3 =	simm.s32 $0x108;
	s8 =	sld [smem:$0x3FB1]  }
0x2e: {  	s3 =	simm.s32 @!p0 $0x1082;
	s9 =	sld [smem:$0x3FB2]  }
0x2f: {  	lr =	sadd.s32 s0, s3;
	s0 =	sld [smem:$0x3FA9]  }
0x30: {  	s3 =	sld [smem:$0x3FAC]  }
0x31: {  	[smem:$0x3FB5] =	sst s10  }
0x32: {  	s10 =	sld [smem:$0x3FB3];
	_ =	sdelay $0x3  }
0x33: {  	p0 =	seq.s32 s10, $0x1;
	s10 =	sld [smem:$0x3FB5];
	_ =	sdelay $0x3  }
0x34: {  	[smem:$0x3FB5] =	sst s10  }
0x35: {  	s10 =	sld [smem:$0x3FB4];
	_ =	sdelay $0x3  }
0x36: {  	p1 =	seq.s32 s10, $0x1;
	s10 =	sld [smem:$0x3FB5];
	_ =	sdelay $0x3  }
0x37: {  	[smem:$0x3FB5] =	sst s10  }
0x38: {  	s10 =	sld [smem:$0x3FB6]  }
0x39: {  	_ = 	snop;
	(pc) =	sbr.ind lr, $3  }
0x3a: {  	_ = 	snop  }
0x3b: {  	_ = 	snop  }
0x3c: {  	p2 =	seq.s32 s10, $0x1;
	s10 =	sld [smem:$0x3FB5]  }
0x3d: {  	_ =	shalt  }
0x3e: {  	_ =	shalt  }
0x3f: {  	_ =	shalt  }
0x40: {  	_ =	shalt  }
0x41: {  	_ =	shalt  }
0x42: {  	_ =	shalt  }
0x43: {  	_ =	shalt  }
0x44: {  	_ =	shalt  }
0x45: {  	_ =	shalt  }
0x46: {  	_ =	shalt  }
0x47: {  	_ =	shalt  }
0x48: {  	_ =	shalt  }
0x49: {  	_ =	shalt  }
0x4a: {  	_ =	shalt  }
0x4b: {  	_ =	shalt  }
0x4c: {  	_ =	shalt  }
0x4d: {  	_ =	shalt  }
0x4e: {  	_ =	shalt  }
0x4f: {  	_ =	shalt  }
0x50: {  	_ =	shalt  }
0x51: {  	_ =	shalt  }
0x52: {  	_ =	shalt  }
0x53: {  	_ =	shalt  }
0x54: {  	_ =	shalt  }
0x55: {  	_ =	shalt  }
0x56: {  	_ =	shalt  }
0x57: {  	_ =	shalt  }
0x58: {  	_ =	shalt  }
0x59: {  	_ =	shalt  }
0x5a: {  	_ =	shalt  }
0x5b: {  	_ =	shalt  }
0x5c: {  	_ =	shalt  }
0x5d: {  	_ =	shalt  }
0x5e: {  	_ =	shalt  }
0x5f: {  	_ =	shalt  }
0x60: {  	_ =	shalt  }
0x61: {  	_ =	shalt  }
0x62: {  	_ =	shalt  }
0x63: {  	_ =	shalt  }
0x64: {  	_ =	shalt  }
0x65: {  	_ =	shalt  }
0x66: {  	_ =	shalt  }
0x67: {  	_ =	shalt  }
0x68: {  	_ =	shalt  }
0x69: {  	_ =	shalt  }
0x6a: {  	_ =	shalt  }
0x6b: {  	_ =	shalt  }
0x6c: {  	_ =	shalt  }
0x6d: {  	_ =	shalt  }
0x6e: {  	_ =	shalt  }
0x6f: {  	_ =	shalt  }
0x70: {  	_ =	shalt  }
0x71: {  	_ =	shalt  }
0x72: {  	_ =	shalt  }
0x73: {  	_ =	shalt  }
0x74: {  	_ =	shalt  }
0x75: {  	_ =	shalt  }
0x76: {  	_ =	shalt  }
0x77: {  	_ =	shalt  }
0x78: {  	_ =	shalt  }
0x79: {  	_ =	shalt  }
0x7a: {  	_ =	shalt  }
0x7b: {  	_ =	shalt  }
0x7c: {  	_ =	shalt  }
0x7d: {  	_ =	shalt  }
0x7e: {  	_ =	shalt  }
0x7f: {  	_ =	shalt  }
0x80: {  	_ =	shalt  }
0x81: {  	_ =	shalt  }
0x82: {  	_ =	shalt  }
0x83: {  	_ =	shalt  }
0x84: {  	_ =	shalt  }
0x85: {  	_ =	shalt  }
0x86: {  	_ =	shalt  }
0x87: {  	_ =	shalt  }
.Lfunc_end0:
.L_simem_size_0:
called_computation_lowered:
.L_overlay_start_0:
0x88: {  	s2 =	sld [smem:$0x3FD9]  }
0x89: {  	s3 =	sld [smem:$0x3FFE];
	_ =	sdelay $0x1  }
0x8a: {  	s1 =	srdreg.scid  }
0x8b: {  	s0 =	sand.u32 $0x1, s1  }
0x8c: {  	s17 =	sshll.u32 s0, $0xA;
	s2 =	sadd.s32 s3, s2  }
0x8d: {  	s2 =	sadd.s32 s2, s17  }
0x8e: {  	[smem:$0x3FC1] =	sst s2  }
0x8f: {  	_ = 	snop  }
0x90: {  	s2 =	sld [smem:$0x3FD0];
	(tm) =	ssettm $0x1  }
0x91: {  	s18 =	sld [smem:$0x3FFB];
	_ =	sdelay $0x3  }
0x92: {  	_ =	strace s18  }
0x93: {  	s3 =	sld [smem:$0x3FFC];
	_ =	sdelay $0x3  }
0x94: {  	_ =	strace s3  }
0x95: {  	s3 =	sld [smem:$0x3FFD];
	_ =	sdelay $0x3  }
0x96: {  	_ =	strace s3  }
0x97: {  	_ =	strace $0x8FFFFFFF  }
0x98: {  	s19 =	sld [smem:$0x3FDB];
	_ =	sdelay $0x1  }
0x99: {  	s4 =	simm.s32 $_scs_section_size  }
0x9a: {  	s5 =	simm.s32 $_size__tile_overlayer_lowered;
	s6 =	simm.s32 $_tile_overlayer_lowered  }
0x9b: {  	s22 =	simm.s32 $0x1BFF;
	s21 =	sshll.u32 s6, $0x1;
	s3 =	sadd.s32 s4, s19  }
0x9c: {  	s7 =	simm.s32 $0x0;
	s20 =	sshll.u32 s5, $0x1;
	s5 =	sadd.s32 s21, s3  }
0x9d: {  	[timem:s7], [sflag:s22] =	dma.local [hbm:s5], s20  }
0x9e: {  	_ =	swait.ge [sflag:s22], s20  }
0x9f: {  	s4 =	ssub.s32 $0x0, s20;
	[sflag:s22] =	ssyncset.done $0x0  }
0xa0: {  	[sflag:s22] =	ssyncadd.s32 s4;
	_ =	sdelay $0x1  }
0xa1: {  	s23 =	simm.s32 $0x1B8B  }
0xa2: {  	_ =	swait.ge [sflag:s23], $0x1  }
0xa3: {  	[sflag:s23] =	ssyncset.done $0x0  }
0xa4: {  	s25 =	simm.s32 $0x1B8E;
	s24 =	sld [smem:$0x3FFE];
	[sflag:s23] =	ssyncadd.s32 $0xFFFFFFFF  }
0xa5: {  	s26 =	simm.s32 $execute0_lowered;
	[smem:$0x3FD2] =	sst s25  }
0xa6: {  	s5 =	sshll.u32 s26, $0x1;
	_ =	strace $0x80000046;
	[dreg:$0x1] =	wrdreg $0xFFFFFFFF  }
0xa7: {  	s28 =	simm.s32 $_size_execute0_lowered;
	s3 =	sadd.s32 s3, s5;
	[dreg:$0x0] =	wrdreg $0x0  }
0xa8: {  	s5 =	sshll.u32 s28, $0x1;
	[dreg:$0x2] =	wrdreg s3  }
0xa9: {  	[dreg:$0x3] =	wrdreg s5  }
0xaa: {  	[dreg:$0x4] =	wrdreg $0xC0  }
0xab: {  	_ =	task [dreg:s7], $0x5FFFF  }
0xac: {  	[dreg:$0x1] =	wrdreg $0xFFFFFFFF  }
0xad: {  	[dreg:$0x0] =	wrdreg $0x60  }
0xae: {  	[dreg:$0x2] =	wrdreg s2  }
0xaf: {  	[dreg:$0x3] =	wrdreg s24  }
0xb0: {  	[dreg:$0x4] =	wrdreg $0x9  }
0xb1: {  	_ =	task.clear_ibuf [dreg:s7], $0x5FFFF;
	_ =	strace $0x90000046  }
0xb2: {  	s29 =	simm.s32 $0x9;
	_ =	strace $0x80000048  }
0xb3: {  	_ =	swait.ge [sflag:s29], $0x1  }
0xb4: {  	[sflag:s29] =	ssyncadd.s32 $0xFFFFFFFF  }
0xb5: {  	_ =	strace $0x90000048  }
0xb6: {  	_ =	sfence  }
0xb7: {  	s30 =	sld [smem:$0x0];
	_ =	sdelay $0x2  }
0xb8: {  	s31 =	sshll.u32 s1, $0xD;
	s1 =	sshrl.u32 s1, $0x2  }
0xb9: {  	s3 =	sand.u32 $0x4000, s31;
	s1 =	sadd.s32 s1, s30  }
0xba: {  	s0 =	sor.u32 s3, s0;
	s1 =	sshll.u32 s1, $0x11  }
0xbb: {  	s0 =	sor.u32 s1, s0  }
0xbc: {  	s0 =	sadd.s32 $0x8F2B, s0  }
0xbd: {  	[sflag:s0] =	ssyncadd.remote.s32 $0x1  }
0xbe: {  	_ =	sfence.sel $0xFFFF  }
0xbf: {  	[dreg:$0x0] =	wrdreg $0xFFFFFFFF;
	(pc) =	sbr.abs _section_cstart, $3  }
0xc0: {  	[dreg:$0x1] =	wrdreg $0xFFFFFFFF  }
0xc1: {  	_ =	task.clear_ibuf [dreg:s7], $0x2FFFF;
	_ =	strace $0x9FFFFFFF  }
0xc2: {  	(tm) =	ssettm $0x7FFFFFFF  }
0xc3: {  	_ =	shalt  }
tec
execute0_lowered:
.L_overlay_start_1:
0x0: {  	(tag) =	ssettag $0x1  }
0x1: {  	s1 =	srdreg.scid;
	s0 =	stileid.u32  }
0x2: {  	s1 =	sand.u32 $0x1, s1;
	s2 =	sshll.u32 s0, $0x1  }
0x3: {  	s2 =	sor.u32 s1, s2  }
0x4: {  	s2 =	smul.u32 $0x640, s2;
	_ =	sdelay $0x1  }
0x5: {  	v0 =	vmov s2  }
0x6: {  	v1 =	vshrl.u32 v0, $0x1  }
0x7: {  	s3 =	sor.u32 $0x10, s2;
	v0 =	vand.u32 $0xF800, v0;
	v1 =	vand.u32 $0x3E0, v1  }
0x8: {  	v2 =	vmov s3;
	v0 =	vor.u32 v1, v0  }
0x9: {  	[tilespmem:$0x1FB10] =	vst v0;
	v0 =	vshrl.u32 v2, $0x1  }
0xa: {  	s14 =	sor.u32 $0x20, s2;
	v1 =	vand.u32 $0x7FFFF800, v2;
	v0 =	vand.u32 $0x3E8, v0  }
0xb: {  	s15 =	sor.u32 $0x30, s2;
	v2 =	vmov s14;
	v0 =	vor.u32 v0, v1  }
0xc: {  	v1 =	vmov s15;
	[tilespmem:$0x1FB30] =	vst v0;
	v0 =	vshrl.u32 v2, $0x1  }
0xd: {  	v2 =	vand.u32 $0x7FFFF800, v2;
	v3 =	vshrl.u32 v1, $0x1;
	v0 =	vand.u32 $0x3F0, v0  }
0xe: {  	s16 =	sadd.s32 $0x40, s2;
	v1 =	vand.u32 $0x7FFFF800, v1;
	v3 =	vand.u32 $0x3F8, v3;
	v0 =	vor.u32 v0, v2  }
0xf: {  	v4 =	vmov s16;
	[tilespmem:$0x1FB50] =	vst v0;
	v0 =	vor.u32 v3, v1  }
0x10: {  	[tilespmem:$0x1FB70] =	vst v0;
	v0 =	vshrl.u32 v4, $0x1  }
0x11: {  	s17 =	sadd.s32 $0x50, s2;
	v1 =	vand.u32 $0x7FFFF800, v4;
	v0 =	vand.u32 $0x3E0, v0  }
0x12: {  	s18 =	sadd.s32 $0x60, s2;
	v2 =	vmov s17;
	v0 =	vor.u32 v0, v1  }
0x13: {  	v1 =	vmov s18;
	[tilespmem:$0x1FB90] =	vst v0;
	v0 =	vshrl.u32 v2, $0x1  }
0x14: {  	v2 =	vand.u32 $0x7FFFF800, v2;
	v3 =	vshrl.u32 v1, $0x1;
	v0 =	vand.u32 $0x3E8, v0  }
0x15: {  	s19 =	sadd.s32 $0x70, s2;
	v1 =	vand.u32 $0x7FFFF800, v1;
	v3 =	vand.u32 $0x3F0, v3;
	v0 =	vor.u32 v0, v2  }
0x16: {  	v4 =	vmov s19;
	[tilespmem:$0x1FBB0] =	vst v0;
	v0 =	vor.u32 v3, v1  }
0x17: {  	[tilespmem:$0x1FBD0] =	vst v0;
	v0 =	vshrl.u32 v4, $0x1  }
0x18: {  	s20 =	sadd.s32 $0x80, s2;
	v1 =	vand.u32 $0x7FFFF800, v4;
	v0 =	vand.u32 $0x3F8, v0  }
0x19: {  	s21 =	sadd.s32 $0x90, s2;
	v2 =	vmov s20;
	v0 =	vor.u32 v0, v1  }
0x1a: {  	v1 =	vmov s21;
	[tilespmem:$0x1FBF0] =	vst v0;
	v0 =	vshrl.u32 v2, $0x1  }
0x1b: {  	v2 =	vand.u32 $0x7FFFF800, v2;
	v3 =	vshrl.u32 v1, $0x1;
	v0 =	vand.u32 $0x3E0, v0  }
0x1c: {  	s22 =	sadd.s32 $0xA0, s2;
	v1 =	vand.u32 $0x7FFFF800, v1;
	v3 =	vand.u32 $0x3E8, v3;
	v0 =	vor.u32 v0, v2  }
0x1d: {  	v4 =	vmov s22;
	[tilespmem:$0x1FC10] =	vst v0;
	v0 =	vor.u32 v3, v1  }
0x1e: {  	[tilespmem:$0x1FC30] =	vst v0;
	v0 =	vshrl.u32 v4, $0x1  }
0x1f: {  	s23 =	sadd.s32 $0xB0, s2;
	v1 =	vand.u32 $0x7FFFF800, v4;
	v0 =	vand.u32 $0x3F0, v0  }
0x20: {  	s24 =	sadd.s32 $0xC0, s2;
	v2 =	vmov s23;
	v0 =	vor.u32 v0, v1  }
0x21: {  	v1 =	vmov s24;
	[tilespmem:$0x1FC50] =	vst v0;
	v0 =	vshrl.u32 v2, $0x1  }
0x22: {  	v2 =	vand.u32 $0x7FFFF800, v2;
	v3 =	vshrl.u32 v1, $0x1;
	v0 =	vand.u32 $0x3F8, v0  }
0x23: {  	s25 =	sadd.s32 $0xD0, s2;
	v1 =	vand.u32 $0x7FFFF800, v1;
	v3 =	vand.u32 $0x3E0, v3;
	v0 =	vor.u32 v0, v2  }
0x24: {  	v4 =	vmov s25;
	[tilespmem:$0x1FC70] =	vst v0;
	v0 =	vor.u32 v3, v1  }
0x25: {  	[tilespmem:$0x1FC90] =	vst v0;
	v0 =	vshrl.u32 v4, $0x1  }
0x26: {  	s26 =	sadd.s32 $0xE0, s2;
	v1 =	vand.u32 $0x7FFFF800, v4;
	v0 =	vand.u32 $0x3E8, v0  }
0x27: {  	s28 =	sadd.s32 $0xF0, s2;
	v2 =	vmov s26;
	v0 =	vor.u32 v0, v1  }
0x28: {  	v1 =	vmov s28;
	[tilespmem:$0x1FCB0] =	vst v0;
	v0 =	vshrl.u32 v2, $0x1  }
0x29: {  	v2 =	vand.u32 $0x7FFFF800, v2;
	v3 =	vshrl.u32 v1, $0x1;
	v0 =	vand.u32 $0x3F0, v0  }
0x2a: {  	s29 =	sadd.s32 $0x100, s2;
	v1 =	vand.u32 $0x7FFFF800, v1;
	v3 =	vand.u32 $0x3F8, v3;
	v0 =	vor.u32 v0, v2  }
0x2b: {  	v4 =	vmov s29;
	[tilespmem:$0x1FCD0] =	vst v0;
	v0 =	vor.u32 v3, v1  }
0x2c: {  	[tilespmem:$0x1FCF0] =	vst v0;
	v0 =	vshrl.u32 v4, $0x1  }
0x2d: {  	s30 =	sadd.s32 $0x110, s2;
	v1 =	vand.u32 $0x7FFFF800, v4;
	v0 =	vand.u32 $0x3E0, v0  }
0x2e: {  	s31 =	sadd.s32 $0x120, s2;
	v2 =	vmov s30;
	v0 =	vor.u32 v0, v1  }
0x2f: {  	v1 =	vmov s31;
	[tilespmem:$0x1FD10] =	vst v0;
	v0 =	vshrl.u32 v2, $0x1  }
0x30: {  	v2 =	vand.u32 $0x7FFFF800, v2;
	v3 =	vshrl.u32 v1, $0x1;
	v0 =	vand.u32 $0x3E8, v0  }
0x31: {  	s4 =	sadd.s32 $0x130, s2;
	v1 =	vand.u32 $0x7FFFF800, v1;
	v3 =	vand.u32 $0x3F0, v3;
	v0 =	vor.u32 v0, v2  }
0x32: {  	v4 =	vmov s4;
	[tilespmem:$0x1FD30] =	vst v0;
	v0 =	vor.u32 v3, v1  }
0x33: {  	[tilespmem:$0x1FD50] =	vst v0;
	v0 =	vshrl.u32 v4, $0x1  }
0x34: {  	s5 =	sadd.s32 $0x140, s2;
	v1 =	vand.u32 $0x7FFFF800, v4;
	v0 =	vand.u32 $0x3F8, v0  }
0x35: {  	s6 =	sadd.s32 $0x150, s2;
	v2 =	vmov s5;
	v0 =	vor.u32 v0, v1  }
0x36: {  	v1 =	vmov s6;
	[tilespmem:$0x1FD70] =	vst v0;
	v0 =	vshrl.u32 v2, $0x1  }
0x37: {  	v2 =	vand.u32 $0x7FFFF800, v2;
	v3 =	vshrl.u32 v1, $0x1;
	v0 =	vand.u32 $0x3E0, v0  }
0x38: {  	s7 =	sadd.s32 $0x160, s2;
	v1 =	vand.u32 $0x7FFFF800, v1;
	v3 =	vand.u32 $0x3E8, v3;
	v0 =	vor.u32 v0, v2  }
0x39: {  	v4 =	vmov s7;
	[tilespmem:$0x1FD90] =	vst v0;
	v0 =	vor.u32 v3, v1  }
0x3a: {  	[tilespmem:$0x1FDB0] =	vst v0;
	v0 =	vshrl.u32 v4, $0x1  }
0x3b: {  	s8 =	sadd.s32 $0x170, s2;
	v1 =	vand.u32 $0x7FFFF800, v4;
	v0 =	vand.u32 $0x3F0, v0  }
0x3c: {  	s9 =	sadd.s32 $0x180, s2;
	v2 =	vmov s8;
	v0 =	vor.u32 v0, v1  }
0x3d: {  	v1 =	vmov s9;
	[tilespmem:$0x1FDD0] =	vst v0;
	v0 =	vshrl.u32 v2, $0x1  }
0x3e: {  	v2 =	vand.u32 $0x7FFFF800, v2;
	v3 =	vshrl.u32 v1, $0x1;
	v0 =	vand.u32 $0x3F8, v0  }
0x3f: {  	s10 =	sadd.s32 $0x190, s2;
	v1 =	vand.u32 $0x7FFFF800, v1;
	v3 =	vand.u32 $0x3E0, v3;
	v0 =	vor.u32 v0, v2  }
0x40: {  	v4 =	vmov s10;
	[tilespmem:$0x1FDF0] =	vst v0;
	v0 =	vor.u32 v3, v1  }
0x41: {  	[tilespmem:$0x1FE10] =	vst v0;
	v0 =	vshrl.u32 v4, $0x1  }
0x42: {  	s11 =	sadd.s32 $0x1A0, s2;
	v1 =	vand.u32 $0x7FFFF800, v4;
	v0 =	vand.u32 $0x3E8, v0  }
0x43: {  	s12 =	sadd.s32 $0x1B0, s2;
	v2 =	vmov s11;
	v0 =	vor.u32 v0, v1  }
0x44: {  	v1 =	vmov s12;
	[tilespmem:$0x1FE30] =	vst v0;
	v0 =	vshrl.u32 v2, $0x1  }
0x45: {  	v2 =	vand.u32 $0x7FFFF800, v2;
	v3 =	vshrl.u32 v1, $0x1;
	v0 =	vand.u32 $0x3F0, v0  }
0x46: {  	s13 =	sadd.s32 $0x1C0, s2;
	v1 =	vand.u32 $0x7FFFF800, v1;
	v3 =	vand.u32 $0x3F8, v3;
	v0 =	vor.u32 v0, v2  }
0x47: {  	v4 =	vmov s13;
	[tilespmem:$0x1FE50] =	vst v0;
	v0 =	vor.u32 v3, v1  }
0x48: {  	[tilespmem:$0x1FE70] =	vst v0;
	v0 =	vshrl.u32 v4, $0x1  }
0x49: {  	s14 =	sadd.s32 $0x1D0, s2;
	v1 =	vand.u32 $0x7FFFF800, v4;
	v0 =	vand.u32 $0x3E0, v0  }
0x4a: {  	s15 =	sadd.s32 $0x1E0, s2;
	v2 =	vmov s14;
	v0 =	vor.u32 v0, v1  }
0x4b: {  	v1 =	vmov s15;
	[tilespmem:$0x1FE90] =	vst v0;
	v0 =	vshrl.u32 v2, $0x1  }
0x4c: {  	v2 =	vand.u32 $0x7FFFF800, v2;
	v3 =	vshrl.u32 v1, $0x1;
	v0 =	vand.u32 $0x3E8, v0  }
0x4d: {  	s16 =	sadd.s32 $0x1F0, s2;
	v1 =	vand.u32 $0x7FFFF800, v1;
	v3 =	vand.u32 $0x3F0, v3;
	v0 =	vor.u32 v0, v2  }
0x4e: {  	v4 =	vmov s16;
	[tilespmem:$0x1FEB0] =	vst v0;
	v0 =	vor.u32 v3, v1  }
0x4f: {  	[tilespmem:$0x1FED0] =	vst v0;
	v0 =	vshrl.u32 v4, $0x1  }
0x50: {  	vm0 =	vcmask $0x300;
	s17 =	sadd.s32 $0x200, s2;
	v1 =	vand.u32 $0x7FFFF800, v4;
	v0 =	vand.u32 $0x3F8, v0  }
0x51: {  	v28 =	vimm.s32 $0x407;
	s18 =	sadd.s32 $0x210, s2;
	v2 =	vmov s17;
	v0 =	vor.u32 v0, v1  }
0x52: {  	vm14 =	vcmask $0x704;
	v1 =	vmov s18;
	[tilespmem:$0x1FEF0] =	vst v0;
	v0 =	vshrl.u32 v2, $0x1  }
0x53: {  	v2 =	vand.u32 $0x7FFFF800, v2;
	v3 =	vshrl.u32 v1, $0x1;
	v0 =	vand.u32 $0x3E0, v0  }
0x54: {  	s19 =	sadd.s32 $0x220, s2;
	v1 =	vand.u32 $0x7FFFF800, v1;
	v3 =	vand.u32 $0x3E8, v3;
	v0 =	vor.u32 v0, v2  }
0x55: {  	vm15 =	vcmask $0xB08;
	v4 =	vmov s19;
	[tilespmem:$0x1FF10] =	vst v0;
	v0 =	vor.u32 v3, v1  }
0x56: {  	vm4 =	vcmask $0xF0C;
	vm5 =	vcmask $0x1310;
	[tilespmem:$0x1FF30] =	vst v0;
	v0 =	vshrl.u32 v4, $0x1  }
0x57: {  	vm6 =	vcmask $0x1714;
	s20 =	sadd.s32 $0x230, s2;
	v1 =	vand.u32 $0x7FFFF800, v4;
	v0 =	vand.u32 $0x3F0, v0  }
0x58: {  	vm7 =	vcmask $0x1B18;
	s22 =	sadd.s32 $0x250, s2;
	s21 =	sadd.s32 $0x240, s2;
	v2 =	vmov s20;
	v0 =	vor.u32 v0, v1  }
0x59: {  	v4 =	vmov s22;
	v1 =	vmov s21;
	[tilespmem:$0x1FF50] =	vst v0;
	v0 =	vshrl.u32 v2, $0x1  }
0x5a: {  	v2 =	vand.u32 $0x7FFFF800, v2;
	v3 =	vshrl.u32 v1, $0x1;
	v0 =	vand.u32 $0x3F8, v0  }
0x5b: {  	v1 =	vand.u32 $0x7FFFF800, v1;
	v3 =	vand.u32 $0x3E0, v3;
	v0 =	vor.u32 v0, v2  }
0x5c: {  	vm8 =	vcmask $0x1F1C;
	s23 =	sadd.s32 $0x260, s2;
	v36 =	vor.u32 v3, v1;
	[tilespmem:$0x1FF70] =	vst v0;
	v0 =	vshrl.u32 v4, $0x1  }
0x5d: {  	s25 =	sadd.s32 $0x280, s2;
	v1 =	vand.u32 $0x7FFFF800, v4;
	v2 =	vmov s23;
	v0 =	vand.u32 $0x3E8, v0  }
0x5e: {  	s24 =	sadd.s32 $0x270, s2;
	v4 =	vmov s25;
	v37 =	vor.u32 v0, v1;
	v0 =	vshrl.u32 v2, $0x1  }
0x5f: {  	v1 =	vmov s24;
	v2 =	vand.u32 $0x7FFFF800, v2;
	s24 =	sadd.s32 $0x430, s2;
	v0 =	vand.u32 $0x3F0, v0  }
0x60: {  	v3 =	vshrl.u32 v1, $0x1;
	v1 =	vand.u32 $0x7FFFF800, v1;
	v5 =	vmov s24  }
0x61: {  	s26 =	sadd.s32 $0x290, s2;
	v3 =	vand.u32 $0x3F8, v3;
	v38 =	vor.u32 v0, v2;
	v0 =	vshrl.u32 v4, $0x1  }
0x62: {  	s29 =	sadd.s32 $0x2B0, s2;
	v2 =	vmov s26;
	s26 =	sadd.s32 $0x450, s2;
	v39 =	vor.u32 v3, v1;
	v1 =	vand.u32 $0x7FFFF800, v4  }
0x63: {  	s28 =	sadd.s32 $0x2A0, s2;
	v0 =	vand.u32 $0x3E0, v0;
	v4 =	vmov s29;
	v6 =	vmov s26  }
0x64: {  	v40 =	vor.u32 v0, v1;
	v0 =	vshrl.u32 v2, $0x1;
	v1 =	vmov s28  }
0x65: {  	v2 =	vand.u32 $0x7FFFF800, v2;
	v7 =	vshrl.u32 v6, $0x1;
	v6 =	vand.u32 $0x7FFFF800, v6  }
0x66: {  	s28 =	sadd.s32 $0x460, s2;
	v0 =	vand.u32 $0x3E8, v0;
	v3 =	vshrl.u32 v1, $0x1;
	v1 =	vand.u32 $0x7FFFF800, v1  }
0x67: {  	s30 =	sadd.s32 $0x2C0, s2;
	v7 =	vand.u32 $0x3E8, v7;
	v8 =	vmov s28;
	v3 =	vand.u32 $0x3F0, v3  }
0x68: {  	v41 =	vor.u32 v0, v2;
	v0 =	vshrl.u32 v4, $0x1;
	v2 =	vmov s30  }
0x69: {  	s4 =	sadd.s32 $0x2E0, s2;
	s30 =	sadd.s32 $0x480, s2;
	v42 =	vor.u32 v3, v1;
	v1 =	vand.u32 $0x7FFFF800, v4;
	v0 =	vand.u32 $0x3F8, v0  }
0x6a: {  	s31 =	sadd.s32 $0x2D0, s2;
	v4 =	vmov s4;
	v9 =	vmov s30;
	v43 =	vor.u32 v0, v1  }
0x6b: {  	v0 =	vshrl.u32 v2, $0x1;
	v1 =	vmov s31;
	v2 =	vand.u32 $0x7FFFF800, v2  }
0x6c: {  	v10 =	vshrl.u32 v9, $0x1;
	v9 =	vand.u32 $0x7FFFF800, v9;
	v0 =	vand.u32 $0x3E0, v0  }
0x6d: {  	s31 =	sadd.s32 $0x490, s2;
	v3 =	vshrl.u32 v1, $0x1;
	v1 =	vand.u32 $0x7FFFF800, v1;
	v10 =	vand.u32 $0x3E0, v10  }
0x6e: {  	s5 =	sadd.s32 $0x2F0, s2;
	v11 =	vmov s31;
	v3 =	vand.u32 $0x3E8, v3;
	v44 =	vor.u32 v0, v2  }
0x6f: {  	s7 =	sadd.s32 $0x310, s2;
	v0 =	vshrl.u32 v4, $0x1;
	v2 =	vmov s5;
	v45 =	vor.u32 v3, v1  }
0x70: {  	s5 =	sadd.s32 $0x4B0, s2;
	v1 =	vand.u32 $0x7FFFF800, v4;
	v0 =	vand.u32 $0x3F0, v0;
	v4 =	vmov s7  }
0x71: {  	s6 =	sadd.s32 $0x300, s2;
	v12 =	vmov s5;
	v46 =	vor.u32 v0, v1;
	v0 =	vshrl.u32 v2, $0x1  }
0x72: {  	v1 =	vmov s6;
	v2 =	vand.u32 $0x7FFFF800, v2;
	v13 =	vshrl.u32 v12, $0x1  }
0x73: {  	s6 =	sadd.s32 $0x4C0, s2;
	v12 =	vand.u32 $0x7FFFF800, v12;
	v0 =	vand.u32 $0x3F8, v0;
	v3 =	vshrl.u32 v1, $0x1  }
0x74: {  	v1 =	vand.u32 $0x7FFFF800, v1;
	v13 =	vand.u32 $0x3F8, v13;
	v14 =	vmov s6  }
0x75: {  	s8 =	sadd.s32 $0x320, s2;
	v3 =	vand.u32 $0x3E0, v3;
	v47 =	vor.u32 v0, v2;
	v0 =	vshrl.u32 v4, $0x1  }
0x76: {  	s10 =	sadd.s32 $0x340, s2;
	v2 =	vmov s8;
	s8 =	sadd.s32 $0x4E0, s2;
	v48 =	vor.u32 v3, v1;
	v1 =	vand.u32 $0x7FFFF800, v4  }
0x77: {  	s9 =	sadd.s32 $0x330, s2;
	v0 =	vand.u32 $0x3E8, v0;
	v4 =	vmov s10;
	v15 =	vmov s8  }
0x78: {  	v49 =	vor.u32 v0, v1;
	v0 =	vshrl.u32 v2, $0x1;
	v1 =	vmov s9  }
0x79: {  	v2 =	vand.u32 $0x7FFFF800, v2;
	v16 =	vshrl.u32 v15, $0x1;
	v3 =	vshrl.u32 v1, $0x1  }
0x7a: {  	s11 =	sadd.s32 $0x350, s2;
	v0 =	vand.u32 $0x3F0, v0;
	v1 =	vand.u32 $0x7FFFF800, v1;
	v3 =	vand.u32 $0x3F8, v3  }
0x7b: {  	v50 =	vor.u32 v0, v2;
	v0 =	vshrl.u32 v4, $0x1;
	v2 =	vmov s11  }
0x7c: {  	s13 =	sadd.s32 $0x370, s2;
	s12 =	sadd.s32 $0x360, s2;
	v51 =	vor.u32 v3, v1;
	v1 =	vand.u32 $0x7FFFF800, v4;
	v0 =	vand.u32 $0x3E0, v0  }
0x7d: {  	v4 =	vmov s13;
	v52 =	vor.u32 v0, v1;
	v1 =	vmov s12  }
0x7e: {  	v0 =	vshrl.u32 v2, $0x1;
	v2 =	vand.u32 $0x7FFFF800, v2;
	v3 =	vshrl.u32 v1, $0x1  }
0x7f: {  	s14 =	sadd.s32 $0x380, s2;
	v0 =	vand.u32 $0x3E8, v0;
	v1 =	vand.u32 $0x7FFFF800, v1;
	v3 =	vand.u32 $0x3F0, v3  }
0x80: {  	v53 =	vor.u32 v0, v2;
	v0 =	vshrl.u32 v4, $0x1;
	v2 =	vmov s14  }
0x81: {  	s16 =	sadd.s32 $0x3A0, s2;
	s15 =	sadd.s32 $0x390, s2;
	v54 =	vor.u32 v3, v1;
	v1 =	vand.u32 $0x7FFFF800, v4;
	v0 =	vand.u32 $0x3F8, v0  }
0x82: {  	v4 =	vmov s16;
	v55 =	vor.u32 v0, v1;
	v1 =	vmov s15  }
0x83: {  	v0 =	vshrl.u32 v2, $0x1;
	v2 =	vand.u32 $0x7FFFF800, v2;
	v3 =	vshrl.u32 v1, $0x1  }
0x84: {  	s17 =	sadd.s32 $0x3B0, s2;
	v0 =	vand.u32 $0x3E0, v0;
	v1 =	vand.u32 $0x7FFFF800, v1;
	v3 =	vand.u32 $0x3E8, v3  }
0x85: {  	v56 =	vor.u32 v0, v2;
	v0 =	vshrl.u32 v4, $0x1;
	v2 =	vmov s17  }
0x86: {  	s19 =	sadd.s32 $0x3D0, s2;
	s18 =	sadd.s32 $0x3C0, s2;
	v57 =	vor.u32 v3, v1;
	v1 =	vand.u32 $0x7FFFF800, v4;
	v0 =	vand.u32 $0x3F0, v0  }
0x87: {  	v4 =	vmov s19;
	v58 =	vor.u32 v0, v1;
	v1 =	vmov s18  }
0x88: {  	v0 =	vshrl.u32 v2, $0x1;
	v2 =	vand.u32 $0x7FFFF800, v2;
	v3 =	vshrl.u32 v1, $0x1  }
0x89: {  	s20 =	sadd.s32 $0x3E0, s2;
	v0 =	vand.u32 $0x3F8, v0;
	v1 =	vand.u32 $0x7FFFF800, v1;
	v3 =	vand.u32 $0x3E0, v3  }
0x8a: {  	v59 =	vor.u32 v0, v2;
	v0 =	vshrl.u32 v4, $0x1;
	v2 =	vmov s20  }
0x8b: {  	s22 =	sadd.s32 $0x400, s2;
	s21 =	sadd.s32 $0x3F0, s2;
	v60 =	vor.u32 v3, v1;
	v1 =	vand.u32 $0x7FFFF800, v4;
	v0 =	vand.u32 $0x3E8, v0  }
0x8c: {  	v4 =	vmov s22;
	v61 =	vor.u32 v0, v1;
	v1 =	vmov s21  }
0x8d: {  	v0 =	vshrl.u32 v2, $0x1;
	v2 =	vand.u32 $0x7FFFF800, v2;
	v3 =	vshrl.u32 v1, $0x1  }
0x8e: {  	s23 =	sadd.s32 $0x410, s2;
	v0 =	vand.u32 $0x3F0, v0;
	v1 =	vand.u32 $0x7FFFF800, v1;
	v3 =	vand.u32 $0x3F8, v3  }
0x8f: {  	v62 =	vor.u32 v0, v2;
	v0 =	vshrl.u32 v4, $0x1;
	v2 =	vmov s23  }
0x90: {  	s4 =	sadd.s32 $0x420, s2;
	v63 =	vor.u32 v3, v1;
	v1 =	vand.u32 $0x7FFFF800, v4;
	v0 =	vand.u32 $0x3E0, v0  }
0x91: {  	v3 =	vmov s4;
	v0 =	vor.u32 v0, v1;
	v1 =	vshrl.u32 v2, $0x1  }
0x92: {  	v2 =	vand.u32 $0x7FFFF800, v2;
	v4 =	vshrl.u32 v3, $0x1;
	v1 =	vand.u32 $0x3E8, v1  }
0x93: {  	v3 =	vand.u32 $0x7FFFF800, v3;
	[tilespmem:$0x1FFB0] =	vst v0;
	v4 =	vand.u32 $0x3F0, v4;
	v0 =	vor.u32 v1, v2  }
0x94: {  	s25 =	sadd.s32 $0x440, s2;
	v15 =	vand.u32 $0x7FFFF800, v15;
	[tilespmem:$0x1FFC0] =	vst v0;
	v0 =	vor.u32 v4, v3;
	v3 =	vshrl.u32 v5, $0x1  }
0x95: {  	v4 =	vand.u32 $0x7FFFF800, v5;
	v5 =	vmov s25;
	v3 =	vand.u32 $0x3F8, v3  }
0x96: {  	s9 =	sadd.s32 $0x4F0, s2;
	v16 =	vand.u32 $0x3F0, v16;
	[tilespmem:$0x1FFD0] =	vst v0;
	v0 =	vor.u32 v3, v4;
	v4 =	vshrl.u32 v5, $0x1  }
0x97: {  	v17 =	vmov s9;
	v5 =	vand.u32 $0x7FFFF800, v5;
	v4 =	vand.u32 $0x3E0, v4  }
0x98: {  	s29 =	sadd.s32 $0x470, s2;
	[tilespmem:$0x1FFE0] =	vst v0;
	v0 =	vor.u32 v4, v5;
	v5 =	vor.u32 v7, v6;
	v6 =	vshrl.u32 v8, $0x1  }
0x99: {  	s11 =	sadd.s32 $0x510, s2;
	v7 =	vand.u32 $0x7FFFF800, v8;
	v8 =	vmov s29;
	v6 =	vand.u32 $0x3F0, v6  }
0x9a: {  	v18 =	vmov s11;
	v6 =	vor.u32 v6, v7;
	v7 =	vshrl.u32 v8, $0x1  }
0x9b: {  	v19 =	vshrl.u32 v18, $0x1;
	v8 =	vand.u32 $0x7FFFF800, v8;
	v7 =	vand.u32 $0x3F8, v7  }
0x9c: {  	s4 =	sadd.s32 $0x4A0, s2;
	v7 =	vor.u32 v7, v8;
	v8 =	vor.u32 v10, v9;
	v9 =	vshrl.u32 v11, $0x1  }
0x9d: {  	v10 =	vand.u32 $0x7FFFF800, v11;
	v11 =	vmov s4;
	v9 =	vand.u32 $0x3E8, v9  }
0x9e: {  	v18 =	vand.u32 $0x7FFFF800, v18;
	v9 =	vor.u32 v9, v10;
	v10 =	vshrl.u32 v11, $0x1  }
0x9f: {  	v19 =	vand.u32 $0x3E8, v19;
	v11 =	vand.u32 $0x7FFFF800, v11;
	v10 =	vand.u32 $0x3F0, v10  }
0xa0: {  	s7 =	sadd.s32 $0x4D0, s2;
	v10 =	vor.u32 v10, v11;
	v11 =	vor.u32 v13, v12;
	v12 =	vshrl.u32 v14, $0x1  }
0xa1: {  	s12 =	sadd.s32 $0x520, s2;
	v13 =	vand.u32 $0x7FFFF800, v14;
	v14 =	vmov s7;
	v12 =	vand.u32 $0x3E0, v12  }
0xa2: {  	v20 =	vmov s12;
	s14 =	sadd.s32 $0x540, s2;
	v12 =	vor.u32 v12, v13;
	v13 =	vshrl.u32 v14, $0x1  }
0xa3: {  	v21 =	vmov s14;
	v14 =	vand.u32 $0x7FFFF800, v14;
	v13 =	vand.u32 $0x3E8, v13  }
0xa4: {  	s10 =	sadd.s32 $0x500, s2;
	v13 =	vor.u32 v13, v14;
	v14 =	vor.u32 v16, v15;
	v15 =	vshrl.u32 v17, $0x1  }
0xa5: {  	v16 =	vand.u32 $0x7FFFF800, v17;
	v17 =	vmov s10;
	v15 =	vand.u32 $0x3F8, v15  }
0xa6: {  	v22 =	vshrl.u32 v21, $0x1;
	v15 =	vor.u32 v15, v16;
	v16 =	vshrl.u32 v17, $0x1  }
0xa7: {  	v21 =	vand.u32 $0x7FFFF800, v21;
	v17 =	vand.u32 $0x7FFFF800, v17;
	v16 =	vand.u32 $0x3E0, v16  }
0xa8: {  	s13 =	sadd.s32 $0x530, s2;
	v16 =	vor.u32 v16, v17;
	v17 =	vor.u32 v19, v18;
	v18 =	vshrl.u32 v20, $0x1  }
0xa9: {  	v19 =	vand.u32 $0x7FFFF800, v20;
	v20 =	vmov s13;
	v18 =	vand.u32 $0x3F0, v18  }
0xaa: {  	s15 =	sadd.s32 $0x550, s2;
	v22 =	vand.u32 $0x3E0, v22;
	v18 =	vor.u32 v18, v19;
	v19 =	vshrl.u32 v20, $0x1  }
0xab: {  	v23 =	vmov s15;
	v20 =	vand.u32 $0x7FFFF800, v20;
	v19 =	vand.u32 $0x3F8, v19  }
0xac: {  	s16 =	sadd.s32 $0x560, s2;
	v19 =	vor.u32 v19, v20;
	v20 =	vor.u32 v22, v21;
	v21 =	vshrl.u32 v23, $0x1  }
0xad: {  	s17 =	sadd.s32 $0x570, s2;
	v22 =	vand.u32 $0x7FFFF800, v23;
	v23 =	vmov s16;
	v21 =	vand.u32 $0x3E8, v21  }
0xae: {  	v24 =	vmov s17;
	v21 =	vor.u32 v21, v22;
	v22 =	vshrl.u32 v23, $0x1  }
0xaf: {  	v25 =	vshrl.u32 v24, $0x1;
	v23 =	vand.u32 $0x7FFFF800, v23;
	v22 =	vand.u32 $0x3F0, v22  }
0xb0: {  	s18 =	sadd.s32 $0x580, s2;
	v22 =	vor.u32 v22, v23;
	v23 =	vand.u32 $0x7FFFF800, v24;
	v24 =	vand.u32 $0x3F8, v25  }
0xb1: {  	vm9 =	vcmask $0x2320;
	s19 =	sadd.s32 $0x590, s2;
	v23 =	vor.u32 v24, v23;
	v24 =	vmov s18  }
0xb2: {  	v25 =	vmov s19;
	v26 =	vand.u32 $0x7FFFF800, v24;
	v24 =	vshrl.u32 v24, $0x1  }
0xb3: {  	s20 =	sadd.s32 $0x5A0, s2;
	v27 =	vshrl.u32 v25, $0x1;
	v25 =	vand.u32 $0x7FFFF800, v25;
	v24 =	vand.u32 $0x3E0, v24  }
0xb4: {  	v27 =	vand.u32 $0x3E8, v27;
	v24 =	vor.u32 v24, v26;
	v26 =	vmov s20  }
0xb5: {  	s21 =	sadd.s32 $0x5B0, s2;
	v25 =	vor.u32 v27, v25;
	v27 =	vand.u32 $0x7FFFF800, v26;
	v26 =	vshrl.u32 v26, $0x1  }
0xb6: {  	vm10 =	vcmask $0x2724;
	v29 =	vmov s21;
	v26 =	vand.u32 $0x3F0, v26  }
0xb7: {  	v28 =	vsel vm0, $0x0, v28;
	v26 =	vor.u32 v26, v27;
	v27 =	vshrl.u32 v29, $0x1  }
0xb8: {  	v28 =	vsel vm14, $0x400, v28;
	s22 =	sadd.s32 $0x5C0, s2;
	v29 =	vand.u32 $0x7FFFF800, v29;
	v27 =	vand.u32 $0x3F8, v27  }
0xb9: {  	v28 =	vsel vm15, $0x1, v28;
	v27 =	vor.u32 v27, v29;
	v29 =	vmov s22  }
0xba: {  	vm11 =	vcmask $0x2B28;
	v30 =	vsel vm4, $0x401, v28;
	s23 =	sadd.s32 $0x5D0, s2;
	v28 =	vshrl.u32 v29, $0x1  }
0xbb: {  	v31 =	vmov s23;
	v29 =	vand.u32 $0x7FFFF800, v29;
	v28 =	vand.u32 $0x3E0, v28  }
0xbc: {  	v30 =	vsel vm5, $0x2, v30;
	v28 =	vor.u32 v28, v29;
	v29 =	vshrl.u32 v31, $0x1  }
0xbd: {  	v30 =	vsel vm6, $0x402, v30;
	s24 =	sadd.s32 $0x5E0, s2;
	v31 =	vand.u32 $0x7FFFF800, v31;
	v29 =	vand.u32 $0x3E8, v29  }
0xbe: {  	v30 =	vsel vm7, $0x3, v30;
	v29 =	vor.u32 v29, v31;
	v31 =	vmov s24  }
0xbf: {  	v32 =	vsel vm8, $0x403, v30;
	s25 =	sadd.s32 $0x5F0, s2;
	v30 =	vand.u32 $0x7FFFF800, v31;
	v31 =	vshrl.u32 v31, $0x1  }
0xc0: {  	vm12 =	vcmask $0x2F2C;
	[tilespmem:$0x1FFF0] =	vst v0;
	v0 =	vmov s25;
	v31 =	vand.u32 $0x3F0, v31  }
0xc1: {  	vm13 =	vcmask $0x3330;
	v30 =	vor.u32 v31, v30;
	v31 =	vshrl.u32 v0, $0x1  }
0xc2: {  	v32 =	vsel vm9, $0x4, v32;
	s26 =	sadd.s32 $0x600, s2;
	v0 =	vand.u32 $0x7FFFF800, v0;
	v31 =	vand.u32 $0x3F8, v31  }
0xc3: {  	v31 =	vor.u32 v31, v0;
	v0 =	vsel vm10, $0x404, v32;
	v32 =	vmov s26  }
0xc4: {  	s28 =	sadd.s32 $0x610, s2;
	v0 =	vsel vm11, $0x5, v0;
	v1 =	vand.u32 $0x7FFFF800, v32;
	v32 =	vshrl.u32 v32, $0x1  }
0xc5: {  	v2 =	vsel vm12, $0x405, v0;
	v32 =	vand.u32 $0x3E0, v32;
	v0 =	vmov s28  }
0xc6: {  	v32 =	vor.u32 v32, v1;
	v1 =	vsel vm13, $0x6, v2;
	v2 =	vshrl.u32 v0, $0x1  }
0xc7: {  	vm14 =	vcmask $0x3734;
	s29 =	sadd.s32 $0x620, s2;
	v0 =	vand.u32 $0x7FFFF800, v0;
	v2 =	vand.u32 $0x3E8, v2  }
0xc8: {  	v33 =	vor.u32 v2, v0;
	v0 =	vsel vm14, $0x406, v1;
	v1 =	vmov s29  }
0xc9: {  	v4 =	vand.u32 $0x7FFFF800, v1;
	v1 =	vshrl.u32 v1, $0x1  }
0xca: {  	v1 =	vand.u32 $0x3F0, v1  }
0xcb: {  	v34 =	vor.u32 v1, v4;
	v1 =	vld [tilespmem:$0x1FB10];
	_ =	sdelay $0x2  }
0xcc: {  	vm15 =	vcmask $0x3B38  }
0xcd: {  	v0 =	vsel vm15, $0x7, v0  }
0xce: {  	v1 =	vor.u32 v0, v1  }
0xcf: {  	[tilespmem:$0x1FB20] =	vst v1;
	v1 =	vld [tilespmem:$0x1FB30];
	_ =	sdelay $0x4  }
0xd0: {  	v1 =	vor.u32 v0, v1  }
0xd1: {  	[tilespmem:$0x1FB40] =	vst v1;
	v1 =	vld [tilespmem:$0x1FB50];
	_ =	sdelay $0x4  }
0xd2: {  	v1 =	vor.u32 v0, v1  }
0xd3: {  	[tilespmem:$0x1FB60] =	vst v1;
	v1 =	vld [tilespmem:$0x1FB70];
	_ =	sdelay $0x4  }
0xd4: {  	v1 =	vor.u32 v0, v1  }
0xd5: {  	[tilespmem:$0x1FB80] =	vst v1;
	v1 =	vld [tilespmem:$0x1FB90];
	_ =	sdelay $0x4  }
0xd6: {  	v1 =	vor.u32 v0, v1  }
0xd7: {  	[tilespmem:$0x1FBA0] =	vst v1;
	v1 =	vld [tilespmem:$0x1FBB0];
	_ =	sdelay $0x4  }
0xd8: {  	v1 =	vor.u32 v0, v1  }
0xd9: {  	[tilespmem:$0x1FBC0] =	vst v1;
	v1 =	vld [tilespmem:$0x1FBD0];
	_ =	sdelay $0x4  }
0xda: {  	v1 =	vor.u32 v0, v1  }
0xdb: {  	[tilespmem:$0x1FBE0] =	vst v1;
	v1 =	vld [tilespmem:$0x1FBF0];
	_ =	sdelay $0x4  }
0xdc: {  	v1 =	vor.u32 v0, v1  }
0xdd: {  	[tilespmem:$0x1FC00] =	vst v1;
	v1 =	vld [tilespmem:$0x1FC10];
	_ =	sdelay $0x4  }
0xde: {  	v1 =	vor.u32 v0, v1  }
0xdf: {  	[tilespmem:$0x1FC20] =	vst v1;
	v1 =	vld [tilespmem:$0x1FC30];
	_ =	sdelay $0x4  }
0xe0: {  	v1 =	vor.u32 v0, v1  }
0xe1: {  	[tilespmem:$0x1FC40] =	vst v1;
	v1 =	vld [tilespmem:$0x1FC50];
	_ =	sdelay $0x4  }
0xe2: {  	v1 =	vor.u32 v0, v1  }
0xe3: {  	[tilespmem:$0x1FC60] =	vst v1;
	v1 =	vld [tilespmem:$0x1FC70];
	_ =	sdelay $0x4  }
0xe4: {  	v1 =	vor.u32 v0, v1  }
0xe5: {  	[tilespmem:$0x1FC80] =	vst v1;
	v1 =	vld [tilespmem:$0x1FC90];
	_ =	sdelay $0x4  }
0xe6: {  	v1 =	vor.u32 v0, v1  }
0xe7: {  	[tilespmem:$0x1FCA0] =	vst v1;
	v1 =	vld [tilespmem:$0x1FCB0];
	_ =	sdelay $0x4  }
0xe8: {  	v1 =	vor.u32 v0, v1  }
0xe9: {  	[tilespmem:$0x1FCC0] =	vst v1;
	v1 =	vld [tilespmem:$0x1FCD0];
	_ =	sdelay $0x4  }
0xea: {  	v1 =	vor.u32 v0, v1  }
0xeb: {  	[tilespmem:$0x1FCE0] =	vst v1;
	v1 =	vld [tilespmem:$0x1FCF0];
	_ =	sdelay $0x4  }
0xec: {  	v1 =	vor.u32 v0, v1  }
0xed: {  	[tilespmem:$0x1FD00] =	vst v1;
	v1 =	vld [tilespmem:$0x1FD10];
	_ =	sdelay $0x4  }
0xee: {  	v1 =	vor.u32 v0, v1  }
0xef: {  	[tilespmem:$0x1FD20] =	vst v1;
	v1 =	vld [tilespmem:$0x1FD30];
	_ =	sdelay $0x4  }
0xf0: {  	v1 =	vor.u32 v0, v1  }
0xf1: {  	[tilespmem:$0x1FD40] =	vst v1;
	v1 =	vld [tilespmem:$0x1FD50];
	_ =	sdelay $0x4  }
0xf2: {  	v1 =	vor.u32 v0, v1  }
0xf3: {  	[tilespmem:$0x1FD60] =	vst v1;
	v1 =	vld [tilespmem:$0x1FD70];
	_ =	sdelay $0x4  }
0xf4: {  	v1 =	vor.u32 v0, v1  }
0xf5: {  	[tilespmem:$0x1FD80] =	vst v1;
	v1 =	vld [tilespmem:$0x1FD90];
	_ =	sdelay $0x4  }
0xf6: {  	v1 =	vor.u32 v0, v1  }
0xf7: {  	[tilespmem:$0x1FDA0] =	vst v1;
	v1 =	vld [tilespmem:$0x1FDB0];
	_ =	sdelay $0x4  }
0xf8: {  	v1 =	vor.u32 v0, v1  }
0xf9: {  	[tilespmem:$0x1FDC0] =	vst v1;
	v1 =	vld [tilespmem:$0x1FDD0];
	_ =	sdelay $0x4  }
0xfa: {  	v1 =	vor.u32 v0, v1  }
0xfb: {  	[tilespmem:$0x1FDE0] =	vst v1;
	v1 =	vld [tilespmem:$0x1FDF0];
	_ =	sdelay $0x4  }
0xfc: {  	v1 =	vor.u32 v0, v1  }
0xfd: {  	[tilespmem:$0x1FE00] =	vst v1;
	v1 =	vld [tilespmem:$0x1FE10];
	_ =	sdelay $0x4  }
0xfe: {  	v1 =	vor.u32 v0, v1  }
0xff: {  	[tilespmem:$0x1FE20] =	vst v1;
	v1 =	vld [tilespmem:$0x1FE30];
	_ =	sdelay $0x4  }
0x100: {  	v1 =	vor.u32 v0, v1  }
0x101: {  	[tilespmem:$0x1FE40] =	vst v1;
	v1 =	vld [tilespmem:$0x1FE50];
	_ =	sdelay $0x4  }
0x102: {  	v1 =	vor.u32 v0, v1  }
0x103: {  	[tilespmem:$0x1FE60] =	vst v1;
	v1 =	vld [tilespmem:$0x1FE70];
	_ =	sdelay $0x4  }
0x104: {  	v1 =	vor.u32 v0, v1  }
0x105: {  	[tilespmem:$0x1FE80] =	vst v1;
	v1 =	vld [tilespmem:$0x1FE90];
	_ =	sdelay $0x4  }
0x106: {  	v1 =	vor.u32 v0, v1  }
0x107: {  	[tilespmem:$0x1FEA0] =	vst v1;
	v1 =	vld [tilespmem:$0x1FEB0];
	_ =	sdelay $0x4  }
0x108: {  	v1 =	vor.u32 v0, v1  }
0x109: {  	[tilespmem:$0x1FEC0] =	vst v1;
	v1 =	vld [tilespmem:$0x1FED0];
	_ =	sdelay $0x4  }
0x10a: {  	v1 =	vor.u32 v0, v1  }
0x10b: {  	[tilespmem:$0x1FEE0] =	vst v1;
	v1 =	vld [tilespmem:$0x1FEF0];
	_ =	sdelay $0x4  }
0x10c: {  	v1 =	vor.u32 v0, v1  }
0x10d: {  	[tilespmem:$0x1FF00] =	vst v1;
	v1 =	vld [tilespmem:$0x1FF10];
	_ =	sdelay $0x4  }
0x10e: {  	v1 =	vor.u32 v0, v1  }
0x10f: {  	[tilespmem:$0x1FF20] =	vst v1;
	v1 =	vld [tilespmem:$0x1FF30];
	_ =	sdelay $0x4  }
0x110: {  	s30 =	sadd.s32 $0x630, s2;
	v1 =	vor.u32 v0, v1  }
0x111: {  	v2 =	vmov s30;
	[tilespmem:$0x1FF40] =	vst v1;
	v1 =	vld [tilespmem:$0x1FF50]  }
0x112: {  	v3 =	vshrl.u32 v2, $0x1  }
0x113: {  	v2 =	vand.u32 $0x7FFFF800, v2;
	v3 =	vand.u32 $0x3F8, v3;
	v38 =	vor.u32 v0, v38  }
0x114: {  	v39 =	vor.u32 v0, v39;
	v40 =	vor.u32 v0, v40;
	v41 =	vor.u32 v0, v41  }
0x115: {  	v42 =	vor.u32 v0, v42;
	v43 =	vor.u32 v0, v43;
	v44 =	vor.u32 v0, v44  }
0x116: {  	v45 =	vor.u32 v0, v45;
	v46 =	vor.u32 v0, v46;
	v1 =	vor.u32 v0, v1  }
0x117: {  	v47 =	vor.u32 v0, v47;
	v48 =	vor.u32 v0, v48;
	v49 =	vor.u32 v0, v49;
	[tilespmem:$0x1FF60] =	vst v1;
	v1 =	vld [tilespmem:$0x1FF70]  }
0x118: {  	v50 =	vor.u32 v0, v50;
	v51 =	vor.u32 v0, v51;
	v52 =	vor.u32 v0, v52  }
0x119: {  	v53 =	vor.u32 v0, v53;
	v54 =	vor.u32 v0, v54;
	v55 =	vor.u32 v0, v55  }
0x11a: {  	v56 =	vor.u32 v0, v56;
	v57 =	vor.u32 v0, v57;
	v58 =	vor.u32 v0, v58  }
0x11b: {  	v59 =	vor.u32 v0, v59;
	v60 =	vor.u32 v0, v60;
	v61 =	vor.u32 v0, v61  }
0x11c: {  	v62 =	vor.u32 v0, v62;
	v63 =	vor.u32 v0, v63;
	v1 =	vor.u32 v0, v1  }
0x11d: {  	v5 =	vor.u32 v0, v5;
	v6 =	vor.u32 v0, v6;
	[tilespmem:$0x1FF80] =	vst v1;
	v1 =	vor.u32 v0, v36  }
0x11e: {  	v7 =	vor.u32 v0, v7;
	v8 =	vor.u32 v0, v8;
	[tilespmem:$0x1FF90] =	vst v1;
	v1 =	vor.u32 v0, v37  }
0x11f: {  	v9 =	vor.u32 v0, v9;
	v10 =	vor.u32 v0, v10;
	v11 =	vor.u32 v0, v11;
	[tilespmem:$0x1FFA0] =	vst v1;
	v1 =	vld [tilespmem:$0x1FFB0]  }
0x120: {  	v12 =	vor.u32 v0, v12;
	v13 =	vor.u32 v0, v13;
	v14 =	vor.u32 v0, v14  }
0x121: {  	v15 =	vor.u32 v0, v15;
	v16 =	vor.u32 v0, v16;
	v35 =	vor.u32 v3, v2;
	v2 =	vld [tilespmem:$0x1FFD0]  }
0x122: {  	v17 =	vor.u32 v0, v17;
	v18 =	vor.u32 v0, v18;
	v19 =	vor.u32 v0, v19;
	v3 =	vld [tilespmem:$0x1FFE0]  }
0x123: {  	v20 =	vor.u32 v0, v20;
	v21 =	vor.u32 v0, v21;
	v22 =	vor.u32 v0, v22;
	v4 =	vld [tilespmem:$0x1FFF0]  }
0x124: {  	s1 =	ssub.s32 $0x2, s1;
	v23 =	vor.u32 v0, v23;
	v24 =	vor.u32 v0, v24;
	v36 =	vor.u32 v0, v1;
	v1 =	vld [tilespmem:$0x1FFC0]  }
0x125: {  	s3 =	rddreg [dreg:$0x0];
	s31 =	sshrl.u32 s1, $0x1;
	v25 =	vor.u32 v0, v25;
	v26 =	vor.u32 v0, v26;
	v27 =	vor.u32 v0, v27  }
0x126: {  	s5 =	simm.s32 $0x0;
	s6 =	rddreg [dreg:$0x1];
	s2 =	sshrl.u32 s2, $0x3;
	v28 =	vor.u32 v0, v28;
	v29 =	vor.u32 v0, v29;
	v30 =	vor.u32 v0, v30  }
0x127: {  	[smem:$0x7FF] =	sst s5;
	s2 =	sadd.s32 s2, s6;
	s6 =	ssub.s32 s1, s31;
	v31 =	vor.u32 v0, v31;
	v32 =	vor.u32 v0, v32;
	v33 =	vor.u32 v0, v33  }
0x128: {  	s1 =	sadd.s32 $0x1800, s2;
	s2 =	smax.u32 s6, $0x1;
	s6 =	simm.s32 $0x1;
	v34 =	vor.u32 v0, v34;
	v35 =	vor.u32 v0, v35;
	v2 =	vor.u32 v0, v2  }
0x129: {  	s4 =	rddreg [dreg:$0x2];
	s7 =	simm.s32 $0xC800;
	v3 =	vor.u32 v0, v3;
	v4 =	vor.u32 v0, v4;
	_ =	strace $0x80000047;
	v1 =	vor.u32 v0, v1  }
.LBB2_1:
0x12a: {  	[tilespmem:s5], [sflag:$0x1] =	stream.linear.gather [hbm4b:s3+s5], $0xC800, $0x38;
	[tilespmem:$0xCE40] =	vst v63  }
0x12b: {  	_ =	swait.ge [sflag:s6], $0xC800  }
0x12c: {  	v0 =	vld [tilespmem:$0x1FB20];
	_ =	sdelay $0x5  }
0x12d: {  	[sflag:s6] =	ssyncset.done $0x0  }
0x12e: {  	[sflag:s6] =	ssyncadd.s32 $0xFFFF3800  }
0x12f: {  	v0 =	vld.idx.msk [tilespmem:v0+s5+$0x0], $0xffff;
	_ =	sdelay $0x4  }
0x130: {  	v37 =	vshll.u32 v0, $0x1  }
0x131: {  	vm0 =	vlt.s32 v0, $0xC380;
	v0 =	vadd.s32 $0xFFFE7901, v37  }
0x132: {  	v0 =	vsel vm0, v37, v0  }
0x133: {  	[tilespmem:$0xC800] =	vst v0;
	v0 =	vld [tilespmem:$0x1FB40];
	_ =	sdelay $0x7  }
0x134: {  	v0 =	vld.idx.msk [tilespmem:v0+s5+$0x0], $0xffff;
	_ =	sdelay $0x4  }
0x135: {  	v37 =	vshll.u32 v0, $0x1  }
0x136: {  	vm13 =	vlt.s32 v0, $0xC380;
	v0 =	vadd.s32 $0xFFFE7901, v37  }
0x137: {  	v0 =	vsel vm13, v37, v0  }
0x138: {  	[tilespmem:$0xC810] =	vst v0;
	v0 =	vld [tilespmem:$0x1FB60];
	_ =	sdelay $0x7  }
0x139: {  	v0 =	vld.idx.msk [tilespmem:v0+s5+$0x0], $0xffff;
	_ =	sdelay $0x4  }
0x13a: {  	v37 =	vshll.u32 v0, $0x1  }
0x13b: {  	vm14 =	vlt.s32 v0, $0xC380;
	v0 =	vadd.s32 $0xFFFE7901, v37  }
0x13c: {  	v0 =	vsel vm14, v37, v0  }
0x13d: {  	[tilespmem:$0xC820] =	vst v0;
	v0 =	vld [tilespmem:$0x1FB80];
	_ =	sdelay $0x7  }
0x13e: {  	v0 =	vld.idx.msk [tilespmem:v0+s5+$0x0], $0xffff;
	_ =	sdelay $0x4  }
0x13f: {  	v37 =	vshll.u32 v0, $0x1  }
0x140: {  	vm15 =	vlt.s32 v0, $0xC380;
	v0 =	vadd.s32 $0xFFFE7901, v37  }
0x141: {  	v0 =	vsel vm15, v37, v0  }
0x142: {  	[tilespmem:$0xC830] =	vst v0;
	v0 =	vld [tilespmem:$0x1FBA0];
	_ =	sdelay $0x7  }
0x143: {  	v0 =	vld.idx.msk [tilespmem:v0+s5+$0x0], $0xffff;
	_ =	sdelay $0x4  }
0x144: {  	v37 =	vshll.u32 v0, $0x1  }
0x145: {  	vm4 =	vlt.s32 v0, $0xC380;
	v0 =	vadd.s32 $0xFFFE7901, v37  }
0x146: {  	v0 =	vsel vm4, v37, v0  }
0x147: {  	[tilespmem:$0xC840] =	vst v0;
	v0 =	vld [tilespmem:$0x1FBC0];
	_ =	sdelay $0x7  }
0x148: {  	v0 =	vld.idx.msk [tilespmem:v0+s5+$0x0], $0xffff;
	_ =	sdelay $0x4  }
0x149: {  	v37 =	vshll.u32 v0, $0x1  }
0x14a: {  	vm5 =	vlt.s32 v0, $0xC380;
	v0 =	vadd.s32 $0xFFFE7901, v37  }
0x14b: {  	v0 =	vsel vm5, v37, v0  }
0x14c: {  	[tilespmem:$0xC850] =	vst v0;
	v0 =	vld [tilespmem:$0x1FBE0];
	_ =	sdelay $0x7  }
0x14d: {  	v0 =	vld.idx.msk [tilespmem:v0+s5+$0x0], $0xffff;
	_ =	sdelay $0x4  }
0x14e: {  	v37 =	vshll.u32 v0, $0x1  }
0x14f: {  	vm6 =	vlt.s32 v0, $0xC380;
	v0 =	vadd.s32 $0xFFFE7901, v37  }
0x150: {  	v0 =	vsel vm6, v37, v0  }
0x151: {  	[tilespmem:$0xC860] =	vst v0;
	v0 =	vld [tilespmem:$0x1FC00];
	_ =	sdelay $0x7  }
0x152: {  	v0 =	vld.idx.msk [tilespmem:v0+s5+$0x0], $0xffff;
	_ =	sdelay $0x4  }
0x153: {  	v37 =	vshll.u32 v0, $0x1  }
0x154: {  	vm7 =	vlt.s32 v0, $0xC380;
	v0 =	vadd.s32 $0xFFFE7901, v37  }
0x155: {  	v0 =	vsel vm7, v37, v0  }
0x156: {  	[tilespmem:$0xC870] =	vst v0;
	v0 =	vld [tilespmem:$0x1FC20];
	_ =	sdelay $0x7  }
0x157: {  	v0 =	vld.idx.msk [tilespmem:v0+s5+$0x0], $0xffff;
	_ =	sdelay $0x4  }
0x158: {  	v37 =	vshll.u32 v0, $0x1  }
0x159: {  	vm8 =	vlt.s32 v0, $0xC380;
	v0 =	vadd.s32 $0xFFFE7901, v37  }
0x15a: {  	v0 =	vsel vm8, v37, v0  }
0x15b: {  	[tilespmem:$0xC880] =	vst v0;
	v0 =	vld [tilespmem:$0x1FC40];
	_ =	sdelay $0x7  }
0x15c: {  	v0 =	vld.idx.msk [tilespmem:v0+s5+$0x0], $0xffff;
	_ =	sdelay $0x4  }
0x15d: {  	v37 =	vshll.u32 v0, $0x1  }
0x15e: {  	vm9 =	vlt.s32 v0, $0xC380;
	v0 =	vadd.s32 $0xFFFE7901, v37  }
0x15f: {  	v0 =	vsel vm9, v37, v0  }
0x160: {  	[tilespmem:$0xC890] =	vst v0;
	v0 =	vld [tilespmem:$0x1FC60];
	_ =	sdelay $0x7  }
0x161: {  	v0 =	vld.idx.msk [tilespmem:v0+s5+$0x0], $0xffff;
	_ =	sdelay $0x4  }
0x162: {  	v37 =	vshll.u32 v0, $0x1  }
0x163: {  	vm10 =	vlt.s32 v0, $0xC380;
	v0 =	vadd.s32 $0xFFFE7901, v37  }
0x164: {  	v0 =	vsel vm10, v37, v0  }
0x165: {  	[tilespmem:$0xC8A0] =	vst v0;
	v0 =	vld [tilespmem:$0x1FC80];
	_ =	sdelay $0x7  }
0x166: {  	v0 =	vld.idx.msk [tilespmem:v0+s5+$0x0], $0xffff;
	_ =	sdelay $0x4  }
0x167: {  	v37 =	vshll.u32 v0, $0x1  }
0x168: {  	vm11 =	vlt.s32 v0, $0xC380;
	v0 =	vadd.s32 $0xFFFE7901, v37  }
0x169: {  	v0 =	vsel vm11, v37, v0  }
0x16a: {  	[tilespmem:$0xC8B0] =	vst v0;
	v0 =	vld [tilespmem:$0x1FCA0];
	_ =	sdelay $0x7  }
0x16b: {  	v0 =	vld.idx.msk [tilespmem:v0+s5+$0x0], $0xffff;
	_ =	sdelay $0x4  }
0x16c: {  	v37 =	vshll.u32 v0, $0x1  }
0x16d: {  	vm12 =	vlt.s32 v0, $0xC380;
	v0 =	vadd.s32 $0xFFFE7901, v37  }
0x16e: {  	v0 =	vsel vm12, v37, v0  }
0x16f: {  	[tilespmem:$0xC8C0] =	vst v0;
	v0 =	vld [tilespmem:$0x1FCC0];
	_ =	sdelay $0x7  }
0x170: {  	v0 =	vld.idx.msk [tilespmem:v0+s5+$0x0], $0xffff;
	_ =	sdelay $0x4  }
0x171: {  	v37 =	vshll.u32 v0, $0x1  }
0x172: {  	vm13 =	vlt.s32 v0, $0xC380;
	v0 =	vadd.s32 $0xFFFE7901, v37  }
0x173: {  	v0 =	vsel vm13, v37, v0  }
0x174: {  	[tilespmem:$0xC8D0] =	vst v0;
	v0 =	vld [tilespmem:$0x1FCE0];
	_ =	sdelay $0x7  }
0x175: {  	v0 =	vld.idx.msk [tilespmem:v0+s5+$0x0], $0xffff;
	_ =	sdelay $0x4  }
0x176: {  	v37 =	vshll.u32 v0, $0x1  }
0x177: {  	vm14 =	vlt.s32 v0, $0xC380;
	v0 =	vadd.s32 $0xFFFE7901, v37  }
0x178: {  	v0 =	vsel vm14, v37, v0  }
0x179: {  	[tilespmem:$0xC8E0] =	vst v0;
	v0 =	vld [tilespmem:$0x1FD00];
	_ =	sdelay $0x7  }
0x17a: {  	v0 =	vld.idx.msk [tilespmem:v0+s5+$0x0], $0xffff;
	_ =	sdelay $0x4  }
0x17b: {  	v37 =	vshll.u32 v0, $0x1  }
0x17c: {  	vm15 =	vlt.s32 v0, $0xC380;
	v0 =	vadd.s32 $0xFFFE7901, v37  }
0x17d: {  	v0 =	vsel vm15, v37, v0  }
0x17e: {  	[tilespmem:$0xC8F0] =	vst v0;
	v0 =	vld [tilespmem:$0x1FD20];
	_ =	sdelay $0x7  }
0x17f: {  	v0 =	vld.idx.msk [tilespmem:v0+s5+$0x0], $0xffff;
	_ =	sdelay $0x4  }
0x180: {  	v37 =	vshll.u32 v0, $0x1  }
0x181: {  	vm4 =	vlt.s32 v0, $0xC380;
	v0 =	vadd.s32 $0xFFFE7901, v37  }
0x182: {  	v0 =	vsel vm4, v37, v0  }
0x183: {  	[tilespmem:$0xC900] =	vst v0;
	v0 =	vld [tilespmem:$0x1FD40];
	_ =	sdelay $0x7  }
0x184: {  	v0 =	vld.idx.msk [tilespmem:v0+s5+$0x0], $0xffff;
	_ =	sdelay $0x4  }
0x185: {  	v37 =	vshll.u32 v0, $0x1  }
0x186: {  	vm5 =	vlt.s32 v0, $0xC380;
	v0 =	vadd.s32 $0xFFFE7901, v37  }
0x187: {  	v0 =	vsel vm5, v37, v0  }
0x188: {  	[tilespmem:$0xC910] =	vst v0;
	v0 =	vld [tilespmem:$0x1FD60];
	_ =	sdelay $0x7  }
0x189: {  	v0 =	vld.idx.msk [tilespmem:v0+s5+$0x0], $0xffff;
	_ =	sdelay $0x4  }
0x18a: {  	v37 =	vshll.u32 v0, $0x1  }
0x18b: {  	vm6 =	vlt.s32 v0, $0xC380;
	v0 =	vadd.s32 $0xFFFE7901, v37  }
0x18c: {  	v0 =	vsel vm6, v37, v0  }
0x18d: {  	[tilespmem:$0xC920] =	vst v0;
	v0 =	vld [tilespmem:$0x1FD80];
	_ =	sdelay $0x7  }
0x18e: {  	v0 =	vld.idx.msk [tilespmem:v0+s5+$0x0], $0xffff;
	_ =	sdelay $0x4  }
0x18f: {  	v37 =	vshll.u32 v0, $0x1  }
0x190: {  	vm7 =	vlt.s32 v0, $0xC380;
	v0 =	vadd.s32 $0xFFFE7901, v37  }
0x191: {  	v0 =	vsel vm7, v37, v0  }
0x192: {  	[tilespmem:$0xC930] =	vst v0;
	v0 =	vld [tilespmem:$0x1FDA0];
	_ =	sdelay $0x7  }
0x193: {  	v0 =	vld.idx.msk [tilespmem:v0+s5+$0x0], $0xffff;
	_ =	sdelay $0x4  }
0x194: {  	v37 =	vshll.u32 v0, $0x1  }
0x195: {  	vm8 =	vlt.s32 v0, $0xC380;
	v0 =	vadd.s32 $0xFFFE7901, v37  }
0x196: {  	v0 =	vsel vm8, v37, v0  }
0x197: {  	[tilespmem:$0xC940] =	vst v0;
	v0 =	vld [tilespmem:$0x1FDC0];
	_ =	sdelay $0x7  }
0x198: {  	v0 =	vld.idx.msk [tilespmem:v0+s5+$0x0], $0xffff;
	_ =	sdelay $0x4  }
0x199: {  	v37 =	vshll.u32 v0, $0x1  }
0x19a: {  	vm9 =	vlt.s32 v0, $0xC380;
	v0 =	vadd.s32 $0xFFFE7901, v37  }
0x19b: {  	v0 =	vsel vm9, v37, v0  }
0x19c: {  	[tilespmem:$0xC950] =	vst v0;
	v0 =	vld [tilespmem:$0x1FDE0];
	_ =	sdelay $0x7  }
0x19d: {  	v0 =	vld.idx.msk [tilespmem:v0+s5+$0x0], $0xffff;
	_ =	sdelay $0x4  }
0x19e: {  	v37 =	vshll.u32 v0, $0x1  }
0x19f: {  	vm10 =	vlt.s32 v0, $0xC380;
	v0 =	vadd.s32 $0xFFFE7901, v37  }
0x1a0: {  	v0 =	vsel vm10, v37, v0  }
0x1a1: {  	[tilespmem:$0xC960] =	vst v0;
	v0 =	vld [tilespmem:$0x1FE00];
	_ =	sdelay $0x7  }
0x1a2: {  	v0 =	vld.idx.msk [tilespmem:v0+s5+$0x0], $0xffff;
	_ =	sdelay $0x4  }
0x1a3: {  	v37 =	vshll.u32 v0, $0x1  }
0x1a4: {  	vm11 =	vlt.s32 v0, $0xC380;
	v0 =	vadd.s32 $0xFFFE7901, v37  }
0x1a5: {  	v0 =	vsel vm11, v37, v0  }
0x1a6: {  	[tilespmem:$0xC970] =	vst v0;
	v0 =	vld [tilespmem:$0x1FE20];
	_ =	sdelay $0x7  }
0x1a7: {  	v0 =	vld.idx.msk [tilespmem:v0+s5+$0x0], $0xffff;
	_ =	sdelay $0x4  }
0x1a8: {  	v37 =	vshll.u32 v0, $0x1  }
0x1a9: {  	vm12 =	vlt.s32 v0, $0xC380;
	v0 =	vadd.s32 $0xFFFE7901, v37  }
0x1aa: {  	v0 =	vsel vm12, v37, v0  }
0x1ab: {  	[tilespmem:$0xC980] =	vst v0;
	v0 =	vld [tilespmem:$0x1FE40];
	_ =	sdelay $0x7  }
0x1ac: {  	v0 =	vld.idx.msk [tilespmem:v0+s5+$0x0], $0xffff;
	_ =	sdelay $0x4  }
0x1ad: {  	v37 =	vshll.u32 v0, $0x1  }
0x1ae: {  	vm13 =	vlt.s32 v0, $0xC380;
	v0 =	vadd.s32 $0xFFFE7901, v37  }
0x1af: {  	v0 =	vsel vm13, v37, v0  }
0x1b0: {  	[tilespmem:$0xC990] =	vst v0;
	v0 =	vld [tilespmem:$0x1FE60];
	_ =	sdelay $0x7  }
0x1b1: {  	v0 =	vld.idx.msk [tilespmem:v0+s5+$0x0], $0xffff;
	_ =	sdelay $0x4  }
0x1b2: {  	v37 =	vshll.u32 v0, $0x1  }
0x1b3: {  	vm14 =	vlt.s32 v0, $0xC380;
	v0 =	vadd.s32 $0xFFFE7901, v37  }
0x1b4: {  	v0 =	vsel vm14, v37, v0  }
0x1b5: {  	[tilespmem:$0xC9A0] =	vst v0;
	v0 =	vld [tilespmem:$0x1FE80];
	_ =	sdelay $0x7  }
0x1b6: {  	v0 =	vld.idx.msk [tilespmem:v0+s5+$0x0], $0xffff;
	_ =	sdelay $0x4  }
0x1b7: {  	v37 =	vshll.u32 v0, $0x1  }
0x1b8: {  	vm15 =	vlt.s32 v0, $0xC380;
	v0 =	vadd.s32 $0xFFFE7901, v37  }
0x1b9: {  	v0 =	vsel vm15, v37, v0  }
0x1ba: {  	[tilespmem:$0xC9B0] =	vst v0;
	v0 =	vld [tilespmem:$0x1FEA0];
	_ =	sdelay $0x7  }
0x1bb: {  	v0 =	vld.idx.msk [tilespmem:v0+s5+$0x0], $0xffff;
	_ =	sdelay $0x4  }
0x1bc: {  	v37 =	vshll.u32 v0, $0x1  }
0x1bd: {  	vm4 =	vlt.s32 v0, $0xC380;
	v0 =	vadd.s32 $0xFFFE7901, v37  }
0x1be: {  	v0 =	vsel vm4, v37, v0  }
0x1bf: {  	[tilespmem:$0xC9C0] =	vst v0;
	v0 =	vld [tilespmem:$0x1FEC0];
	_ =	sdelay $0x7  }
0x1c0: {  	v0 =	vld.idx.msk [tilespmem:v0+s5+$0x0], $0xffff;
	_ =	sdelay $0x4  }
0x1c1: {  	v37 =	vshll.u32 v0, $0x1  }
0x1c2: {  	vm5 =	vlt.s32 v0, $0xC380;
	v0 =	vadd.s32 $0xFFFE7901, v37  }
0x1c3: {  	v0 =	vsel vm5, v37, v0  }
0x1c4: {  	[tilespmem:$0xC9D0] =	vst v0;
	v0 =	vld [tilespmem:$0x1FEE0];
	_ =	sdelay $0x7  }
0x1c5: {  	v0 =	vld.idx.msk [tilespmem:v0+s5+$0x0], $0xffff;
	_ =	sdelay $0x4  }
0x1c6: {  	v37 =	vshll.u32 v0, $0x1  }
0x1c7: {  	vm6 =	vlt.s32 v0, $0xC380;
	v0 =	vadd.s32 $0xFFFE7901, v37  }
0x1c8: {  	v0 =	vsel vm6, v37, v0  }
0x1c9: {  	[tilespmem:$0xC9E0] =	vst v0;
	v0 =	vld [tilespmem:$0x1FF00];
	_ =	sdelay $0x7  }
0x1ca: {  	v0 =	vld.idx.msk [tilespmem:v0+s5+$0x0], $0xffff;
	_ =	sdelay $0x4  }
0x1cb: {  	v37 =	vshll.u32 v0, $0x1  }
0x1cc: {  	vm7 =	vlt.s32 v0, $0xC380;
	v0 =	vadd.s32 $0xFFFE7901, v37  }
0x1cd: {  	v0 =	vsel vm7, v37, v0  }
0x1ce: {  	[tilespmem:$0xC9F0] =	vst v0;
	v0 =	vld [tilespmem:$0x1FF20];
	_ =	sdelay $0x7  }
0x1cf: {  	v0 =	vld.idx.msk [tilespmem:v0+s5+$0x0], $0xffff;
	_ =	sdelay $0x4  }
0x1d0: {  	v37 =	vshll.u32 v0, $0x1  }
0x1d1: {  	vm8 =	vlt.s32 v0, $0xC380;
	v0 =	vadd.s32 $0xFFFE7901, v37  }
0x1d2: {  	v0 =	vsel vm8, v37, v0  }
0x1d3: {  	[tilespmem:$0xCA00] =	vst v0;
	v0 =	vld [tilespmem:$0x1FF40];
	_ =	sdelay $0x7  }
0x1d4: {  	v0 =	vld.idx.msk [tilespmem:v0+s5+$0x0], $0xffff;
	_ =	sdelay $0x4  }
0x1d5: {  	v37 =	vshll.u32 v0, $0x1  }
0x1d6: {  	vm9 =	vlt.s32 v0, $0xC380;
	v0 =	vadd.s32 $0xFFFE7901, v37  }
0x1d7: {  	v0 =	vsel vm9, v37, v0  }
0x1d8: {  	[tilespmem:$0xCA10] =	vst v0;
	v0 =	vld [tilespmem:$0x1FF60];
	_ =	sdelay $0x7  }
0x1d9: {  	v0 =	vld.idx.msk [tilespmem:v0+s5+$0x0], $0xffff;
	_ =	sdelay $0x4  }
0x1da: {  	v37 =	vshll.u32 v0, $0x1  }
0x1db: {  	vm10 =	vlt.s32 v0, $0xC380;
	v0 =	vadd.s32 $0xFFFE7901, v37  }
0x1dc: {  	v0 =	vsel vm10, v37, v0  }
0x1dd: {  	[tilespmem:$0xCA20] =	vst v0;
	v0 =	vld [tilespmem:$0x1FF80];
	_ =	sdelay $0x7  }
0x1de: {  	v0 =	vld.idx.msk [tilespmem:v0+s5+$0x0], $0xffff;
	_ =	sdelay $0x4  }
0x1df: {  	v37 =	vshll.u32 v0, $0x1  }
0x1e0: {  	vm11 =	vlt.s32 v0, $0xC380;
	v0 =	vadd.s32 $0xFFFE7901, v37  }
0x1e1: {  	v0 =	vsel vm11, v37, v0  }
0x1e2: {  	[tilespmem:$0xCA30] =	vst v0;
	v0 =	vld [tilespmem:$0x1FF90];
	_ =	sdelay $0x7  }
0x1e3: {  	v0 =	vld.idx.msk [tilespmem:v0+s5+$0x0], $0xffff;
	_ =	sdelay $0x4  }
0x1e4: {  	v37 =	vshll.u32 v0, $0x1  }
0x1e5: {  	vm12 =	vlt.s32 v0, $0xC380;
	v0 =	vadd.s32 $0xFFFE7901, v37  }
0x1e6: {  	v0 =	vsel vm12, v37, v0  }
0x1e7: {  	[tilespmem:$0xCA40] =	vst v0;
	v0 =	vld [tilespmem:$0x1FFA0];
	_ =	sdelay $0x7  }
0x1e8: {  	v0 =	vld.idx.msk [tilespmem:v0+s5+$0x0], $0xffff;
	_ =	sdelay $0x4  }
0x1e9: {  	v37 =	vshll.u32 v0, $0x1  }
0x1ea: {  	vm13 =	vlt.s32 v0, $0xC380;
	v0 =	vadd.s32 $0xFFFE7901, v37  }
0x1eb: {  	v0 =	vsel vm13, v37, v0  }
0x1ec: {  	[tilespmem:$0xCA50] =	vst v0  }
0x1ed: {  	v0 =	vld.idx.msk [tilespmem:v38+s5+$0x0], $0xffff;
	_ =	sdelay $0x4  }
0x1ee: {  	v37 =	vshll.u32 v0, $0x1  }
0x1ef: {  	vm14 =	vlt.s32 v0, $0xC380;
	v0 =	vadd.s32 $0xFFFE7901, v37  }
0x1f0: {  	v0 =	vsel vm14, v37, v0  }
0x1f1: {  	[tilespmem:$0xCA60] =	vst v0  }
0x1f2: {  	v0 =	vld.idx.msk [tilespmem:v39+s5+$0x0], $0xffff;
	_ =	sdelay $0x4  }
0x1f3: {  	v37 =	vshll.u32 v0, $0x1  }
0x1f4: {  	vm15 =	vlt.s32 v0, $0xC380;
	v0 =	vadd.s32 $0xFFFE7901, v37  }
0x1f5: {  	v0 =	vsel vm15, v37, v0  }
0x1f6: {  	[tilespmem:$0xCA70] =	vst v0  }
0x1f7: {  	v0 =	vld.idx.msk [tilespmem:v40+s5+$0x0], $0xffff;
	_ =	sdelay $0x4  }
0x1f8: {  	v37 =	vshll.u32 v0, $0x1  }
0x1f9: {  	vm4 =	vlt.s32 v0, $0xC380;
	v0 =	vadd.s32 $0xFFFE7901, v37  }
0x1fa: {  	v0 =	vsel vm4, v37, v0  }
0x1fb: {  	[tilespmem:$0xCA80] =	vst v0  }
0x1fc: {  	v0 =	vld.idx.msk [tilespmem:v41+s5+$0x0], $0xffff;
	_ =	sdelay $0x4  }
0x1fd: {  	v37 =	vshll.u32 v0, $0x1  }
0x1fe: {  	vm5 =	vlt.s32 v0, $0xC380;
	v0 =	vadd.s32 $0xFFFE7901, v37  }
0x1ff: {  	v0 =	vsel vm5, v37, v0  }
0x200: {  	[tilespmem:$0xCA90] =	vst v0  }
0x201: {  	v0 =	vld.idx.msk [tilespmem:v42+s5+$0x0], $0xffff;
	_ =	sdelay $0x4  }
0x202: {  	v37 =	vshll.u32 v0, $0x1  }
0x203: {  	vm6 =	vlt.s32 v0, $0xC380;
	v0 =	vadd.s32 $0xFFFE7901, v37  }
0x204: {  	v0 =	vsel vm6, v37, v0  }
0x205: {  	[tilespmem:$0xCAA0] =	vst v0  }
0x206: {  	v0 =	vld.idx.msk [tilespmem:v43+s5+$0x0], $0xffff;
	_ =	sdelay $0x4  }
0x207: {  	v37 =	vshll.u32 v0, $0x1  }
0x208: {  	vm7 =	vlt.s32 v0, $0xC380;
	v0 =	vadd.s32 $0xFFFE7901, v37  }
0x209: {  	v0 =	vsel vm7, v37, v0  }
0x20a: {  	[tilespmem:$0xCAB0] =	vst v0  }
0x20b: {  	v0 =	vld.idx.msk [tilespmem:v44+s5+$0x0], $0xffff;
	_ =	sdelay $0x4  }
0x20c: {  	v37 =	vshll.u32 v0, $0x1  }
0x20d: {  	vm8 =	vlt.s32 v0, $0xC380;
	v0 =	vadd.s32 $0xFFFE7901, v37  }
0x20e: {  	v0 =	vsel vm8, v37, v0  }
0x20f: {  	[tilespmem:$0xCAC0] =	vst v0  }
0x210: {  	v0 =	vld.idx.msk [tilespmem:v45+s5+$0x0], $0xffff;
	_ =	sdelay $0x4  }
0x211: {  	v37 =	vshll.u32 v0, $0x1  }
0x212: {  	vm9 =	vlt.s32 v0, $0xC380;
	v0 =	vadd.s32 $0xFFFE7901, v37  }
0x213: {  	v0 =	vsel vm9, v37, v0  }
0x214: {  	[tilespmem:$0xCAD0] =	vst v0  }
0x215: {  	v0 =	vld.idx.msk [tilespmem:v46+s5+$0x0], $0xffff;
	_ =	sdelay $0x4  }
0x216: {  	v37 =	vshll.u32 v0, $0x1  }
0x217: {  	vm10 =	vlt.s32 v0, $0xC380;
	v0 =	vadd.s32 $0xFFFE7901, v37  }
0x218: {  	v0 =	vsel vm10, v37, v0  }
0x219: {  	[tilespmem:$0xCAE0] =	vst v0  }
0x21a: {  	v0 =	vld.idx.msk [tilespmem:v47+s5+$0x0], $0xffff;
	_ =	sdelay $0x4  }
0x21b: {  	v37 =	vshll.u32 v0, $0x1  }
0x21c: {  	vm11 =	vlt.s32 v0, $0xC380;
	v0 =	vadd.s32 $0xFFFE7901, v37  }
0x21d: {  	v0 =	vsel vm11, v37, v0  }
0x21e: {  	[tilespmem:$0xCAF0] =	vst v0  }
0x21f: {  	v0 =	vld.idx.msk [tilespmem:v48+s5+$0x0], $0xffff;
	_ =	sdelay $0x4  }
0x220: {  	v37 =	vshll.u32 v0, $0x1  }
0x221: {  	vm12 =	vlt.s32 v0, $0xC380;
	v0 =	vadd.s32 $0xFFFE7901, v37  }
0x222: {  	v0 =	vsel vm12, v37, v0  }
0x223: {  	[tilespmem:$0xCB00] =	vst v0  }
0x224: {  	v0 =	vld.idx.msk [tilespmem:v49+s5+$0x0], $0xffff;
	_ =	sdelay $0x4  }
0x225: {  	v37 =	vshll.u32 v0, $0x1  }
0x226: {  	vm13 =	vlt.s32 v0, $0xC380;
	v0 =	vadd.s32 $0xFFFE7901, v37  }
0x227: {  	v0 =	vsel vm13, v37, v0  }
0x228: {  	[tilespmem:$0xCB10] =	vst v0  }
0x229: {  	v0 =	vld.idx.msk [tilespmem:v50+s5+$0x0], $0xffff;
	_ =	sdelay $0x4  }
0x22a: {  	v37 =	vshll.u32 v0, $0x1  }
0x22b: {  	vm14 =	vlt.s32 v0, $0xC380;
	v0 =	vadd.s32 $0xFFFE7901, v37  }
0x22c: {  	v0 =	vsel vm14, v37, v0  }
0x22d: {  	[tilespmem:$0xCB20] =	vst v0  }
0x22e: {  	v0 =	vld.idx.msk [tilespmem:v51+s5+$0x0], $0xffff;
	_ =	sdelay $0x4  }
0x22f: {  	v37 =	vshll.u32 v0, $0x1  }
0x230: {  	vm15 =	vlt.s32 v0, $0xC380;
	v0 =	vadd.s32 $0xFFFE7901, v37  }
0x231: {  	v0 =	vsel vm15, v37, v0  }
0x232: {  	[tilespmem:$0xCB30] =	vst v0  }
0x233: {  	v0 =	vld.idx.msk [tilespmem:v52+s5+$0x0], $0xffff;
	_ =	sdelay $0x4  }
0x234: {  	v37 =	vshll.u32 v0, $0x1  }
0x235: {  	vm4 =	vlt.s32 v0, $0xC380;
	v0 =	vadd.s32 $0xFFFE7901, v37  }
0x236: {  	v0 =	vsel vm4, v37, v0  }
0x237: {  	[tilespmem:$0xCB40] =	vst v0  }
0x238: {  	v0 =	vld.idx.msk [tilespmem:v53+s5+$0x0], $0xffff;
	_ =	sdelay $0x4  }
0x239: {  	v37 =	vshll.u32 v0, $0x1  }
0x23a: {  	vm5 =	vlt.s32 v0, $0xC380;
	v0 =	vadd.s32 $0xFFFE7901, v37  }
0x23b: {  	v0 =	vsel vm5, v37, v0  }
0x23c: {  	[tilespmem:$0xCB50] =	vst v0  }
0x23d: {  	v0 =	vld.idx.msk [tilespmem:v54+s5+$0x0], $0xffff;
	_ =	sdelay $0x4  }
0x23e: {  	v37 =	vshll.u32 v0, $0x1  }
0x23f: {  	vm6 =	vlt.s32 v0, $0xC380;
	v0 =	vadd.s32 $0xFFFE7901, v37  }
0x240: {  	v0 =	vsel vm6, v37, v0  }
0x241: {  	[tilespmem:$0xCB60] =	vst v0  }
0x242: {  	v0 =	vld.idx.msk [tilespmem:v55+s5+$0x0], $0xffff;
	_ =	sdelay $0x4  }
0x243: {  	v37 =	vshll.u32 v0, $0x1  }
0x244: {  	vm7 =	vlt.s32 v0, $0xC380;
	v0 =	vadd.s32 $0xFFFE7901, v37  }
0x245: {  	v0 =	vsel vm7, v37, v0  }
0x246: {  	[tilespmem:$0xCB70] =	vst v0  }
0x247: {  	v0 =	vld.idx.msk [tilespmem:v56+s5+$0x0], $0xffff;
	_ =	sdelay $0x4  }
0x248: {  	v37 =	vshll.u32 v0, $0x1  }
0x249: {  	vm8 =	vlt.s32 v0, $0xC380;
	v0 =	vadd.s32 $0xFFFE7901, v37  }
0x24a: {  	v0 =	vsel vm8, v37, v0  }
0x24b: {  	[tilespmem:$0xCB80] =	vst v0  }
0x24c: {  	v0 =	vld.idx.msk [tilespmem:v57+s5+$0x0], $0xffff;
	_ =	sdelay $0x4  }
0x24d: {  	v37 =	vshll.u32 v0, $0x1  }
0x24e: {  	vm9 =	vlt.s32 v0, $0xC380;
	v0 =	vadd.s32 $0xFFFE7901, v37  }
0x24f: {  	v0 =	vsel vm9, v37, v0  }
0x250: {  	[tilespmem:$0xCB90] =	vst v0  }
0x251: {  	v0 =	vld.idx.msk [tilespmem:v58+s5+$0x0], $0xffff;
	_ =	sdelay $0x4  }
0x252: {  	v37 =	vshll.u32 v0, $0x1  }
0x253: {  	vm10 =	vlt.s32 v0, $0xC380;
	v0 =	vadd.s32 $0xFFFE7901, v37  }
0x254: {  	v0 =	vsel vm10, v37, v0  }
0x255: {  	[tilespmem:$0xCBA0] =	vst v0  }
0x256: {  	v0 =	vld.idx.msk [tilespmem:v59+s5+$0x0], $0xffff;
	_ =	sdelay $0x4  }
0x257: {  	v37 =	vshll.u32 v0, $0x1  }
0x258: {  	vm11 =	vlt.s32 v0, $0xC380;
	v0 =	vadd.s32 $0xFFFE7901, v37  }
0x259: {  	v0 =	vsel vm11, v37, v0  }
0x25a: {  	[tilespmem:$0xCBB0] =	vst v0  }
0x25b: {  	v0 =	vld.idx.msk [tilespmem:v60+s5+$0x0], $0xffff;
	_ =	sdelay $0x4  }
0x25c: {  	v37 =	vshll.u32 v0, $0x1  }
0x25d: {  	vm12 =	vlt.s32 v0, $0xC380;
	v0 =	vadd.s32 $0xFFFE7901, v37  }
0x25e: {  	v0 =	vsel vm12, v37, v0  }
0x25f: {  	[tilespmem:$0xCBC0] =	vst v0  }
0x260: {  	v0 =	vld.idx.msk [tilespmem:v61+s5+$0x0], $0xffff;
	_ =	sdelay $0x4  }
0x261: {  	v37 =	vshll.u32 v0, $0x1  }
0x262: {  	vm13 =	vlt.s32 v0, $0xC380;
	v0 =	vadd.s32 $0xFFFE7901, v37  }
0x263: {  	v0 =	vsel vm13, v37, v0  }
0x264: {  	[tilespmem:$0xCBD0] =	vst v0  }
0x265: {  	v0 =	vld.idx.msk [tilespmem:v62+s5+$0x0], $0xffff;
	_ =	sdelay $0x4  }
0x266: {  	v37 =	vshll.u32 v0, $0x1  }
0x267: {  	vm14 =	vlt.s32 v0, $0xC380;
	v0 =	vadd.s32 $0xFFFE7901, v37  }
0x268: {  	v0 =	vsel vm14, v37, v0  }
0x269: {  	[tilespmem:$0xCBE0] =	vst v0  }
0x26a: {  	v0 =	vld.idx.msk [tilespmem:v63+s5+$0x0], $0xffff;
	_ =	sdelay $0x4  }
0x26b: {  	v37 =	vshll.u32 v0, $0x1  }
0x26c: {  	vm15 =	vlt.s32 v0, $0xC380;
	v0 =	vadd.s32 $0xFFFE7901, v37  }
0x26d: {  	v0 =	vsel vm15, v37, v0  }
0x26e: {  	[tilespmem:$0xCBF0] =	vst v0  }
0x26f: {  	v0 =	vld.idx.msk [tilespmem:v36+s5+$0x0], $0xffff;
	_ =	sdelay $0x4  }
0x270: {  	v37 =	vshll.u32 v0, $0x1  }
0x271: {  	vm4 =	vlt.s32 v0, $0xC380;
	v0 =	vadd.s32 $0xFFFE7901, v37  }
0x272: {  	v0 =	vsel vm4, v37, v0  }
0x273: {  	[tilespmem:$0xCC00] =	vst v0  }
0x274: {  	v0 =	vld.idx.msk [tilespmem:v1+s5+$0x0], $0xffff;
	_ =	sdelay $0x4  }
0x275: {  	v37 =	vshll.u32 v0, $0x1  }
0x276: {  	vm5 =	vlt.s32 v0, $0xC380;
	v0 =	vadd.s32 $0xFFFE7901, v37  }
0x277: {  	v0 =	vsel vm5, v37, v0  }
0x278: {  	[tilespmem:$0xCC10] =	vst v0  }
0x279: {  	v0 =	vld.idx.msk [tilespmem:v2+s5+$0x0], $0xffff;
	_ =	sdelay $0x4  }
0x27a: {  	v37 =	vshll.u32 v0, $0x1  }
0x27b: {  	vm6 =	vlt.s32 v0, $0xC380;
	v0 =	vadd.s32 $0xFFFE7901, v37  }
0x27c: {  	v0 =	vsel vm6, v37, v0  }
0x27d: {  	[tilespmem:$0xCC20] =	vst v0  }
0x27e: {  	v0 =	vld.idx.msk [tilespmem:v3+s5+$0x0], $0xffff;
	_ =	sdelay $0x4  }
0x27f: {  	v37 =	vshll.u32 v0, $0x1  }
0x280: {  	vm7 =	vlt.s32 v0, $0xC380;
	v0 =	vadd.s32 $0xFFFE7901, v37  }
0x281: {  	v0 =	vsel vm7, v37, v0  }
0x282: {  	[tilespmem:$0xCC30] =	vst v0  }
0x283: {  	v0 =	vld.idx.msk [tilespmem:v4+s5+$0x0], $0xffff;
	_ =	sdelay $0x4  }
0x284: {  	v37 =	vshll.u32 v0, $0x1  }
0x285: {  	vm8 =	vlt.s32 v0, $0xC380;
	v0 =	vadd.s32 $0xFFFE7901, v37  }
0x286: {  	v0 =	vsel vm8, v37, v0  }
0x287: {  	[tilespmem:$0xCC40] =	vst v0  }
0x288: {  	v0 =	vld.idx.msk [tilespmem:v5+s5+$0x0], $0xffff;
	_ =	sdelay $0x4  }
0x289: {  	v37 =	vshll.u32 v0, $0x1  }
0x28a: {  	vm9 =	vlt.s32 v0, $0xC380;
	v0 =	vadd.s32 $0xFFFE7901, v37  }
0x28b: {  	v0 =	vsel vm9, v37, v0  }
0x28c: {  	[tilespmem:$0xCC50] =	vst v0  }
0x28d: {  	v0 =	vld.idx.msk [tilespmem:v6+s5+$0x0], $0xffff;
	_ =	sdelay $0x4  }
0x28e: {  	v37 =	vshll.u32 v0, $0x1  }
0x28f: {  	vm10 =	vlt.s32 v0, $0xC380;
	v0 =	vadd.s32 $0xFFFE7901, v37  }
0x290: {  	v0 =	vsel vm10, v37, v0  }
0x291: {  	[tilespmem:$0xCC60] =	vst v0  }
0x292: {  	v0 =	vld.idx.msk [tilespmem:v7+s5+$0x0], $0xffff;
	_ =	sdelay $0x4  }
0x293: {  	v37 =	vshll.u32 v0, $0x1  }
0x294: {  	vm11 =	vlt.s32 v0, $0xC380;
	v0 =	vadd.s32 $0xFFFE7901, v37  }
0x295: {  	v0 =	vsel vm11, v37, v0  }
0x296: {  	[tilespmem:$0xCC70] =	vst v0  }
0x297: {  	v0 =	vld.idx.msk [tilespmem:v8+s5+$0x0], $0xffff;
	_ =	sdelay $0x4  }
0x298: {  	v37 =	vshll.u32 v0, $0x1  }
0x299: {  	vm12 =	vlt.s32 v0, $0xC380;
	v0 =	vadd.s32 $0xFFFE7901, v37  }
0x29a: {  	v0 =	vsel vm12, v37, v0  }
0x29b: {  	[tilespmem:$0xCC80] =	vst v0  }
0x29c: {  	v0 =	vld.idx.msk [tilespmem:v9+s5+$0x0], $0xffff;
	_ =	sdelay $0x4  }
0x29d: {  	v37 =	vshll.u32 v0, $0x1  }
0x29e: {  	vm13 =	vlt.s32 v0, $0xC380;
	v0 =	vadd.s32 $0xFFFE7901, v37  }
0x29f: {  	v0 =	vsel vm13, v37, v0  }
0x2a0: {  	[tilespmem:$0xCC90] =	vst v0  }
0x2a1: {  	v0 =	vld.idx.msk [tilespmem:v10+s5+$0x0], $0xffff;
	_ =	sdelay $0x4  }
0x2a2: {  	v37 =	vshll.u32 v0, $0x1  }
0x2a3: {  	vm14 =	vlt.s32 v0, $0xC380;
	v0 =	vadd.s32 $0xFFFE7901, v37  }
0x2a4: {  	v0 =	vsel vm14, v37, v0  }
0x2a5: {  	[tilespmem:$0xCCA0] =	vst v0  }
0x2a6: {  	v0 =	vld.idx.msk [tilespmem:v11+s5+$0x0], $0xffff;
	_ =	sdelay $0x4  }
0x2a7: {  	v37 =	vshll.u32 v0, $0x1  }
0x2a8: {  	vm15 =	vlt.s32 v0, $0xC380;
	v0 =	vadd.s32 $0xFFFE7901, v37  }
0x2a9: {  	v0 =	vsel vm15, v37, v0  }
0x2aa: {  	[tilespmem:$0xCCB0] =	vst v0  }
0x2ab: {  	v0 =	vld.idx.msk [tilespmem:v12+s5+$0x0], $0xffff;
	_ =	sdelay $0x4  }
0x2ac: {  	v37 =	vshll.u32 v0, $0x1  }
0x2ad: {  	vm4 =	vlt.s32 v0, $0xC380;
	v0 =	vadd.s32 $0xFFFE7901, v37  }
0x2ae: {  	v0 =	vsel vm4, v37, v0  }
0x2af: {  	[tilespmem:$0xCCC0] =	vst v0  }
0x2b0: {  	v0 =	vld.idx.msk [tilespmem:v13+s5+$0x0], $0xffff;
	_ =	sdelay $0x4  }
0x2b1: {  	v37 =	vshll.u32 v0, $0x1  }
0x2b2: {  	vm5 =	vlt.s32 v0, $0xC380;
	v0 =	vadd.s32 $0xFFFE7901, v37  }
0x2b3: {  	v0 =	vsel vm5, v37, v0  }
0x2b4: {  	[tilespmem:$0xCCD0] =	vst v0  }
0x2b5: {  	v0 =	vld.idx.msk [tilespmem:v14+s5+$0x0], $0xffff;
	_ =	sdelay $0x4  }
0x2b6: {  	v37 =	vshll.u32 v0, $0x1  }
0x2b7: {  	vm6 =	vlt.s32 v0, $0xC380;
	v0 =	vadd.s32 $0xFFFE7901, v37  }
0x2b8: {  	v0 =	vsel vm6, v37, v0  }
0x2b9: {  	[tilespmem:$0xCCE0] =	vst v0  }
0x2ba: {  	v0 =	vld.idx.msk [tilespmem:v15+s5+$0x0], $0xffff;
	_ =	sdelay $0x4  }
0x2bb: {  	v37 =	vshll.u32 v0, $0x1  }
0x2bc: {  	vm7 =	vlt.s32 v0, $0xC380;
	v0 =	vadd.s32 $0xFFFE7901, v37  }
0x2bd: {  	v0 =	vsel vm7, v37, v0  }
0x2be: {  	[tilespmem:$0xCCF0] =	vst v0  }
0x2bf: {  	v0 =	vld.idx.msk [tilespmem:v16+s5+$0x0], $0xffff;
	_ =	sdelay $0x4  }
0x2c0: {  	v37 =	vshll.u32 v0, $0x1  }
0x2c1: {  	vm8 =	vlt.s32 v0, $0xC380;
	v0 =	vadd.s32 $0xFFFE7901, v37  }
0x2c2: {  	v0 =	vsel vm8, v37, v0  }
0x2c3: {  	[tilespmem:$0xCD00] =	vst v0  }
0x2c4: {  	v0 =	vld.idx.msk [tilespmem:v17+s5+$0x0], $0xffff;
	_ =	sdelay $0x4  }
0x2c5: {  	v37 =	vshll.u32 v0, $0x1  }
0x2c6: {  	vm9 =	vlt.s32 v0, $0xC380;
	v0 =	vadd.s32 $0xFFFE7901, v37  }
0x2c7: {  	v0 =	vsel vm9, v37, v0  }
0x2c8: {  	[tilespmem:$0xCD10] =	vst v0  }
0x2c9: {  	v0 =	vld.idx.msk [tilespmem:v18+s5+$0x0], $0xffff;
	_ =	sdelay $0x4  }
0x2ca: {  	v37 =	vshll.u32 v0, $0x1  }
0x2cb: {  	vm10 =	vlt.s32 v0, $0xC380;
	v0 =	vadd.s32 $0xFFFE7901, v37  }
0x2cc: {  	v0 =	vsel vm10, v37, v0  }
0x2cd: {  	[tilespmem:$0xCD20] =	vst v0  }
0x2ce: {  	v0 =	vld.idx.msk [tilespmem:v19+s5+$0x0], $0xffff;
	_ =	sdelay $0x4  }
0x2cf: {  	v37 =	vshll.u32 v0, $0x1  }
0x2d0: {  	vm11 =	vlt.s32 v0, $0xC380;
	v0 =	vadd.s32 $0xFFFE7901, v37  }
0x2d1: {  	v0 =	vsel vm11, v37, v0  }
0x2d2: {  	[tilespmem:$0xCD30] =	vst v0  }
0x2d3: {  	v0 =	vld.idx.msk [tilespmem:v20+s5+$0x0], $0xffff;
	_ =	sdelay $0x4  }
0x2d4: {  	v37 =	vshll.u32 v0, $0x1  }
0x2d5: {  	vm12 =	vlt.s32 v0, $0xC380;
	v0 =	vadd.s32 $0xFFFE7901, v37  }
0x2d6: {  	v0 =	vsel vm12, v37, v0  }
0x2d7: {  	[tilespmem:$0xCD40] =	vst v0  }
0x2d8: {  	v0 =	vld.idx.msk [tilespmem:v21+s5+$0x0], $0xffff;
	_ =	sdelay $0x4  }
0x2d9: {  	v37 =	vshll.u32 v0, $0x1  }
0x2da: {  	vm13 =	vlt.s32 v0, $0xC380;
	v0 =	vadd.s32 $0xFFFE7901, v37  }
0x2db: {  	v0 =	vsel vm13, v37, v0  }
0x2dc: {  	[tilespmem:$0xCD50] =	vst v0  }
0x2dd: {  	v0 =	vld.idx.msk [tilespmem:v22+s5+$0x0], $0xffff;
	_ =	sdelay $0x4  }
0x2de: {  	v37 =	vshll.u32 v0, $0x1  }
0x2df: {  	vm14 =	vlt.s32 v0, $0xC380;
	v0 =	vadd.s32 $0xFFFE7901, v37  }
0x2e0: {  	v0 =	vsel vm14, v37, v0  }
0x2e1: {  	[tilespmem:$0xCD60] =	vst v0  }
0x2e2: {  	v0 =	vld.idx.msk [tilespmem:v23+s5+$0x0], $0xffff;
	_ =	sdelay $0x4  }
0x2e3: {  	v37 =	vshll.u32 v0, $0x1  }
0x2e4: {  	vm15 =	vlt.s32 v0, $0xC380;
	v0 =	vadd.s32 $0xFFFE7901, v37  }
0x2e5: {  	v0 =	vsel vm15, v37, v0  }
0x2e6: {  	[tilespmem:$0xCD70] =	vst v0  }
0x2e7: {  	v0 =	vld.idx.msk [tilespmem:v24+s5+$0x0], $0xffff;
	_ =	sdelay $0x4  }
0x2e8: {  	v37 =	vshll.u32 v0, $0x1  }
0x2e9: {  	vm4 =	vlt.s32 v0, $0xC380;
	v0 =	vadd.s32 $0xFFFE7901, v37  }
0x2ea: {  	v0 =	vsel vm4, v37, v0  }
0x2eb: {  	[tilespmem:$0xCD80] =	vst v0  }
0x2ec: {  	v0 =	vld.idx.msk [tilespmem:v25+s5+$0x0], $0xffff;
	_ =	sdelay $0x4  }
0x2ed: {  	v37 =	vshll.u32 v0, $0x1  }
0x2ee: {  	vm5 =	vlt.s32 v0, $0xC380;
	v0 =	vadd.s32 $0xFFFE7901, v37  }
0x2ef: {  	v0 =	vsel vm5, v37, v0  }
0x2f0: {  	[tilespmem:$0xCD90] =	vst v0  }
0x2f1: {  	v0 =	vld.idx.msk [tilespmem:v26+s5+$0x0], $0xffff;
	_ =	sdelay $0x4  }
0x2f2: {  	v37 =	vshll.u32 v0, $0x1  }
0x2f3: {  	vm6 =	vlt.s32 v0, $0xC380;
	v0 =	vadd.s32 $0xFFFE7901, v37  }
0x2f4: {  	v0 =	vsel vm6, v37, v0  }
0x2f5: {  	[tilespmem:$0xCDA0] =	vst v0  }
0x2f6: {  	v0 =	vld.idx.msk [tilespmem:v27+s5+$0x0], $0xffff;
	_ =	sdelay $0x4  }
0x2f7: {  	v37 =	vshll.u32 v0, $0x1  }
0x2f8: {  	vm7 =	vlt.s32 v0, $0xC380;
	v0 =	vadd.s32 $0xFFFE7901, v37  }
0x2f9: {  	v0 =	vsel vm7, v37, v0  }
0x2fa: {  	[tilespmem:$0xCDB0] =	vst v0  }
0x2fb: {  	v0 =	vld.idx.msk [tilespmem:v28+s5+$0x0], $0xffff;
	_ =	sdelay $0x4  }
0x2fc: {  	v37 =	vshll.u32 v0, $0x1  }
0x2fd: {  	vm8 =	vlt.s32 v0, $0xC380;
	v0 =	vadd.s32 $0xFFFE7901, v37  }
0x2fe: {  	v0 =	vsel vm8, v37, v0  }
0x2ff: {  	[tilespmem:$0xCDC0] =	vst v0  }
0x300: {  	v0 =	vld.idx.msk [tilespmem:v29+s5+$0x0], $0xffff;
	_ =	sdelay $0x4  }
0x301: {  	v37 =	vshll.u32 v0, $0x1  }
0x302: {  	vm9 =	vlt.s32 v0, $0xC380;
	v0 =	vadd.s32 $0xFFFE7901, v37  }
0x303: {  	v0 =	vsel vm9, v37, v0  }
0x304: {  	[tilespmem:$0xCDD0] =	vst v0  }
0x305: {  	v0 =	vld.idx.msk [tilespmem:v30+s5+$0x0], $0xffff;
	_ =	sdelay $0x4  }
0x306: {  	v37 =	vshll.u32 v0, $0x1  }
0x307: {  	vm10 =	vlt.s32 v0, $0xC380;
	v0 =	vadd.s32 $0xFFFE7901, v37  }
0x308: {  	v0 =	vsel vm10, v37, v0  }
0x309: {  	[tilespmem:$0xCDE0] =	vst v0  }
0x30a: {  	v0 =	vld.idx.msk [tilespmem:v31+s5+$0x0], $0xffff;
	_ =	sdelay $0x4  }
0x30b: {  	v37 =	vshll.u32 v0, $0x1  }
0x30c: {  	vm11 =	vlt.s32 v0, $0xC380;
	v0 =	vadd.s32 $0xFFFE7901, v37  }
0x30d: {  	v0 =	vsel vm11, v37, v0  }
0x30e: {  	[tilespmem:$0xCDF0] =	vst v0  }
0x30f: {  	v0 =	vld.idx.msk [tilespmem:v32+s5+$0x0], $0xffff;
	_ =	sdelay $0x4  }
0x310: {  	v37 =	vshll.u32 v0, $0x1  }
0x311: {  	vm12 =	vlt.s32 v0, $0xC380;
	v0 =	vadd.s32 $0xFFFE7901, v37  }
0x312: {  	v0 =	vsel vm12, v37, v0  }
0x313: {  	[tilespmem:$0xCE00] =	vst v0  }
0x314: {  	v0 =	vld.idx.msk [tilespmem:v33+s5+$0x0], $0xffff;
	_ =	sdelay $0x4  }
0x315: {  	v37 =	vshll.u32 v0, $0x1  }
0x316: {  	vm13 =	vlt.s32 v0, $0xC380;
	v0 =	vadd.s32 $0xFFFE7901, v37  }
0x317: {  	v0 =	vsel vm13, v37, v0  }
0x318: {  	[tilespmem:$0xCE10] =	vst v0  }
0x319: {  	v0 =	vld.idx.msk [tilespmem:v34+s5+$0x0], $0xffff;
	_ =	sdelay $0x4  }
0x31a: {  	v37 =	vshll.u32 v0, $0x1  }
0x31b: {  	vm14 =	vlt.s32 v0, $0xC380;
	v0 =	vadd.s32 $0xFFFE7901, v37  }
0x31c: {  	v0 =	vsel vm14, v37, v0  }
0x31d: {  	[tilespmem:$0xCE20] =	vst v0  }
0x31e: {  	v0 =	vld.idx.msk [tilespmem:v35+s5+$0x0], $0xffff;
	_ =	sdelay $0x4  }
0x31f: {  	v37 =	vshll.u32 v0, $0x1  }
0x320: {  	vm15 =	vlt.s32 v0, $0xC380;
	v0 =	vadd.s32 $0xFFFE7901, v37  }
0x321: {  	p0 =	sne.s32 s2, $0x1;
	v0 =	vsel vm15, v37, v0  }
.Ltmp0:
0x322: {  	[tilespmem:$0xCE30] =	vst v0;
	(pc) =	sbr.rel @p0 .LBB2_1-.Ltmp0, $4  }
0x323: {  	[hbm4b:s1+s5] =	stream.linear.scatter [tilespmem:s7], [sflag:$0x1], $0x640, $0x38;
	[tilespmem:$0xCE40] =	vst v63  }
0x324: {  	_ =	swait.ge [sflag:s6], $0x640  }
0x325: {  	[sflag:s6] =	ssyncset.done $0x0  }
0x326: {  	s2 =	sadd.s32 $0xFFFFFFFF, s2;
	[sflag:s6] =	ssyncadd.s32 $0xFFFFF9C0  }
0x327: {  	_ =	sfence.sel $0x180000  }
0x328: {  	[bflag:$0x0] =	sbarrier.arrive $0xFFFF  }
0x329: {  	p0 =	sne.s32 s0, $0x0;
	_ =	strace $0x90000047  }
0x32a: {  	s0 =	sadd.s32 @!p0 $0x100000, s4;
	[bflag:$0x2] =	sbarrier.arrive $0xFFFF  }
0x32b: {  	[sflag:s0] =	ssyncadd.tile.s32 @!p0 $0x1;
	_ =	shalt  }
.Lfunc_end2:
_tile_overlayer_lowered:
.L_overlay_start_2:
0x32c: {  	(tag) =	ssettag $0x2  }
0x32d: {  	s0 =	rddreg [dreg:$0x0];
	s2 =	stileid.u32  }
0x32e: {  	s1 =	rddreg [dreg:$0x1];
	p0 =	sne.s32 s2, $0x0  }
0x32f: {  	s3 =	rddreg [dreg:$0x2];
	[bflag:$0x3] =	sbarrier.arrive $0xFFFF;
	s2 =	simm.s32 @!p0 $0x1C01  }
0x330: {  	[timem:s3], [sflag:s2] =	dma.local @!p0 [hbm:s0], s1  }
0x331: {  	s0 =	simm.s32 @!p0 $0x1  }
0x332: {  	_ =	swait.ge @!p0 [sflag:s0], s1  }
0x333: {  	s1 =	ssub.s32 @!p0 $0x0, s1;
	[sflag:s0] =	ssyncset.done @!p0 $0x0  }
0x334: {  	[sflag:s0] =	ssyncadd.s32 @!p0 s1  }
0x335: {  	[bflag:$0x3] =	sbarrier.arrive $0xFFFF  }
0x336: {  	_ =	shalt  }

// kernel: kernel.9.cloned.1.call-start
scs
__scs_entry_jumppad:
0x0: {  	(pc) =	sbr.rel $0x88, $3  }
0x1: {  	(tag) =	ssettag $0x0;
	lr =	simm.s32 $0x1  }
0x2: {  	[smem:$0x3F9A] =	sst lr;
	_ =	strace $0xD0000000  }
0x3: {  	_ = 	snop  }
0x4: {  	_ = 	snop  }
0x5: {  	_ = 	snop  }
0x6: {  	_ = 	snop  }
0x7: {  	_ = 	snop  }
__scs_overlays_trampoline_lowered:
0x8: {  	[smem:$0x3FA9] =	sst s0  }
0x9: {  	[smem:$0x3FAA] =	sst s1  }
0xa: {  	[smem:$0x3FAB] =	sst s2  }
0xb: {  	[smem:$0x3FAC] =	sst s3  }
0xc: {  	[smem:$0x3FAD] =	sst s4  }
0xd: {  	[smem:$0x3FAE] =	sst s5  }
0xe: {  	[smem:$0x3FAF] =	sst s6  }
0xf: {  	[smem:$0x3FB0] =	sst s7  }
0x10: {  	[smem:$0x3FB1] =	sst s8  }
0x11: {  	[smem:$0x3FB2] =	sst s9;
	s0 =	simm.s32 @!p0 $0x0  }
0x12: {  	s1 =	sld [smem:$0x3F98];
	s0 =	simm.s32 @p0 $0x1  }
0x13: {  	[smem:$0x3FB3] =	sst s0;
	s0 =	simm.s32 @!p1 $0x0  }
0x14: {  	s2 =	sld [smem:$0x3F97];
	s0 =	simm.s32 @p1 $0x1  }
0x15: {  	[smem:$0x3FB4] =	sst s0;
	s0 =	simm.s32 @!p2 $0x0  }
0x16: {  	s3 =	sld [smem:$0x3FDB];
	s0 =	simm.s32 @p2 $0x1  }
0x17: {  	s4 =	simm.s32 $0x1BF5;
	[smem:$0x3FB6] =	sst s0  }
0x18: {  	s0 =	sld [smem:$0x3F99];
	_ =	swait.ge [sflag:s4], $0x0  }
0x19: {  	s7 =	sld [smem:$0x3F9A]  }
0x1a: {  	s8 =	sadd.s32 $0xFFFFE003, lr  }
0x1b: {  	s9 =	sadd.s32 $0xFFFFFEF7, lr;
	s5 =	simm.s32 $0xFFFFFFFF;
	p2 =	slt.u32 s8, $0xFFFFF086  }
0x1c: {  	p1 =	slt.u32 s9, $0xF7A;
	s5 =	simm.s32 @!p2 $0x0  }
0x1d: {  	s5 =	simm.s32 @p1 $0x1;
	p0 =	seq.s32 s7, s2  }
0x1e: {  	s7 =	smul.u32 @!p0 $0xF7A, s2;
	p2 =	seq.s32 @!p0 s5, $0x0  }
0x1f: {  	s9 =	smul.u32 $0xF7A, s1;
	s8 =	simm.s32 @!p0 $0x1BF5;
	p2 =	por !p2, p0  }
0x20: {  	[sflag:s8] =	ssyncset.s32 @!p0 $0xFFFFF086;
	s6 =	sadd.s32 @!p0 s3, s7;
	s7 =	simm.s32 @!p0 $0x108  }
0x21: {  	s3 =	sadd.s32 s3, s9;
	s6 =	sadd.s32 @!p0 $0x88, s6;
	s7 =	simm.s32 @p2 $0x1082  }
0x22: {  	[simem:s7], [sflag:s8] =	dma.local @!p0 [hbm:s6], $0xF7A  }
0x23: {  	s9 =	sor.u32 $0xD0000000, s2;
	s6 =	simm.s32 $0x108;
	_ =	swait.ge @!p0 [sflag:s8], $0x0  }
0x24: {  	s3 =	sadd.s32 $0x88, s3;
	s6 =	simm.s32 @!p1 $0x1082;
	[sflag:s4] =	ssyncset.s32 $0xFFFFF086  }
0x25: {  	[simem:s6], [sflag:s4] =	dma.local [hbm:s3], $0xF7A  }
0x26: {  	[smem:$0x3F9A] =	sst s1;
	(tag) =	ssettag s2;
	_ =	strace s9  }
0x27: {  	s1 =	sld [smem:$0x3FAA]  }
0x28: {  	s2 =	sld [smem:$0x3FAB]  }
0x29: {  	s4 =	sld [smem:$0x3FAD]  }
0x2a: {  	p0 =	seq.s32 s5, $0x0;
	s5 =	sld [smem:$0x3FAE]  }
0x2b: {  	s6 =	sld [smem:$0x3FAF]  }
0x2c: {  	s7 =	sld [smem:$0x3FB0]  }
0x2d: {  	s3 =	simm.s32 $0x108;
	s8 =	sld [smem:$0x3FB1]  }
0x2e: {  	s3 =	simm.s32 @!p0 $0x1082;
	s9 =	sld [smem:$0x3FB2]  }
0x2f: {  	lr =	sadd.s32 s0, s3;
	s0 =	sld [smem:$0x3FA9]  }
0x30: {  	s3 =	sld [smem:$0x3FAC]  }
0x31: {  	[smem:$0x3FB5] =	sst s10  }
0x32: {  	s10 =	sld [smem:$0x3FB3];
	_ =	sdelay $0x3  }
0x33: {  	p0 =	seq.s32 s10, $0x1;
	s10 =	sld [smem:$0x3FB5];
	_ =	sdelay $0x3  }
0x34: {  	[smem:$0x3FB5] =	sst s10  }
0x35: {  	s10 =	sld [smem:$0x3FB4];
	_ =	sdelay $0x3  }
0x36: {  	p1 =	seq.s32 s10, $0x1;
	s10 =	sld [smem:$0x3FB5];
	_ =	sdelay $0x3  }
0x37: {  	[smem:$0x3FB5] =	sst s10  }
0x38: {  	s10 =	sld [smem:$0x3FB6]  }
0x39: {  	_ = 	snop;
	(pc) =	sbr.ind lr, $3  }
0x3a: {  	_ = 	snop  }
0x3b: {  	_ = 	snop  }
0x3c: {  	p2 =	seq.s32 s10, $0x1;
	s10 =	sld [smem:$0x3FB5]  }
0x3d: {  	_ =	shalt  }
0x3e: {  	_ =	shalt  }
0x3f: {  	_ =	shalt  }
0x40: {  	_ =	shalt  }
0x41: {  	_ =	shalt  }
0x42: {  	_ =	shalt  }
0x43: {  	_ =	shalt  }
0x44: {  	_ =	shalt  }
0x45: {  	_ =	shalt  }
0x46: {  	_ =	shalt  }
0x47: {  	_ =	shalt  }
0x48: {  	_ =	shalt  }
0x49: {  	_ =	shalt  }
0x4a: {  	_ =	shalt  }
0x4b: {  	_ =	shalt  }
0x4c: {  	_ =	shalt  }
0x4d: {  	_ =	shalt  }
0x4e: {  	_ =	shalt  }
0x4f: {  	_ =	shalt  }
0x50: {  	_ =	shalt  }
0x51: {  	_ =	shalt  }
0x52: {  	_ =	shalt  }
0x53: {  	_ =	shalt  }
0x54: {  	_ =	shalt  }
0x55: {  	_ =	shalt  }
0x56: {  	_ =	shalt  }
0x57: {  	_ =	shalt  }
0x58: {  	_ =	shalt  }
0x59: {  	_ =	shalt  }
0x5a: {  	_ =	shalt  }
0x5b: {  	_ =	shalt  }
0x5c: {  	_ =	shalt  }
0x5d: {  	_ =	shalt  }
0x5e: {  	_ =	shalt  }
0x5f: {  	_ =	shalt  }
0x60: {  	_ =	shalt  }
0x61: {  	_ =	shalt  }
0x62: {  	_ =	shalt  }
0x63: {  	_ =	shalt  }
0x64: {  	_ =	shalt  }
0x65: {  	_ =	shalt  }
0x66: {  	_ =	shalt  }
0x67: {  	_ =	shalt  }
0x68: {  	_ =	shalt  }
0x69: {  	_ =	shalt  }
0x6a: {  	_ =	shalt  }
0x6b: {  	_ =	shalt  }
0x6c: {  	_ =	shalt  }
0x6d: {  	_ =	shalt  }
0x6e: {  	_ =	shalt  }
0x6f: {  	_ =	shalt  }
0x70: {  	_ =	shalt  }
0x71: {  	_ =	shalt  }
0x72: {  	_ =	shalt  }
0x73: {  	_ =	shalt  }
0x74: {  	_ =	shalt  }
0x75: {  	_ =	shalt  }
0x76: {  	_ =	shalt  }
0x77: {  	_ =	shalt  }
0x78: {  	_ =	shalt  }
0x79: {  	_ =	shalt  }
0x7a: {  	_ =	shalt  }
0x7b: {  	_ =	shalt  }
0x7c: {  	_ =	shalt  }
0x7d: {  	_ =	shalt  }
0x7e: {  	_ =	shalt  }
0x7f: {  	_ =	shalt  }
0x80: {  	_ =	shalt  }
0x81: {  	_ =	shalt  }
0x82: {  	_ =	shalt  }
0x83: {  	_ =	shalt  }
0x84: {  	_ =	shalt  }
0x85: {  	_ =	shalt  }
0x86: {  	_ =	shalt  }
0x87: {  	_ =	shalt  }
.Lfunc_end0:
.L_simem_size_0:
called_computation.1_lowered:
.L_overlay_start_0:
0x88: {  	s2 =	sld [smem:$0x3FD9]  }
0x89: {  	s3 =	sld [smem:$0x3FFE];
	_ =	sdelay $0x1  }
0x8a: {  	s1 =	srdreg.scid  }
0x8b: {  	s0 =	sand.u32 $0x1, s1  }
0x8c: {  	s16 =	sshll.u32 s0, $0xA;
	s2 =	sadd.s32 s3, s2  }
0x8d: {  	s2 =	sadd.s32 s2, s16  }
0x8e: {  	[smem:$0x3FC1] =	sst s2  }
0x8f: {  	_ = 	snop  }
0x90: {  	(tm) =	ssettm $0x1  }
0x91: {  	s17 =	sld [smem:$0x3FFB];
	_ =	sdelay $0x3  }
0x92: {  	_ =	strace s17  }
0x93: {  	s2 =	sld [smem:$0x3FFC];
	_ =	sdelay $0x3  }
0x94: {  	_ =	strace s2  }
0x95: {  	s2 =	sld [smem:$0x3FFD];
	_ =	sdelay $0x3  }
0x96: {  	_ =	strace s2  }
0x97: {  	_ =	strace $0x8FFFFFFF  }
0x98: {  	s18 =	sld [smem:$0x3FDB];
	_ =	sdelay $0x1  }
0x99: {  	s19 =	simm.s32 $_scs_section_size  }
0x9a: {  	s4 =	simm.s32 $_size__tile_overlayer_lowered;
	s5 =	simm.s32 $_tile_overlayer_lowered  }
0x9b: {  	s22 =	simm.s32 $0x1BFF;
	s21 =	sshll.u32 s5, $0x1;
	s2 =	sadd.s32 s19, s18  }
0x9c: {  	s6 =	simm.s32 $0x0;
	s20 =	sshll.u32 s4, $0x1;
	s4 =	sadd.s32 s21, s2  }
0x9d: {  	[timem:s6], [sflag:s22] =	dma.local [hbm:s4], s20  }
0x9e: {  	_ =	swait.ge [sflag:s22], s20  }
0x9f: {  	s3 =	ssub.s32 $0x0, s20;
	[sflag:s22] =	ssyncset.done $0x0  }
0xa0: {  	[sflag:s22] =	ssyncadd.s32 s3;
	_ =	sdelay $0x1  }
0xa1: {  	s23 =	simm.s32 $0x1B8B  }
0xa2: {  	_ =	swait.ge [sflag:s23], $0x1  }
0xa3: {  	[sflag:s23] =	ssyncset.done $0x0  }
0xa4: {  	s25 =	simm.s32 $0x1B8E;
	s24 =	sld [smem:$0x3FFE];
	[sflag:s23] =	ssyncadd.s32 $0xFFFFFFFF  }
0xa5: {  	s26 =	simm.s32 $execute0_lowered;
	[smem:$0x3FD2] =	sst s25  }
0xa6: {  	s4 =	sshll.u32 s26, $0x1;
	_ =	strace $0x80000049;
	[dreg:$0x1] =	wrdreg $0xFFFFFFFF  }
0xa7: {  	s28 =	simm.s32 $_size_execute0_lowered;
	s2 =	sadd.s32 s2, s4;
	[dreg:$0x0] =	wrdreg $0x0  }
0xa8: {  	s4 =	sshll.u32 s28, $0x1;
	[dreg:$0x2] =	wrdreg s2  }
0xa9: {  	[dreg:$0x3] =	wrdreg s4  }
0xaa: {  	[dreg:$0x4] =	wrdreg $0xC0  }
0xab: {  	_ =	task [dreg:s6], $0x5FFFF  }
0xac: {  	[dreg:$0x1] =	wrdreg $0xFFFFFFFF  }
0xad: {  	[dreg:$0x0] =	wrdreg $0x60  }
0xae: {  	[dreg:$0x2] =	wrdreg s24  }
0xaf: {  	[dreg:$0x3] =	wrdreg $0x9  }
0xb0: {  	_ =	task.clear_ibuf [dreg:s6], $0x4FFFF;
	_ =	strace $0x90000049  }
0xb1: {  	s29 =	simm.s32 $0x9;
	_ =	strace $0x8000004B  }
0xb2: {  	_ =	swait.ge [sflag:s29], $0x1  }
0xb3: {  	[sflag:s29] =	ssyncadd.s32 $0xFFFFFFFF  }
0xb4: {  	_ =	strace $0x9000004B  }
0xb5: {  	_ =	sfence  }
0xb6: {  	s30 =	sld [smem:$0x0];
	_ =	sdelay $0x2  }
0xb7: {  	s31 =	sshll.u32 s1, $0xD;
	s1 =	sshrl.u32 s1, $0x2  }
0xb8: {  	s3 =	sand.u32 $0x4000, s31;
	s1 =	sadd.s32 s1, s30  }
0xb9: {  	s0 =	sor.u32 s3, s0;
	s1 =	sshll.u32 s1, $0x11  }
0xba: {  	s0 =	sor.u32 s1, s0  }
0xbb: {  	s0 =	sadd.s32 $0x8F2B, s0  }
0xbc: {  	[sflag:s0] =	ssyncadd.remote.s32 $0x1  }
0xbd: {  	_ =	sfence.sel $0xFFFF  }
0xbe: {  	[dreg:$0x0] =	wrdreg $0xFFFFFFFF;
	(pc) =	sbr.abs _section_cstart, $3  }
0xbf: {  	[dreg:$0x1] =	wrdreg $0xFFFFFFFF  }
0xc0: {  	_ =	task.clear_ibuf [dreg:s6], $0x2FFFF;
	_ =	strace $0x9FFFFFFF  }
0xc1: {  	(tm) =	ssettm $0x7FFFFFFF  }
tec
execute0_lowered:
.L_overlay_start_1:
0x0: {  	(tag) =	ssettag $0x1  }
0x1: {  	s1 =	srdreg.scid;
	s0 =	stileid.u32  }
0x2: {  	s1 =	sand.u32 $0x1, s1;
	s2 =	sshll.u32 s0, $0x1  }
0x3: {  	s4 =	rddreg [dreg:$0x0];
	s3 =	sor.u32 s1, s2;
	s2 =	simm.s32 $0x0  }
0x4: {  	s7 =	simm.s32 $0x1A40;
	[smem:$0x7FF] =	sst s2  }
0x5: {  	s8 =	simm.s32 $0xA0;
	_ =	strace $0x8000004A;
	[dreg:$0x4] =	wrdreg s7  }
0x6: {  	s9 =	simm.s32 $0x2E40;
	[dreg:$0x5] =	wrdreg s8  }
0x7: {  	s10 =	simm.s32 $0xF0;
	[dreg:$0x6] =	wrdreg s9  }
0x8: {  	s11 =	simm.s32 $0x4240;
	[dreg:$0x7] =	wrdreg s10  }
0x9: {  	s12 =	simm.s32 $0x140;
	[dreg:$0x8] =	wrdreg s11  }
0xa: {  	s13 =	simm.s32 $0x5640;
	[dreg:$0x9] =	wrdreg s12  }
0xb: {  	s14 =	simm.s32 $0x190;
	[dreg:$0xa] =	wrdreg s13  }
0xc: {  	s15 =	simm.s32 $0x6A40;
	[dreg:$0xb] =	wrdreg s14  }
0xd: {  	s16 =	simm.s32 $0x1E0;
	[dreg:$0xc] =	wrdreg s15  }
0xe: {  	s17 =	simm.s32 $0x7E40;
	[dreg:$0xd] =	wrdreg s16  }
0xf: {  	s18 =	simm.s32 $0x230;
	s5 =	smul.u32 $0xC8, s3;
	[dreg:$0xe] =	wrdreg s17  }
0x10: {  	s19 =	simm.s32 $0x9240;
	s3 =	smul.u32 $0x3200, s3;
	[dreg:$0xf] =	wrdreg s18  }
0x11: {  	s6 =	simm.s32 $0x280;
	[dreg:$0x10] =	wrdreg s19;
	s5 =	sadd.s32 s5, s4  }
0x12: {  	[dreg:$0x11] =	wrdreg s6;
	s3 =	sadd.s32 s3, s4;
	s5 =	sadd.s32 $0x1800, s5  }
0x13: {  	s3 =	sadd.s32 $0xC6A00, s3;
	[dreg:$0x2] =	wrdreg s5  }
0x14: {  	[dreg:$0x3] =	wrdreg s3  }
0x15: {  	s3 =	simm.s32 $0x2;
	s5 =	rddreg [dreg:$0x2]  }
0x16: {  	[tilespmem:s2], [sflag:$0x2] =	stream.linear.gather [hbm4b:s5+s2], $0x640, $0x38;
	[tilespmem:$0x19640] =	vst v63  }
0x17: {  	_ =	swait.ge [sflag:s3], $0x640  }
0x18: {  	s7 =	rddreg [dreg:$0x10]  }
0x19: {  	s8 =	rddreg [dreg:$0xe]  }
0x1a: {  	s9 =	rddreg [dreg:$0xc]  }
0x1b: {  	s6 =	simm.s32 $0x50;
	s10 =	rddreg [dreg:$0xa]  }
0x1c: {  	s4 =	sadd.s32 $0x3200, s4;
	s11 =	rddreg [dreg:$0x5];
	[sflag:s3] =	ssyncset.done $0x0  }
0x1d: {  	s5 =	simm.s32 $0x640;
	s12 =	rddreg [dreg:$0x4];
	[sflag:s3] =	ssyncadd.s32 $0xFFFFF9C0  }
0x1e: {  	[tilespmem:s5], [sflag:$0x1] =	stream.indirect.gather [hbm4b:s4+s6], $0x40, s2, s6, $0xb8;
	[tilespmem:$0x19640] =	vst v63  }
0x1f: {  	s13 =	rddreg [dreg:$0x6]  }
0x20: {  	[tilespmem:s12], [sflag:$0x1] =	stream.indirect.gather [hbm4b:s4+s6], $0x40, s6, s6, $0xb8;
	[tilespmem:$0x19640] =	vst v63  }
0x21: {  	s14 =	rddreg [dreg:$0x8]  }
0x22: {  	[tilespmem:s13], [sflag:$0x1] =	stream.indirect.gather [hbm4b:s4+s6], $0x40, s11, s6, $0xb8;
	[tilespmem:$0x19640] =	vst v63  }
0x23: {  	s20 =	rddreg [dreg:$0x7]  }
0x24: {  	[tilespmem:s14], [sflag:$0x1] =	stream.indirect.gather [hbm4b:s4+s6], $0x40, s20, s6, $0xb8;
	[tilespmem:$0x19640] =	vst v63  }
0x25: {  	s21 =	rddreg [dreg:$0x9]  }
0x26: {  	[tilespmem:s10], [sflag:$0x1] =	stream.indirect.gather [hbm4b:s4+s6], $0x40, s21, s6, $0xb8;
	[tilespmem:$0x19640] =	vst v63  }
0x27: {  	s22 =	rddreg [dreg:$0xb]  }
0x28: {  	[tilespmem:s9], [sflag:$0x1] =	stream.indirect.gather [hbm4b:s4+s6], $0x40, s22, s6, $0xb8;
	[tilespmem:$0x19640] =	vst v63  }
0x29: {  	s23 =	rddreg [dreg:$0xd]  }
0x2a: {  	[tilespmem:s8], [sflag:$0x1] =	stream.indirect.gather [hbm4b:s4+s6], $0x40, s23, s6, $0xb8;
	[tilespmem:$0x19640] =	vst v63  }
0x2b: {  	s24 =	rddreg [dreg:$0xf]  }
0x2c: {  	[tilespmem:s7], [sflag:$0x1] =	stream.indirect.gather [hbm4b:s4+s6], $0x40, s24, s6, $0xb8;
	[tilespmem:$0x19640] =	vst v63  }
0x2d: {  	s26 =	simm.s32 $0xA640;
	s25 =	rddreg [dreg:$0x11]  }
0x2e: {  	[tilespmem:s26], [sflag:$0x1] =	stream.indirect.gather [hbm4b:s4+s6], $0x40, s25, s6, $0xb8;
	[tilespmem:$0x19640] =	vst v63  }
0x2f: {  	s8 =	simm.s32 $0xBA40;
	s7 =	simm.s32 $0x2D0  }
0x30: {  	[tilespmem:s8], [sflag:$0x1] =	stream.indirect.gather [hbm4b:s4+s6], $0x40, s7, s6, $0xb8;
	[tilespmem:$0x19640] =	vst v63  }
0x31: {  	s10 =	simm.s32 $0xCE40;
	s9 =	simm.s32 $0x320  }
0x32: {  	[tilespmem:s10], [sflag:$0x1] =	stream.indirect.gather [hbm4b:s4+s6], $0x40, s9, s6, $0xb8;
	[tilespmem:$0x19640] =	vst v63  }
0x33: {  	s12 =	simm.s32 $0xE240;
	s11 =	simm.s32 $0x370  }
0x34: {  	[tilespmem:s12], [sflag:$0x1] =	stream.indirect.gather [hbm4b:s4+s6], $0x40, s11, s6, $0xb8;
	[tilespmem:$0x19640] =	vst v63  }
0x35: {  	s15 =	simm.s32 $0xF640;
	s14 =	simm.s32 $0x3C0  }
0x36: {  	[tilespmem:s15], [sflag:$0x1] =	stream.indirect.gather [hbm4b:s4+s6], $0x40, s14, s6, $0xb8;
	[tilespmem:$0x19640] =	vst v63  }
0x37: {  	s16 =	simm.s32 $0x410;
	s17 =	simm.s32 $0x10A40  }
0x38: {  	[tilespmem:s17], [sflag:$0x1] =	stream.indirect.gather [hbm4b:s4+s6], $0x40, s16, s6, $0xb8;
	[tilespmem:$0x19640] =	vst v63  }
0x39: {  	s18 =	simm.s32 $0x460;
	s19 =	simm.s32 $0x11E40  }
0x3a: {  	[tilespmem:s19], [sflag:$0x1] =	stream.indirect.gather [hbm4b:s4+s6], $0x40, s18, s6, $0xb8;
	[tilespmem:$0x19640] =	vst v63  }
0x3b: {  	s20 =	simm.s32 $0x4B0;
	s21 =	simm.s32 $0x13240  }
0x3c: {  	[tilespmem:s21], [sflag:$0x1] =	stream.indirect.gather [hbm4b:s4+s6], $0x40, s20, s6, $0xb8;
	[tilespmem:$0x19640] =	vst v63  }
0x3d: {  	s22 =	simm.s32 $0x500;
	s23 =	simm.s32 $0x14640  }
0x3e: {  	[tilespmem:s23], [sflag:$0x1] =	stream.indirect.gather [hbm4b:s4+s6], $0x40, s22, s6, $0xb8;
	[tilespmem:$0x19640] =	vst v63  }
0x3f: {  	s24 =	simm.s32 $0x550;
	s25 =	simm.s32 $0x15A40  }
0x40: {  	[tilespmem:s25], [sflag:$0x1] =	stream.indirect.gather [hbm4b:s4+s6], $0x40, s24, s6, $0xb8;
	[tilespmem:$0x19640] =	vst v63  }
0x41: {  	s28 =	simm.s32 $0x16E40;
	s26 =	simm.s32 $0x5A0  }
0x42: {  	[tilespmem:s28], [sflag:$0x1] =	stream.indirect.gather [hbm4b:s4+s6], $0x40, s26, s6, $0xb8;
	[tilespmem:$0x19640] =	vst v63  }
0x43: {  	s30 =	simm.s32 $0x5F0;
	s31 =	simm.s32 $0x18240;
	s29 =	simm.s32 $0x1  }
0x44: {  	[tilespmem:s31], [sflag:$0x1] =	stream.indirect.gather [hbm4b:s4+s6], $0x40, s30, s6, $0xb8;
	[tilespmem:$0x19640] =	vst v63  }
0x45: {  	_ =	swait.ge [sflag:s29], $0x1400  }
0x46: {  	[sflag:s29] =	ssyncset.done $0x0  }
0x47: {  	[sflag:s29] =	ssyncadd.s32 $0xFFFFEC00  }
0x48: {  	_ =	swait.ge [sflag:s29], $0x1400  }
0x49: {  	[sflag:s29] =	ssyncset.done $0x0  }
0x4a: {  	[sflag:s29] =	ssyncadd.s32 $0xFFFFEC00  }
0x4b: {  	_ =	swait.ge [sflag:s29], $0x1400  }
0x4c: {  	[sflag:s29] =	ssyncset.done $0x0  }
0x4d: {  	[sflag:s29] =	ssyncadd.s32 $0xFFFFEC00  }
0x4e: {  	_ =	swait.ge [sflag:s29], $0x1400  }
0x4f: {  	[sflag:s29] =	ssyncset.done $0x0  }
0x50: {  	[sflag:s29] =	ssyncadd.s32 $0xFFFFEC00  }
0x51: {  	_ =	swait.ge [sflag:s29], $0x1400  }
0x52: {  	[sflag:s29] =	ssyncset.done $0x0  }
0x53: {  	[sflag:s29] =	ssyncadd.s32 $0xFFFFEC00  }
0x54: {  	_ =	swait.ge [sflag:s29], $0x1400  }
0x55: {  	[sflag:s29] =	ssyncset.done $0x0  }
0x56: {  	[sflag:s29] =	ssyncadd.s32 $0xFFFFEC00  }
0x57: {  	_ =	swait.ge [sflag:s29], $0x1400  }
0x58: {  	[sflag:s29] =	ssyncset.done $0x0  }
0x59: {  	[sflag:s29] =	ssyncadd.s32 $0xFFFFEC00  }
0x5a: {  	_ =	swait.ge [sflag:s29], $0x1400  }
0x5b: {  	[sflag:s29] =	ssyncset.done $0x0  }
0x5c: {  	[sflag:s29] =	ssyncadd.s32 $0xFFFFEC00  }
0x5d: {  	_ =	swait.ge [sflag:s29], $0x1400  }
0x5e: {  	[sflag:s29] =	ssyncset.done $0x0  }
0x5f: {  	[sflag:s29] =	ssyncadd.s32 $0xFFFFEC00  }
0x60: {  	_ =	swait.ge [sflag:s29], $0x1400  }
0x61: {  	[sflag:s29] =	ssyncset.done $0x0  }
0x62: {  	[sflag:s29] =	ssyncadd.s32 $0xFFFFEC00  }
0x63: {  	_ =	swait.ge [sflag:s29], $0x1400  }
0x64: {  	[sflag:s29] =	ssyncset.done $0x0  }
0x65: {  	[sflag:s29] =	ssyncadd.s32 $0xFFFFEC00  }
0x66: {  	_ =	swait.ge [sflag:s29], $0x1400  }
0x67: {  	[sflag:s29] =	ssyncset.done $0x0  }
0x68: {  	[sflag:s29] =	ssyncadd.s32 $0xFFFFEC00  }
0x69: {  	_ =	swait.ge [sflag:s29], $0x1400  }
0x6a: {  	[sflag:s29] =	ssyncset.done $0x0  }
0x6b: {  	[sflag:s29] =	ssyncadd.s32 $0xFFFFEC00  }
0x6c: {  	_ =	swait.ge [sflag:s29], $0x1400  }
0x6d: {  	[sflag:s29] =	ssyncset.done $0x0  }
0x6e: {  	[sflag:s29] =	ssyncadd.s32 $0xFFFFEC00  }
0x6f: {  	_ =	swait.ge [sflag:s29], $0x1400  }
0x70: {  	[sflag:s29] =	ssyncset.done $0x0  }
0x71: {  	[sflag:s29] =	ssyncadd.s32 $0xFFFFEC00  }
0x72: {  	_ =	swait.ge [sflag:s29], $0x1400  }
0x73: {  	[sflag:s29] =	ssyncset.done $0x0  }
0x74: {  	[sflag:s29] =	ssyncadd.s32 $0xFFFFEC00  }
0x75: {  	s1 =	ssub.s32 $0x2, s1;
	_ =	swait.ge [sflag:s29], $0x1400  }
0x76: {  	s13 =	sshrl.u32 s1, $0x1;
	[sflag:s29] =	ssyncset.done $0x0  }
0x77: {  	s0 =	ssub.s32 s1, s13;
	[sflag:s29] =	ssyncadd.s32 $0xFFFFEC00  }
0x78: {  	s0 =	smax.u32 s0, $0x1;
	_ =	swait.ge [sflag:s29], $0x1400  }
0x79: {  	p0 =	sne.s32 s0, $0x1;
	[sflag:s29] =	ssyncset.done $0x0  }
.Ltmp0:
0x7a: {  	[sflag:s29] =	ssyncadd.s32 $0xFFFFEC00;
	(pc) =	sbr.rel @!p0 .LBB2_2-.Ltmp0, $4  }
0x7b: {  	_ =	swait.ge [sflag:s29], $0x1400  }
0x7c: {  	[sflag:s29] =	ssyncset.done $0x0  }
0x7d: {  	[sflag:s29] =	ssyncadd.s32 $0xFFFFEC00  }
0x7e: {  	s1 =	sadd.s32 $0xFFFFFFFF, s0;
	_ =	swait.ge [sflag:s29], $0x1400  }
.LBB2_1:
0x7f: {  	[sflag:s29] =	ssyncset.done $0x0  }
0x80: {  	s0 =	rddreg [dreg:$0x3];
	[sflag:s29] =	ssyncadd.s32 $0xFFFFEC00  }
0x81: {  	[hbm4b:s0+s2] =	stream.linear.scatter [tilespmem:s5], [sflag:$0x2], $0x19000, $0x38;
	[tilespmem:$0x19640] =	vst v63  }
0x82: {  	_ =	swait.ge [sflag:s3], $0x19000  }
0x83: {  	[sflag:s3] =	ssyncset.done $0x0  }
0x84: {  	s11 =	rddreg [dreg:$0x2];
	[sflag:s3] =	ssyncadd.s32 $0xFFFE7000  }
0x85: {  	[tilespmem:s2], [sflag:$0x2] =	stream.linear.gather [hbm4b:s11+s2], $0x640, $0x38;
	[tilespmem:$0x19640] =	vst v63  }
0x86: {  	_ =	swait.ge [sflag:s3], $0x640  }
0x87: {  	s0 =	rddreg [dreg:$0x10]  }
0x88: {  	s7 =	rddreg [dreg:$0xe]  }
0x89: {  	s8 =	rddreg [dreg:$0xc]  }
0x8a: {  	s9 =	rddreg [dreg:$0xa]  }
0x8b: {  	s10 =	rddreg [dreg:$0x5];
	[sflag:s3] =	ssyncset.done $0x0  }
0x8c: {  	s11 =	rddreg [dreg:$0x4];
	[sflag:s3] =	ssyncadd.s32 $0xFFFFF9C0  }
0x8d: {  	[tilespmem:s5], [sflag:$0x1] =	stream.indirect.gather [hbm4b:s4+s6], $0x40, s2, s6, $0xb8;
	[tilespmem:$0x19640] =	vst v63  }
0x8e: {  	s12 =	rddreg [dreg:$0x6]  }
0x8f: {  	[tilespmem:s11], [sflag:$0x1] =	stream.indirect.gather [hbm4b:s4+s6], $0x40, s6, s6, $0xb8;
	[tilespmem:$0x19640] =	vst v63  }
0x90: {  	s13 =	rddreg [dreg:$0x8]  }
0x91: {  	[tilespmem:s12], [sflag:$0x1] =	stream.indirect.gather [hbm4b:s4+s6], $0x40, s10, s6, $0xb8;
	[tilespmem:$0x19640] =	vst v63  }
0x92: {  	s11 =	rddreg [dreg:$0x7]  }
0x93: {  	[tilespmem:s13], [sflag:$0x1] =	stream.indirect.gather [hbm4b:s4+s6], $0x40, s11, s6, $0xb8;
	[tilespmem:$0x19640] =	vst v63  }
0x94: {  	s12 =	rddreg [dreg:$0x9]  }
0x95: {  	[tilespmem:s9], [sflag:$0x1] =	stream.indirect.gather [hbm4b:s4+s6], $0x40, s12, s6, $0xb8;
	[tilespmem:$0x19640] =	vst v63  }
0x96: {  	s13 =	rddreg [dreg:$0xb]  }
0x97: {  	[tilespmem:s8], [sflag:$0x1] =	stream.indirect.gather [hbm4b:s4+s6], $0x40, s13, s6, $0xb8;
	[tilespmem:$0x19640] =	vst v63  }
0x98: {  	s10 =	rddreg [dreg:$0xd]  }
0x99: {  	[tilespmem:s7], [sflag:$0x1] =	stream.indirect.gather [hbm4b:s4+s6], $0x40, s10, s6, $0xb8;
	[tilespmem:$0x19640] =	vst v63  }
0x9a: {  	s11 =	rddreg [dreg:$0xf]  }
0x9b: {  	[tilespmem:s0], [sflag:$0x1] =	stream.indirect.gather [hbm4b:s4+s6], $0x40, s11, s6, $0xb8;
	[tilespmem:$0x19640] =	vst v63  }
0x9c: {  	s12 =	rddreg [dreg:$0x11];
	s13 =	simm.s32 $0xA640  }
0x9d: {  	[tilespmem:s13], [sflag:$0x1] =	stream.indirect.gather [hbm4b:s4+s6], $0x40, s12, s6, $0xb8;
	[tilespmem:$0x19640] =	vst v63  }
0x9e: {  	s9 =	simm.s32 $0xBA40;
	s8 =	simm.s32 $0x2D0  }
0x9f: {  	[tilespmem:s9], [sflag:$0x1] =	stream.indirect.gather [hbm4b:s4+s6], $0x40, s8, s6, $0xb8;
	[tilespmem:$0x19640] =	vst v63  }
0xa0: {  	s10 =	simm.s32 $0x320;
	s11 =	simm.s32 $0xCE40  }
0xa1: {  	[tilespmem:s11], [sflag:$0x1] =	stream.indirect.gather [hbm4b:s4+s6], $0x40, s10, s6, $0xb8;
	[tilespmem:$0x19640] =	vst v63  }
0xa2: {  	s12 =	simm.s32 $0x370;
	s13 =	simm.s32 $0xE240  }
0xa3: {  	[tilespmem:s13], [sflag:$0x1] =	stream.indirect.gather [hbm4b:s4+s6], $0x40, s12, s6, $0xb8;
	[tilespmem:$0x19640] =	vst v63  }
0xa4: {  	_ = 	snop  }
0xa5: {  	[tilespmem:s15], [sflag:$0x1] =	stream.indirect.gather [hbm4b:s4+s6], $0x40, s14, s6, $0xb8;
	[tilespmem:$0x19640] =	vst v63  }
0xa6: {  	_ = 	snop  }
0xa7: {  	[tilespmem:s17], [sflag:$0x1] =	stream.indirect.gather [hbm4b:s4+s6], $0x40, s16, s6, $0xb8;
	[tilespmem:$0x19640] =	vst v63  }
0xa8: {  	_ = 	snop  }
0xa9: {  	[tilespmem:s19], [sflag:$0x1] =	stream.indirect.gather [hbm4b:s4+s6], $0x40, s18, s6, $0xb8;
	[tilespmem:$0x19640] =	vst v63  }
0xaa: {  	_ = 	snop  }
0xab: {  	[tilespmem:s21], [sflag:$0x1] =	stream.indirect.gather [hbm4b:s4+s6], $0x40, s20, s6, $0xb8;
	[tilespmem:$0x19640] =	vst v63  }
0xac: {  	_ = 	snop  }
0xad: {  	[tilespmem:s23], [sflag:$0x1] =	stream.indirect.gather [hbm4b:s4+s6], $0x40, s22, s6, $0xb8;
	[tilespmem:$0x19640] =	vst v63  }
0xae: {  	_ = 	snop  }
0xaf: {  	[tilespmem:s25], [sflag:$0x1] =	stream.indirect.gather [hbm4b:s4+s6], $0x40, s24, s6, $0xb8;
	[tilespmem:$0x19640] =	vst v63  }
0xb0: {  	_ = 	snop  }
0xb1: {  	[tilespmem:s28], [sflag:$0x1] =	stream.indirect.gather [hbm4b:s4+s6], $0x40, s26, s6, $0xb8;
	[tilespmem:$0x19640] =	vst v63  }
0xb2: {  	_ = 	snop  }
0xb3: {  	[tilespmem:s31], [sflag:$0x1] =	stream.indirect.gather [hbm4b:s4+s6], $0x40, s30, s6, $0xb8;
	[tilespmem:$0x19640] =	vst v63  }
0xb4: {  	_ =	swait.ge [sflag:s29], $0x1400  }
0xb5: {  	[sflag:s29] =	ssyncset.done $0x0  }
0xb6: {  	[sflag:s29] =	ssyncadd.s32 $0xFFFFEC00  }
0xb7: {  	_ =	swait.ge [sflag:s29], $0x1400  }
0xb8: {  	[sflag:s29] =	ssyncset.done $0x0  }
0xb9: {  	[sflag:s29] =	ssyncadd.s32 $0xFFFFEC00  }
0xba: {  	_ =	swait.ge [sflag:s29], $0x1400  }
0xbb: {  	[sflag:s29] =	ssyncset.done $0x0  }
0xbc: {  	[sflag:s29] =	ssyncadd.s32 $0xFFFFEC00  }
0xbd: {  	_ =	swait.ge [sflag:s29], $0x1400  }
0xbe: {  	[sflag:s29] =	ssyncset.done $0x0  }
0xbf: {  	[sflag:s29] =	ssyncadd.s32 $0xFFFFEC00  }
0xc0: {  	_ =	swait.ge [sflag:s29], $0x1400  }
0xc1: {  	[sflag:s29] =	ssyncset.done $0x0  }
0xc2: {  	[sflag:s29] =	ssyncadd.s32 $0xFFFFEC00  }
0xc3: {  	_ =	swait.ge [sflag:s29], $0x1400  }
0xc4: {  	[sflag:s29] =	ssyncset.done $0x0  }
0xc5: {  	[sflag:s29] =	ssyncadd.s32 $0xFFFFEC00  }
0xc6: {  	_ =	swait.ge [sflag:s29], $0x1400  }
0xc7: {  	[sflag:s29] =	ssyncset.done $0x0  }
0xc8: {  	[sflag:s29] =	ssyncadd.s32 $0xFFFFEC00  }
0xc9: {  	_ =	swait.ge [sflag:s29], $0x1400  }
0xca: {  	[sflag:s29] =	ssyncset.done $0x0  }
0xcb: {  	[sflag:s29] =	ssyncadd.s32 $0xFFFFEC00  }
0xcc: {  	_ =	swait.ge [sflag:s29], $0x1400  }
0xcd: {  	[sflag:s29] =	ssyncset.done $0x0  }
0xce: {  	[sflag:s29] =	ssyncadd.s32 $0xFFFFEC00  }
0xcf: {  	_ =	swait.ge [sflag:s29], $0x1400  }
0xd0: {  	[sflag:s29] =	ssyncset.done $0x0  }
0xd1: {  	[sflag:s29] =	ssyncadd.s32 $0xFFFFEC00  }
0xd2: {  	_ =	swait.ge [sflag:s29], $0x1400  }
0xd3: {  	[sflag:s29] =	ssyncset.done $0x0  }
0xd4: {  	[sflag:s29] =	ssyncadd.s32 $0xFFFFEC00  }
0xd5: {  	_ =	swait.ge [sflag:s29], $0x1400  }
0xd6: {  	[sflag:s29] =	ssyncset.done $0x0  }
0xd7: {  	[sflag:s29] =	ssyncadd.s32 $0xFFFFEC00  }
0xd8: {  	_ =	swait.ge [sflag:s29], $0x1400  }
0xd9: {  	[sflag:s29] =	ssyncset.done $0x0  }
0xda: {  	[sflag:s29] =	ssyncadd.s32 $0xFFFFEC00  }
0xdb: {  	_ =	swait.ge [sflag:s29], $0x1400  }
0xdc: {  	[sflag:s29] =	ssyncset.done $0x0  }
0xdd: {  	[sflag:s29] =	ssyncadd.s32 $0xFFFFEC00  }
0xde: {  	_ =	swait.ge [sflag:s29], $0x1400  }
0xdf: {  	[sflag:s29] =	ssyncset.done $0x0  }
0xe0: {  	[sflag:s29] =	ssyncadd.s32 $0xFFFFEC00  }
0xe1: {  	_ =	swait.ge [sflag:s29], $0x1400  }
0xe2: {  	[sflag:s29] =	ssyncset.done $0x0  }
0xe3: {  	[sflag:s29] =	ssyncadd.s32 $0xFFFFEC00  }
0xe4: {  	_ =	swait.ge [sflag:s29], $0x1400  }
0xe5: {  	[sflag:s29] =	ssyncset.done $0x0  }
0xe6: {  	[sflag:s29] =	ssyncadd.s32 $0xFFFFEC00  }
0xe7: {  	_ =	swait.ge [sflag:s29], $0x1400  }
0xe8: {  	p0 =	sne.s32 s1, $0x1;
	[sflag:s29] =	ssyncset.done $0x0  }
.Ltmp1:
0xe9: {  	[sflag:s29] =	ssyncadd.s32 $0xFFFFEC00;
	(pc) =	sbr.rel @p0 .LBB2_1-.Ltmp1, $4  }
0xea: {  	_ =	swait.ge [sflag:s29], $0x1400  }
0xeb: {  	[sflag:s29] =	ssyncset.done $0x0  }
0xec: {  	[sflag:s29] =	ssyncadd.s32 $0xFFFFEC00  }
0xed: {  	s1 =	sadd.s32 $0xFFFFFFFF, s1;
	_ =	swait.ge [sflag:s29], $0x1400  }
.LBB2_2:
0xee: {  	[sflag:s29] =	ssyncset.done $0x0  }
0xef: {  	s0 =	rddreg [dreg:$0x3];
	[sflag:s29] =	ssyncadd.s32 $0xFFFFEC00  }
0xf0: {  	[hbm4b:s0+s2] =	stream.linear.scatter [tilespmem:s5], [sflag:$0x2], $0x19000, $0x38;
	[tilespmem:$0x19640] =	vst v63  }
0xf1: {  	_ =	swait.ge [sflag:s3], $0x19000  }
0xf2: {  	[sflag:s3] =	ssyncset.done $0x0  }
0xf3: {  	[sflag:s3] =	ssyncadd.s32 $0xFFFE7000  }
0xf4: {  	_ =	sfence.sel $0x180000  }
0xf5: {  	[bflag:$0x0] =	sbarrier.arrive $0xFFFF  }
0xf6: {  	_ =	strace $0x9000004A  }
0xf7: {  	s31 =	stileid.u32;
	[bflag:$0x2] =	sbarrier.arrive $0xFFFF  }
0xf8: {  	p0 =	sne.s32 s31, $0x0;
	s0 =	rddreg [dreg:$0x1]  }
0xf9: {  	s0 =	sadd.s32 @!p0 $0x100000, s0  }
0xfa: {  	[sflag:s0] =	ssyncadd.tile.s32 @!p0 $0x1;
	_ =	shalt  }
.Lfunc_end2:
_tile_overlayer_lowered:
.L_overlay_start_2:
0xfb: {  	(tag) =	ssettag $0x2  }
0xfc: {  	s0 =	rddreg [dreg:$0x0];
	s2 =	stileid.u32  }
0xfd: {  	s1 =	rddreg [dreg:$0x1];
	p0 =	sne.s32 s2, $0x0  }
0xfe: {  	s3 =	rddreg [dreg:$0x2];
	[bflag:$0x3] =	sbarrier.arrive $0xFFFF;
	s2 =	simm.s32 @!p0 $0x1C02  }
0xff: {  	[timem:s3], [sflag:s2] =	dma.local @!p0 [hbm:s0], s1  }
0x100: {  	s0 =	simm.s32 @!p0 $0x2  }
0x101: {  	_ =	swait.ge @!p0 [sflag:s0], s1  }
0x102: {  	s1 =	ssub.s32 @!p0 $0x0, s1;
	[sflag:s0] =	ssyncset.done @!p0 $0x0  }
0x103: {  	[sflag:s0] =	ssyncadd.s32 @!p0 s1  }
0x104: {  	[bflag:$0x3] =	sbarrier.arrive $0xFFFF  }
0x105: {  	_ =	shalt  }

</sc_bundles>
